<compile_context>
chip_gen: v7x
topology: tpu7x:2x2x1
jax: 0.10.2.dev20260603
libtpu: 0.0.44.dev20260713+nightly
codegen_flags: <defaults>
</compile_context>

<pallas_src>
import jax
import jax.numpy as jnp
from jax import lax
from jax.experimental import pallas as pl
from jax.experimental.pallas import tpu as pltpu
from jax.experimental.pallas import tpu_sc as plsc

NC = 2
NS = 16
NW = NC * NS

KB = 4
PITCH = 129
GROWS = 40
GSTRIDE = GROWS * PITCH


def _emb_body(idx_hbm, table_hbm, out_hbm, idx_v, rows_v, trans_v,
              gsem0, gsem1, osem0, osem1):
    sl = 200
    wid = lax.axis_index("s") * NC + lax.axis_index("c")
    bt0 = wid * KB

    gsems = (gsem0, gsem1)
    osems = (osem0, osem1)

    lane = lax.iota(jnp.int32, 16)
    dt_lo = lane // 8
    dt_hi = dt_lo + 2
    di_vec = lane % 8

    def start_gathers(s, b):
        pltpu.sync_copy(idx_hbm.at[pl.ds(s * 128 + bt0, KB)], idx_v.at[b])
        for k in range(KB):
            for o in range(0, 128, 16):
                i = idx_v[b, k, pl.ds(o, 16)]
                p = (((i >> 15) << 15) | ((i & (TR - 1)) << 2)
                     | ((i >> 13) & 3))
                idx_v[b, k, pl.ds(o, 16)] = p
        for k in range(KB):
            pltpu.async_copy(table_hbm.at[idx_v.at[b, k]],
                             rows_v.at[b, pl.ds(k * 128, 128)], gsems[b])

    def wait_gathers(b):
        for k in range(KB):
            pltpu.make_async_copy(table_hbm.at[idx_v.at[b, k]],
                                  rows_v.at[b, pl.ds(k * 128, 128)],
                                  gsems[b]).wait()

    def transpose(b):
        @plsc.parallel_loop(0, KB * 128, unroll=8)
        def _(bi):
            row_vec = di_vec + jnp.full((16,), (bi >> 7) * 8, jnp.int32)
            bi_vec = jnp.full((16,), bi & 127, jnp.int32)
            lo = rows_v[b, bi, pl.ds(0, 16)]
            hi = rows_v[b, bi, pl.ds(16, 16)]
            plsc.store_scatter(trans_v.at[b], [dt_lo, row_vec, bi_vec], lo)
            plsc.store_scatter(trans_v.at[b], [dt_hi, row_vec, bi_vec], hi)

    def start_writes(s, b):
        for dt in range(4):
            pltpu.async_copy(
                trans3_slice(b, dt),
                out_hbm.at[pl.ds((s * 512 + dt * 128 + bt0) * 8, KB * 8)],
                osems[b])

    def wait_writes(s, b):
        for dt in range(4):
            pltpu.make_async_copy(
                trans3_slice(b, dt),
                out_hbm.at[pl.ds((s * 512 + dt * 128 + bt0) * 8, KB * 8)],
                osems[b]).wait()

    def trans3_slice(b, dt):
        return trans_v.at[b, dt, pl.ds(0, KB * 8), pl.ds(0, 128)]

    start_gathers(0, 0)

    def pair(i, _):
        s0 = i * 2
        s1 = s0 + 1

        start_gathers(s1, 1)
        wait_gathers(0)
        @pl.when(i > 0)
        def _():
            wait_writes(s0 - 2, 0)
        transpose(0)
        start_writes(s0, 0)

        @pl.when(s1 + 1 < sl)
        def _():
            start_gathers(s1 + 1, 0)
        wait_gathers(1)
        @pl.when(i > 0)
        def _():
            wait_writes(s1 - 2, 1)
        transpose(1)
        start_writes(s1, 1)
        return 0

    lax.fori_loop(0, sl // 2, pair, 0)
    wait_writes(sl - 2, 0)
    wait_writes(sl - 1, 1)


TC = 32768
TR = TC // 4


def _tab_body(x_ref, o_ref):
    for g in range(4):
        o_ref[:, g * 32:(g + 1) * 32] = x_ref[:, g * TR:(g + 1) * TR].T


def _linearize_table(tabT):
    dim, nv = tabT.shape
    grid = (nv + TC - 1) // TC
    return pl.pallas_call(
        _tab_body,
        grid=(grid,),
        in_specs=[pl.BlockSpec((dim, TC), lambda i: (0, i))],
        out_specs=pl.BlockSpec((TR, 128), lambda i: (i, 0)),
        out_shape=jax.ShapeDtypeStruct((grid * TR, 128), jnp.float32),
    )(tabT)


def kernel(token_ids, embedding_table):
    nb, sl = token_ids.shape
    dim = embedding_table.shape[1]
    idx = token_ids.T.reshape(sl * (nb // 128), 128)
    tab2 = _linearize_table(embedding_table.T)
    tab = tab2.reshape(tab2.shape[0] * (128 // dim), dim)

    mesh = plsc.VectorSubcoreMesh(core_axis_name="c", subcore_axis_name="s",
                                  num_cores=NC, num_subcores=NS)
    out2 = pl.kernel(
        _emb_body,
        out_type=jax.ShapeDtypeStruct((nb * sl * dim // 128, 128),
                                      jnp.float32),
        mesh=mesh,
        scratch_types=[
            pltpu.VMEM((2, KB, 128), jnp.int32),
            pltpu.VMEM((2, KB * 128, dim), jnp.float32),
            pltpu.VMEM((2, dim // 8, GROWS, PITCH), jnp.float32),
            pltpu.SemaphoreType.DMA,
            pltpu.SemaphoreType.DMA,
            pltpu.SemaphoreType.DMA,
            pltpu.SemaphoreType.DMA,
        ],
        compiler_params=pltpu.CompilerParams(use_tc_tiling_on_sc=False,
                                             needs_layout_passes=False),
    )(idx, tab)
    return (out2.reshape(sl, dim // 8, nb // 128, 8, 128)
            .transpose(2, 4, 0, 1, 3)
            .reshape(nb, sl, dim))

# --- scband reference (transcript-rebuilt; emitter-appended) ---
"""Pipeline reference for scband-embedding-80771154969122 (READ-ONLY COPY).

The authoritative reference and input builder live on the scoring server;
editing this copy changes nothing except your own understanding.
"""

import jax, jax.numpy as jnp
import numpy as np

NUM_EMBEDDINGS = 1000000
EMBEDDING_DIM = 32

def setup_inputs(seed: int = 0) -> dict:
    key = jax.random.key(seed)
    k_idx, k_tab = jax.random.split(key)
    token_ids = jax.random.randint(k_idx, (16384, 200), 0, NUM_EMBEDDINGS, dtype=jnp.int64 if jax.config.jax_enable_x64 else jnp.int32)
    # trunc_normal init approximated with clipped normal (mean=0, std=1, clipped to [-2, 2])
    tab = jax.random.truncated_normal(k_tab, -2.0, 2.0, (NUM_EMBEDDINGS, EMBEDDING_DIM), dtype=jnp.float32)
    return {"token_ids": token_ids, "embedding_table": tab}

def reference(token_ids, embedding_table):
    # Faithful translation of: self.embedding_table[token_ids]
    return jnp.take(embedding_table, token_ids, axis=0)

if __name__ == "__main__":
    import jax
    _d = setup_inputs()
    print(jax.jit(kernel)(*tuple(_d.values())))

</pallas_src>

<mosaic_0001>
#map = affine_map<(d0, d1) -> (0, 0)>
module attributes {stable_mosaic.version = 14 : i64} {
  func.func @_emb_body(%arg0: i32, %arg1: i32, %arg2: memref<25600x128xi32, #tpu.memory_space<hbm>>, %arg3: memref<1015808x32xf32, #tpu.memory_space<hbm>>, %arg4: memref<819200x128xf32, #tpu.memory_space<hbm>>, %arg5: memref<2x4x128xi32, #tpu.memory_space<vmem>>, %arg6: memref<2x512x32xf32, #tpu.memory_space<vmem>>, %arg7: memref<2x4x40x129xf32, #tpu.memory_space<vmem>>, %arg8: memref<!tpu.dma_semaphore, #tpu.memory_space<semaphore_mem>>, %arg9: memref<!tpu.dma_semaphore, #tpu.memory_space<semaphore_mem>>, %arg10: memref<!tpu.dma_semaphore, #tpu.memory_space<semaphore_mem>>, %arg11: memref<!tpu.dma_semaphore, #tpu.memory_space<semaphore_mem>>) attributes {dimension_semantics = [#tpu.dimension_semantics<core_parallel>, #tpu.dimension_semantics<subcore_parallel>], iteration_bounds = array<i64: 2, 16>, scalar_prefetch = 0 : i64, scratch_operands = 7 : i64, tpu.core_type = #tpu.core_type<sc_vector_subcore>, window_params = [{transform_indices = #map}, {transform_indices = #map}, {transform_indices = #map}]} {
    %mul3A = arith.constant 2 : i32
    %mul3A_0 = arith.muli %arg1, %mul3A : i32
    %add3A = arith.addi %mul3A_0, %arg0 : i32
    %mul3A_1 = arith.constant 4 : i32
    %mul3A_2 = arith.muli %add3A, %mul3A_1 : i32
    %iota3A = tpu.iota {dimensions = array<i32: 0>} : vector<16xi32>
    %jit3A = arith.constant 8 : i32
    %div3A = vector.broadcast %jit3A : i32 to vector<16xi32>
    %div3A_3 = arith.divsi %iota3A, %div3A : vector<16xi32>
    %sign3A = arith.constant 0 : i32
    %sign3A_4 = vector.broadcast %sign3A : i32 to vector<16xi32>
    %sign3A_5 = arith.cmpi sgt, %iota3A, %sign3A_4 : vector<16xi32>
    %sign3A_6 = arith.extui %sign3A_5 : vector<16xi1> to vector<16xi32>
    %sign3A_7 = arith.constant 0 : i32
    %sign3A_8 = vector.broadcast %sign3A_7 : i32 to vector<16xi32>
    %sign3A_9 = arith.cmpi slt, %iota3A, %sign3A_8 : vector<16xi32>
    %sign3A_10 = arith.extui %sign3A_9 : vector<16xi1> to vector<16xi32>
    %sign3A_11 = arith.subi %sign3A_6, %sign3A_10 : vector<16xi32>
    %sign3A_12 = arith.constant 0 : i32
    %sign3A_13 = arith.cmpi sgt, %jit3A, %sign3A_12 : i32
    %sign3A_14 = arith.extui %sign3A_13 : i1 to i32
    %sign3A_15 = arith.constant 0 : i32
    %sign3A_16 = arith.cmpi slt, %jit3A, %sign3A_15 : i32
    %sign3A_17 = arith.extui %sign3A_16 : i1 to i32
    %sign3A_18 = arith.subi %sign3A_14, %sign3A_17 : i32
    %ne3A = vector.broadcast %sign3A_18 : i32 to vector<16xi32>
    %ne3A_19 = arith.cmpi ne, %sign3A_11, %ne3A : vector<16xi32>
    %rem3A = vector.broadcast %jit3A : i32 to vector<16xi32>
    %rem3A_20 = arith.remsi %iota3A, %rem3A : vector<16xi32>
    %ne3A_21 = arith.constant 0 : i32
    %ne3A_22 = vector.broadcast %ne3A_21 : i32 to vector<16xi32>
    %ne3A_23 = arith.cmpi ne, %rem3A_20, %ne3A_22 : vector<16xi32>
    %and3A = arith.andi %ne3A_19, %ne3A_23 : vector<16xi1>
    %sub3A = arith.constant 1 : i32
    %sub3A_24 = vector.broadcast %sub3A : i32 to vector<16xi32>
    %sub3A_25 = arith.subi %div3A_3, %sub3A_24 : vector<16xi32>
    %select_n3A = arith.select %and3A, %sub3A_25, %div3A_3 : vector<16xi1>, vector<16xi32>
    %add3A_26 = arith.constant 2 : i32
    %add3A_27 = vector.broadcast %add3A_26 : i32 to vector<16xi32>
    %add3A_28 = arith.addi %select_n3A, %add3A_27 : vector<16xi32>
    %jit3A_29 = arith.constant 8 : i32
    %eq3A = arith.constant 0 : i32
    %eq3A_30 = arith.cmpi eq, %jit3A_29, %eq3A : i32
    %jit3A_31 = arith.constant 1 : i32
    %select_n3A_32 = arith.select %eq3A_30, %jit3A_31, %jit3A_29 : i32
    %rem3A_33 = vector.broadcast %select_n3A_32 : i32 to vector<16xi32>
    %rem3A_34 = arith.remsi %iota3A, %rem3A_33 : vector<16xi32>
    %ne3A_35 = arith.constant 0 : i32
    %ne3A_36 = vector.broadcast %ne3A_35 : i32 to vector<16xi32>
    %ne3A_37 = arith.cmpi ne, %rem3A_34, %ne3A_36 : vector<16xi32>
    %lt3A = arith.constant 0 : i32
    %lt3A_38 = vector.broadcast %lt3A : i32 to vector<16xi32>
    %lt3A_39 = arith.cmpi slt, %rem3A_34, %lt3A_38 : vector<16xi32>
    %lt3A_40 = arith.constant 0 : i32
    %lt3A_41 = arith.cmpi slt, %select_n3A_32, %lt3A_40 : i32
    %ne3A_42 = vector.broadcast %lt3A_41 : i1 to vector<16xi1>
    %ne3A_43 = vector.broadcast %ne3A_42 : vector<16xi1> to vector<16xi1>
    %ne3A_44 = arith.xori %lt3A_39, %ne3A_43 : vector<16xi1>
    %and3A_45 = arith.andi %ne3A_44, %ne3A_37 : vector<16xi1>
    %add3A_46 = vector.broadcast %select_n3A_32 : i32 to vector<16xi32>
    %add3A_47 = arith.addi %rem3A_34, %add3A_46 : vector<16xi32>
    %select_n3A_48 = arith.select %and3A_45, %add3A_47, %rem3A_34 : vector<16xi1>, vector<16xi32>
    %add3A_49 = arith.constant 0 : i32
    %add3A_50 = arith.addi %add3A_49, %mul3A_2 : i32
    %run_scoped3A = arith.constant 0 : i32
    "tpu.region"() ({
      %run_scoped3A_1270 = tpu.sem_alloc : memref<!tpu.dma_semaphore, #tpu.memory_space<semaphore_mem>>
      %dma_start3A_1271 = arith.constant 0 : i32
      %dma_start3A_1272 = arith.constant 0 : i32
      %dma_start3A_1273 = tpu.memref_slice %arg5[%run_scoped3A, %dma_start3A_1271, %dma_start3A_1272] : memref<2x4x128xi32, #tpu.memory_space<vmem>> -> memref<1x4x128xi32, #tpu.memory_space<vmem>>
      %dma_start3A_1274 = tpu.memref_squeeze %dma_start3A_1273 : memref<1x4x128xi32, #tpu.memory_space<vmem>> -> memref<4x128xi32, #tpu.memory_space<vmem>>
      %dma_start3A_1275 = arith.constant 0 : i32
      %dma_start3A_1276 = tpu.memref_slice %arg2[%add3A_50, %dma_start3A_1275] : memref<25600x128xi32, #tpu.memory_space<hbm>> -> memref<4x128xi32, #tpu.memory_space<hbm>>
      %dma_start3A_1277 = arith.constant 0 : i32
      %dma_start3A_1278 = arith.constant 0 : i32
      %dma_start3A_1279 = tpu.memref_slice %arg5[%run_scoped3A, %dma_start3A_1277, %dma_start3A_1278] : memref<2x4x128xi32, #tpu.memory_space<vmem>> -> memref<1x4x128xi32, #tpu.memory_space<vmem>>
      %dma_start3A_1280 = tpu.memref_squeeze %dma_start3A_1279 : memref<1x4x128xi32, #tpu.memory_space<vmem>> -> memref<4x128xi32, #tpu.memory_space<vmem>>
      %dma_start3A_1281 = arith.constant 0 : i32
      %dma_start3A_1282 = tpu.memref_slice %arg2[%add3A_50, %dma_start3A_1281] : memref<25600x128xi32, #tpu.memory_space<hbm>> -> memref<4x128xi32, #tpu.memory_space<hbm>>
      tpu.enqueue_dma source(%dma_start3A_1282 : memref<4x128xi32, #tpu.memory_space<hbm>>) target(%dma_start3A_1280 : memref<4x128xi32, #tpu.memory_space<vmem>>) target_semaphore(%run_scoped3A_1270 : memref<!tpu.dma_semaphore, #tpu.memory_space<semaphore_mem>>)
      %dma_wait3A_1283 = arith.constant 0 : i32
      %dma_wait3A_1284 = arith.constant 0 : i32
      %dma_wait3A_1285 = tpu.memref_slice %arg5[%run_scoped3A, %dma_wait3A_1283, %dma_wait3A_1284] : memref<2x4x128xi32, #tpu.memory_space<vmem>> -> memref<1x4x128xi32, #tpu.memory_space<vmem>>
      %dma_wait3A_1286 = tpu.memref_squeeze %dma_wait3A_1285 : memref<1x4x128xi32, #tpu.memory_space<vmem>> -> memref<4x128xi32, #tpu.memory_space<vmem>>
      %dma_wait3A_1287 = arith.constant 0 : i32
      %dma_wait3A_1288 = tpu.memref_slice %arg2[%add3A_50, %dma_wait3A_1287] : memref<25600x128xi32, #tpu.memory_space<hbm>> -> memref<4x128xi32, #tpu.memory_space<hbm>>
      %dma_wait3A_1289 = arith.constant 0 : i32
      %dma_wait3A_1290 = arith.constant 0 : i32
      %dma_wait3A_1291 = tpu.memref_slice %arg5[%run_scoped3A, %dma_wait3A_1289, %dma_wait3A_1290] : memref<2x4x128xi32, #tpu.memory_space<vmem>> -> memref<1x4x128xi32, #tpu.memory_space<vmem>>
      %dma_wait3A_1292 = tpu.memref_squeeze %dma_wait3A_1291 : memref<1x4x128xi32, #tpu.memory_space<vmem>> -> memref<4x128xi32, #tpu.memory_space<vmem>>
      %dma_wait3A_1293 = arith.constant 0 : i32
      %dma_wait3A_1294 = tpu.memref_slice %arg2[%add3A_50, %dma_wait3A_1293] : memref<25600x128xi32, #tpu.memory_space<hbm>> -> memref<4x128xi32, #tpu.memory_space<hbm>>
      tpu.wait_dma2 semaphore(%run_scoped3A_1270 : memref<!tpu.dma_semaphore, #tpu.memory_space<semaphore_mem>>) src(%dma_wait3A_1294 : memref<4x128xi32, #tpu.memory_space<hbm>>) dst(%dma_wait3A_1292 : memref<4x128xi32, #tpu.memory_space<vmem>>)
      tpu.yield
    }) : () -> ()
    %get3A = arith.constant 0 : i32
    %get3A_51 = arith.constant 0 : i32
    %get3A_52 = arith.index_cast %get3A : i32 to index
    %get3A_53 = arith.index_cast %get3A_51 : i32 to index
    %get3A_54 = arith.constant 0 : index
    %get3A_55 = tpu.vector_load %arg5[%get3A_52, %get3A_53, %get3A_54] {strides = array<i32>} : memref<2x4x128xi32, #tpu.memory_space<vmem>>, vector<16xi32>,
    %shift_right_arithmetic3A = arith.constant 15 : i32
    %shift_right_arithmetic3A_56 = vector.broadcast %shift_right_arithmetic3A : i32 to vector<16xi32>
    %shift_right_arithmetic3A_57 = arith.shrsi %get3A_55, %shift_right_arithmetic3A_56 : vector<16xi32>
    %shift_left3A = arith.constant 15 : i32
    %shift_left3A_58 = vector.broadcast %shift_left3A : i32 to vector<16xi32>
    %shift_left3A_59 = arith.shli %shift_right_arithmetic3A_57, %shift_left3A_58 : vector<16xi32>
    %and3A_60 = arith.constant 8191 : i32
    %and3A_61 = vector.broadcast %and3A_60 : i32 to vector<16xi32>
    %and3A_62 = arith.andi %get3A_55, %and3A_61 : vector<16xi32>
    %shift_left3A_63 = arith.constant 2 : i32
    %shift_left3A_64 = vector.broadcast %shift_left3A_63 : i32 to vector<16xi32>
    %shift_left3A_65 = arith.shli %and3A_62, %shift_left3A_64 : vector<16xi32>
    %or3A = arith.ori %shift_left3A_59, %shift_left3A_65 : vector<16xi32>
    %shift_right_arithmetic3A_66 = arith.constant 13 : i32
    %shift_right_arithmetic3A_67 = vector.broadcast %shift_right_arithmetic3A_66 : i32 to vector<16xi32>
    %shift_right_arithmetic3A_68 = arith.shrsi %get3A_55, %shift_right_arithmetic3A_67 : vector<16xi32>
    %and3A_69 = arith.constant 3 : i32
    %and3A_70 = vector.broadcast %and3A_69 : i32 to vector<16xi32>
    %and3A_71 = arith.andi %shift_right_arithmetic3A_68, %and3A_70 : vector<16xi32>
    %or3A_72 = arith.ori %or3A, %and3A_71 : vector<16xi32>
    %swap3A = arith.constant 0 : i32
    %swap3A_73 = arith.constant 0 : i32
    %swap3A_74 = arith.index_cast %swap3A : i32 to index
    %swap3A_75 = arith.index_cast %swap3A_73 : i32 to index
    %swap3A_76 = arith.constant 0 : index
    %swap3A_77 = tpu.vector_load %arg5[%swap3A_74, %swap3A_75, %swap3A_76] {strides = array<i32>} : memref<2x4x128xi32, #tpu.memory_space<vmem>>, vector<16xi32>,
    tpu.vector_store %arg5[%swap3A_74, %swap3A_75, %swap3A_76], %or3A_72 {strides = array<i32>} : memref<2x4x128xi32, #tpu.memory_space<vmem>>, vector<16xi32>,
    %get3A_78 = arith.constant 0 : i32
    %get3A_79 = arith.constant 0 : i32
    %get3A_80 = arith.index_cast %get3A_78 : i32 to index
    %get3A_81 = arith.index_cast %get3A_79 : i32 to index
    %get3A_82 = arith.constant 16 : index
    %get3A_83 = tpu.vector_load %arg5[%get3A_80, %get3A_81, %get3A_82] {strides = array<i32>} : memref<2x4x128xi32, #tpu.memory_space<vmem>>, vector<16xi32>,
    %shift_right_arithmetic3A_84 = arith.constant 15 : i32
    %shift_right_arithmetic3A_85 = vector.broadcast %shift_right_arithmetic3A_84 : i32 to vector<16xi32>
    %shift_right_arithmetic3A_86 = arith.shrsi %get3A_83, %shift_right_arithmetic3A_85 : vector<16xi32>
    %shift_left3A_87 = arith.constant 15 : i32
    %shift_left3A_88 = vector.broadcast %shift_left3A_87 : i32 to vector<16xi32>
    %shift_left3A_89 = arith.shli %shift_right_arithmetic3A_86, %shift_left3A_88 : vector<16xi32>
    %and3A_90 = arith.constant 8191 : i32
    %and3A_91 = vector.broadcast %and3A_90 : i32 to vector<16xi32>
    %and3A_92 = arith.andi %get3A_83, %and3A_91 : vector<16xi32>
    %shift_left3A_93 = arith.constant 2 : i32
    %shift_left3A_94 = vector.broadcast %shift_left3A_93 : i32 to vector<16xi32>
    %shift_left3A_95 = arith.shli %and3A_92, %shift_left3A_94 : vector<16xi32>
    %or3A_96 = arith.ori %shift_left3A_89, %shift_left3A_95 : vector<16xi32>
    %shift_right_arithmetic3A_97 = arith.constant 13 : i32
    %shift_right_arithmetic3A_98 = vector.broadcast %shift_right_arithmetic3A_97 : i32 to vector<16xi32>
    %shift_right_arithmetic3A_99 = arith.shrsi %get3A_83, %shift_right_arithmetic3A_98 : vector<16xi32>
    %and3A_100 = arith.constant 3 : i32
    %and3A_101 = vector.broadcast %and3A_100 : i32 to vector<16xi32>
    %and3A_102 = arith.andi %shift_right_arithmetic3A_99, %and3A_101 : vector<16xi32>
    %or3A_103 = arith.ori %or3A_96, %and3A_102 : vector<16xi32>
    %swap3A_104 = arith.constant 0 : i32
    %swap3A_105 = arith.constant 0 : i32
    %swap3A_106 = arith.index_cast %swap3A_104 : i32 to index
    %swap3A_107 = arith.index_cast %swap3A_105 : i32 to index
    %swap3A_108 = arith.constant 16 : index
    %swap3A_109 = tpu.vector_load %arg5[%swap3A_106, %swap3A_107, %swap3A_108] {strides = array<i32>} : memref<2x4x128xi32, #tpu.memory_space<vmem>>, vector<16xi32>,
    tpu.vector_store %arg5[%swap3A_106, %swap3A_107, %swap3A_108], %or3A_103 {strides = array<i32>} : memref<2x4x128xi32, #tpu.memory_space<vmem>>, vector<16xi32>,
    %get3A_110 = arith.constant 0 : i32
    %get3A_111 = arith.constant 0 : i32
    %get3A_112 = arith.index_cast %get3A_110 : i32 to index
    %get3A_113 = arith.index_cast %get3A_111 : i32 to index
    %get3A_114 = arith.constant 32 : index
    %get3A_115 = tpu.vector_load %arg5[%get3A_112, %get3A_113, %get3A_114] {strides = array<i32>} : memref<2x4x128xi32, #tpu.memory_space<vmem>>, vector<16xi32>,
    %shift_right_arithmetic3A_116 = arith.constant 15 : i32
    %shift_right_arithmetic3A_117 = vector.broadcast %shift_right_arithmetic3A_116 : i32 to vector<16xi32>
    %shift_right_arithmetic3A_118 = arith.shrsi %get3A_115, %shift_right_arithmetic3A_117 : vector<16xi32>
    %shift_left3A_119 = arith.constant 15 : i32
    %shift_left3A_120 = vector.broadcast %shift_left3A_119 : i32 to vector<16xi32>
    %shift_left3A_121 = arith.shli %shift_right_arithmetic3A_118, %shift_left3A_120 : vector<16xi32>
    %and3A_122 = arith.constant 8191 : i32
    %and3A_123 = vector.broadcast %and3A_122 : i32 to vector<16xi32>
    %and3A_124 = arith.andi %get3A_115, %and3A_123 : vector<16xi32>
    %shift_left3A_125 = arith.constant 2 : i32
    %shift_left3A_126 = vector.broadcast %shift_left3A_125 : i32 to vector<16xi32>
    %shift_left3A_127 = arith.shli %and3A_124, %shift_left3A_126 : vector<16xi32>
    %or3A_128 = arith.ori %shift_left3A_121, %shift_left3A_127 : vector<16xi32>
    %shift_right_arithmetic3A_129 = arith.constant 13 : i32
    %shift_right_arithmetic3A_130 = vector.broadcast %shift_right_arithmetic3A_129 : i32 to vector<16xi32>
    %shift_right_arithmetic3A_131 = arith.shrsi %get3A_115, %shift_right_arithmetic3A_130 : vector<16xi32>
    %and3A_132 = arith.constant 3 : i32
    %and3A_133 = vector.broadcast %and3A_132 : i32 to vector<16xi32>
    %and3A_134 = arith.andi %shift_right_arithmetic3A_131, %and3A_133 : vector<16xi32>
    %or3A_135 = arith.ori %or3A_128, %and3A_134 : vector<16xi32>
    %swap3A_136 = arith.constant 0 : i32
    %swap3A_137 = arith.constant 0 : i32
    %swap3A_138 = arith.index_cast %swap3A_136 : i32 to index
    %swap3A_139 = arith.index_cast %swap3A_137 : i32 to index
    %swap3A_140 = arith.constant 32 : index
    %swap3A_141 = tpu.vector_load %arg5[%swap3A_138, %swap3A_139, %swap3A_140] {strides = array<i32>} : memref<2x4x128xi32, #tpu.memory_space<vmem>>, vector<16xi32>,
    tpu.vector_store %arg5[%swap3A_138, %swap3A_139, %swap3A_140], %or3A_135 {strides = array<i32>} : memref<2x4x128xi32, #tpu.memory_space<vmem>>, vector<16xi32>,
    %get3A_142 = arith.constant 0 : i32
    %get3A_143 = arith.constant 0 : i32
    %get3A_144 = arith.index_cast %get3A_142 : i32 to index
    %get3A_145 = arith.index_cast %get3A_143 : i32 to index
    %get3A_146 = arith.constant 48 : index
    %get3A_147 = tpu.vector_load %arg5[%get3A_144, %get3A_145, %get3A_146] {strides = array<i32>} : memref<2x4x128xi32, #tpu.memory_space<vmem>>, vector<16xi32>,
    %shift_right_arithmetic3A_148 = arith.constant 15 : i32
    %shift_right_arithmetic3A_149 = vector.broadcast %shift_right_arithmetic3A_148 : i32 to vector<16xi32>
    %shift_right_arithmetic3A_150 = arith.shrsi %get3A_147, %shift_right_arithmetic3A_149 : vector<16xi32>
    %shift_left3A_151 = arith.constant 15 : i32
    %shift_left3A_152 = vector.broadcast %shift_left3A_151 : i32 to vector<16xi32>
    %shift_left3A_153 = arith.shli %shift_right_arithmetic3A_150, %shift_left3A_152 : vector<16xi32>
    %and3A_154 = arith.constant 8191 : i32
    %and3A_155 = vector.broadcast %and3A_154 : i32 to vector<16xi32>
    %and3A_156 = arith.andi %get3A_147, %and3A_155 : vector<16xi32>
    %shift_left3A_157 = arith.constant 2 : i32
    %shift_left3A_158 = vector.broadcast %shift_left3A_157 : i32 to vector<16xi32>
    %shift_left3A_159 = arith.shli %and3A_156, %shift_left3A_158 : vector<16xi32>
    %or3A_160 = arith.ori %shift_left3A_153, %shift_left3A_159 : vector<16xi32>
    %shift_right_arithmetic3A_161 = arith.constant 13 : i32
    %shift_right_arithmetic3A_162 = vector.broadcast %shift_right_arithmetic3A_161 : i32 to vector<16xi32>
    %shift_right_arithmetic3A_163 = arith.shrsi %get3A_147, %shift_right_arithmetic3A_162 : vector<16xi32>
    %and3A_164 = arith.constant 3 : i32
    %and3A_165 = vector.broadcast %and3A_164 : i32 to vector<16xi32>
    %and3A_166 = arith.andi %shift_right_arithmetic3A_163, %and3A_165 : vector<16xi32>
    %or3A_167 = arith.ori %or3A_160, %and3A_166 : vector<16xi32>
    %swap3A_168 = arith.constant 0 : i32
    %swap3A_169 = arith.constant 0 : i32
    %swap3A_170 = arith.index_cast %swap3A_168 : i32 to index
    %swap3A_171 = arith.index_cast %swap3A_169 : i32 to index
    %swap3A_172 = arith.constant 48 : index
    %swap3A_173 = tpu.vector_load %arg5[%swap3A_170, %swap3A_171, %swap3A_172] {strides = array<i32>} : memref<2x4x128xi32, #tpu.memory_space<vmem>>, vector<16xi32>,
    tpu.vector_store %arg5[%swap3A_170, %swap3A_171, %swap3A_172], %or3A_167 {strides = array<i32>} : memref<2x4x128xi32, #tpu.memory_space<vmem>>, vector<16xi32>,
    %get3A_174 = arith.constant 0 : i32
    %get3A_175 = arith.constant 0 : i32
    %get3A_176 = arith.index_cast %get3A_174 : i32 to index
    %get3A_177 = arith.index_cast %get3A_175 : i32 to index
    %get3A_178 = arith.constant 64 : index
    %get3A_179 = tpu.vector_load %arg5[%get3A_176, %get3A_177, %get3A_178] {strides = array<i32>} : memref<2x4x128xi32, #tpu.memory_space<vmem>>, vector<16xi32>,
    %shift_right_arithmetic3A_180 = arith.constant 15 : i32
    %shift_right_arithmetic3A_181 = vector.broadcast %shift_right_arithmetic3A_180 : i32 to vector<16xi32>
    %shift_right_arithmetic3A_182 = arith.shrsi %get3A_179, %shift_right_arithmetic3A_181 : vector<16xi32>
    %shift_left3A_183 = arith.constant 15 : i32
    %shift_left3A_184 = vector.broadcast %shift_left3A_183 : i32 to vector<16xi32>
    %shift_left3A_185 = arith.shli %shift_right_arithmetic3A_182, %shift_left3A_184 : vector<16xi32>
    %and3A_186 = arith.constant 8191 : i32
    %and3A_187 = vector.broadcast %and3A_186 : i32 to vector<16xi32>
    %and3A_188 = arith.andi %get3A_179, %and3A_187 : vector<16xi32>
    %shift_left3A_189 = arith.constant 2 : i32
    %shift_left3A_190 = vector.broadcast %shift_left3A_189 : i32 to vector<16xi32>
    %shift_left3A_191 = arith.shli %and3A_188, %shift_left3A_190 : vector<16xi32>
    %or3A_192 = arith.ori %shift_left3A_185, %shift_left3A_191 : vector<16xi32>
    %shift_right_arithmetic3A_193 = arith.constant 13 : i32
    %shift_right_arithmetic3A_194 = vector.broadcast %shift_right_arithmetic3A_193 : i32 to vector<16xi32>
    %shift_right_arithmetic3A_195 = arith.shrsi %get3A_179, %shift_right_arithmetic3A_194 : vector<16xi32>
    %and3A_196 = arith.constant 3 : i32
    %and3A_197 = vector.broadcast %and3A_196 : i32 to vector<16xi32>
    %and3A_198 = arith.andi %shift_right_arithmetic3A_195, %and3A_197 : vector<16xi32>
    %or3A_199 = arith.ori %or3A_192, %and3A_198 : vector<16xi32>
    %swap3A_200 = arith.constant 0 : i32
    %swap3A_201 = arith.constant 0 : i32
    %swap3A_202 = arith.index_cast %swap3A_200 : i32 to index
    %swap3A_203 = arith.index_cast %swap3A_201 : i32 to index
    %swap3A_204 = arith.constant 64 : index
    %swap3A_205 = tpu.vector_load %arg5[%swap3A_202, %swap3A_203, %swap3A_204] {strides = array<i32>} : memref<2x4x128xi32, #tpu.memory_space<vmem>>, vector<16xi32>,
    tpu.vector_store %arg5[%swap3A_202, %swap3A_203, %swap3A_204], %or3A_199 {strides = array<i32>} : memref<2x4x128xi32, #tpu.memory_space<vmem>>, vector<16xi32>,
    %get3A_206 = arith.constant 0 : i32
    %get3A_207 = arith.constant 0 : i32
    %get3A_208 = arith.index_cast %get3A_206 : i32 to index
    %get3A_209 = arith.index_cast %get3A_207 : i32 to index
    %get3A_210 = arith.constant 80 : index
    %get3A_211 = tpu.vector_load %arg5[%get3A_208, %get3A_209, %get3A_210] {strides = array<i32>} : memref<2x4x128xi32, #tpu.memory_space<vmem>>, vector<16xi32>,
    %shift_right_arithmetic3A_212 = arith.constant 15 : i32
    %shift_right_arithmetic3A_213 = vector.broadcast %shift_right_arithmetic3A_212 : i32 to vector<16xi32>
    %shift_right_arithmetic3A_214 = arith.shrsi %get3A_211, %shift_right_arithmetic3A_213 : vector<16xi32>
    %shift_left3A_215 = arith.constant 15 : i32
    %shift_left3A_216 = vector.broadcast %shift_left3A_215 : i32 to vector<16xi32>
    %shift_left3A_217 = arith.shli %shift_right_arithmetic3A_214, %shift_left3A_216 : vector<16xi32>
    %and3A_218 = arith.constant 8191 : i32
    %and3A_219 = vector.broadcast %and3A_218 : i32 to vector<16xi32>
    %and3A_220 = arith.andi %get3A_211, %and3A_219 : vector<16xi32>
    %shift_left3A_221 = arith.constant 2 : i32
    %shift_left3A_222 = vector.broadcast %shift_left3A_221 : i32 to vector<16xi32>
    %shift_left3A_223 = arith.shli %and3A_220, %shift_left3A_222 : vector<16xi32>
    %or3A_224 = arith.ori %shift_left3A_217, %shift_left3A_223 : vector<16xi32>
    %shift_right_arithmetic3A_225 = arith.constant 13 : i32
    %shift_right_arithmetic3A_226 = vector.broadcast %shift_right_arithmetic3A_225 : i32 to vector<16xi32>
    %shift_right_arithmetic3A_227 = arith.shrsi %get3A_211, %shift_right_arithmetic3A_226 : vector<16xi32>
    %and3A_228 = arith.constant 3 : i32
    %and3A_229 = vector.broadcast %and3A_228 : i32 to vector<16xi32>
    %and3A_230 = arith.andi %shift_right_arithmetic3A_227, %and3A_229 : vector<16xi32>
    %or3A_231 = arith.ori %or3A_224, %and3A_230 : vector<16xi32>
    %swap3A_232 = arith.constant 0 : i32
    %swap3A_233 = arith.constant 0 : i32
    %swap3A_234 = arith.index_cast %swap3A_232 : i32 to index
    %swap3A_235 = arith.index_cast %swap3A_233 : i32 to index
    %swap3A_236 = arith.constant 80 : index
    %swap3A_237 = tpu.vector_load %arg5[%swap3A_234, %swap3A_235, %swap3A_236] {strides = array<i32>} : memref<2x4x128xi32, #tpu.memory_space<vmem>>, vector<16xi32>,
    tpu.vector_store %arg5[%swap3A_234, %swap3A_235, %swap3A_236], %or3A_231 {strides = array<i32>} : memref<2x4x128xi32, #tpu.memory_space<vmem>>, vector<16xi32>,
    %get3A_238 = arith.constant 0 : i32
    %get3A_239 = arith.constant 0 : i32
    %get3A_240 = arith.index_cast %get3A_238 : i32 to index
    %get3A_241 = arith.index_cast %get3A_239 : i32 to index
    %get3A_242 = arith.constant 96 : index
    %get3A_243 = tpu.vector_load %arg5[%get3A_240, %get3A_241, %get3A_242] {strides = array<i32>} : memref<2x4x128xi32, #tpu.memory_space<vmem>>, vector<16xi32>,
    %shift_right_arithmetic3A_244 = arith.constant 15 : i32
    %shift_right_arithmetic3A_245 = vector.broadcast %shift_right_arithmetic3A_244 : i32 to vector<16xi32>
    %shift_right_arithmetic3A_246 = arith.shrsi %get3A_243, %shift_right_arithmetic3A_245 : vector<16xi32>
    %shift_left3A_247 = arith.constant 15 : i32
    %shift_left3A_248 = vector.broadcast %shift_left3A_247 : i32 to vector<16xi32>
    %shift_left3A_249 = arith.shli %shift_right_arithmetic3A_246, %shift_left3A_248 : vector<16xi32>
    %and3A_250 = arith.constant 8191 : i32
    %and3A_251 = vector.broadcast %and3A_250 : i32 to vector<16xi32>
    %and3A_252 = arith.andi %get3A_243, %and3A_251 : vector<16xi32>
    %shift_left3A_253 = arith.constant 2 : i32
    %shift_left3A_254 = vector.broadcast %shift_left3A_253 : i32 to vector<16xi32>
    %shift_left3A_255 = arith.shli %and3A_252, %shift_left3A_254 : vector<16xi32>
    %or3A_256 = arith.ori %shift_left3A_249, %shift_left3A_255 : vector<16xi32>
    %shift_right_arithmetic3A_257 = arith.constant 13 : i32
    %shift_right_arithmetic3A_258 = vector.broadcast %shift_right_arithmetic3A_257 : i32 to vector<16xi32>
    %shift_right_arithmetic3A_259 = arith.shrsi %get3A_243, %shift_right_arithmetic3A_258 : vector<16xi32>
    %and3A_260 = arith.constant 3 : i32
    %and3A_261 = vector.broadcast %and3A_260 : i32 to vector<16xi32>
    %and3A_262 = arith.andi %shift_right_arithmetic3A_259, %and3A_261 : vector<16xi32>
    %or3A_263 = arith.ori %or3A_256, %and3A_262 : vector<16xi32>
    %swap3A_264 = arith.constant 0 : i32
    %swap3A_265 = arith.constant 0 : i32
    %swap3A_266 = arith.index_cast %swap3A_264 : i32 to index
    %swap3A_267 = arith.index_cast %swap3A_265 : i32 to index
    %swap3A_268 = arith.constant 96 : index
    %swap3A_269 = tpu.vector_load %arg5[%swap3A_266, %swap3A_267, %swap3A_268] {strides = array<i32>} : memref<2x4x128xi32, #tpu.memory_space<vmem>>, vector<16xi32>,
    tpu.vector_store %arg5[%swap3A_266, %swap3A_267, %swap3A_268], %or3A_263 {strides = array<i32>} : memref<2x4x128xi32, #tpu.memory_space<vmem>>, vector<16xi32>,
    %get3A_270 = arith.constant 0 : i32
    %get3A_271 = arith.constant 0 : i32
    %get3A_272 = arith.index_cast %get3A_270 : i32 to index
    %get3A_273 = arith.index_cast %get3A_271 : i32 to index
    %get3A_274 = arith.constant 112 : index
    %get3A_275 = tpu.vector_load %arg5[%get3A_272, %get3A_273, %get3A_274] {strides = array<i32>} : memref<2x4x128xi32, #tpu.memory_space<vmem>>, vector<16xi32>,
    %shift_right_arithmetic3A_276 = arith.constant 15 : i32
    %shift_right_arithmetic3A_277 = vector.broadcast %shift_right_arithmetic3A_276 : i32 to vector<16xi32>
    %shift_right_arithmetic3A_278 = arith.shrsi %get3A_275, %shift_right_arithmetic3A_277 : vector<16xi32>
    %shift_left3A_279 = arith.constant 15 : i32
    %shift_left3A_280 = vector.broadcast %shift_left3A_279 : i32 to vector<16xi32>
    %shift_left3A_281 = arith.shli %shift_right_arithmetic3A_278, %shift_left3A_280 : vector<16xi32>
    %and3A_282 = arith.constant 8191 : i32
    %and3A_283 = vector.broadcast %and3A_282 : i32 to vector<16xi32>
    %and3A_284 = arith.andi %get3A_275, %and3A_283 : vector<16xi32>
    %shift_left3A_285 = arith.constant 2 : i32
    %shift_left3A_286 = vector.broadcast %shift_left3A_285 : i32 to vector<16xi32>
    %shift_left3A_287 = arith.shli %and3A_284, %shift_left3A_286 : vector<16xi32>
    %or3A_288 = arith.ori %shift_left3A_281, %shift_left3A_287 : vector<16xi32>
    %shift_right_arithmetic3A_289 = arith.constant 13 : i32
    %shift_right_arithmetic3A_290 = vector.broadcast %shift_right_arithmetic3A_289 : i32 to vector<16xi32>
    %shift_right_arithmetic3A_291 = arith.shrsi %get3A_275, %shift_right_arithmetic3A_290 : vector<16xi32>
    %and3A_292 = arith.constant 3 : i32
    %and3A_293 = vector.broadcast %and3A_292 : i32 to vector<16xi32>
    %and3A_294 = arith.andi %shift_right_arithmetic3A_291, %and3A_293 : vector<16xi32>
    %or3A_295 = arith.ori %or3A_288, %and3A_294 : vector<16xi32>
    %swap3A_296 = arith.constant 0 : i32
    %swap3A_297 = arith.constant 0 : i32
    %swap3A_298 = arith.index_cast %swap3A_296 : i32 to index
    %swap3A_299 = arith.index_cast %swap3A_297 : i32 to index
    %swap3A_300 = arith.constant 112 : index
    %swap3A_301 = tpu.vector_load %arg5[%swap3A_298, %swap3A_299, %swap3A_300] {strides = array<i32>} : memref<2x4x128xi32, #tpu.memory_space<vmem>>, vector<16xi32>,
    tpu.vector_store %arg5[%swap3A_298, %swap3A_299, %swap3A_300], %or3A_295 {strides = array<i32>} : memref<2x4x128xi32, #tpu.memory_space<vmem>>, vector<16xi32>,
    %get3A_302 = arith.constant 0 : i32
    %get3A_303 = arith.constant 1 : i32
    %get3A_304 = arith.index_cast %get3A_302 : i32 to index
    %get3A_305 = arith.index_cast %get3A_303 : i32 to index
    %get3A_306 = arith.constant 0 : index
    %get3A_307 = tpu.vector_load %arg5[%get3A_304, %get3A_305, %get3A_306] {strides = array<i32>} : memref<2x4x128xi32, #tpu.memory_space<vmem>>, vector<16xi32>,
    %shift_right_arithmetic3A_308 = arith.constant 15 : i32
    %shift_right_arithmetic3A_309 = vector.broadcast %shift_right_arithmetic3A_308 : i32 to vector<16xi32>
    %shift_right_arithmetic3A_310 = arith.shrsi %get3A_307, %shift_right_arithmetic3A_309 : vector<16xi32>
    %shift_left3A_311 = arith.constant 15 : i32
    %shift_left3A_312 = vector.broadcast %shift_left3A_311 : i32 to vector<16xi32>
    %shift_left3A_313 = arith.shli %shift_right_arithmetic3A_310, %shift_left3A_312 : vector<16xi32>
    %and3A_314 = arith.constant 8191 : i32
    %and3A_315 = vector.broadcast %and3A_314 : i32 to vector<16xi32>
    %and3A_316 = arith.andi %get3A_307, %and3A_315 : vector<16xi32>
    %shift_left3A_317 = arith.constant 2 : i32
    %shift_left3A_318 = vector.broadcast %shift_left3A_317 : i32 to vector<16xi32>
    %shift_left3A_319 = arith.shli %and3A_316, %shift_left3A_318 : vector<16xi32>
    %or3A_320 = arith.ori %shift_left3A_313, %shift_left3A_319 : vector<16xi32>
    %shift_right_arithmetic3A_321 = arith.constant 13 : i32
    %shift_right_arithmetic3A_322 = vector.broadcast %shift_right_arithmetic3A_321 : i32 to vector<16xi32>
    %shift_right_arithmetic3A_323 = arith.shrsi %get3A_307, %shift_right_arithmetic3A_322 : vector<16xi32>
    %and3A_324 = arith.constant 3 : i32
    %and3A_325 = vector.broadcast %and3A_324 : i32 to vector<16xi32>
    %and3A_326 = arith.andi %shift_right_arithmetic3A_323, %and3A_325 : vector<16xi32>
    %or3A_327 = arith.ori %or3A_320, %and3A_326 : vector<16xi32>
    %swap3A_328 = arith.constant 0 : i32
    %swap3A_329 = arith.constant 1 : i32
    %swap3A_330 = arith.index_cast %swap3A_328 : i32 to index
    %swap3A_331 = arith.index_cast %swap3A_329 : i32 to index
    %swap3A_332 = arith.constant 0 : index
    %swap3A_333 = tpu.vector_load %arg5[%swap3A_330, %swap3A_331, %swap3A_332] {strides = array<i32>} : memref<2x4x128xi32, #tpu.memory_space<vmem>>, vector<16xi32>,
    tpu.vector_store %arg5[%swap3A_330, %swap3A_331, %swap3A_332], %or3A_327 {strides = array<i32>} : memref<2x4x128xi32, #tpu.memory_space<vmem>>, vector<16xi32>,
    %get3A_334 = arith.constant 0 : i32
    %get3A_335 = arith.constant 1 : i32
    %get3A_336 = arith.index_cast %get3A_334 : i32 to index
    %get3A_337 = arith.index_cast %get3A_335 : i32 to index
    %get3A_338 = arith.constant 16 : index
    %get3A_339 = tpu.vector_load %arg5[%get3A_336, %get3A_337, %get3A_338] {strides = array<i32>} : memref<2x4x128xi32, #tpu.memory_space<vmem>>, vector<16xi32>,
    %shift_right_arithmetic3A_340 = arith.constant 15 : i32
    %shift_right_arithmetic3A_341 = vector.broadcast %shift_right_arithmetic3A_340 : i32 to vector<16xi32>
    %shift_right_arithmetic3A_342 = arith.shrsi %get3A_339, %shift_right_arithmetic3A_341 : vector<16xi32>
    %shift_left3A_343 = arith.constant 15 : i32
    %shift_left3A_344 = vector.broadcast %shift_left3A_343 : i32 to vector<16xi32>
    %shift_left3A_345 = arith.shli %shift_right_arithmetic3A_342, %shift_left3A_344 : vector<16xi32>
    %and3A_346 = arith.constant 8191 : i32
    %and3A_347 = vector.broadcast %and3A_346 : i32 to vector<16xi32>
    %and3A_348 = arith.andi %get3A_339, %and3A_347 : vector<16xi32>
    %shift_left3A_349 = arith.constant 2 : i32
    %shift_left3A_350 = vector.broadcast %shift_left3A_349 : i32 to vector<16xi32>
    %shift_left3A_351 = arith.shli %and3A_348, %shift_left3A_350 : vector<16xi32>
    %or3A_352 = arith.ori %shift_left3A_345, %shift_left3A_351 : vector<16xi32>
    %shift_right_arithmetic3A_353 = arith.constant 13 : i32
    %shift_right_arithmetic3A_354 = vector.broadcast %shift_right_arithmetic3A_353 : i32 to vector<16xi32>
    %shift_right_arithmetic3A_355 = arith.shrsi %get3A_339, %shift_right_arithmetic3A_354 : vector<16xi32>
    %and3A_356 = arith.constant 3 : i32
    %and3A_357 = vector.broadcast %and3A_356 : i32 to vector<16xi32>
    %and3A_358 = arith.andi %shift_right_arithmetic3A_355, %and3A_357 : vector<16xi32>
    %or3A_359 = arith.ori %or3A_352, %and3A_358 : vector<16xi32>
    %swap3A_360 = arith.constant 0 : i32
    %swap3A_361 = arith.constant 1 : i32
    %swap3A_362 = arith.index_cast %swap3A_360 : i32 to index
    %swap3A_363 = arith.index_cast %swap3A_361 : i32 to index
    %swap3A_364 = arith.constant 16 : index
    %swap3A_365 = tpu.vector_load %arg5[%swap3A_362, %swap3A_363, %swap3A_364] {strides = array<i32>} : memref<2x4x128xi32, #tpu.memory_space<vmem>>, vector<16xi32>,
    tpu.vector_store %arg5[%swap3A_362, %swap3A_363, %swap3A_364], %or3A_359 {strides = array<i32>} : memref<2x4x128xi32, #tpu.memory_space<vmem>>, vector<16xi32>,
    %get3A_366 = arith.constant 0 : i32
    %get3A_367 = arith.constant 1 : i32
    %get3A_368 = arith.index_cast %get3A_366 : i32 to index
    %get3A_369 = arith.index_cast %get3A_367 : i32 to index
    %get3A_370 = arith.constant 32 : index
    %get3A_371 = tpu.vector_load %arg5[%get3A_368, %get3A_369, %get3A_370] {strides = array<i32>} : memref<2x4x128xi32, #tpu.memory_space<vmem>>, vector<16xi32>,
    %shift_right_arithmetic3A_372 = arith.constant 15 : i32
    %shift_right_arithmetic3A_373 = vector.broadcast %shift_right_arithmetic3A_372 : i32 to vector<16xi32>
    %shift_right_arithmetic3A_374 = arith.shrsi %get3A_371, %shift_right_arithmetic3A_373 : vector<16xi32>
    %shift_left3A_375 = arith.constant 15 : i32
    %shift_left3A_376 = vector.broadcast %shift_left3A_375 : i32 to vector<16xi32>
    %shift_left3A_377 = arith.shli %shift_right_arithmetic3A_374, %shift_left3A_376 : vector<16xi32>
    %and3A_378 = arith.constant 8191 : i32
    %and3A_379 = vector.broadcast %and3A_378 : i32 to vector<16xi32>
    %and3A_380 = arith.andi %get3A_371, %and3A_379 : vector<16xi32>
    %shift_left3A_381 = arith.constant 2 : i32
    %shift_left3A_382 = vector.broadcast %shift_left3A_381 : i32 to vector<16xi32>
    %shift_left3A_383 = arith.shli %and3A_380, %shift_left3A_382 : vector<16xi32>
    %or3A_384 = arith.ori %shift_left3A_377, %shift_left3A_383 : vector<16xi32>
    %shift_right_arithmetic3A_385 = arith.constant 13 : i32
    %shift_right_arithmetic3A_386 = vector.broadcast %shift_right_arithmetic3A_385 : i32 to vector<16xi32>
    %shift_right_arithmetic3A_387 = arith.shrsi %get3A_371, %shift_right_arithmetic3A_386 : vector<16xi32>
    %and3A_388 = arith.constant 3 : i32
    %and3A_389 = vector.broadcast %and3A_388 : i32 to vector<16xi32>
    %and3A_390 = arith.andi %shift_right_arithmetic3A_387, %and3A_389 : vector<16xi32>
    %or3A_391 = arith.ori %or3A_384, %and3A_390 : vector<16xi32>
    %swap3A_392 = arith.constant 0 : i32
    %swap3A_393 = arith.constant 1 : i32
    %swap3A_394 = arith.index_cast %swap3A_392 : i32 to index
    %swap3A_395 = arith.index_cast %swap3A_393 : i32 to index
    %swap3A_396 = arith.constant 32 : index
    %swap3A_397 = tpu.vector_load %arg5[%swap3A_394, %swap3A_395, %swap3A_396] {strides = array<i32>} : memref<2x4x128xi32, #tpu.memory_space<vmem>>, vector<16xi32>,
    tpu.vector_store %arg5[%swap3A_394, %swap3A_395, %swap3A_396], %or3A_391 {strides = array<i32>} : memref<2x4x128xi32, #tpu.memory_space<vmem>>, vector<16xi32>,
    %get3A_398 = arith.constant 0 : i32
    %get3A_399 = arith.constant 1 : i32
    %get3A_400 = arith.index_cast %get3A_398 : i32 to index
    %get3A_401 = arith.index_cast %get3A_399 : i32 to index
    %get3A_402 = arith.constant 48 : index
    %get3A_403 = tpu.vector_load %arg5[%get3A_400, %get3A_401, %get3A_402] {strides = array<i32>} : memref<2x4x128xi32, #tpu.memory_space<vmem>>, vector<16xi32>,
    %shift_right_arithmetic3A_404 = arith.constant 15 : i32
    %shift_right_arithmetic3A_405 = vector.broadcast %shift_right_arithmetic3A_404 : i32 to vector<16xi32>
    %shift_right_arithmetic3A_406 = arith.shrsi %get3A_403, %shift_right_arithmetic3A_405 : vector<16xi32>
    %shift_left3A_407 = arith.constant 15 : i32
    %shift_left3A_408 = vector.broadcast %shift_left3A_407 : i32 to vector<16xi32>
    %shift_left3A_409 = arith.shli %shift_right_arithmetic3A_406, %shift_left3A_408 : vector<16xi32>
    %and3A_410 = arith.constant 8191 : i32
    %and3A_411 = vector.broadcast %and3A_410 : i32 to vector<16xi32>
    %and3A_412 = arith.andi %get3A_403, %and3A_411 : vector<16xi32>
    %shift_left3A_413 = arith.constant 2 : i32
    %shift_left3A_414 = vector.broadcast %shift_left3A_413 : i32 to vector<16xi32>
    %shift_left3A_415 = arith.shli %and3A_412, %shift_left3A_414 : vector<16xi32>
    %or3A_416 = arith.ori %shift_left3A_409, %shift_left3A_415 : vector<16xi32>
    %shift_right_arithmetic3A_417 = arith.constant 13 : i32
    %shift_right_arithmetic3A_418 = vector.broadcast %shift_right_arithmetic3A_417 : i32 to vector<16xi32>
    %shift_right_arithmetic3A_419 = arith.shrsi %get3A_403, %shift_right_arithmetic3A_418 : vector<16xi32>
    %and3A_420 = arith.constant 3 : i32
    %and3A_421 = vector.broadcast %and3A_420 : i32 to vector<16xi32>
    %and3A_422 = arith.andi %shift_right_arithmetic3A_419, %and3A_421 : vector<16xi32>
    %or3A_423 = arith.ori %or3A_416, %and3A_422 : vector<16xi32>
    %swap3A_424 = arith.constant 0 : i32
    %swap3A_425 = arith.constant 1 : i32
    %swap3A_426 = arith.index_cast %swap3A_424 : i32 to index
    %swap3A_427 = arith.index_cast %swap3A_425 : i32 to index
    %swap3A_428 = arith.constant 48 : index
    %swap3A_429 = tpu.vector_load %arg5[%swap3A_426, %swap3A_427, %swap3A_428] {strides = array<i32>} : memref<2x4x128xi32, #tpu.memory_space<vmem>>, vector<16xi32>,
    tpu.vector_store %arg5[%swap3A_426, %swap3A_427, %swap3A_428], %or3A_423 {strides = array<i32>} : memref<2x4x128xi32, #tpu.memory_space<vmem>>, vector<16xi32>,
    %get3A_430 = arith.constant 0 : i32
    %get3A_431 = arith.constant 1 : i32
    %get3A_432 = arith.index_cast %get3A_430 : i32 to index
    %get3A_433 = arith.index_cast %get3A_431 : i32 to index
    %get3A_434 = arith.constant 64 : index
    %get3A_435 = tpu.vector_load %arg5[%get3A_432, %get3A_433, %get3A_434] {strides = array<i32>} : memref<2x4x128xi32, #tpu.memory_space<vmem>>, vector<16xi32>,
    %shift_right_arithmetic3A_436 = arith.constant 15 : i32
    %shift_right_arithmetic3A_437 = vector.broadcast %shift_right_arithmetic3A_436 : i32 to vector<16xi32>
    %shift_right_arithmetic3A_438 = arith.shrsi %get3A_435, %shift_right_arithmetic3A_437 : vector<16xi32>
    %shift_left3A_439 = arith.constant 15 : i32
    %shift_left3A_440 = vector.broadcast %shift_left3A_439 : i32 to vector<16xi32>
    %shift_left3A_441 = arith.shli %shift_right_arithmetic3A_438, %shift_left3A_440 : vector<16xi32>
    %and3A_442 = arith.constant 8191 : i32
    %and3A_443 = vector.broadcast %and3A_442 : i32 to vector<16xi32>
    %and3A_444 = arith.andi %get3A_435, %and3A_443 : vector<16xi32>
    %shift_left3A_445 = arith.constant 2 : i32
    %shift_left3A_446 = vector.broadcast %shift_left3A_445 : i32 to vector<16xi32>
    %shift_left3A_447 = arith.shli %and3A_444, %shift_left3A_446 : vector<16xi32>
    %or3A_448 = arith.ori %shift_left3A_441, %shift_left3A_447 : vector<16xi32>
    %shift_right_arithmetic3A_449 = arith.constant 13 : i32
    %shift_right_arithmetic3A_450 = vector.broadcast %shift_right_arithmetic3A_449 : i32 to vector<16xi32>
    %shift_right_arithmetic3A_451 = arith.shrsi %get3A_435, %shift_right_arithmetic3A_450 : vector<16xi32>
    %and3A_452 = arith.constant 3 : i32
    %and3A_453 = vector.broadcast %and3A_452 : i32 to vector<16xi32>
    %and3A_454 = arith.andi %shift_right_arithmetic3A_451, %and3A_453 : vector<16xi32>
    %or3A_455 = arith.ori %or3A_448, %and3A_454 : vector<16xi32>
    %swap3A_456 = arith.constant 0 : i32
    %swap3A_457 = arith.constant 1 : i32
    %swap3A_458 = arith.index_cast %swap3A_456 : i32 to index
    %swap3A_459 = arith.index_cast %swap3A_457 : i32 to index
    %swap3A_460 = arith.constant 64 : index
    %swap3A_461 = tpu.vector_load %arg5[%swap3A_458, %swap3A_459, %swap3A_460] {strides = array<i32>} : memref<2x4x128xi32, #tpu.memory_space<vmem>>, vector<16xi32>,
    tpu.vector_store %arg5[%swap3A_458, %swap3A_459, %swap3A_460], %or3A_455 {strides = array<i32>} : memref<2x4x128xi32, #tpu.memory_space<vmem>>, vector<16xi32>,
    %get3A_462 = arith.constant 0 : i32
    %get3A_463 = arith.constant 1 : i32
    %get3A_464 = arith.index_cast %get3A_462 : i32 to index
    %get3A_465 = arith.index_cast %get3A_463 : i32 to index
    %get3A_466 = arith.constant 80 : index
    %get3A_467 = tpu.vector_load %arg5[%get3A_464, %get3A_465, %get3A_466] {strides = array<i32>} : memref<2x4x128xi32, #tpu.memory_space<vmem>>, vector<16xi32>,
    %shift_right_arithmetic3A_468 = arith.constant 15 : i32
    %shift_right_arithmetic3A_469 = vector.broadcast %shift_right_arithmetic3A_468 : i32 to vector<16xi32>
    %shift_right_arithmetic3A_470 = arith.shrsi %get3A_467, %shift_right_arithmetic3A_469 : vector<16xi32>
    %shift_left3A_471 = arith.constant 15 : i32
    %shift_left3A_472 = vector.broadcast %shift_left3A_471 : i32 to vector<16xi32>
    %shift_left3A_473 = arith.shli %shift_right_arithmetic3A_470, %shift_left3A_472 : vector<16xi32>
    %and3A_474 = arith.constant 8191 : i32
    %and3A_475 = vector.broadcast %and3A_474 : i32 to vector<16xi32>
    %and3A_476 = arith.andi %get3A_467, %and3A_475 : vector<16xi32>
    %shift_left3A_477 = arith.constant 2 : i32
    %shift_left3A_478 = vector.broadcast %shift_left3A_477 : i32 to vector<16xi32>
    %shift_left3A_479 = arith.shli %and3A_476, %shift_left3A_478 : vector<16xi32>
    %or3A_480 = arith.ori %shift_left3A_473, %shift_left3A_479 : vector<16xi32>
    %shift_right_arithmetic3A_481 = arith.constant 13 : i32
    %shift_right_arithmetic3A_482 = vector.broadcast %shift_right_arithmetic3A_481 : i32 to vector<16xi32>
    %shift_right_arithmetic3A_483 = arith.shrsi %get3A_467, %shift_right_arithmetic3A_482 : vector<16xi32>
    %and3A_484 = arith.constant 3 : i32
    %and3A_485 = vector.broadcast %and3A_484 : i32 to vector<16xi32>
    %and3A_486 = arith.andi %shift_right_arithmetic3A_483, %and3A_485 : vector<16xi32>
    %or3A_487 = arith.ori %or3A_480, %and3A_486 : vector<16xi32>
    %swap3A_488 = arith.constant 0 : i32
    %swap3A_489 = arith.constant 1 : i32
    %swap3A_490 = arith.index_cast %swap3A_488 : i32 to index
    %swap3A_491 = arith.index_cast %swap3A_489 : i32 to index
    %swap3A_492 = arith.constant 80 : index
    %swap3A_493 = tpu.vector_load %arg5[%swap3A_490, %swap3A_491, %swap3A_492] {strides = array<i32>} : memref<2x4x128xi32, #tpu.memory_space<vmem>>, vector<16xi32>,
    tpu.vector_store %arg5[%swap3A_490, %swap3A_491, %swap3A_492], %or3A_487 {strides = array<i32>} : memref<2x4x128xi32, #tpu.memory_space<vmem>>, vector<16xi32>,
    %get3A_494 = arith.constant 0 : i32
    %get3A_495 = arith.constant 1 : i32
    %get3A_496 = arith.index_cast %get3A_494 : i32 to index
    %get3A_497 = arith.index_cast %get3A_495 : i32 to index
    %get3A_498 = arith.constant 96 : index
    %get3A_499 = tpu.vector_load %arg5[%get3A_496, %get3A_497, %get3A_498] {strides = array<i32>} : memref<2x4x128xi32, #tpu.memory_space<vmem>>, vector<16xi32>,
    %shift_right_arithmetic3A_500 = arith.constant 15 : i32
    %shift_right_arithmetic3A_501 = vector.broadcast %shift_right_arithmetic3A_500 : i32 to vector<16xi32>
    %shift_right_arithmetic3A_502 = arith.shrsi %get3A_499, %shift_right_arithmetic3A_501 : vector<16xi32>
    %shift_left3A_503 = arith.constant 15 : i32
    %shift_left3A_504 = vector.broadcast %shift_left3A_503 : i32 to vector<16xi32>
    %shift_left3A_505 = arith.shli %shift_right_arithmetic3A_502, %shift_left3A_504 : vector<16xi32>
    %and3A_506 = arith.constant 8191 : i32
    %and3A_507 = vector.broadcast %and3A_506 : i32 to vector<16xi32>
    %and3A_508 = arith.andi %get3A_499, %and3A_507 : vector<16xi32>
    %shift_left3A_509 = arith.constant 2 : i32
    %shift_left3A_510 = vector.broadcast %shift_left3A_509 : i32 to vector<16xi32>
    %shift_left3A_511 = arith.shli %and3A_508, %shift_left3A_510 : vector<16xi32>
    %or3A_512 = arith.ori %shift_left3A_505, %shift_left3A_511 : vector<16xi32>
    %shift_right_arithmetic3A_513 = arith.constant 13 : i32
    %shift_right_arithmetic3A_514 = vector.broadcast %shift_right_arithmetic3A_513 : i32 to vector<16xi32>
    %shift_right_arithmetic3A_515 = arith.shrsi %get3A_499, %shift_right_arithmetic3A_514 : vector<16xi32>
    %and3A_516 = arith.constant 3 : i32
    %and3A_517 = vector.broadcast %and3A_516 : i32 to vector<16xi32>
    %and3A_518 = arith.andi %shift_right_arithmetic3A_515, %and3A_517 : vector<16xi32>
    %or3A_519 = arith.ori %or3A_512, %and3A_518 : vector<16xi32>
    %swap3A_520 = arith.constant 0 : i32
    %swap3A_521 = arith.constant 1 : i32
    %swap3A_522 = arith.index_cast %swap3A_520 : i32 to index
    %swap3A_523 = arith.index_cast %swap3A_521 : i32 to index
    %swap3A_524 = arith.constant 96 : index
    %swap3A_525 = tpu.vector_load %arg5[%swap3A_522, %swap3A_523, %swap3A_524] {strides = array<i32>} : memref<2x4x128xi32, #tpu.memory_space<vmem>>, vector<16xi32>,
    tpu.vector_store %arg5[%swap3A_522, %swap3A_523, %swap3A_524], %or3A_519 {strides = array<i32>} : memref<2x4x128xi32, #tpu.memory_space<vmem>>, vector<16xi32>,
    %get3A_526 = arith.constant 0 : i32
    %get3A_527 = arith.constant 1 : i32
    %get3A_528 = arith.index_cast %get3A_526 : i32 to index
    %get3A_529 = arith.index_cast %get3A_527 : i32 to index
    %get3A_530 = arith.constant 112 : index
    %get3A_531 = tpu.vector_load %arg5[%get3A_528, %get3A_529, %get3A_530] {strides = array<i32>} : memref<2x4x128xi32, #tpu.memory_space<vmem>>, vector<16xi32>,
    %shift_right_arithmetic3A_532 = arith.constant 15 : i32
    %shift_right_arithmetic3A_533 = vector.broadcast %shift_right_arithmetic3A_532 : i32 to vector<16xi32>
    %shift_right_arithmetic3A_534 = arith.shrsi %get3A_531, %shift_right_arithmetic3A_533 : vector<16xi32>
    %shift_left3A_535 = arith.constant 15 : i32
    %shift_left3A_536 = vector.broadcast %shift_left3A_535 : i32 to vector<16xi32>
    %shift_left3A_537 = arith.shli %shift_right_arithmetic3A_534, %shift_left3A_536 : vector<16xi32>
    %and3A_538 = arith.constant 8191 : i32
    %and3A_539 = vector.broadcast %and3A_538 : i32 to vector<16xi32>
    %and3A_540 = arith.andi %get3A_531, %and3A_539 : vector<16xi32>
    %shift_left3A_541 = arith.constant 2 : i32
    %shift_left3A_542 = vector.broadcast %shift_left3A_541 : i32 to vector<16xi32>
    %shift_left3A_543 = arith.shli %and3A_540, %shift_left3A_542 : vector<16xi32>
    %or3A_544 = arith.ori %shift_left3A_537, %shift_left3A_543 : vector<16xi32>
    %shift_right_arithmetic3A_545 = arith.constant 13 : i32
    %shift_right_arithmetic3A_546 = vector.broadcast %shift_right_arithmetic3A_545 : i32 to vector<16xi32>
    %shift_right_arithmetic3A_547 = arith.shrsi %get3A_531, %shift_right_arithmetic3A_546 : vector<16xi32>
    %and3A_548 = arith.constant 3 : i32
    %and3A_549 = vector.broadcast %and3A_548 : i32 to vector<16xi32>
    %and3A_550 = arith.andi %shift_right_arithmetic3A_547, %and3A_549 : vector<16xi32>
    %or3A_551 = arith.ori %or3A_544, %and3A_550 : vector<16xi32>
    %swap3A_552 = arith.constant 0 : i32
    %swap3A_553 = arith.constant 1 : i32
    %swap3A_554 = arith.index_cast %swap3A_552 : i32 to index
    %swap3A_555 = arith.index_cast %swap3A_553 : i32 to index
    %swap3A_556 = arith.constant 112 : index
    %swap3A_557 = tpu.vector_load %arg5[%swap3A_554, %swap3A_555, %swap3A_556] {strides = array<i32>} : memref<2x4x128xi32, #tpu.memory_space<vmem>>, vector<16xi32>,
    tpu.vector_store %arg5[%swap3A_554, %swap3A_555, %swap3A_556], %or3A_551 {strides = array<i32>} : memref<2x4x128xi32, #tpu.memory_space<vmem>>, vector<16xi32>,
    %get3A_558 = arith.constant 0 : i32
    %get3A_559 = arith.constant 2 : i32
    %get3A_560 = arith.index_cast %get3A_558 : i32 to index
    %get3A_561 = arith.index_cast %get3A_559 : i32 to index
    %get3A_562 = arith.constant 0 : index
    %get3A_563 = tpu.vector_load %arg5[%get3A_560, %get3A_561, %get3A_562] {strides = array<i32>} : memref<2x4x128xi32, #tpu.memory_space<vmem>>, vector<16xi32>,
    %shift_right_arithmetic3A_564 = arith.constant 15 : i32
    %shift_right_arithmetic3A_565 = vector.broadcast %shift_right_arithmetic3A_564 : i32 to vector<16xi32>
    %shift_right_arithmetic3A_566 = arith.shrsi %get3A_563, %shift_right_arithmetic3A_565 : vector<16xi32>
    %shift_left3A_567 = arith.constant 15 : i32
    %shift_left3A_568 = vector.broadcast %shift_left3A_567 : i32 to vector<16xi32>
    %shift_left3A_569 = arith.shli %shift_right_arithmetic3A_566, %shift_left3A_568 : vector<16xi32>
    %and3A_570 = arith.constant 8191 : i32
    %and3A_571 = vector.broadcast %and3A_570 : i32 to vector<16xi32>
    %and3A_572 = arith.andi %get3A_563, %and3A_571 : vector<16xi32>
    %shift_left3A_573 = arith.constant 2 : i32
    %shift_left3A_574 = vector.broadcast %shift_left3A_573 : i32 to vector<16xi32>
    %shift_left3A_575 = arith.shli %and3A_572, %shift_left3A_574 : vector<16xi32>
    %or3A_576 = arith.ori %shift_left3A_569, %shift_left3A_575 : vector<16xi32>
    %shift_right_arithmetic3A_577 = arith.constant 13 : i32
    %shift_right_arithmetic3A_578 = vector.broadcast %shift_right_arithmetic3A_577 : i32 to vector<16xi32>
    %shift_right_arithmetic3A_579 = arith.shrsi %get3A_563, %shift_right_arithmetic3A_578 : vector<16xi32>
    %and3A_580 = arith.constant 3 : i32
    %and3A_581 = vector.broadcast %and3A_580 : i32 to vector<16xi32>
    %and3A_582 = arith.andi %shift_right_arithmetic3A_579, %and3A_581 : vector<16xi32>
    %or3A_583 = arith.ori %or3A_576, %and3A_582 : vector<16xi32>
    %swap3A_584 = arith.constant 0 : i32
    %swap3A_585 = arith.constant 2 : i32
    %swap3A_586 = arith.index_cast %swap3A_584 : i32 to index
    %swap3A_587 = arith.index_cast %swap3A_585 : i32 to index
    %swap3A_588 = arith.constant 0 : index
    %swap3A_589 = tpu.vector_load %arg5[%swap3A_586, %swap3A_587, %swap3A_588] {strides = array<i32>} : memref<2x4x128xi32, #tpu.memory_space<vmem>>, vector<16xi32>,
    tpu.vector_store %arg5[%swap3A_586, %swap3A_587, %swap3A_588], %or3A_583 {strides = array<i32>} : memref<2x4x128xi32, #tpu.memory_space<vmem>>, vector<16xi32>,
    %get3A_590 = arith.constant 0 : i32
    %get3A_591 = arith.constant 2 : i32
    %get3A_592 = arith.index_cast %get3A_590 : i32 to index
    %get3A_593 = arith.index_cast %get3A_591 : i32 to index
    %get3A_594 = arith.constant 16 : index
    %get3A_595 = tpu.vector_load %arg5[%get3A_592, %get3A_593, %get3A_594] {strides = array<i32>} : memref<2x4x128xi32, #tpu.memory_space<vmem>>, vector<16xi32>,
    %shift_right_arithmetic3A_596 = arith.constant 15 : i32
    %shift_right_arithmetic3A_597 = vector.broadcast %shift_right_arithmetic3A_596 : i32 to vector<16xi32>
    %shift_right_arithmetic3A_598 = arith.shrsi %get3A_595, %shift_right_arithmetic3A_597 : vector<16xi32>
    %shift_left3A_599 = arith.constant 15 : i32
    %shift_left3A_600 = vector.broadcast %shift_left3A_599 : i32 to vector<16xi32>
    %shift_left3A_601 = arith.shli %shift_right_arithmetic3A_598, %shift_left3A_600 : vector<16xi32>
    %and3A_602 = arith.constant 8191 : i32
    %and3A_603 = vector.broadcast %and3A_602 : i32 to vector<16xi32>
    %and3A_604 = arith.andi %get3A_595, %and3A_603 : vector<16xi32>
    %shift_left3A_605 = arith.constant 2 : i32
    %shift_left3A_606 = vector.broadcast %shift_left3A_605 : i32 to vector<16xi32>
    %shift_left3A_607 = arith.shli %and3A_604, %shift_left3A_606 : vector<16xi32>
    %or3A_608 = arith.ori %shift_left3A_601, %shift_left3A_607 : vector<16xi32>
    %shift_right_arithmetic3A_609 = arith.constant 13 : i32
    %shift_right_arithmetic3A_610 = vector.broadcast %shift_right_arithmetic3A_609 : i32 to vector<16xi32>
    %shift_right_arithmetic3A_611 = arith.shrsi %get3A_595, %shift_right_arithmetic3A_610 : vector<16xi32>
    %and3A_612 = arith.constant 3 : i32
    %and3A_613 = vector.broadcast %and3A_612 : i32 to vector<16xi32>
    %and3A_614 = arith.andi %shift_right_arithmetic3A_611, %and3A_613 : vector<16xi32>
    %or3A_615 = arith.ori %or3A_608, %and3A_614 : vector<16xi32>
    %swap3A_616 = arith.constant 0 : i32
    %swap3A_617 = arith.constant 2 : i32
    %swap3A_618 = arith.index_cast %swap3A_616 : i32 to index
    %swap3A_619 = arith.index_cast %swap3A_617 : i32 to index
    %swap3A_620 = arith.constant 16 : index
    %swap3A_621 = tpu.vector_load %arg5[%swap3A_618, %swap3A_619, %swap3A_620] {strides = array<i32>} : memref<2x4x128xi32, #tpu.memory_space<vmem>>, vector<16xi32>,
    tpu.vector_store %arg5[%swap3A_618, %swap3A_619, %swap3A_620], %or3A_615 {strides = array<i32>} : memref<2x4x128xi32, #tpu.memory_space<vmem>>, vector<16xi32>,
    %get3A_622 = arith.constant 0 : i32
    %get3A_623 = arith.constant 2 : i32
    %get3A_624 = arith.index_cast %get3A_622 : i32 to index
    %get3A_625 = arith.index_cast %get3A_623 : i32 to index
    %get3A_626 = arith.constant 32 : index
    %get3A_627 = tpu.vector_load %arg5[%get3A_624, %get3A_625, %get3A_626] {strides = array<i32>} : memref<2x4x128xi32, #tpu.memory_space<vmem>>, vector<16xi32>,
    %shift_right_arithmetic3A_628 = arith.constant 15 : i32
    %shift_right_arithmetic3A_629 = vector.broadcast %shift_right_arithmetic3A_628 : i32 to vector<16xi32>
    %shift_right_arithmetic3A_630 = arith.shrsi %get3A_627, %shift_right_arithmetic3A_629 : vector<16xi32>
    %shift_left3A_631 = arith.constant 15 : i32
    %shift_left3A_632 = vector.broadcast %shift_left3A_631 : i32 to vector<16xi32>
    %shift_left3A_633 = arith.shli %shift_right_arithmetic3A_630, %shift_left3A_632 : vector<16xi32>
    %and3A_634 = arith.constant 8191 : i32
    %and3A_635 = vector.broadcast %and3A_634 : i32 to vector<16xi32>
    %and3A_636 = arith.andi %get3A_627, %and3A_635 : vector<16xi32>
    %shift_left3A_637 = arith.constant 2 : i32
    %shift_left3A_638 = vector.broadcast %shift_left3A_637 : i32 to vector<16xi32>
    %shift_left3A_639 = arith.shli %and3A_636, %shift_left3A_638 : vector<16xi32>
    %or3A_640 = arith.ori %shift_left3A_633, %shift_left3A_639 : vector<16xi32>
    %shift_right_arithmetic3A_641 = arith.constant 13 : i32
    %shift_right_arithmetic3A_642 = vector.broadcast %shift_right_arithmetic3A_641 : i32 to vector<16xi32>
    %shift_right_arithmetic3A_643 = arith.shrsi %get3A_627, %shift_right_arithmetic3A_642 : vector<16xi32>
    %and3A_644 = arith.constant 3 : i32
    %and3A_645 = vector.broadcast %and3A_644 : i32 to vector<16xi32>
    %and3A_646 = arith.andi %shift_right_arithmetic3A_643, %and3A_645 : vector<16xi32>
    %or3A_647 = arith.ori %or3A_640, %and3A_646 : vector<16xi32>
    %swap3A_648 = arith.constant 0 : i32
    %swap3A_649 = arith.constant 2 : i32
    %swap3A_650 = arith.index_cast %swap3A_648 : i32 to index
    %swap3A_651 = arith.index_cast %swap3A_649 : i32 to index
    %swap3A_652 = arith.constant 32 : index
    %swap3A_653 = tpu.vector_load %arg5[%swap3A_650, %swap3A_651, %swap3A_652] {strides = array<i32>} : memref<2x4x128xi32, #tpu.memory_space<vmem>>, vector<16xi32>,
    tpu.vector_store %arg5[%swap3A_650, %swap3A_651, %swap3A_652], %or3A_647 {strides = array<i32>} : memref<2x4x128xi32, #tpu.memory_space<vmem>>, vector<16xi32>,
    %get3A_654 = arith.constant 0 : i32
    %get3A_655 = arith.constant 2 : i32
    %get3A_656 = arith.index_cast %get3A_654 : i32 to index
    %get3A_657 = arith.index_cast %get3A_655 : i32 to index
    %get3A_658 = arith.constant 48 : index
    %get3A_659 = tpu.vector_load %arg5[%get3A_656, %get3A_657, %get3A_658] {strides = array<i32>} : memref<2x4x128xi32, #tpu.memory_space<vmem>>, vector<16xi32>,
    %shift_right_arithmetic3A_660 = arith.constant 15 : i32
    %shift_right_arithmetic3A_661 = vector.broadcast %shift_right_arithmetic3A_660 : i32 to vector<16xi32>
    %shift_right_arithmetic3A_662 = arith.shrsi %get3A_659, %shift_right_arithmetic3A_661 : vector<16xi32>
    %shift_left3A_663 = arith.constant 15 : i32
    %shift_left3A_664 = vector.broadcast %shift_left3A_663 : i32 to vector<16xi32>
    %shift_left3A_665 = arith.shli %shift_right_arithmetic3A_662, %shift_left3A_664 : vector<16xi32>
    %and3A_666 = arith.constant 8191 : i32
    %and3A_667 = vector.broadcast %and3A_666 : i32 to vector<16xi32>
    %and3A_668 = arith.andi %get3A_659, %and3A_667 : vector<16xi32>
    %shift_left3A_669 = arith.constant 2 : i32
    %shift_left3A_670 = vector.broadcast %shift_left3A_669 : i32 to vector<16xi32>
    %shift_left3A_671 = arith.shli %and3A_668, %shift_left3A_670 : vector<16xi32>
    %or3A_672 = arith.ori %shift_left3A_665, %shift_left3A_671 : vector<16xi32>
    %shift_right_arithmetic3A_673 = arith.constant 13 : i32
    %shift_right_arithmetic3A_674 = vector.broadcast %shift_right_arithmetic3A_673 : i32 to vector<16xi32>
    %shift_right_arithmetic3A_675 = arith.shrsi %get3A_659, %shift_right_arithmetic3A_674 : vector<16xi32>
    %and3A_676 = arith.constant 3 : i32
    %and3A_677 = vector.broadcast %and3A_676 : i32 to vector<16xi32>
    %and3A_678 = arith.andi %shift_right_arithmetic3A_675, %and3A_677 : vector<16xi32>
    %or3A_679 = arith.ori %or3A_672, %and3A_678 : vector<16xi32>
    %swap3A_680 = arith.constant 0 : i32
    %swap3A_681 = arith.constant 2 : i32
    %swap3A_682 = arith.index_cast %swap3A_680 : i32 to index
    %swap3A_683 = arith.index_cast %swap3A_681 : i32 to index
    %swap3A_684 = arith.constant 48 : index
    %swap3A_685 = tpu.vector_load %arg5[%swap3A_682, %swap3A_683, %swap3A_684] {strides = array<i32>} : memref<2x4x128xi32, #tpu.memory_space<vmem>>, vector<16xi32>,
    tpu.vector_store %arg5[%swap3A_682, %swap3A_683, %swap3A_684], %or3A_679 {strides = array<i32>} : memref<2x4x128xi32, #tpu.memory_space<vmem>>, vector<16xi32>,
    %get3A_686 = arith.constant 0 : i32
    %get3A_687 = arith.constant 2 : i32
    %get3A_688 = arith.index_cast %get3A_686 : i32 to index
    %get3A_689 = arith.index_cast %get3A_687 : i32 to index
    %get3A_690 = arith.constant 64 : index
    %get3A_691 = tpu.vector_load %arg5[%get3A_688, %get3A_689, %get3A_690] {strides = array<i32>} : memref<2x4x128xi32, #tpu.memory_space<vmem>>, vector<16xi32>,
    %shift_right_arithmetic3A_692 = arith.constant 15 : i32
    %shift_right_arithmetic3A_693 = vector.broadcast %shift_right_arithmetic3A_692 : i32 to vector<16xi32>
    %shift_right_arithmetic3A_694 = arith.shrsi %get3A_691, %shift_right_arithmetic3A_693 : vector<16xi32>
    %shift_left3A_695 = arith.constant 15 : i32
    %shift_left3A_696 = vector.broadcast %shift_left3A_695 : i32 to vector<16xi32>
    %shift_left3A_697 = arith.shli %shift_right_arithmetic3A_694, %shift_left3A_696 : vector<16xi32>
    %and3A_698 = arith.constant 8191 : i32
    %and3A_699 = vector.broadcast %and3A_698 : i32 to vector<16xi32>
    %and3A_700 = arith.andi %get3A_691, %and3A_699 : vector<16xi32>
    %shift_left3A_701 = arith.constant 2 : i32
    %shift_left3A_702 = vector.broadcast %shift_left3A_701 : i32 to vector<16xi32>
    %shift_left3A_703 = arith.shli %and3A_700, %shift_left3A_702 : vector<16xi32>
    %or3A_704 = arith.ori %shift_left3A_697, %shift_left3A_703 : vector<16xi32>
    %shift_right_arithmetic3A_705 = arith.constant 13 : i32
    %shift_right_arithmetic3A_706 = vector.broadcast %shift_right_arithmetic3A_705 : i32 to vector<16xi32>
    %shift_right_arithmetic3A_707 = arith.shrsi %get3A_691, %shift_right_arithmetic3A_706 : vector<16xi32>
    %and3A_708 = arith.constant 3 : i32
    %and3A_709 = vector.broadcast %and3A_708 : i32 to vector<16xi32>
    %and3A_710 = arith.andi %shift_right_arithmetic3A_707, %and3A_709 : vector<16xi32>
    %or3A_711 = arith.ori %or3A_704, %and3A_710 : vector<16xi32>
    %swap3A_712 = arith.constant 0 : i32
    %swap3A_713 = arith.constant 2 : i32
    %swap3A_714 = arith.index_cast %swap3A_712 : i32 to index
    %swap3A_715 = arith.index_cast %swap3A_713 : i32 to index
    %swap3A_716 = arith.constant 64 : index
    %swap3A_717 = tpu.vector_load %arg5[%swap3A_714, %swap3A_715, %swap3A_716] {strides = array<i32>} : memref<2x4x128xi32, #tpu.memory_space<vmem>>, vector<16xi32>,
    tpu.vector_store %arg5[%swap3A_714, %swap3A_715, %swap3A_716], %or3A_711 {strides = array<i32>} : memref<2x4x128xi32, #tpu.memory_space<vmem>>, vector<16xi32>,
    %get3A_718 = arith.constant 0 : i32
    %get3A_719 = arith.constant 2 : i32
    %get3A_720 = arith.index_cast %get3A_718 : i32 to index
    %get3A_721 = arith.index_cast %get3A_719 : i32 to index
    %get3A_722 = arith.constant 80 : index
    %get3A_723 = tpu.vector_load %arg5[%get3A_720, %get3A_721, %get3A_722] {strides = array<i32>} : memref<2x4x128xi32, #tpu.memory_space<vmem>>, vector<16xi32>,
    %shift_right_arithmetic3A_724 = arith.constant 15 : i32
    %shift_right_arithmetic3A_725 = vector.broadcast %shift_right_arithmetic3A_724 : i32 to vector<16xi32>
    %shift_right_arithmetic3A_726 = arith.shrsi %get3A_723, %shift_right_arithmetic3A_725 : vector<16xi32>
    %shift_left3A_727 = arith.constant 15 : i32
    %shift_left3A_728 = vector.broadcast %shift_left3A_727 : i32 to vector<16xi32>
    %shift_left3A_729 = arith.shli %shift_right_arithmetic3A_726, %shift_left3A_728 : vector<16xi32>
    %and3A_730 = arith.constant 8191 : i32
    %and3A_731 = vector.broadcast %and3A_730 : i32 to vector<16xi32>
    %and3A_732 = arith.andi %get3A_723, %and3A_731 : vector<16xi32>
    %shift_left3A_733 = arith.constant 2 : i32
    %shift_left3A_734 = vector.broadcast %shift_left3A_733 : i32 to vector<16xi32>
    %shift_left3A_735 = arith.shli %and3A_732, %shift_left3A_734 : vector<16xi32>
    %or3A_736 = arith.ori %shift_left3A_729, %shift_left3A_735 : vector<16xi32>
    %shift_right_arithmetic3A_737 = arith.constant 13 : i32
    %shift_right_arithmetic3A_738 = vector.broadcast %shift_right_arithmetic3A_737 : i32 to vector<16xi32>
    %shift_right_arithmetic3A_739 = arith.shrsi %get3A_723, %shift_right_arithmetic3A_738 : vector<16xi32>
    %and3A_740 = arith.constant 3 : i32
    %and3A_741 = vector.broadcast %and3A_740 : i32 to vector<16xi32>
    %and3A_742 = arith.andi %shift_right_arithmetic3A_739, %and3A_741 : vector<16xi32>
    %or3A_743 = arith.ori %or3A_736, %and3A_742 : vector<16xi32>
    %swap3A_744 = arith.constant 0 : i32
    %swap3A_745 = arith.constant 2 : i32
    %swap3A_746 = arith.index_cast %swap3A_744 : i32 to index
    %swap3A_747 = arith.index_cast %swap3A_745 : i32 to index
    %swap3A_748 = arith.constant 80 : index
    %swap3A_749 = tpu.vector_load %arg5[%swap3A_746, %swap3A_747, %swap3A_748] {strides = array<i32>} : memref<2x4x128xi32, #tpu.memory_space<vmem>>, vector<16xi32>,
    tpu.vector_store %arg5[%swap3A_746, %swap3A_747, %swap3A_748], %or3A_743 {strides = array<i32>} : memref<2x4x128xi32, #tpu.memory_space<vmem>>, vector<16xi32>,
    %get3A_750 = arith.constant 0 : i32
    %get3A_751 = arith.constant 2 : i32
    %get3A_752 = arith.index_cast %get3A_750 : i32 to index
    %get3A_753 = arith.index_cast %get3A_751 : i32 to index
    %get3A_754 = arith.constant 96 : index
    %get3A_755 = tpu.vector_load %arg5[%get3A_752, %get3A_753, %get3A_754] {strides = array<i32>} : memref<2x4x128xi32, #tpu.memory_space<vmem>>, vector<16xi32>,
    %shift_right_arithmetic3A_756 = arith.constant 15 : i32
    %shift_right_arithmetic3A_757 = vector.broadcast %shift_right_arithmetic3A_756 : i32 to vector<16xi32>
    %shift_right_arithmetic3A_758 = arith.shrsi %get3A_755, %shift_right_arithmetic3A_757 : vector<16xi32>
    %shift_left3A_759 = arith.constant 15 : i32
    %shift_left3A_760 = vector.broadcast %shift_left3A_759 : i32 to vector<16xi32>
    %shift_left3A_761 = arith.shli %shift_right_arithmetic3A_758, %shift_left3A_760 : vector<16xi32>
    %and3A_762 = arith.constant 8191 : i32
    %and3A_763 = vector.broadcast %and3A_762 : i32 to vector<16xi32>
    %and3A_764 = arith.andi %get3A_755, %and3A_763 : vector<16xi32>
    %shift_left3A_765 = arith.constant 2 : i32
    %shift_left3A_766 = vector.broadcast %shift_left3A_765 : i32 to vector<16xi32>
    %shift_left3A_767 = arith.shli %and3A_764, %shift_left3A_766 : vector<16xi32>
    %or3A_768 = arith.ori %shift_left3A_761, %shift_left3A_767 : vector<16xi32>
    %shift_right_arithmetic3A_769 = arith.constant 13 : i32
    %shift_right_arithmetic3A_770 = vector.broadcast %shift_right_arithmetic3A_769 : i32 to vector<16xi32>
    %shift_right_arithmetic3A_771 = arith.shrsi %get3A_755, %shift_right_arithmetic3A_770 : vector<16xi32>
    %and3A_772 = arith.constant 3 : i32
    %and3A_773 = vector.broadcast %and3A_772 : i32 to vector<16xi32>
    %and3A_774 = arith.andi %shift_right_arithmetic3A_771, %and3A_773 : vector<16xi32>
    %or3A_775 = arith.ori %or3A_768, %and3A_774 : vector<16xi32>
    %swap3A_776 = arith.constant 0 : i32
    %swap3A_777 = arith.constant 2 : i32
    %swap3A_778 = arith.index_cast %swap3A_776 : i32 to index
    %swap3A_779 = arith.index_cast %swap3A_777 : i32 to index
    %swap3A_780 = arith.constant 96 : index
    %swap3A_781 = tpu.vector_load %arg5[%swap3A_778, %swap3A_779, %swap3A_780] {strides = array<i32>} : memref<2x4x128xi32, #tpu.memory_space<vmem>>, vector<16xi32>,
    tpu.vector_store %arg5[%swap3A_778, %swap3A_779, %swap3A_780], %or3A_775 {strides = array<i32>} : memref<2x4x128xi32, #tpu.memory_space<vmem>>, vector<16xi32>,
    %get3A_782 = arith.constant 0 : i32
    %get3A_783 = arith.constant 2 : i32
    %get3A_784 = arith.index_cast %get3A_782 : i32 to index
    %get3A_785 = arith.index_cast %get3A_783 : i32 to index
    %get3A_786 = arith.constant 112 : index
    %get3A_787 = tpu.vector_load %arg5[%get3A_784, %get3A_785, %get3A_786] {strides = array<i32>} : memref<2x4x128xi32, #tpu.memory_space<vmem>>, vector<16xi32>,
    %shift_right_arithmetic3A_788 = arith.constant 15 : i32
    %shift_right_arithmetic3A_789 = vector.broadcast %shift_right_arithmetic3A_788 : i32 to vector<16xi32>
    %shift_right_arithmetic3A_790 = arith.shrsi %get3A_787, %shift_right_arithmetic3A_789 : vector<16xi32>
    %shift_left3A_791 = arith.constant 15 : i32
    %shift_left3A_792 = vector.broadcast %shift_left3A_791 : i32 to vector<16xi32>
    %shift_left3A_793 = arith.shli %shift_right_arithmetic3A_790, %shift_left3A_792 : vector<16xi32>
    %and3A_794 = arith.constant 8191 : i32
    %and3A_795 = vector.broadcast %and3A_794 : i32 to vector<16xi32>
    %and3A_796 = arith.andi %get3A_787, %and3A_795 : vector<16xi32>
    %shift_left3A_797 = arith.constant 2 : i32
    %shift_left3A_798 = vector.broadcast %shift_left3A_797 : i32 to vector<16xi32>
    %shift_left3A_799 = arith.shli %and3A_796, %shift_left3A_798 : vector<16xi32>
    %or3A_800 = arith.ori %shift_left3A_793, %shift_left3A_799 : vector<16xi32>
    %shift_right_arithmetic3A_801 = arith.constant 13 : i32
    %shift_right_arithmetic3A_802 = vector.broadcast %shift_right_arithmetic3A_801 : i32 to vector<16xi32>
    %shift_right_arithmetic3A_803 = arith.shrsi %get3A_787, %shift_right_arithmetic3A_802 : vector<16xi32>
    %and3A_804 = arith.constant 3 : i32
    %and3A_805 = vector.broadcast %and3A_804 : i32 to vector<16xi32>
    %and3A_806 = arith.andi %shift_right_arithmetic3A_803, %and3A_805 : vector<16xi32>
    %or3A_807 = arith.ori %or3A_800, %and3A_806 : vector<16xi32>
    %swap3A_808 = arith.constant 0 : i32
    %swap3A_809 = arith.constant 2 : i32
    %swap3A_810 = arith.index_cast %swap3A_808 : i32 to index
    %swap3A_811 = arith.index_cast %swap3A_809 : i32 to index
    %swap3A_812 = arith.constant 112 : index
    %swap3A_813 = tpu.vector_load %arg5[%swap3A_810, %swap3A_811, %swap3A_812] {strides = array<i32>} : memref<2x4x128xi32, #tpu.memory_space<vmem>>, vector<16xi32>,
    tpu.vector_store %arg5[%swap3A_810, %swap3A_811, %swap3A_812], %or3A_807 {strides = array<i32>} : memref<2x4x128xi32, #tpu.memory_space<vmem>>, vector<16xi32>,
    %get3A_814 = arith.constant 0 : i32
    %get3A_815 = arith.constant 3 : i32
    %get3A_816 = arith.index_cast %get3A_814 : i32 to index
    %get3A_817 = arith.index_cast %get3A_815 : i32 to index
    %get3A_818 = arith.constant 0 : index
    %get3A_819 = tpu.vector_load %arg5[%get3A_816, %get3A_817, %get3A_818] {strides = array<i32>} : memref<2x4x128xi32, #tpu.memory_space<vmem>>, vector<16xi32>,
    %shift_right_arithmetic3A_820 = arith.constant 15 : i32
    %shift_right_arithmetic3A_821 = vector.broadcast %shift_right_arithmetic3A_820 : i32 to vector<16xi32>
    %shift_right_arithmetic3A_822 = arith.shrsi %get3A_819, %shift_right_arithmetic3A_821 : vector<16xi32>
    %shift_left3A_823 = arith.constant 15 : i32
    %shift_left3A_824 = vector.broadcast %shift_left3A_823 : i32 to vector<16xi32>
    %shift_left3A_825 = arith.shli %shift_right_arithmetic3A_822, %shift_left3A_824 : vector<16xi32>
    %and3A_826 = arith.constant 8191 : i32
    %and3A_827 = vector.broadcast %and3A_826 : i32 to vector<16xi32>
    %and3A_828 = arith.andi %get3A_819, %and3A_827 : vector<16xi32>
    %shift_left3A_829 = arith.constant 2 : i32
    %shift_left3A_830 = vector.broadcast %shift_left3A_829 : i32 to vector<16xi32>
    %shift_left3A_831 = arith.shli %and3A_828, %shift_left3A_830 : vector<16xi32>
    %or3A_832 = arith.ori %shift_left3A_825, %shift_left3A_831 : vector<16xi32>
    %shift_right_arithmetic3A_833 = arith.constant 13 : i32
    %shift_right_arithmetic3A_834 = vector.broadcast %shift_right_arithmetic3A_833 : i32 to vector<16xi32>
    %shift_right_arithmetic3A_835 = arith.shrsi %get3A_819, %shift_right_arithmetic3A_834 : vector<16xi32>
    %and3A_836 = arith.constant 3 : i32
    %and3A_837 = vector.broadcast %and3A_836 : i32 to vector<16xi32>
    %and3A_838 = arith.andi %shift_right_arithmetic3A_835, %and3A_837 : vector<16xi32>
    %or3A_839 = arith.ori %or3A_832, %and3A_838 : vector<16xi32>
    %swap3A_840 = arith.constant 0 : i32
    %swap3A_841 = arith.constant 3 : i32
    %swap3A_842 = arith.index_cast %swap3A_840 : i32 to index
    %swap3A_843 = arith.index_cast %swap3A_841 : i32 to index
    %swap3A_844 = arith.constant 0 : index
    %swap3A_845 = tpu.vector_load %arg5[%swap3A_842, %swap3A_843, %swap3A_844] {strides = array<i32>} : memref<2x4x128xi32, #tpu.memory_space<vmem>>, vector<16xi32>,
    tpu.vector_store %arg5[%swap3A_842, %swap3A_843, %swap3A_844], %or3A_839 {strides = array<i32>} : memref<2x4x128xi32, #tpu.memory_space<vmem>>, vector<16xi32>,
    %get3A_846 = arith.constant 0 : i32
    %get3A_847 = arith.constant 3 : i32
    %get3A_848 = arith.index_cast %get3A_846 : i32 to index
    %get3A_849 = arith.index_cast %get3A_847 : i32 to index
    %get3A_850 = arith.constant 16 : index
    %get3A_851 = tpu.vector_load %arg5[%get3A_848, %get3A_849, %get3A_850] {strides = array<i32>} : memref<2x4x128xi32, #tpu.memory_space<vmem>>, vector<16xi32>,
    %shift_right_arithmetic3A_852 = arith.constant 15 : i32
    %shift_right_arithmetic3A_853 = vector.broadcast %shift_right_arithmetic3A_852 : i32 to vector<16xi32>
    %shift_right_arithmetic3A_854 = arith.shrsi %get3A_851, %shift_right_arithmetic3A_853 : vector<16xi32>
    %shift_left3A_855 = arith.constant 15 : i32
    %shift_left3A_856 = vector.broadcast %shift_left3A_855 : i32 to vector<16xi32>
    %shift_left3A_857 = arith.shli %shift_right_arithmetic3A_854, %shift_left3A_856 : vector<16xi32>
    %and3A_858 = arith.constant 8191 : i32
    %and3A_859 = vector.broadcast %and3A_858 : i32 to vector<16xi32>
    %and3A_860 = arith.andi %get3A_851, %and3A_859 : vector<16xi32>
    %shift_left3A_861 = arith.constant 2 : i32
    %shift_left3A_862 = vector.broadcast %shift_left3A_861 : i32 to vector<16xi32>
    %shift_left3A_863 = arith.shli %and3A_860, %shift_left3A_862 : vector<16xi32>
    %or3A_864 = arith.ori %shift_left3A_857, %shift_left3A_863 : vector<16xi32>
    %shift_right_arithmetic3A_865 = arith.constant 13 : i32
    %shift_right_arithmetic3A_866 = vector.broadcast %shift_right_arithmetic3A_865 : i32 to vector<16xi32>
    %shift_right_arithmetic3A_867 = arith.shrsi %get3A_851, %shift_right_arithmetic3A_866 : vector<16xi32>
    %and3A_868 = arith.constant 3 : i32
    %and3A_869 = vector.broadcast %and3A_868 : i32 to vector<16xi32>
    %and3A_870 = arith.andi %shift_right_arithmetic3A_867, %and3A_869 : vector<16xi32>
    %or3A_871 = arith.ori %or3A_864, %and3A_870 : vector<16xi32>
    %swap3A_872 = arith.constant 0 : i32
    %swap3A_873 = arith.constant 3 : i32
    %swap3A_874 = arith.index_cast %swap3A_872 : i32 to index
    %swap3A_875 = arith.index_cast %swap3A_873 : i32 to index
    %swap3A_876 = arith.constant 16 : index
    %swap3A_877 = tpu.vector_load %arg5[%swap3A_874, %swap3A_875, %swap3A_876] {strides = array<i32>} : memref<2x4x128xi32, #tpu.memory_space<vmem>>, vector<16xi32>,
    tpu.vector_store %arg5[%swap3A_874, %swap3A_875, %swap3A_876], %or3A_871 {strides = array<i32>} : memref<2x4x128xi32, #tpu.memory_space<vmem>>, vector<16xi32>,
    %get3A_878 = arith.constant 0 : i32
    %get3A_879 = arith.constant 3 : i32
    %get3A_880 = arith.index_cast %get3A_878 : i32 to index
    %get3A_881 = arith.index_cast %get3A_879 : i32 to index
    %get3A_882 = arith.constant 32 : index
    %get3A_883 = tpu.vector_load %arg5[%get3A_880, %get3A_881, %get3A_882] {strides = array<i32>} : memref<2x4x128xi32, #tpu.memory_space<vmem>>, vector<16xi32>,
    %shift_right_arithmetic3A_884 = arith.constant 15 : i32
    %shift_right_arithmetic3A_885 = vector.broadcast %shift_right_arithmetic3A_884 : i32 to vector<16xi32>
    %shift_right_arithmetic3A_886 = arith.shrsi %get3A_883, %shift_right_arithmetic3A_885 : vector<16xi32>
    %shift_left3A_887 = arith.constant 15 : i32
    %shift_left3A_888 = vector.broadcast %shift_left3A_887 : i32 to vector<16xi32>
    %shift_left3A_889 = arith.shli %shift_right_arithmetic3A_886, %shift_left3A_888 : vector<16xi32>
    %and3A_890 = arith.constant 8191 : i32
    %and3A_891 = vector.broadcast %and3A_890 : i32 to vector<16xi32>
    %and3A_892 = arith.andi %get3A_883, %and3A_891 : vector<16xi32>
    %shift_left3A_893 = arith.constant 2 : i32
    %shift_left3A_894 = vector.broadcast %shift_left3A_893 : i32 to vector<16xi32>
    %shift_left3A_895 = arith.shli %and3A_892, %shift_left3A_894 : vector<16xi32>
    %or3A_896 = arith.ori %shift_left3A_889, %shift_left3A_895 : vector<16xi32>
    %shift_right_arithmetic3A_897 = arith.constant 13 : i32
    %shift_right_arithmetic3A_898 = vector.broadcast %shift_right_arithmetic3A_897 : i32 to vector<16xi32>
    %shift_right_arithmetic3A_899 = arith.shrsi %get3A_883, %shift_right_arithmetic3A_898 : vector<16xi32>
    %and3A_900 = arith.constant 3 : i32
    %and3A_901 = vector.broadcast %and3A_900 : i32 to vector<16xi32>
    %and3A_902 = arith.andi %shift_right_arithmetic3A_899, %and3A_901 : vector<16xi32>
    %or3A_903 = arith.ori %or3A_896, %and3A_902 : vector<16xi32>
    %swap3A_904 = arith.constant 0 : i32
    %swap3A_905 = arith.constant 3 : i32
    %swap3A_906 = arith.index_cast %swap3A_904 : i32 to index
    %swap3A_907 = arith.index_cast %swap3A_905 : i32 to index
    %swap3A_908 = arith.constant 32 : index
    %swap3A_909 = tpu.vector_load %arg5[%swap3A_906, %swap3A_907, %swap3A_908] {strides = array<i32>} : memref<2x4x128xi32, #tpu.memory_space<vmem>>, vector<16xi32>,
    tpu.vector_store %arg5[%swap3A_906, %swap3A_907, %swap3A_908], %or3A_903 {strides = array<i32>} : memref<2x4x128xi32, #tpu.memory_space<vmem>>, vector<16xi32>,
    %get3A_910 = arith.constant 0 : i32
    %get3A_911 = arith.constant 3 : i32
    %get3A_912 = arith.index_cast %get3A_910 : i32 to index
    %get3A_913 = arith.index_cast %get3A_911 : i32 to index
    %get3A_914 = arith.constant 48 : index
    %get3A_915 = tpu.vector_load %arg5[%get3A_912, %get3A_913, %get3A_914] {strides = array<i32>} : memref<2x4x128xi32, #tpu.memory_space<vmem>>, vector<16xi32>,
    %shift_right_arithmetic3A_916 = arith.constant 15 : i32
    %shift_right_arithmetic3A_917 = vector.broadcast %shift_right_arithmetic3A_916 : i32 to vector<16xi32>
    %shift_right_arithmetic3A_918 = arith.shrsi %get3A_915, %shift_right_arithmetic3A_917 : vector<16xi32>
    %shift_left3A_919 = arith.constant 15 : i32
    %shift_left3A_920 = vector.broadcast %shift_left3A_919 : i32 to vector<16xi32>
    %shift_left3A_921 = arith.shli %shift_right_arithmetic3A_918, %shift_left3A_920 : vector<16xi32>
    %and3A_922 = arith.constant 8191 : i32
    %and3A_923 = vector.broadcast %and3A_922 : i32 to vector<16xi32>
    %and3A_924 = arith.andi %get3A_915, %and3A_923 : vector<16xi32>
    %shift_left3A_925 = arith.constant 2 : i32
    %shift_left3A_926 = vector.broadcast %shift_left3A_925 : i32 to vector<16xi32>
    %shift_left3A_927 = arith.shli %and3A_924, %shift_left3A_926 : vector<16xi32>
    %or3A_928 = arith.ori %shift_left3A_921, %shift_left3A_927 : vector<16xi32>
    %shift_right_arithmetic3A_929 = arith.constant 13 : i32
    %shift_right_arithmetic3A_930 = vector.broadcast %shift_right_arithmetic3A_929 : i32 to vector<16xi32>
    %shift_right_arithmetic3A_931 = arith.shrsi %get3A_915, %shift_right_arithmetic3A_930 : vector<16xi32>
    %and3A_932 = arith.constant 3 : i32
    %and3A_933 = vector.broadcast %and3A_932 : i32 to vector<16xi32>
    %and3A_934 = arith.andi %shift_right_arithmetic3A_931, %and3A_933 : vector<16xi32>
    %or3A_935 = arith.ori %or3A_928, %and3A_934 : vector<16xi32>
    %swap3A_936 = arith.constant 0 : i32
    %swap3A_937 = arith.constant 3 : i32
    %swap3A_938 = arith.index_cast %swap3A_936 : i32 to index
    %swap3A_939 = arith.index_cast %swap3A_937 : i32 to index
    %swap3A_940 = arith.constant 48 : index
    %swap3A_941 = tpu.vector_load %arg5[%swap3A_938, %swap3A_939, %swap3A_940] {strides = array<i32>} : memref<2x4x128xi32, #tpu.memory_space<vmem>>, vector<16xi32>,
    tpu.vector_store %arg5[%swap3A_938, %swap3A_939, %swap3A_940], %or3A_935 {strides = array<i32>} : memref<2x4x128xi32, #tpu.memory_space<vmem>>, vector<16xi32>,
    %get3A_942 = arith.constant 0 : i32
    %get3A_943 = arith.constant 3 : i32
    %get3A_944 = arith.index_cast %get3A_942 : i32 to index
    %get3A_945 = arith.index_cast %get3A_943 : i32 to index
    %get3A_946 = arith.constant 64 : index
    %get3A_947 = tpu.vector_load %arg5[%get3A_944, %get3A_945, %get3A_946] {strides = array<i32>} : memref<2x4x128xi32, #tpu.memory_space<vmem>>, vector<16xi32>,
    %shift_right_arithmetic3A_948 = arith.constant 15 : i32
    %shift_right_arithmetic3A_949 = vector.broadcast %shift_right_arithmetic3A_948 : i32 to vector<16xi32>
    %shift_right_arithmetic3A_950 = arith.shrsi %get3A_947, %shift_right_arithmetic3A_949 : vector<16xi32>
    %shift_left3A_951 = arith.constant 15 : i32
    %shift_left3A_952 = vector.broadcast %shift_left3A_951 : i32 to vector<16xi32>
    %shift_left3A_953 = arith.shli %shift_right_arithmetic3A_950, %shift_left3A_952 : vector<16xi32>
    %and3A_954 = arith.constant 8191 : i32
    %and3A_955 = vector.broadcast %and3A_954 : i32 to vector<16xi32>
    %and3A_956 = arith.andi %get3A_947, %and3A_955 : vector<16xi32>
    %shift_left3A_957 = arith.constant 2 : i32
    %shift_left3A_958 = vector.broadcast %shift_left3A_957 : i32 to vector<16xi32>
    %shift_left3A_959 = arith.shli %and3A_956, %shift_left3A_958 : vector<16xi32>
    %or3A_960 = arith.ori %shift_left3A_953, %shift_left3A_959 : vector<16xi32>
    %shift_right_arithmetic3A_961 = arith.constant 13 : i32
    %shift_right_arithmetic3A_962 = vector.broadcast %shift_right_arithmetic3A_961 : i32 to vector<16xi32>
    %shift_right_arithmetic3A_963 = arith.shrsi %get3A_947, %shift_right_arithmetic3A_962 : vector<16xi32>
    %and3A_964 = arith.constant 3 : i32
    %and3A_965 = vector.broadcast %and3A_964 : i32 to vector<16xi32>
    %and3A_966 = arith.andi %shift_right_arithmetic3A_963, %and3A_965 : vector<16xi32>
    %or3A_967 = arith.ori %or3A_960, %and3A_966 : vector<16xi32>
    %swap3A_968 = arith.constant 0 : i32
    %swap3A_969 = arith.constant 3 : i32
    %swap3A_970 = arith.index_cast %swap3A_968 : i32 to index
    %swap3A_971 = arith.index_cast %swap3A_969 : i32 to index
    %swap3A_972 = arith.constant 64 : index
    %swap3A_973 = tpu.vector_load %arg5[%swap3A_970, %swap3A_971, %swap3A_972] {strides = array<i32>} : memref<2x4x128xi32, #tpu.memory_space<vmem>>, vector<16xi32>,
    tpu.vector_store %arg5[%swap3A_970, %swap3A_971, %swap3A_972], %or3A_967 {strides = array<i32>} : memref<2x4x128xi32, #tpu.memory_space<vmem>>, vector<16xi32>,
    %get3A_974 = arith.constant 0 : i32
    %get3A_975 = arith.constant 3 : i32
    %get3A_976 = arith.index_cast %get3A_974 : i32 to index
    %get3A_977 = arith.index_cast %get3A_975 : i32 to index
    %get3A_978 = arith.constant 80 : index
    %get3A_979 = tpu.vector_load %arg5[%get3A_976, %get3A_977, %get3A_978] {strides = array<i32>} : memref<2x4x128xi32, #tpu.memory_space<vmem>>, vector<16xi32>,
    %shift_right_arithmetic3A_980 = arith.constant 15 : i32
    %shift_right_arithmetic3A_981 = vector.broadcast %shift_right_arithmetic3A_980 : i32 to vector<16xi32>
    %shift_right_arithmetic3A_982 = arith.shrsi %get3A_979, %shift_right_arithmetic3A_981 : vector<16xi32>
    %shift_left3A_983 = arith.constant 15 : i32
    %shift_left3A_984 = vector.broadcast %shift_left3A_983 : i32 to vector<16xi32>
    %shift_left3A_985 = arith.shli %shift_right_arithmetic3A_982, %shift_left3A_984 : vector<16xi32>
    %and3A_986 = arith.constant 8191 : i32
    %and3A_987 = vector.broadcast %and3A_986 : i32 to vector<16xi32>
    %and3A_988 = arith.andi %get3A_979, %and3A_987 : vector<16xi32>
    %shift_left3A_989 = arith.constant 2 : i32
    %shift_left3A_990 = vector.broadcast %shift_left3A_989 : i32 to vector<16xi32>
    %shift_left3A_991 = arith.shli %and3A_988, %shift_left3A_990 : vector<16xi32>
    %or3A_992 = arith.ori %shift_left3A_985, %shift_left3A_991 : vector<16xi32>
    %shift_right_arithmetic3A_993 = arith.constant 13 : i32
    %shift_right_arithmetic3A_994 = vector.broadcast %shift_right_arithmetic3A_993 : i32 to vector<16xi32>
    %shift_right_arithmetic3A_995 = arith.shrsi %get3A_979, %shift_right_arithmetic3A_994 : vector<16xi32>
    %and3A_996 = arith.constant 3 : i32
    %and3A_997 = vector.broadcast %and3A_996 : i32 to vector<16xi32>
    %and3A_998 = arith.andi %shift_right_arithmetic3A_995, %and3A_997 : vector<16xi32>
    %or3A_999 = arith.ori %or3A_992, %and3A_998 : vector<16xi32>
    %swap3A_1000 = arith.constant 0 : i32
    %swap3A_1001 = arith.constant 3 : i32
    %swap3A_1002 = arith.index_cast %swap3A_1000 : i32 to index
    %swap3A_1003 = arith.index_cast %swap3A_1001 : i32 to index
    %swap3A_1004 = arith.constant 80 : index
    %swap3A_1005 = tpu.vector_load %arg5[%swap3A_1002, %swap3A_1003, %swap3A_1004] {strides = array<i32>} : memref<2x4x128xi32, #tpu.memory_space<vmem>>, vector<16xi32>,
    tpu.vector_store %arg5[%swap3A_1002, %swap3A_1003, %swap3A_1004], %or3A_999 {strides = array<i32>} : memref<2x4x128xi32, #tpu.memory_space<vmem>>, vector<16xi32>,
    %get3A_1006 = arith.constant 0 : i32
    %get3A_1007 = arith.constant 3 : i32
    %get3A_1008 = arith.index_cast %get3A_1006 : i32 to index
    %get3A_1009 = arith.index_cast %get3A_1007 : i32 to index
    %get3A_1010 = arith.constant 96 : index
    %get3A_1011 = tpu.vector_load %arg5[%get3A_1008, %get3A_1009, %get3A_1010] {strides = array<i32>} : memref<2x4x128xi32, #tpu.memory_space<vmem>>, vector<16xi32>,
    %shift_right_arithmetic3A_1012 = arith.constant 15 : i32
    %shift_right_arithmetic3A_1013 = vector.broadcast %shift_right_arithmetic3A_1012 : i32 to vector<16xi32>
    %shift_right_arithmetic3A_1014 = arith.shrsi %get3A_1011, %shift_right_arithmetic3A_1013 : vector<16xi32>
    %shift_left3A_1015 = arith.constant 15 : i32
    %shift_left3A_1016 = vector.broadcast %shift_left3A_1015 : i32 to vector<16xi32>
    %shift_left3A_1017 = arith.shli %shift_right_arithmetic3A_1014, %shift_left3A_1016 : vector<16xi32>
    %and3A_1018 = arith.constant 8191 : i32
    %and3A_1019 = vector.broadcast %and3A_1018 : i32 to vector<16xi32>
    %and3A_1020 = arith.andi %get3A_1011, %and3A_1019 : vector<16xi32>
    %shift_left3A_1021 = arith.constant 2 : i32
    %shift_left3A_1022 = vector.broadcast %shift_left3A_1021 : i32 to vector<16xi32>
    %shift_left3A_1023 = arith.shli %and3A_1020, %shift_left3A_1022 : vector<16xi32>
    %or3A_1024 = arith.ori %shift_left3A_1017, %shift_left3A_1023 : vector<16xi32>
    %shift_right_arithmetic3A_1025 = arith.constant 13 : i32
    %shift_right_arithmetic3A_1026 = vector.broadcast %shift_right_arithmetic3A_1025 : i32 to vector<16xi32>
    %shift_right_arithmetic3A_1027 = arith.shrsi %get3A_1011, %shift_right_arithmetic3A_1026 : vector<16xi32>
    %and3A_1028 = arith.constant 3 : i32
    %and3A_1029 = vector.broadcast %and3A_1028 : i32 to vector<16xi32>
    %and3A_1030 = arith.andi %shift_right_arithmetic3A_1027, %and3A_1029 : vector<16xi32>
    %or3A_1031 = arith.ori %or3A_1024, %and3A_1030 : vector<16xi32>
    %swap3A_1032 = arith.constant 0 : i32
    %swap3A_1033 = arith.constant 3 : i32
    %swap3A_1034 = arith.index_cast %swap3A_1032 : i32 to index
    %swap3A_1035 = arith.index_cast %swap3A_1033 : i32 to index
    %swap3A_1036 = arith.constant 96 : index
    %swap3A_1037 = tpu.vector_load %arg5[%swap3A_1034, %swap3A_1035, %swap3A_1036] {strides = array<i32>} : memref<2x4x128xi32, #tpu.memory_space<vmem>>, vector<16xi32>,
    tpu.vector_store %arg5[%swap3A_1034, %swap3A_1035, %swap3A_1036], %or3A_1031 {strides = array<i32>} : memref<2x4x128xi32, #tpu.memory_space<vmem>>, vector<16xi32>,
    %get3A_1038 = arith.constant 0 : i32
    %get3A_1039 = arith.constant 3 : i32
    %get3A_1040 = arith.index_cast %get3A_1038 : i32 to index
    %get3A_1041 = arith.index_cast %get3A_1039 : i32 to index
    %get3A_1042 = arith.constant 112 : index
    %get3A_1043 = tpu.vector_load %arg5[%get3A_1040, %get3A_1041, %get3A_1042] {strides = array<i32>} : memref<2x4x128xi32, #tpu.memory_space<vmem>>, vector<16xi32>,
    %shift_right_arithmetic3A_1044 = arith.constant 15 : i32
    %shift_right_arithmetic3A_1045 = vector.broadcast %shift_right_arithmetic3A_1044 : i32 to vector<16xi32>
    %shift_right_arithmetic3A_1046 = arith.shrsi %get3A_1043, %shift_right_arithmetic3A_1045 : vector<16xi32>
    %shift_left3A_1047 = arith.constant 15 : i32
    %shift_left3A_1048 = vector.broadcast %shift_left3A_1047 : i32 to vector<16xi32>
    %shift_left3A_1049 = arith.shli %shift_right_arithmetic3A_1046, %shift_left3A_1048 : vector<16xi32>
    %and3A_1050 = arith.constant 8191 : i32
    %and3A_1051 = vector.broadcast %and3A_1050 : i32 to vector<16xi32>
    %and3A_1052 = arith.andi %get3A_1043, %and3A_1051 : vector<16xi32>
    %shift_left3A_1053 = arith.constant 2 : i32
    %shift_left3A_1054 = vector.broadcast %shift_left3A_1053 : i32 to vector<16xi32>
    %shift_left3A_1055 = arith.shli %and3A_1052, %shift_left3A_1054 : vector<16xi32>
    %or3A_1056 = arith.ori %shift_left3A_1049, %shift_left3A_1055 : vector<16xi32>
    %shift_right_arithmetic3A_1057 = arith.constant 13 : i32
    %shift_right_arithmetic3A_1058 = vector.broadcast %shift_right_arithmetic3A_1057 : i32 to vector<16xi32>
    %shift_right_arithmetic3A_1059 = arith.shrsi %get3A_1043, %shift_right_arithmetic3A_1058 : vector<16xi32>
    %and3A_1060 = arith.constant 3 : i32
    %and3A_1061 = vector.broadcast %and3A_1060 : i32 to vector<16xi32>
    %and3A_1062 = arith.andi %shift_right_arithmetic3A_1059, %and3A_1061 : vector<16xi32>
    %or3A_1063 = arith.ori %or3A_1056, %and3A_1062 : vector<16xi32>
    %swap3A_1064 = arith.constant 0 : i32
    %swap3A_1065 = arith.constant 3 : i32
    %swap3A_1066 = arith.index_cast %swap3A_1064 : i32 to index
    %swap3A_1067 = arith.index_cast %swap3A_1065 : i32 to index
    %swap3A_1068 = arith.constant 112 : index
    %swap3A_1069 = tpu.vector_load %arg5[%swap3A_1066, %swap3A_1067, %swap3A_1068] {strides = array<i32>} : memref<2x4x128xi32, #tpu.memory_space<vmem>>, vector<16xi32>,
    tpu.vector_store %arg5[%swap3A_1066, %swap3A_1067, %swap3A_1068], %or3A_1063 {strides = array<i32>} : memref<2x4x128xi32, #tpu.memory_space<vmem>>, vector<16xi32>,
    %dma_start3A = arith.constant 0 : i32
    %dma_start3A_1070 = arith.constant 0 : i32
    %dma_start3A_1071 = arith.constant 0 : i32
    %dma_start3A_1072 = arith.constant 0 : i32
    %dma_start3A_1073 = arith.constant 0 : i32
    %dma_start3A_1074 = tpu.memref_slice %arg6[%dma_start3A_1071, %dma_start3A_1072, %dma_start3A_1073] : memref<2x512x32xf32, #tpu.memory_space<vmem>> -> memref<1x128x32xf32, #tpu.memory_space<vmem>>
    %dma_start3A_1075 = tpu.memref_squeeze %dma_start3A_1074 : memref<1x128x32xf32, #tpu.memory_space<vmem>> -> memref<128x32xf32, #tpu.memory_space<vmem>>
    %dma_start3A_1076 = arith.constant 0 : i32
    %dma_start3A_1077 = tpu.memref_slice %arg5[%dma_start3A, %dma_start3A_1070, %dma_start3A_1076] : memref<2x4x128xi32, #tpu.memory_space<vmem>> -> memref<1x1x128xi32, #tpu.memory_space<vmem>>
    %dma_start3A_1078 = tpu.memref_squeeze %dma_start3A_1077 : memref<1x1x128xi32, #tpu.memory_space<vmem>> -> memref<128xi32, #tpu.memory_space<vmem>>
    %dma_start3A_1079 = arith.constant 0 : i32
    %dma_start3A_1080 = arith.constant 0 : i32
    %dma_start3A_1081 = tpu.memref_slice %arg3[%dma_start3A_1079, %dma_start3A_1080] : memref<1015808x32xf32, #tpu.memory_space<hbm>> -> memref<1015808x32xf32, #tpu.memory_space<hbm>>
    tpu.enqueue_indirect_dma source(%dma_start3A_1081 : memref<1015808x32xf32, #tpu.memory_space<hbm>>) target(%dma_start3A_1075 : memref<128x32xf32, #tpu.memory_space<vmem>>) offsets(%dma_start3A_1078 : memref<128xi32, #tpu.memory_space<vmem>>) semaphore(%arg8 : memref<!tpu.dma_semaphore, #tpu.memory_space<semaphore_mem>>)
    %dma_start3A_1082 = arith.constant 0 : i32
    %dma_start3A_1083 = arith.constant 1 : i32
    %dma_start3A_1084 = arith.constant 0 : i32
    %dma_start3A_1085 = arith.constant 128 : i32
    %dma_start3A_1086 = arith.constant 0 : i32
    %dma_start3A_1087 = tpu.memref_slice %arg6[%dma_start3A_1084, %dma_start3A_1085, %dma_start3A_1086] : memref<2x512x32xf32, #tpu.memory_space<vmem>> -> memref<1x128x32xf32, #tpu.memory_space<vmem>>
    %dma_start3A_1088 = tpu.memref_squeeze %dma_start3A_1087 : memref<1x128x32xf32, #tpu.memory_space<vmem>> -> memref<128x32xf32, #tpu.memory_space<vmem>>
    %dma_start3A_1089 = arith.constant 0 : i32
    %dma_start3A_1090 = tpu.memref_slice %arg5[%dma_start3A_1082, %dma_start3A_1083, %dma_start3A_1089] : memref<2x4x128xi32, #tpu.memory_space<vmem>> -> memref<1x1x128xi32, #tpu.memory_space<vmem>>
    %dma_start3A_1091 = tpu.memref_squeeze %dma_start3A_1090 : memref<1x1x128xi32, #tpu.memory_space<vmem>> -> memref<128xi32, #tpu.memory_space<vmem>>
    %dma_start3A_1092 = arith.constant 0 : i32
    %dma_start3A_1093 = arith.constant 0 : i32
    %dma_start3A_1094 = tpu.memref_slice %arg3[%dma_start3A_1092, %dma_start3A_1093] : memref<1015808x32xf32, #tpu.memory_space<hbm>> -> memref<1015808x32xf32, #tpu.memory_space<hbm>>
    tpu.enqueue_indirect_dma source(%dma_start3A_1094 : memref<1015808x32xf32, #tpu.memory_space<hbm>>) target(%dma_start3A_1088 : memref<128x32xf32, #tpu.memory_space<vmem>>) offsets(%dma_start3A_1091 : memref<128xi32, #tpu.memory_space<vmem>>) semaphore(%arg8 : memref<!tpu.dma_semaphore, #tpu.memory_space<semaphore_mem>>)
    %dma_start3A_1095 = arith.constant 0 : i32
    %dma_start3A_1096 = arith.constant 2 : i32
    %dma_start3A_1097 = arith.constant 0 : i32
    %dma_start3A_1098 = arith.constant 256 : i32
    %dma_start3A_1099 = arith.constant 0 : i32
    %dma_start3A_1100 = tpu.memref_slice %arg6[%dma_start3A_1097, %dma_start3A_1098, %dma_start3A_1099] : memref<2x512x32xf32, #tpu.memory_space<vmem>> -> memref<1x128x32xf32, #tpu.memory_space<vmem>>
    %dma_start3A_1101 = tpu.memref_squeeze %dma_start3A_1100 : memref<1x128x32xf32, #tpu.memory_space<vmem>> -> memref<128x32xf32, #tpu.memory_space<vmem>>
    %dma_start3A_1102 = arith.constant 0 : i32
    %dma_start3A_1103 = tpu.memref_slice %arg5[%dma_start3A_1095, %dma_start3A_1096, %dma_start3A_1102] : memref<2x4x128xi32, #tpu.memory_space<vmem>> -> memref<1x1x128xi32, #tpu.memory_space<vmem>>
    %dma_start3A_1104 = tpu.memref_squeeze %dma_start3A_1103 : memref<1x1x128xi32, #tpu.memory_space<vmem>> -> memref<128xi32, #tpu.memory_space<vmem>>
    %dma_start3A_1105 = arith.constant 0 : i32
    %dma_start3A_1106 = arith.constant 0 : i32
    %dma_start3A_1107 = tpu.memref_slice %arg3[%dma_start3A_1105, %dma_start3A_1106] : memref<1015808x32xf32, #tpu.memory_space<hbm>> -> memref<1015808x32xf32, #tpu.memory_space<hbm>>
    tpu.enqueue_indirect_dma source(%dma_start3A_1107 : memref<1015808x32xf32, #tpu.memory_space<hbm>>) target(%dma_start3A_1101 : memref<128x32xf32, #tpu.memory_space<vmem>>) offsets(%dma_start3A_1104 : memref<128xi32, #tpu.memory_space<vmem>>) semaphore(%arg8 : memref<!tpu.dma_semaphore, #tpu.memory_space<semaphore_mem>>)
    %dma_start3A_1108 = arith.constant 0 : i32
    %dma_start3A_1109 = arith.constant 3 : i32
    %dma_start3A_1110 = arith.constant 0 : i32
    %dma_start3A_1111 = arith.constant 384 : i32
    %dma_start3A_1112 = arith.constant 0 : i32
    %dma_start3A_1113 = tpu.memref_slice %arg6[%dma_start3A_1110, %dma_start3A_1111, %dma_start3A_1112] : memref<2x512x32xf32, #tpu.memory_space<vmem>> -> memref<1x128x32xf32, #tpu.memory_space<vmem>>
    %dma_start3A_1114 = tpu.memref_squeeze %dma_start3A_1113 : memref<1x128x32xf32, #tpu.memory_space<vmem>> -> memref<128x32xf32, #tpu.memory_space<vmem>>
    %dma_start3A_1115 = arith.constant 0 : i32
    %dma_start3A_1116 = tpu.memref_slice %arg5[%dma_start3A_1108, %dma_start3A_1109, %dma_start3A_1115] : memref<2x4x128xi32, #tpu.memory_space<vmem>> -> memref<1x1x128xi32, #tpu.memory_space<vmem>>
    %dma_start3A_1117 = tpu.memref_squeeze %dma_start3A_1116 : memref<1x1x128xi32, #tpu.memory_space<vmem>> -> memref<128xi32, #tpu.memory_space<vmem>>
    %dma_start3A_1118 = arith.constant 0 : i32
    %dma_start3A_1119 = arith.constant 0 : i32
    %dma_start3A_1120 = tpu.memref_slice %arg3[%dma_start3A_1118, %dma_start3A_1119] : memref<1015808x32xf32, #tpu.memory_space<hbm>> -> memref<1015808x32xf32, #tpu.memory_space<hbm>>
    tpu.enqueue_indirect_dma source(%dma_start3A_1120 : memref<1015808x32xf32, #tpu.memory_space<hbm>>) target(%dma_start3A_1114 : memref<128x32xf32, #tpu.memory_space<vmem>>) offsets(%dma_start3A_1117 : memref<128xi32, #tpu.memory_space<vmem>>) semaphore(%arg8 : memref<!tpu.dma_semaphore, #tpu.memory_space<semaphore_mem>>)
    %scan3A = arith.constant 0 : i32
    %scan3A_1121 = arith.constant 0 : i32
    %scan3A_1122 = arith.constant 100 : i32
    %scan3A_1123 = arith.addi %scan3A_1121, %scan3A_1122 : i32
    %scan3A_1124 = arith.constant 1 : i32
    %scan3A_1125 = scf.for %scan3A_1270 = %scan3A_1121 to %scan3A_1123 step %scan3A_1124 iter_args(%scan3A_1271 = %scan3A) -> (i32)  : i32 {
      %mul3A_1272 = arith.constant 2 : i32
      %mul3A_1273 = arith.muli %scan3A_1270, %mul3A_1272 : i32
      %add3A_1274 = arith.constant 1 : i32
      %add3A_1275 = arith.addi %mul3A_1273, %add3A_1274 : i32
      %mul3A_1276 = arith.constant 128 : i32
      %mul3A_1277 = arith.muli %add3A_1275, %mul3A_1276 : i32
      %add3A_1278 = arith.addi %mul3A_1277, %mul3A_2 : i32
      %run_scoped3A_1279 = arith.constant 1 : i32
      "tpu.region"() ({
        %run_scoped3A_2648 = tpu.sem_alloc : memref<!tpu.dma_semaphore, #tpu.memory_space<semaphore_mem>>
        %dma_start3A_2649 = arith.constant 0 : i32
        %dma_start3A_2650 = arith.constant 0 : i32
        %dma_start3A_2651 = tpu.memref_slice %arg5[%run_scoped3A_1279, %dma_start3A_2649, %dma_start3A_2650] : memref<2x4x128xi32, #tpu.memory_space<vmem>> -> memref<1x4x128xi32, #tpu.memory_space<vmem>>
        %dma_start3A_2652 = tpu.memref_squeeze %dma_start3A_2651 : memref<1x4x128xi32, #tpu.memory_space<vmem>> -> memref<4x128xi32, #tpu.memory_space<vmem>>
        %dma_start3A_2653 = arith.constant 0 : i32
        %dma_start3A_2654 = tpu.memref_slice %arg2[%add3A_1278, %dma_start3A_2653] : memref<25600x128xi32, #tpu.memory_space<hbm>> -> memref<4x128xi32, #tpu.memory_space<hbm>>
        %dma_start3A_2655 = arith.constant 0 : i32
        %dma_start3A_2656 = arith.constant 0 : i32
        %dma_start3A_2657 = tpu.memref_slice %arg5[%run_scoped3A_1279, %dma_start3A_2655, %dma_start3A_2656] : memref<2x4x128xi32, #tpu.memory_space<vmem>> -> memref<1x4x128xi32, #tpu.memory_space<vmem>>
        %dma_start3A_2658 = tpu.memref_squeeze %dma_start3A_2657 : memref<1x4x128xi32, #tpu.memory_space<vmem>> -> memref<4x128xi32, #tpu.memory_space<vmem>>
        %dma_start3A_2659 = arith.constant 0 : i32
        %dma_start3A_2660 = tpu.memref_slice %arg2[%add3A_1278, %dma_start3A_2659] : memref<25600x128xi32, #tpu.memory_space<hbm>> -> memref<4x128xi32, #tpu.memory_space<hbm>>
        tpu.enqueue_dma source(%dma_start3A_2660 : memref<4x128xi32, #tpu.memory_space<hbm>>) target(%dma_start3A_2658 : memref<4x128xi32, #tpu.memory_space<vmem>>) target_semaphore(%run_scoped3A_2648 : memref<!tpu.dma_semaphore, #tpu.memory_space<semaphore_mem>>)
        %dma_wait3A_2661 = arith.constant 0 : i32
        %dma_wait3A_2662 = arith.constant 0 : i32
        %dma_wait3A_2663 = tpu.memref_slice %arg5[%run_scoped3A_1279, %dma_wait3A_2661, %dma_wait3A_2662] : memref<2x4x128xi32, #tpu.memory_space<vmem>> -> memref<1x4x128xi32, #tpu.memory_space<vmem>>
        %dma_wait3A_2664 = tpu.memref_squeeze %dma_wait3A_2663 : memref<1x4x128xi32, #tpu.memory_space<vmem>> -> memref<4x128xi32, #tpu.memory_space<vmem>>
        %dma_wait3A_2665 = arith.constant 0 : i32
        %dma_wait3A_2666 = tpu.memref_slice %arg2[%add3A_1278, %dma_wait3A_2665] : memref<25600x128xi32, #tpu.memory_space<hbm>> -> memref<4x128xi32, #tpu.memory_space<hbm>>
        %dma_wait3A_2667 = arith.constant 0 : i32
        %dma_wait3A_2668 = arith.constant 0 : i32
        %dma_wait3A_2669 = tpu.memref_slice %arg5[%run_scoped3A_1279, %dma_wait3A_2667, %dma_wait3A_2668] : memref<2x4x128xi32, #tpu.memory_space<vmem>> -> memref<1x4x128xi32, #tpu.memory_space<vmem>>
        %dma_wait3A_2670 = tpu.memref_squeeze %dma_wait3A_2669 : memref<1x4x128xi32, #tpu.memory_space<vmem>> -> memref<4x128xi32, #tpu.memory_space<vmem>>
        %dma_wait3A_2671 = arith.constant 0 : i32
        %dma_wait3A_2672 = tpu.memref_slice %arg2[%add3A_1278, %dma_wait3A_2671] : memref<25600x128xi32, #tpu.memory_space<hbm>> -> memref<4x128xi32, #tpu.memory_space<hbm>>
        tpu.wait_dma2 semaphore(%run_scoped3A_2648 : memref<!tpu.dma_semaphore, #tpu.memory_space<semaphore_mem>>) src(%dma_wait3A_2672 : memref<4x128xi32, #tpu.memory_space<hbm>>) dst(%dma_wait3A_2670 : memref<4x128xi32, #tpu.memory_space<vmem>>)
        tpu.yield
      }) : () -> ()
      %get3A_1280 = arith.constant 1 : i32
      %get3A_1281 = arith.constant 0 : i32
      %get3A_1282 = arith.index_cast %get3A_1280 : i32 to index
      %get3A_1283 = arith.index_cast %get3A_1281 : i32 to index
      %get3A_1284 = arith.constant 0 : index
      %get3A_1285 = tpu.vector_load %arg5[%get3A_1282, %get3A_1283, %get3A_1284] {strides = array<i32>} : memref<2x4x128xi32, #tpu.memory_space<vmem>>, vector<16xi32>,
      %shift_right_arithmetic3A_1286 = arith.constant 15 : i32
      %shift_right_arithmetic3A_1287 = vector.broadcast %shift_right_arithmetic3A_1286 : i32 to vector<16xi32>
      %shift_right_arithmetic3A_1288 = arith.shrsi %get3A_1285, %shift_right_arithmetic3A_1287 : vector<16xi32>
      %shift_left3A_1289 = arith.constant 15 : i32
      %shift_left3A_1290 = vector.broadcast %shift_left3A_1289 : i32 to vector<16xi32>
      %shift_left3A_1291 = arith.shli %shift_right_arithmetic3A_1288, %shift_left3A_1290 : vector<16xi32>
      %and3A_1292 = arith.constant 8191 : i32
      %and3A_1293 = vector.broadcast %and3A_1292 : i32 to vector<16xi32>
      %and3A_1294 = arith.andi %get3A_1285, %and3A_1293 : vector<16xi32>
      %shift_left3A_1295 = arith.constant 2 : i32
      %shift_left3A_1296 = vector.broadcast %shift_left3A_1295 : i32 to vector<16xi32>
      %shift_left3A_1297 = arith.shli %and3A_1294, %shift_left3A_1296 : vector<16xi32>
      %or3A_1298 = arith.ori %shift_left3A_1291, %shift_left3A_1297 : vector<16xi32>
      %shift_right_arithmetic3A_1299 = arith.constant 13 : i32
      %shift_right_arithmetic3A_1300 = vector.broadcast %shift_right_arithmetic3A_1299 : i32 to vector<16xi32>
      %shift_right_arithmetic3A_1301 = arith.shrsi %get3A_1285, %shift_right_arithmetic3A_1300 : vector<16xi32>
      %and3A_1302 = arith.constant 3 : i32
      %and3A_1303 = vector.broadcast %and3A_1302 : i32 to vector<16xi32>
      %and3A_1304 = arith.andi %shift_right_arithmetic3A_1301, %and3A_1303 : vector<16xi32>
      %or3A_1305 = arith.ori %or3A_1298, %and3A_1304 : vector<16xi32>
      %swap3A_1306 = arith.constant 1 : i32
      %swap3A_1307 = arith.constant 0 : i32
      %swap3A_1308 = arith.index_cast %swap3A_1306 : i32 to index
      %swap3A_1309 = arith.index_cast %swap3A_1307 : i32 to index
      %swap3A_1310 = arith.constant 0 : index
      %swap3A_1311 = tpu.vector_load %arg5[%swap3A_1308, %swap3A_1309, %swap3A_1310] {strides = array<i32>} : memref<2x4x128xi32, #tpu.memory_space<vmem>>, vector<16xi32>,
      tpu.vector_store %arg5[%swap3A_1308, %swap3A_1309, %swap3A_1310], %or3A_1305 {strides = array<i32>} : memref<2x4x128xi32, #tpu.memory_space<vmem>>, vector<16xi32>,
      %get3A_1312 = arith.constant 1 : i32
      %get3A_1313 = arith.constant 0 : i32
      %get3A_1314 = arith.index_cast %get3A_1312 : i32 to index
      %get3A_1315 = arith.index_cast %get3A_1313 : i32 to index
      %get3A_1316 = arith.constant 16 : index
      %get3A_1317 = tpu.vector_load %arg5[%get3A_1314, %get3A_1315, %get3A_1316] {strides = array<i32>} : memref<2x4x128xi32, #tpu.memory_space<vmem>>, vector<16xi32>,
      %shift_right_arithmetic3A_1318 = arith.constant 15 : i32
      %shift_right_arithmetic3A_1319 = vector.broadcast %shift_right_arithmetic3A_1318 : i32 to vector<16xi32>
      %shift_right_arithmetic3A_1320 = arith.shrsi %get3A_1317, %shift_right_arithmetic3A_1319 : vector<16xi32>
      %shift_left3A_1321 = arith.constant 15 : i32
      %shift_left3A_1322 = vector.broadcast %shift_left3A_1321 : i32 to vector<16xi32>
      %shift_left3A_1323 = arith.shli %shift_right_arithmetic3A_1320, %shift_left3A_1322 : vector<16xi32>
      %and3A_1324 = arith.constant 8191 : i32
      %and3A_1325 = vector.broadcast %and3A_1324 : i32 to vector<16xi32>
      %and3A_1326 = arith.andi %get3A_1317, %and3A_1325 : vector<16xi32>
      %shift_left3A_1327 = arith.constant 2 : i32
      %shift_left3A_1328 = vector.broadcast %shift_left3A_1327 : i32 to vector<16xi32>
      %shift_left3A_1329 = arith.shli %and3A_1326, %shift_left3A_1328 : vector<16xi32>
      %or3A_1330 = arith.ori %shift_left3A_1323, %shift_left3A_1329 : vector<16xi32>
      %shift_right_arithmetic3A_1331 = arith.constant 13 : i32
      %shift_right_arithmetic3A_1332 = vector.broadcast %shift_right_arithmetic3A_1331 : i32 to vector<16xi32>
      %shift_right_arithmetic3A_1333 = arith.shrsi %get3A_1317, %shift_right_arithmetic3A_1332 : vector<16xi32>
      %and3A_1334 = arith.constant 3 : i32
      %and3A_1335 = vector.broadcast %and3A_1334 : i32 to vector<16xi32>
      %and3A_1336 = arith.andi %shift_right_arithmetic3A_1333, %and3A_1335 : vector<16xi32>
      %or3A_1337 = arith.ori %or3A_1330, %and3A_1336 : vector<16xi32>
      %swap3A_1338 = arith.constant 1 : i32
      %swap3A_1339 = arith.constant 0 : i32
      %swap3A_1340 = arith.index_cast %swap3A_1338 : i32 to index
      %swap3A_1341 = arith.index_cast %swap3A_1339 : i32 to index
      %swap3A_1342 = arith.constant 16 : index
      %swap3A_1343 = tpu.vector_load %arg5[%swap3A_1340, %swap3A_1341, %swap3A_1342] {strides = array<i32>} : memref<2x4x128xi32, #tpu.memory_space<vmem>>, vector<16xi32>,
      tpu.vector_store %arg5[%swap3A_1340, %swap3A_1341, %swap3A_1342], %or3A_1337 {strides = array<i32>} : memref<2x4x128xi32, #tpu.memory_space<vmem>>, vector<16xi32>,
      %get3A_1344 = arith.constant 1 : i32
      %get3A_1345 = arith.constant 0 : i32
      %get3A_1346 = arith.index_cast %get3A_1344 : i32 to index
      %get3A_1347 = arith.index_cast %get3A_1345 : i32 to index
      %get3A_1348 = arith.constant 32 : index
      %get3A_1349 = tpu.vector_load %arg5[%get3A_1346, %get3A_1347, %get3A_1348] {strides = array<i32>} : memref<2x4x128xi32, #tpu.memory_space<vmem>>, vector<16xi32>,
      %shift_right_arithmetic3A_1350 = arith.constant 15 : i32
      %shift_right_arithmetic3A_1351 = vector.broadcast %shift_right_arithmetic3A_1350 : i32 to vector<16xi32>
      %shift_right_arithmetic3A_1352 = arith.shrsi %get3A_1349, %shift_right_arithmetic3A_1351 : vector<16xi32>
      %shift_left3A_1353 = arith.constant 15 : i32
      %shift_left3A_1354 = vector.broadcast %shift_left3A_1353 : i32 to vector<16xi32>
      %shift_left3A_1355 = arith.shli %shift_right_arithmetic3A_1352, %shift_left3A_1354 : vector<16xi32>
      %and3A_1356 = arith.constant 8191 : i32
      %and3A_1357 = vector.broadcast %and3A_1356 : i32 to vector<16xi32>
      %and3A_1358 = arith.andi %get3A_1349, %and3A_1357 : vector<16xi32>
      %shift_left3A_1359 = arith.constant 2 : i32
      %shift_left3A_1360 = vector.broadcast %shift_left3A_1359 : i32 to vector<16xi32>
      %shift_left3A_1361 = arith.shli %and3A_1358, %shift_left3A_1360 : vector<16xi32>
      %or3A_1362 = arith.ori %shift_left3A_1355, %shift_left3A_1361 : vector<16xi32>
      %shift_right_arithmetic3A_1363 = arith.constant 13 : i32
      %shift_right_arithmetic3A_1364 = vector.broadcast %shift_right_arithmetic3A_1363 : i32 to vector<16xi32>
      %shift_right_arithmetic3A_1365 = arith.shrsi %get3A_1349, %shift_right_arithmetic3A_1364 : vector<16xi32>
      %and3A_1366 = arith.constant 3 : i32
      %and3A_1367 = vector.broadcast %and3A_1366 : i32 to vector<16xi32>
      %and3A_1368 = arith.andi %shift_right_arithmetic3A_1365, %and3A_1367 : vector<16xi32>
      %or3A_1369 = arith.ori %or3A_1362, %and3A_1368 : vector<16xi32>
      %swap3A_1370 = arith.constant 1 : i32
      %swap3A_1371 = arith.constant 0 : i32
      %swap3A_1372 = arith.index_cast %swap3A_1370 : i32 to index
      %swap3A_1373 = arith.index_cast %swap3A_1371 : i32 to index
      %swap3A_1374 = arith.constant 32 : index
      %swap3A_1375 = tpu.vector_load %arg5[%swap3A_1372, %swap3A_1373, %swap3A_1374] {strides = array<i32>} : memref<2x4x128xi32, #tpu.memory_space<vmem>>, vector<16xi32>,
      tpu.vector_store %arg5[%swap3A_1372, %swap3A_1373, %swap3A_1374], %or3A_1369 {strides = array<i32>} : memref<2x4x128xi32, #tpu.memory_space<vmem>>, vector<16xi32>,
      %get3A_1376 = arith.constant 1 : i32
      %get3A_1377 = arith.constant 0 : i32
      %get3A_1378 = arith.index_cast %get3A_1376 : i32 to index
      %get3A_1379 = arith.index_cast %get3A_1377 : i32 to index
      %get3A_1380 = arith.constant 48 : index
      %get3A_1381 = tpu.vector_load %arg5[%get3A_1378, %get3A_1379, %get3A_1380] {strides = array<i32>} : memref<2x4x128xi32, #tpu.memory_space<vmem>>, vector<16xi32>,
      %shift_right_arithmetic3A_1382 = arith.constant 15 : i32
      %shift_right_arithmetic3A_1383 = vector.broadcast %shift_right_arithmetic3A_1382 : i32 to vector<16xi32>
      %shift_right_arithmetic3A_1384 = arith.shrsi %get3A_1381, %shift_right_arithmetic3A_1383 : vector<16xi32>
      %shift_left3A_1385 = arith.constant 15 : i32
      %shift_left3A_1386 = vector.broadcast %shift_left3A_1385 : i32 to vector<16xi32>
      %shift_left3A_1387 = arith.shli %shift_right_arithmetic3A_1384, %shift_left3A_1386 : vector<16xi32>
      %and3A_1388 = arith.constant 8191 : i32
      %and3A_1389 = vector.broadcast %and3A_1388 : i32 to vector<16xi32>
      %and3A_1390 = arith.andi %get3A_1381, %and3A_1389 : vector<16xi32>
      %shift_left3A_1391 = arith.constant 2 : i32
      %shift_left3A_1392 = vector.broadcast %shift_left3A_1391 : i32 to vector<16xi32>
      %shift_left3A_1393 = arith.shli %and3A_1390, %shift_left3A_1392 : vector<16xi32>
      %or3A_1394 = arith.ori %shift_left3A_1387, %shift_left3A_1393 : vector<16xi32>
      %shift_right_arithmetic3A_1395 = arith.constant 13 : i32
      %shift_right_arithmetic3A_1396 = vector.broadcast %shift_right_arithmetic3A_1395 : i32 to vector<16xi32>
      %shift_right_arithmetic3A_1397 = arith.shrsi %get3A_1381, %shift_right_arithmetic3A_1396 : vector<16xi32>
      %and3A_1398 = arith.constant 3 : i32
      %and3A_1399 = vector.broadcast %and3A_1398 : i32 to vector<16xi32>
      %and3A_1400 = arith.andi %shift_right_arithmetic3A_1397, %and3A_1399 : vector<16xi32>
      %or3A_1401 = arith.ori %or3A_1394, %and3A_1400 : vector<16xi32>
      %swap3A_1402 = arith.constant 1 : i32
      %swap3A_1403 = arith.constant 0 : i32
      %swap3A_1404 = arith.index_cast %swap3A_1402 : i32 to index
      %swap3A_1405 = arith.index_cast %swap3A_1403 : i32 to index
      %swap3A_1406 = arith.constant 48 : index
      %swap3A_1407 = tpu.vector_load %arg5[%swap3A_1404, %swap3A_1405, %swap3A_1406] {strides = array<i32>} : memref<2x4x128xi32, #tpu.memory_space<vmem>>, vector<16xi32>,
      tpu.vector_store %arg5[%swap3A_1404, %swap3A_1405, %swap3A_1406], %or3A_1401 {strides = array<i32>} : memref<2x4x128xi32, #tpu.memory_space<vmem>>, vector<16xi32>,
      %get3A_1408 = arith.constant 1 : i32
      %get3A_1409 = arith.constant 0 : i32
      %get3A_1410 = arith.index_cast %get3A_1408 : i32 to index
      %get3A_1411 = arith.index_cast %get3A_1409 : i32 to index
      %get3A_1412 = arith.constant 64 : index
      %get3A_1413 = tpu.vector_load %arg5[%get3A_1410, %get3A_1411, %get3A_1412] {strides = array<i32>} : memref<2x4x128xi32, #tpu.memory_space<vmem>>, vector<16xi32>,
      %shift_right_arithmetic3A_1414 = arith.constant 15 : i32
      %shift_right_arithmetic3A_1415 = vector.broadcast %shift_right_arithmetic3A_1414 : i32 to vector<16xi32>
      %shift_right_arithmetic3A_1416 = arith.shrsi %get3A_1413, %shift_right_arithmetic3A_1415 : vector<16xi32>
      %shift_left3A_1417 = arith.constant 15 : i32
      %shift_left3A_1418 = vector.broadcast %shift_left3A_1417 : i32 to vector<16xi32>
      %shift_left3A_1419 = arith.shli %shift_right_arithmetic3A_1416, %shift_left3A_1418 : vector<16xi32>
      %and3A_1420 = arith.constant 8191 : i32
      %and3A_1421 = vector.broadcast %and3A_1420 : i32 to vector<16xi32>
      %and3A_1422 = arith.andi %get3A_1413, %and3A_1421 : vector<16xi32>
      %shift_left3A_1423 = arith.constant 2 : i32
      %shift_left3A_1424 = vector.broadcast %shift_left3A_1423 : i32 to vector<16xi32>
      %shift_left3A_1425 = arith.shli %and3A_1422, %shift_left3A_1424 : vector<16xi32>
      %or3A_1426 = arith.ori %shift_left3A_1419, %shift_left3A_1425 : vector<16xi32>
      %shift_right_arithmetic3A_1427 = arith.constant 13 : i32
      %shift_right_arithmetic3A_1428 = vector.broadcast %shift_right_arithmetic3A_1427 : i32 to vector<16xi32>
      %shift_right_arithmetic3A_1429 = arith.shrsi %get3A_1413, %shift_right_arithmetic3A_1428 : vector<16xi32>
      %and3A_1430 = arith.constant 3 : i32
      %and3A_1431 = vector.broadcast %and3A_1430 : i32 to vector<16xi32>
      %and3A_1432 = arith.andi %shift_right_arithmetic3A_1429, %and3A_1431 : vector<16xi32>
      %or3A_1433 = arith.ori %or3A_1426, %and3A_1432 : vector<16xi32>
      %swap3A_1434 = arith.constant 1 : i32
      %swap3A_1435 = arith.constant 0 : i32
      %swap3A_1436 = arith.index_cast %swap3A_1434 : i32 to index
      %swap3A_1437 = arith.index_cast %swap3A_1435 : i32 to index
      %swap3A_1438 = arith.constant 64 : index
      %swap3A_1439 = tpu.vector_load %arg5[%swap3A_1436, %swap3A_1437, %swap3A_1438] {strides = array<i32>} : memref<2x4x128xi32, #tpu.memory_space<vmem>>, vector<16xi32>,
      tpu.vector_store %arg5[%swap3A_1436, %swap3A_1437, %swap3A_1438], %or3A_1433 {strides = array<i32>} : memref<2x4x128xi32, #tpu.memory_space<vmem>>, vector<16xi32>,
      %get3A_1440 = arith.constant 1 : i32
      %get3A_1441 = arith.constant 0 : i32
      %get3A_1442 = arith.index_cast %get3A_1440 : i32 to index
      %get3A_1443 = arith.index_cast %get3A_1441 : i32 to index
      %get3A_1444 = arith.constant 80 : index
      %get3A_1445 = tpu.vector_load %arg5[%get3A_1442, %get3A_1443, %get3A_1444] {strides = array<i32>} : memref<2x4x128xi32, #tpu.memory_space<vmem>>, vector<16xi32>,
      %shift_right_arithmetic3A_1446 = arith.constant 15 : i32
      %shift_right_arithmetic3A_1447 = vector.broadcast %shift_right_arithmetic3A_1446 : i32 to vector<16xi32>
      %shift_right_arithmetic3A_1448 = arith.shrsi %get3A_1445, %shift_right_arithmetic3A_1447 : vector<16xi32>
      %shift_left3A_1449 = arith.constant 15 : i32
      %shift_left3A_1450 = vector.broadcast %shift_left3A_1449 : i32 to vector<16xi32>
      %shift_left3A_1451 = arith.shli %shift_right_arithmetic3A_1448, %shift_left3A_1450 : vector<16xi32>
      %and3A_1452 = arith.constant 8191 : i32
      %and3A_1453 = vector.broadcast %and3A_1452 : i32 to vector<16xi32>
      %and3A_1454 = arith.andi %get3A_1445, %and3A_1453 : vector<16xi32>
      %shift_left3A_1455 = arith.constant 2 : i32
      %shift_left3A_1456 = vector.broadcast %shift_left3A_1455 : i32 to vector<16xi32>
      %shift_left3A_1457 = arith.shli %and3A_1454, %shift_left3A_1456 : vector<16xi32>
      %or3A_1458 = arith.ori %shift_left3A_1451, %shift_left3A_1457 : vector<16xi32>
      %shift_right_arithmetic3A_1459 = arith.constant 13 : i32
      %shift_right_arithmetic3A_1460 = vector.broadcast %shift_right_arithmetic3A_1459 : i32 to vector<16xi32>
      %shift_right_arithmetic3A_1461 = arith.shrsi %get3A_1445, %shift_right_arithmetic3A_1460 : vector<16xi32>
      %and3A_1462 = arith.constant 3 : i32
      %and3A_1463 = vector.broadcast %and3A_1462 : i32 to vector<16xi32>
      %and3A_1464 = arith.andi %shift_right_arithmetic3A_1461, %and3A_1463 : vector<16xi32>
      %or3A_1465 = arith.ori %or3A_1458, %and3A_1464 : vector<16xi32>
      %swap3A_1466 = arith.constant 1 : i32
      %swap3A_1467 = arith.constant 0 : i32
      %swap3A_1468 = arith.index_cast %swap3A_1466 : i32 to index
      %swap3A_1469 = arith.index_cast %swap3A_1467 : i32 to index
      %swap3A_1470 = arith.constant 80 : index
      %swap3A_1471 = tpu.vector_load %arg5[%swap3A_1468, %swap3A_1469, %swap3A_1470] {strides = array<i32>} : memref<2x4x128xi32, #tpu.memory_space<vmem>>, vector<16xi32>,
      tpu.vector_store %arg5[%swap3A_1468, %swap3A_1469, %swap3A_1470], %or3A_1465 {strides = array<i32>} : memref<2x4x128xi32, #tpu.memory_space<vmem>>, vector<16xi32>,
      %get3A_1472 = arith.constant 1 : i32
      %get3A_1473 = arith.constant 0 : i32
      %get3A_1474 = arith.index_cast %get3A_1472 : i32 to index
      %get3A_1475 = arith.index_cast %get3A_1473 : i32 to index
      %get3A_1476 = arith.constant 96 : index
      %get3A_1477 = tpu.vector_load %arg5[%get3A_1474, %get3A_1475, %get3A_1476] {strides = array<i32>} : memref<2x4x128xi32, #tpu.memory_space<vmem>>, vector<16xi32>,
      %shift_right_arithmetic3A_1478 = arith.constant 15 : i32
      %shift_right_arithmetic3A_1479 = vector.broadcast %shift_right_arithmetic3A_1478 : i32 to vector<16xi32>
      %shift_right_arithmetic3A_1480 = arith.shrsi %get3A_1477, %shift_right_arithmetic3A_1479 : vector<16xi32>
      %shift_left3A_1481 = arith.constant 15 : i32
      %shift_left3A_1482 = vector.broadcast %shift_left3A_1481 : i32 to vector<16xi32>
      %shift_left3A_1483 = arith.shli %shift_right_arithmetic3A_1480, %shift_left3A_1482 : vector<16xi32>
      %and3A_1484 = arith.constant 8191 : i32
      %and3A_1485 = vector.broadcast %and3A_1484 : i32 to vector<16xi32>
      %and3A_1486 = arith.andi %get3A_1477, %and3A_1485 : vector<16xi32>
      %shift_left3A_1487 = arith.constant 2 : i32
      %shift_left3A_1488 = vector.broadcast %shift_left3A_1487 : i32 to vector<16xi32>
      %shift_left3A_1489 = arith.shli %and3A_1486, %shift_left3A_1488 : vector<16xi32>
      %or3A_1490 = arith.ori %shift_left3A_1483, %shift_left3A_1489 : vector<16xi32>
      %shift_right_arithmetic3A_1491 = arith.constant 13 : i32
      %shift_right_arithmetic3A_1492 = vector.broadcast %shift_right_arithmetic3A_1491 : i32 to vector<16xi32>
      %shift_right_arithmetic3A_1493 = arith.shrsi %get3A_1477, %shift_right_arithmetic3A_1492 : vector<16xi32>
      %and3A_1494 = arith.constant 3 : i32
      %and3A_1495 = vector.broadcast %and3A_1494 : i32 to vector<16xi32>
      %and3A_1496 = arith.andi %shift_right_arithmetic3A_1493, %and3A_1495 : vector<16xi32>
      %or3A_1497 = arith.ori %or3A_1490, %and3A_1496 : vector<16xi32>
      %swap3A_1498 = arith.constant 1 : i32
      %swap3A_1499 = arith.constant 0 : i32
      %swap3A_1500 = arith.index_cast %swap3A_1498 : i32 to index
      %swap3A_1501 = arith.index_cast %swap3A_1499 : i32 to index
      %swap3A_1502 = arith.constant 96 : index
      %swap3A_1503 = tpu.vector_load %arg5[%swap3A_1500, %swap3A_1501, %swap3A_1502] {strides = array<i32>} : memref<2x4x128xi32, #tpu.memory_space<vmem>>, vector<16xi32>,
      tpu.vector_store %arg5[%swap3A_1500, %swap3A_1501, %swap3A_1502], %or3A_1497 {strides = array<i32>} : memref<2x4x128xi32, #tpu.memory_space<vmem>>, vector<16xi32>,
      %get3A_1504 = arith.constant 1 : i32
      %get3A_1505 = arith.constant 0 : i32
      %get3A_1506 = arith.index_cast %get3A_1504 : i32 to index
      %get3A_1507 = arith.index_cast %get3A_1505 : i32 to index
      %get3A_1508 = arith.constant 112 : index
      %get3A_1509 = tpu.vector_load %arg5[%get3A_1506, %get3A_1507, %get3A_1508] {strides = array<i32>} : memref<2x4x128xi32, #tpu.memory_space<vmem>>, vector<16xi32>,
      %shift_right_arithmetic3A_1510 = arith.constant 15 : i32
      %shift_right_arithmetic3A_1511 = vector.broadcast %shift_right_arithmetic3A_1510 : i32 to vector<16xi32>
      %shift_right_arithmetic3A_1512 = arith.shrsi %get3A_1509, %shift_right_arithmetic3A_1511 : vector<16xi32>
      %shift_left3A_1513 = arith.constant 15 : i32
      %shift_left3A_1514 = vector.broadcast %shift_left3A_1513 : i32 to vector<16xi32>
      %shift_left3A_1515 = arith.shli %shift_right_arithmetic3A_1512, %shift_left3A_1514 : vector<16xi32>
      %and3A_1516 = arith.constant 8191 : i32
      %and3A_1517 = vector.broadcast %and3A_1516 : i32 to vector<16xi32>
      %and3A_1518 = arith.andi %get3A_1509, %and3A_1517 : vector<16xi32>
      %shift_left3A_1519 = arith.constant 2 : i32
      %shift_left3A_1520 = vector.broadcast %shift_left3A_1519 : i32 to vector<16xi32>
      %shift_left3A_1521 = arith.shli %and3A_1518, %shift_left3A_1520 : vector<16xi32>
      %or3A_1522 = arith.ori %shift_left3A_1515, %shift_left3A_1521 : vector<16xi32>
      %shift_right_arithmetic3A_1523 = arith.constant 13 : i32
      %shift_right_arithmetic3A_1524 = vector.broadcast %shift_right_arithmetic3A_1523 : i32 to vector<16xi32>
      %shift_right_arithmetic3A_1525 = arith.shrsi %get3A_1509, %shift_right_arithmetic3A_1524 : vector<16xi32>
      %and3A_1526 = arith.constant 3 : i32
      %and3A_1527 = vector.broadcast %and3A_1526 : i32 to vector<16xi32>
      %and3A_1528 = arith.andi %shift_right_arithmetic3A_1525, %and3A_1527 : vector<16xi32>
      %or3A_1529 = arith.ori %or3A_1522, %and3A_1528 : vector<16xi32>
      %swap3A_1530 = arith.constant 1 : i32
      %swap3A_1531 = arith.constant 0 : i32
      %swap3A_1532 = arith.index_cast %swap3A_1530 : i32 to index
      %swap3A_1533 = arith.index_cast %swap3A_1531 : i32 to index
      %swap3A_1534 = arith.constant 112 : index
      %swap3A_1535 = tpu.vector_load %arg5[%swap3A_1532, %swap3A_1533, %swap3A_1534] {strides = array<i32>} : memref<2x4x128xi32, #tpu.memory_space<vmem>>, vector<16xi32>,
      tpu.vector_store %arg5[%swap3A_1532, %swap3A_1533, %swap3A_1534], %or3A_1529 {strides = array<i32>} : memref<2x4x128xi32, #tpu.memory_space<vmem>>, vector<16xi32>,
      %get3A_1536 = arith.constant 1 : i32
      %get3A_1537 = arith.constant 1 : i32
      %get3A_1538 = arith.index_cast %get3A_1536 : i32 to index
      %get3A_1539 = arith.index_cast %get3A_1537 : i32 to index
      %get3A_1540 = arith.constant 0 : index
      %get3A_1541 = tpu.vector_load %arg5[%get3A_1538, %get3A_1539, %get3A_1540] {strides = array<i32>} : memref<2x4x128xi32, #tpu.memory_space<vmem>>, vector<16xi32>,
      %shift_right_arithmetic3A_1542 = arith.constant 15 : i32
      %shift_right_arithmetic3A_1543 = vector.broadcast %shift_right_arithmetic3A_1542 : i32 to vector<16xi32>
      %shift_right_arithmetic3A_1544 = arith.shrsi %get3A_1541, %shift_right_arithmetic3A_1543 : vector<16xi32>
      %shift_left3A_1545 = arith.constant 15 : i32
      %shift_left3A_1546 = vector.broadcast %shift_left3A_1545 : i32 to vector<16xi32>
      %shift_left3A_1547 = arith.shli %shift_right_arithmetic3A_1544, %shift_left3A_1546 : vector<16xi32>
      %and3A_1548 = arith.constant 8191 : i32
      %and3A_1549 = vector.broadcast %and3A_1548 : i32 to vector<16xi32>
      %and3A_1550 = arith.andi %get3A_1541, %and3A_1549 : vector<16xi32>
      %shift_left3A_1551 = arith.constant 2 : i32
      %shift_left3A_1552 = vector.broadcast %shift_left3A_1551 : i32 to vector<16xi32>
      %shift_left3A_1553 = arith.shli %and3A_1550, %shift_left3A_1552 : vector<16xi32>
      %or3A_1554 = arith.ori %shift_left3A_1547, %shift_left3A_1553 : vector<16xi32>
      %shift_right_arithmetic3A_1555 = arith.constant 13 : i32
      %shift_right_arithmetic3A_1556 = vector.broadcast %shift_right_arithmetic3A_1555 : i32 to vector<16xi32>
      %shift_right_arithmetic3A_1557 = arith.shrsi %get3A_1541, %shift_right_arithmetic3A_1556 : vector<16xi32>
      %and3A_1558 = arith.constant 3 : i32
      %and3A_1559 = vector.broadcast %and3A_1558 : i32 to vector<16xi32>
      %and3A_1560 = arith.andi %shift_right_arithmetic3A_1557, %and3A_1559 : vector<16xi32>
      %or3A_1561 = arith.ori %or3A_1554, %and3A_1560 : vector<16xi32>
      %swap3A_1562 = arith.constant 1 : i32
      %swap3A_1563 = arith.constant 1 : i32
      %swap3A_1564 = arith.index_cast %swap3A_1562 : i32 to index
      %swap3A_1565 = arith.index_cast %swap3A_1563 : i32 to index
      %swap3A_1566 = arith.constant 0 : index
      %swap3A_1567 = tpu.vector_load %arg5[%swap3A_1564, %swap3A_1565, %swap3A_1566] {strides = array<i32>} : memref<2x4x128xi32, #tpu.memory_space<vmem>>, vector<16xi32>,
      tpu.vector_store %arg5[%swap3A_1564, %swap3A_1565, %swap3A_1566], %or3A_1561 {strides = array<i32>} : memref<2x4x128xi32, #tpu.memory_space<vmem>>, vector<16xi32>,
      %get3A_1568 = arith.constant 1 : i32
      %get3A_1569 = arith.constant 1 : i32
      %get3A_1570 = arith.index_cast %get3A_1568 : i32 to index
      %get3A_1571 = arith.index_cast %get3A_1569 : i32 to index
      %get3A_1572 = arith.constant 16 : index
      %get3A_1573 = tpu.vector_load %arg5[%get3A_1570, %get3A_1571, %get3A_1572] {strides = array<i32>} : memref<2x4x128xi32, #tpu.memory_space<vmem>>, vector<16xi32>,
      %shift_right_arithmetic3A_1574 = arith.constant 15 : i32
      %shift_right_arithmetic3A_1575 = vector.broadcast %shift_right_arithmetic3A_1574 : i32 to vector<16xi32>
      %shift_right_arithmetic3A_1576 = arith.shrsi %get3A_1573, %shift_right_arithmetic3A_1575 : vector<16xi32>
      %shift_left3A_1577 = arith.constant 15 : i32
      %shift_left3A_1578 = vector.broadcast %shift_left3A_1577 : i32 to vector<16xi32>
      %shift_left3A_1579 = arith.shli %shift_right_arithmetic3A_1576, %shift_left3A_1578 : vector<16xi32>
      %and3A_1580 = arith.constant 8191 : i32
      %and3A_1581 = vector.broadcast %and3A_1580 : i32 to vector<16xi32>
      %and3A_1582 = arith.andi %get3A_1573, %and3A_1581 : vector<16xi32>
      %shift_left3A_1583 = arith.constant 2 : i32
      %shift_left3A_1584 = vector.broadcast %shift_left3A_1583 : i32 to vector<16xi32>
      %shift_left3A_1585 = arith.shli %and3A_1582, %shift_left3A_1584 : vector<16xi32>
      %or3A_1586 = arith.ori %shift_left3A_1579, %shift_left3A_1585 : vector<16xi32>
      %shift_right_arithmetic3A_1587 = arith.constant 13 : i32
      %shift_right_arithmetic3A_1588 = vector.broadcast %shift_right_arithmetic3A_1587 : i32 to vector<16xi32>
      %shift_right_arithmetic3A_1589 = arith.shrsi %get3A_1573, %shift_right_arithmetic3A_1588 : vector<16xi32>
      %and3A_1590 = arith.constant 3 : i32
      %and3A_1591 = vector.broadcast %and3A_1590 : i32 to vector<16xi32>
      %and3A_1592 = arith.andi %shift_right_arithmetic3A_1589, %and3A_1591 : vector<16xi32>
      %or3A_1593 = arith.ori %or3A_1586, %and3A_1592 : vector<16xi32>
      %swap3A_1594 = arith.constant 1 : i32
      %swap3A_1595 = arith.constant 1 : i32
      %swap3A_1596 = arith.index_cast %swap3A_1594 : i32 to index
      %swap3A_1597 = arith.index_cast %swap3A_1595 : i32 to index
      %swap3A_1598 = arith.constant 16 : index
      %swap3A_1599 = tpu.vector_load %arg5[%swap3A_1596, %swap3A_1597, %swap3A_1598] {strides = array<i32>} : memref<2x4x128xi32, #tpu.memory_space<vmem>>, vector<16xi32>,
      tpu.vector_store %arg5[%swap3A_1596, %swap3A_1597, %swap3A_1598], %or3A_1593 {strides = array<i32>} : memref<2x4x128xi32, #tpu.memory_space<vmem>>, vector<16xi32>,
      %get3A_1600 = arith.constant 1 : i32
      %get3A_1601 = arith.constant 1 : i32
      %get3A_1602 = arith.index_cast %get3A_1600 : i32 to index
      %get3A_1603 = arith.index_cast %get3A_1601 : i32 to index
      %get3A_1604 = arith.constant 32 : index
      %get3A_1605 = tpu.vector_load %arg5[%get3A_1602, %get3A_1603, %get3A_1604] {strides = array<i32>} : memref<2x4x128xi32, #tpu.memory_space<vmem>>, vector<16xi32>,
      %shift_right_arithmetic3A_1606 = arith.constant 15 : i32
      %shift_right_arithmetic3A_1607 = vector.broadcast %shift_right_arithmetic3A_1606 : i32 to vector<16xi32>
      %shift_right_arithmetic3A_1608 = arith.shrsi %get3A_1605, %shift_right_arithmetic3A_1607 : vector<16xi32>
      %shift_left3A_1609 = arith.constant 15 : i32
      %shift_left3A_1610 = vector.broadcast %shift_left3A_1609 : i32 to vector<16xi32>
      %shift_left3A_1611 = arith.shli %shift_right_arithmetic3A_1608, %shift_left3A_1610 : vector<16xi32>
      %and3A_1612 = arith.constant 8191 : i32
      %and3A_1613 = vector.broadcast %and3A_1612 : i32 to vector<16xi32>
      %and3A_1614 = arith.andi %get3A_1605, %and3A_1613 : vector<16xi32>
      %shift_left3A_1615 = arith.constant 2 : i32
      %shift_left3A_1616 = vector.broadcast %shift_left3A_1615 : i32 to vector<16xi32>
      %shift_left3A_1617 = arith.shli %and3A_1614, %shift_left3A_1616 : vector<16xi32>
      %or3A_1618 = arith.ori %shift_left3A_1611, %shift_left3A_1617 : vector<16xi32>
      %shift_right_arithmetic3A_1619 = arith.constant 13 : i32
      %shift_right_arithmetic3A_1620 = vector.broadcast %shift_right_arithmetic3A_1619 : i32 to vector<16xi32>
      %shift_right_arithmetic3A_1621 = arith.shrsi %get3A_1605, %shift_right_arithmetic3A_1620 : vector<16xi32>
      %and3A_1622 = arith.constant 3 : i32
      %and3A_1623 = vector.broadcast %and3A_1622 : i32 to vector<16xi32>
      %and3A_1624 = arith.andi %shift_right_arithmetic3A_1621, %and3A_1623 : vector<16xi32>
      %or3A_1625 = arith.ori %or3A_1618, %and3A_1624 : vector<16xi32>
      %swap3A_1626 = arith.constant 1 : i32
      %swap3A_1627 = arith.constant 1 : i32
      %swap3A_1628 = arith.index_cast %swap3A_1626 : i32 to index
      %swap3A_1629 = arith.index_cast %swap3A_1627 : i32 to index
      %swap3A_1630 = arith.constant 32 : index
      %swap3A_1631 = tpu.vector_load %arg5[%swap3A_1628, %swap3A_1629, %swap3A_1630] {strides = array<i32>} : memref<2x4x128xi32, #tpu.memory_space<vmem>>, vector<16xi32>,
      tpu.vector_store %arg5[%swap3A_1628, %swap3A_1629, %swap3A_1630], %or3A_1625 {strides = array<i32>} : memref<2x4x128xi32, #tpu.memory_space<vmem>>, vector<16xi32>,
      %get3A_1632 = arith.constant 1 : i32
      %get3A_1633 = arith.constant 1 : i32
      %get3A_1634 = arith.index_cast %get3A_1632 : i32 to index
      %get3A_1635 = arith.index_cast %get3A_1633 : i32 to index
      %get3A_1636 = arith.constant 48 : index
      %get3A_1637 = tpu.vector_load %arg5[%get3A_1634, %get3A_1635, %get3A_1636] {strides = array<i32>} : memref<2x4x128xi32, #tpu.memory_space<vmem>>, vector<16xi32>,
      %shift_right_arithmetic3A_1638 = arith.constant 15 : i32
      %shift_right_arithmetic3A_1639 = vector.broadcast %shift_right_arithmetic3A_1638 : i32 to vector<16xi32>
      %shift_right_arithmetic3A_1640 = arith.shrsi %get3A_1637, %shift_right_arithmetic3A_1639 : vector<16xi32>
      %shift_left3A_1641 = arith.constant 15 : i32
      %shift_left3A_1642 = vector.broadcast %shift_left3A_1641 : i32 to vector<16xi32>
      %shift_left3A_1643 = arith.shli %shift_right_arithmetic3A_1640, %shift_left3A_1642 : vector<16xi32>
      %and3A_1644 = arith.constant 8191 : i32
      %and3A_1645 = vector.broadcast %and3A_1644 : i32 to vector<16xi32>
      %and3A_1646 = arith.andi %get3A_1637, %and3A_1645 : vector<16xi32>
      %shift_left3A_1647 = arith.constant 2 : i32
      %shift_left3A_1648 = vector.broadcast %shift_left3A_1647 : i32 to vector<16xi32>
      %shift_left3A_1649 = arith.shli %and3A_1646, %shift_left3A_1648 : vector<16xi32>
      %or3A_1650 = arith.ori %shift_left3A_1643, %shift_left3A_1649 : vector<16xi32>
      %shift_right_arithmetic3A_1651 = arith.constant 13 : i32
      %shift_right_arithmetic3A_1652 = vector.broadcast %shift_right_arithmetic3A_1651 : i32 to vector<16xi32>
      %shift_right_arithmetic3A_1653 = arith.shrsi %get3A_1637, %shift_right_arithmetic3A_1652 : vector<16xi32>
      %and3A_1654 = arith.constant 3 : i32
      %and3A_1655 = vector.broadcast %and3A_1654 : i32 to vector<16xi32>
      %and3A_1656 = arith.andi %shift_right_arithmetic3A_1653, %and3A_1655 : vector<16xi32>
      %or3A_1657 = arith.ori %or3A_1650, %and3A_1656 : vector<16xi32>
      %swap3A_1658 = arith.constant 1 : i32
      %swap3A_1659 = arith.constant 1 : i32
      %swap3A_1660 = arith.index_cast %swap3A_1658 : i32 to index
      %swap3A_1661 = arith.index_cast %swap3A_1659 : i32 to index
      %swap3A_1662 = arith.constant 48 : index
      %swap3A_1663 = tpu.vector_load %arg5[%swap3A_1660, %swap3A_1661, %swap3A_1662] {strides = array<i32>} : memref<2x4x128xi32, #tpu.memory_space<vmem>>, vector<16xi32>,
      tpu.vector_store %arg5[%swap3A_1660, %swap3A_1661, %swap3A_1662], %or3A_1657 {strides = array<i32>} : memref<2x4x128xi32, #tpu.memory_space<vmem>>, vector<16xi32>,
      %get3A_1664 = arith.constant 1 : i32
      %get3A_1665 = arith.constant 1 : i32
      %get3A_1666 = arith.index_cast %get3A_1664 : i32 to index
      %get3A_1667 = arith.index_cast %get3A_1665 : i32 to index
      %get3A_1668 = arith.constant 64 : index
      %get3A_1669 = tpu.vector_load %arg5[%get3A_1666, %get3A_1667, %get3A_1668] {strides = array<i32>} : memref<2x4x128xi32, #tpu.memory_space<vmem>>, vector<16xi32>,
      %shift_right_arithmetic3A_1670 = arith.constant 15 : i32
      %shift_right_arithmetic3A_1671 = vector.broadcast %shift_right_arithmetic3A_1670 : i32 to vector<16xi32>
      %shift_right_arithmetic3A_1672 = arith.shrsi %get3A_1669, %shift_right_arithmetic3A_1671 : vector<16xi32>
      %shift_left3A_1673 = arith.constant 15 : i32
      %shift_left3A_1674 = vector.broadcast %shift_left3A_1673 : i32 to vector<16xi32>
      %shift_left3A_1675 = arith.shli %shift_right_arithmetic3A_1672, %shift_left3A_1674 : vector<16xi32>
      %and3A_1676 = arith.constant 8191 : i32
      %and3A_1677 = vector.broadcast %and3A_1676 : i32 to vector<16xi32>
      %and3A_1678 = arith.andi %get3A_1669, %and3A_1677 : vector<16xi32>
      %shift_left3A_1679 = arith.constant 2 : i32
      %shift_left3A_1680 = vector.broadcast %shift_left3A_1679 : i32 to vector<16xi32>
      %shift_left3A_1681 = arith.shli %and3A_1678, %shift_left3A_1680 : vector<16xi32>
      %or3A_1682 = arith.ori %shift_left3A_1675, %shift_left3A_1681 : vector<16xi32>
      %shift_right_arithmetic3A_1683 = arith.constant 13 : i32
      %shift_right_arithmetic3A_1684 = vector.broadcast %shift_right_arithmetic3A_1683 : i32 to vector<16xi32>
      %shift_right_arithmetic3A_1685 = arith.shrsi %get3A_1669, %shift_right_arithmetic3A_1684 : vector<16xi32>
      %and3A_1686 = arith.constant 3 : i32
      %and3A_1687 = vector.broadcast %and3A_1686 : i32 to vector<16xi32>
      %and3A_1688 = arith.andi %shift_right_arithmetic3A_1685, %and3A_1687 : vector<16xi32>
      %or3A_1689 = arith.ori %or3A_1682, %and3A_1688 : vector<16xi32>
      %swap3A_1690 = arith.constant 1 : i32
      %swap3A_1691 = arith.constant 1 : i32
      %swap3A_1692 = arith.index_cast %swap3A_1690 : i32 to index
      %swap3A_1693 = arith.index_cast %swap3A_1691 : i32 to index
      %swap3A_1694 = arith.constant 64 : index
      %swap3A_1695 = tpu.vector_load %arg5[%swap3A_1692, %swap3A_1693, %swap3A_1694] {strides = array<i32>} : memref<2x4x128xi32, #tpu.memory_space<vmem>>, vector<16xi32>,
      tpu.vector_store %arg5[%swap3A_1692, %swap3A_1693, %swap3A_1694], %or3A_1689 {strides = array<i32>} : memref<2x4x128xi32, #tpu.memory_space<vmem>>, vector<16xi32>,
      %get3A_1696 = arith.constant 1 : i32
      %get3A_1697 = arith.constant 1 : i32
      %get3A_1698 = arith.index_cast %get3A_1696 : i32 to index
      %get3A_1699 = arith.index_cast %get3A_1697 : i32 to index
      %get3A_1700 = arith.constant 80 : index
      %get3A_1701 = tpu.vector_load %arg5[%get3A_1698, %get3A_1699, %get3A_1700] {strides = array<i32>} : memref<2x4x128xi32, #tpu.memory_space<vmem>>, vector<16xi32>,
      %shift_right_arithmetic3A_1702 = arith.constant 15 : i32
      %shift_right_arithmetic3A_1703 = vector.broadcast %shift_right_arithmetic3A_1702 : i32 to vector<16xi32>
      %shift_right_arithmetic3A_1704 = arith.shrsi %get3A_1701, %shift_right_arithmetic3A_1703 : vector<16xi32>
      %shift_left3A_1705 = arith.constant 15 : i32
      %shift_left3A_1706 = vector.broadcast %shift_left3A_1705 : i32 to vector<16xi32>
      %shift_left3A_1707 = arith.shli %shift_right_arithmetic3A_1704, %shift_left3A_1706 : vector<16xi32>
      %and3A_1708 = arith.constant 8191 : i32
      %and3A_1709 = vector.broadcast %and3A_1708 : i32 to vector<16xi32>
      %and3A_1710 = arith.andi %get3A_1701, %and3A_1709 : vector<16xi32>
      %shift_left3A_1711 = arith.constant 2 : i32
      %shift_left3A_1712 = vector.broadcast %shift_left3A_1711 : i32 to vector<16xi32>
      %shift_left3A_1713 = arith.shli %and3A_1710, %shift_left3A_1712 : vector<16xi32>
      %or3A_1714 = arith.ori %shift_left3A_1707, %shift_left3A_1713 : vector<16xi32>
      %shift_right_arithmetic3A_1715 = arith.constant 13 : i32
      %shift_right_arithmetic3A_1716 = vector.broadcast %shift_right_arithmetic3A_1715 : i32 to vector<16xi32>
      %shift_right_arithmetic3A_1717 = arith.shrsi %get3A_1701, %shift_right_arithmetic3A_1716 : vector<16xi32>
      %and3A_1718 = arith.constant 3 : i32
      %and3A_1719 = vector.broadcast %and3A_1718 : i32 to vector<16xi32>
      %and3A_1720 = arith.andi %shift_right_arithmetic3A_1717, %and3A_1719 : vector<16xi32>
      %or3A_1721 = arith.ori %or3A_1714, %and3A_1720 : vector<16xi32>
      %swap3A_1722 = arith.constant 1 : i32
      %swap3A_1723 = arith.constant 1 : i32
      %swap3A_1724 = arith.index_cast %swap3A_1722 : i32 to index
      %swap3A_1725 = arith.index_cast %swap3A_1723 : i32 to index
      %swap3A_1726 = arith.constant 80 : index
      %swap3A_1727 = tpu.vector_load %arg5[%swap3A_1724, %swap3A_1725, %swap3A_1726] {strides = array<i32>} : memref<2x4x128xi32, #tpu.memory_space<vmem>>, vector<16xi32>,
      tpu.vector_store %arg5[%swap3A_1724, %swap3A_1725, %swap3A_1726], %or3A_1721 {strides = array<i32>} : memref<2x4x128xi32, #tpu.memory_space<vmem>>, vector<16xi32>,
      %get3A_1728 = arith.constant 1 : i32
      %get3A_1729 = arith.constant 1 : i32
      %get3A_1730 = arith.index_cast %get3A_1728 : i32 to index
      %get3A_1731 = arith.index_cast %get3A_1729 : i32 to index
      %get3A_1732 = arith.constant 96 : index
      %get3A_1733 = tpu.vector_load %arg5[%get3A_1730, %get3A_1731, %get3A_1732] {strides = array<i32>} : memref<2x4x128xi32, #tpu.memory_space<vmem>>, vector<16xi32>,
      %shift_right_arithmetic3A_1734 = arith.constant 15 : i32
      %shift_right_arithmetic3A_1735 = vector.broadcast %shift_right_arithmetic3A_1734 : i32 to vector<16xi32>
      %shift_right_arithmetic3A_1736 = arith.shrsi %get3A_1733, %shift_right_arithmetic3A_1735 : vector<16xi32>
      %shift_left3A_1737 = arith.constant 15 : i32
      %shift_left3A_1738 = vector.broadcast %shift_left3A_1737 : i32 to vector<16xi32>
      %shift_left3A_1739 = arith.shli %shift_right_arithmetic3A_1736, %shift_left3A_1738 : vector<16xi32>
      %and3A_1740 = arith.constant 8191 : i32
      %and3A_1741 = vector.broadcast %and3A_1740 : i32 to vector<16xi32>
      %and3A_1742 = arith.andi %get3A_1733, %and3A_1741 : vector<16xi32>
      %shift_left3A_1743 = arith.constant 2 : i32
      %shift_left3A_1744 = vector.broadcast %shift_left3A_1743 : i32 to vector<16xi32>
      %shift_left3A_1745 = arith.shli %and3A_1742, %shift_left3A_1744 : vector<16xi32>
      %or3A_1746 = arith.ori %shift_left3A_1739, %shift_left3A_1745 : vector<16xi32>
      %shift_right_arithmetic3A_1747 = arith.constant 13 : i32
      %shift_right_arithmetic3A_1748 = vector.broadcast %shift_right_arithmetic3A_1747 : i32 to vector<16xi32>
      %shift_right_arithmetic3A_1749 = arith.shrsi %get3A_1733, %shift_right_arithmetic3A_1748 : vector<16xi32>
      %and3A_1750 = arith.constant 3 : i32
      %and3A_1751 = vector.broadcast %and3A_1750 : i32 to vector<16xi32>
      %and3A_1752 = arith.andi %shift_right_arithmetic3A_1749, %and3A_1751 : vector<16xi32>
      %or3A_1753 = arith.ori %or3A_1746, %and3A_1752 : vector<16xi32>
      %swap3A_1754 = arith.constant 1 : i32
      %swap3A_1755 = arith.constant 1 : i32
      %swap3A_1756 = arith.index_cast %swap3A_1754 : i32 to index
      %swap3A_1757 = arith.index_cast %swap3A_1755 : i32 to index
      %swap3A_1758 = arith.constant 96 : index
      %swap3A_1759 = tpu.vector_load %arg5[%swap3A_1756, %swap3A_1757, %swap3A_1758] {strides = array<i32>} : memref<2x4x128xi32, #tpu.memory_space<vmem>>, vector<16xi32>,
      tpu.vector_store %arg5[%swap3A_1756, %swap3A_1757, %swap3A_1758], %or3A_1753 {strides = array<i32>} : memref<2x4x128xi32, #tpu.memory_space<vmem>>, vector<16xi32>,
      %get3A_1760 = arith.constant 1 : i32
      %get3A_1761 = arith.constant 1 : i32
      %get3A_1762 = arith.index_cast %get3A_1760 : i32 to index
      %get3A_1763 = arith.index_cast %get3A_1761 : i32 to index
      %get3A_1764 = arith.constant 112 : index
      %get3A_1765 = tpu.vector_load %arg5[%get3A_1762, %get3A_1763, %get3A_1764] {strides = array<i32>} : memref<2x4x128xi32, #tpu.memory_space<vmem>>, vector<16xi32>,
      %shift_right_arithmetic3A_1766 = arith.constant 15 : i32
      %shift_right_arithmetic3A_1767 = vector.broadcast %shift_right_arithmetic3A_1766 : i32 to vector<16xi32>
      %shift_right_arithmetic3A_1768 = arith.shrsi %get3A_1765, %shift_right_arithmetic3A_1767 : vector<16xi32>
      %shift_left3A_1769 = arith.constant 15 : i32
      %shift_left3A_1770 = vector.broadcast %shift_left3A_1769 : i32 to vector<16xi32>
      %shift_left3A_1771 = arith.shli %shift_right_arithmetic3A_1768, %shift_left3A_1770 : vector<16xi32>
      %and3A_1772 = arith.constant 8191 : i32
      %and3A_1773 = vector.broadcast %and3A_1772 : i32 to vector<16xi32>
      %and3A_1774 = arith.andi %get3A_1765, %and3A_1773 : vector<16xi32>
      %shift_left3A_1775 = arith.constant 2 : i32
      %shift_left3A_1776 = vector.broadcast %shift_left3A_1775 : i32 to vector<16xi32>
      %shift_left3A_1777 = arith.shli %and3A_1774, %shift_left3A_1776 : vector<16xi32>
      %or3A_1778 = arith.ori %shift_left3A_1771, %shift_left3A_1777 : vector<16xi32>
      %shift_right_arithmetic3A_1779 = arith.constant 13 : i32
      %shift_right_arithmetic3A_1780 = vector.broadcast %shift_right_arithmetic3A_1779 : i32 to vector<16xi32>
      %shift_right_arithmetic3A_1781 = arith.shrsi %get3A_1765, %shift_right_arithmetic3A_1780 : vector<16xi32>
      %and3A_1782 = arith.constant 3 : i32
      %and3A_1783 = vector.broadcast %and3A_1782 : i32 to vector<16xi32>
      %and3A_1784 = arith.andi %shift_right_arithmetic3A_1781, %and3A_1783 : vector<16xi32>
      %or3A_1785 = arith.ori %or3A_1778, %and3A_1784 : vector<16xi32>
      %swap3A_1786 = arith.constant 1 : i32
      %swap3A_1787 = arith.constant 1 : i32
      %swap3A_1788 = arith.index_cast %swap3A_1786 : i32 to index
      %swap3A_1789 = arith.index_cast %swap3A_1787 : i32 to index
      %swap3A_1790 = arith.constant 112 : index
      %swap3A_1791 = tpu.vector_load %arg5[%swap3A_1788, %swap3A_1789, %swap3A_1790] {strides = array<i32>} : memref<2x4x128xi32, #tpu.memory_space<vmem>>, vector<16xi32>,
      tpu.vector_store %arg5[%swap3A_1788, %swap3A_1789, %swap3A_1790], %or3A_1785 {strides = array<i32>} : memref<2x4x128xi32, #tpu.memory_space<vmem>>, vector<16xi32>,
      %get3A_1792 = arith.constant 1 : i32
      %get3A_1793 = arith.constant 2 : i32
      %get3A_1794 = arith.index_cast %get3A_1792 : i32 to index
      %get3A_1795 = arith.index_cast %get3A_1793 : i32 to index
      %get3A_1796 = arith.constant 0 : index
      %get3A_1797 = tpu.vector_load %arg5[%get3A_1794, %get3A_1795, %get3A_1796] {strides = array<i32>} : memref<2x4x128xi32, #tpu.memory_space<vmem>>, vector<16xi32>,
      %shift_right_arithmetic3A_1798 = arith.constant 15 : i32
      %shift_right_arithmetic3A_1799 = vector.broadcast %shift_right_arithmetic3A_1798 : i32 to vector<16xi32>
      %shift_right_arithmetic3A_1800 = arith.shrsi %get3A_1797, %shift_right_arithmetic3A_1799 : vector<16xi32>
      %shift_left3A_1801 = arith.constant 15 : i32
      %shift_left3A_1802 = vector.broadcast %shift_left3A_1801 : i32 to vector<16xi32>
      %shift_left3A_1803 = arith.shli %shift_right_arithmetic3A_1800, %shift_left3A_1802 : vector<16xi32>
      %and3A_1804 = arith.constant 8191 : i32
      %and3A_1805 = vector.broadcast %and3A_1804 : i32 to vector<16xi32>
      %and3A_1806 = arith.andi %get3A_1797, %and3A_1805 : vector<16xi32>
      %shift_left3A_1807 = arith.constant 2 : i32
      %shift_left3A_1808 = vector.broadcast %shift_left3A_1807 : i32 to vector<16xi32>
      %shift_left3A_1809 = arith.shli %and3A_1806, %shift_left3A_1808 : vector<16xi32>
      %or3A_1810 = arith.ori %shift_left3A_1803, %shift_left3A_1809 : vector<16xi32>
      %shift_right_arithmetic3A_1811 = arith.constant 13 : i32
      %shift_right_arithmetic3A_1812 = vector.broadcast %shift_right_arithmetic3A_1811 : i32 to vector<16xi32>
      %shift_right_arithmetic3A_1813 = arith.shrsi %get3A_1797, %shift_right_arithmetic3A_1812 : vector<16xi32>
      %and3A_1814 = arith.constant 3 : i32
      %and3A_1815 = vector.broadcast %and3A_1814 : i32 to vector<16xi32>
      %and3A_1816 = arith.andi %shift_right_arithmetic3A_1813, %and3A_1815 : vector<16xi32>
      %or3A_1817 = arith.ori %or3A_1810, %and3A_1816 : vector<16xi32>
      %swap3A_1818 = arith.constant 1 : i32
      %swap3A_1819 = arith.constant 2 : i32
      %swap3A_1820 = arith.index_cast %swap3A_1818 : i32 to index
      %swap3A_1821 = arith.index_cast %swap3A_1819 : i32 to index
      %swap3A_1822 = arith.constant 0 : index
      %swap3A_1823 = tpu.vector_load %arg5[%swap3A_1820, %swap3A_1821, %swap3A_1822] {strides = array<i32>} : memref<2x4x128xi32, #tpu.memory_space<vmem>>, vector<16xi32>,
      tpu.vector_store %arg5[%swap3A_1820, %swap3A_1821, %swap3A_1822], %or3A_1817 {strides = array<i32>} : memref<2x4x128xi32, #tpu.memory_space<vmem>>, vector<16xi32>,
      %get3A_1824 = arith.constant 1 : i32
      %get3A_1825 = arith.constant 2 : i32
      %get3A_1826 = arith.index_cast %get3A_1824 : i32 to index
      %get3A_1827 = arith.index_cast %get3A_1825 : i32 to index
      %get3A_1828 = arith.constant 16 : index
      %get3A_1829 = tpu.vector_load %arg5[%get3A_1826, %get3A_1827, %get3A_1828] {strides = array<i32>} : memref<2x4x128xi32, #tpu.memory_space<vmem>>, vector<16xi32>,
      %shift_right_arithmetic3A_1830 = arith.constant 15 : i32
      %shift_right_arithmetic3A_1831 = vector.broadcast %shift_right_arithmetic3A_1830 : i32 to vector<16xi32>
      %shift_right_arithmetic3A_1832 = arith.shrsi %get3A_1829, %shift_right_arithmetic3A_1831 : vector<16xi32>
      %shift_left3A_1833 = arith.constant 15 : i32
      %shift_left3A_1834 = vector.broadcast %shift_left3A_1833 : i32 to vector<16xi32>
      %shift_left3A_1835 = arith.shli %shift_right_arithmetic3A_1832, %shift_left3A_1834 : vector<16xi32>
      %and3A_1836 = arith.constant 8191 : i32
      %and3A_1837 = vector.broadcast %and3A_1836 : i32 to vector<16xi32>
      %and3A_1838 = arith.andi %get3A_1829, %and3A_1837 : vector<16xi32>
      %shift_left3A_1839 = arith.constant 2 : i32
      %shift_left3A_1840 = vector.broadcast %shift_left3A_1839 : i32 to vector<16xi32>
      %shift_left3A_1841 = arith.shli %and3A_1838, %shift_left3A_1840 : vector<16xi32>
      %or3A_1842 = arith.ori %shift_left3A_1835, %shift_left3A_1841 : vector<16xi32>
      %shift_right_arithmetic3A_1843 = arith.constant 13 : i32
      %shift_right_arithmetic3A_1844 = vector.broadcast %shift_right_arithmetic3A_1843 : i32 to vector<16xi32>
      %shift_right_arithmetic3A_1845 = arith.shrsi %get3A_1829, %shift_right_arithmetic3A_1844 : vector<16xi32>
      %and3A_1846 = arith.constant 3 : i32
      %and3A_1847 = vector.broadcast %and3A_1846 : i32 to vector<16xi32>
      %and3A_1848 = arith.andi %shift_right_arithmetic3A_1845, %and3A_1847 : vector<16xi32>
      %or3A_1849 = arith.ori %or3A_1842, %and3A_1848 : vector<16xi32>
      %swap3A_1850 = arith.constant 1 : i32
      %swap3A_1851 = arith.constant 2 : i32
      %swap3A_1852 = arith.index_cast %swap3A_1850 : i32 to index
      %swap3A_1853 = arith.index_cast %swap3A_1851 : i32 to index
      %swap3A_1854 = arith.constant 16 : index
      %swap3A_1855 = tpu.vector_load %arg5[%swap3A_1852, %swap3A_1853, %swap3A_1854] {strides = array<i32>} : memref<2x4x128xi32, #tpu.memory_space<vmem>>, vector<16xi32>,
      tpu.vector_store %arg5[%swap3A_1852, %swap3A_1853, %swap3A_1854], %or3A_1849 {strides = array<i32>} : memref<2x4x128xi32, #tpu.memory_space<vmem>>, vector<16xi32>,
      %get3A_1856 = arith.constant 1 : i32
      %get3A_1857 = arith.constant 2 : i32
      %get3A_1858 = arith.index_cast %get3A_1856 : i32 to index
      %get3A_1859 = arith.index_cast %get3A_1857 : i32 to index
      %get3A_1860 = arith.constant 32 : index
      %get3A_1861 = tpu.vector_load %arg5[%get3A_1858, %get3A_1859, %get3A_1860] {strides = array<i32>} : memref<2x4x128xi32, #tpu.memory_space<vmem>>, vector<16xi32>,
      %shift_right_arithmetic3A_1862 = arith.constant 15 : i32
      %shift_right_arithmetic3A_1863 = vector.broadcast %shift_right_arithmetic3A_1862 : i32 to vector<16xi32>
      %shift_right_arithmetic3A_1864 = arith.shrsi %get3A_1861, %shift_right_arithmetic3A_1863 : vector<16xi32>
      %shift_left3A_1865 = arith.constant 15 : i32
      %shift_left3A_1866 = vector.broadcast %shift_left3A_1865 : i32 to vector<16xi32>
      %shift_left3A_1867 = arith.shli %shift_right_arithmetic3A_1864, %shift_left3A_1866 : vector<16xi32>
      %and3A_1868 = arith.constant 8191 : i32
      %and3A_1869 = vector.broadcast %and3A_1868 : i32 to vector<16xi32>
      %and3A_1870 = arith.andi %get3A_1861, %and3A_1869 : vector<16xi32>
      %shift_left3A_1871 = arith.constant 2 : i32
      %shift_left3A_1872 = vector.broadcast %shift_left3A_1871 : i32 to vector<16xi32>
      %shift_left3A_1873 = arith.shli %and3A_1870, %shift_left3A_1872 : vector<16xi32>
      %or3A_1874 = arith.ori %shift_left3A_1867, %shift_left3A_1873 : vector<16xi32>
      %shift_right_arithmetic3A_1875 = arith.constant 13 : i32
      %shift_right_arithmetic3A_1876 = vector.broadcast %shift_right_arithmetic3A_1875 : i32 to vector<16xi32>
      %shift_right_arithmetic3A_1877 = arith.shrsi %get3A_1861, %shift_right_arithmetic3A_1876 : vector<16xi32>
      %and3A_1878 = arith.constant 3 : i32
      %and3A_1879 = vector.broadcast %and3A_1878 : i32 to vector<16xi32>
      %and3A_1880 = arith.andi %shift_right_arithmetic3A_1877, %and3A_1879 : vector<16xi32>
      %or3A_1881 = arith.ori %or3A_1874, %and3A_1880 : vector<16xi32>
      %swap3A_1882 = arith.constant 1 : i32
      %swap3A_1883 = arith.constant 2 : i32
      %swap3A_1884 = arith.index_cast %swap3A_1882 : i32 to index
      %swap3A_1885 = arith.index_cast %swap3A_1883 : i32 to index
      %swap3A_1886 = arith.constant 32 : index
      %swap3A_1887 = tpu.vector_load %arg5[%swap3A_1884, %swap3A_1885, %swap3A_1886] {strides = array<i32>} : memref<2x4x128xi32, #tpu.memory_space<vmem>>, vector<16xi32>,
      tpu.vector_store %arg5[%swap3A_1884, %swap3A_1885, %swap3A_1886], %or3A_1881 {strides = array<i32>} : memref<2x4x128xi32, #tpu.memory_space<vmem>>, vector<16xi32>,
      %get3A_1888 = arith.constant 1 : i32
      %get3A_1889 = arith.constant 2 : i32
      %get3A_1890 = arith.index_cast %get3A_1888 : i32 to index
      %get3A_1891 = arith.index_cast %get3A_1889 : i32 to index
      %get3A_1892 = arith.constant 48 : index
      %get3A_1893 = tpu.vector_load %arg5[%get3A_1890, %get3A_1891, %get3A_1892] {strides = array<i32>} : memref<2x4x128xi32, #tpu.memory_space<vmem>>, vector<16xi32>,
      %shift_right_arithmetic3A_1894 = arith.constant 15 : i32
      %shift_right_arithmetic3A_1895 = vector.broadcast %shift_right_arithmetic3A_1894 : i32 to vector<16xi32>
      %shift_right_arithmetic3A_1896 = arith.shrsi %get3A_1893, %shift_right_arithmetic3A_1895 : vector<16xi32>
      %shift_left3A_1897 = arith.constant 15 : i32
      %shift_left3A_1898 = vector.broadcast %shift_left3A_1897 : i32 to vector<16xi32>
      %shift_left3A_1899 = arith.shli %shift_right_arithmetic3A_1896, %shift_left3A_1898 : vector<16xi32>
      %and3A_1900 = arith.constant 8191 : i32
      %and3A_1901 = vector.broadcast %and3A_1900 : i32 to vector<16xi32>
      %and3A_1902 = arith.andi %get3A_1893, %and3A_1901 : vector<16xi32>
      %shift_left3A_1903 = arith.constant 2 : i32
      %shift_left3A_1904 = vector.broadcast %shift_left3A_1903 : i32 to vector<16xi32>
      %shift_left3A_1905 = arith.shli %and3A_1902, %shift_left3A_1904 : vector<16xi32>
      %or3A_1906 = arith.ori %shift_left3A_1899, %shift_left3A_1905 : vector<16xi32>
      %shift_right_arithmetic3A_1907 = arith.constant 13 : i32
      %shift_right_arithmetic3A_1908 = vector.broadcast %shift_right_arithmetic3A_1907 : i32 to vector<16xi32>
      %shift_right_arithmetic3A_1909 = arith.shrsi %get3A_1893, %shift_right_arithmetic3A_1908 : vector<16xi32>
      %and3A_1910 = arith.constant 3 : i32
      %and3A_1911 = vector.broadcast %and3A_1910 : i32 to vector<16xi32>
      %and3A_1912 = arith.andi %shift_right_arithmetic3A_1909, %and3A_1911 : vector<16xi32>
      %or3A_1913 = arith.ori %or3A_1906, %and3A_1912 : vector<16xi32>
      %swap3A_1914 = arith.constant 1 : i32
      %swap3A_1915 = arith.constant 2 : i32
      %swap3A_1916 = arith.index_cast %swap3A_1914 : i32 to index
      %swap3A_1917 = arith.index_cast %swap3A_1915 : i32 to index
      %swap3A_1918 = arith.constant 48 : index
      %swap3A_1919 = tpu.vector_load %arg5[%swap3A_1916, %swap3A_1917, %swap3A_1918] {strides = array<i32>} : memref<2x4x128xi32, #tpu.memory_space<vmem>>, vector<16xi32>,
      tpu.vector_store %arg5[%swap3A_1916, %swap3A_1917, %swap3A_1918], %or3A_1913 {strides = array<i32>} : memref<2x4x128xi32, #tpu.memory_space<vmem>>, vector<16xi32>,
      %get3A_1920 = arith.constant 1 : i32
      %get3A_1921 = arith.constant 2 : i32
      %get3A_1922 = arith.index_cast %get3A_1920 : i32 to index
      %get3A_1923 = arith.index_cast %get3A_1921 : i32 to index
      %get3A_1924 = arith.constant 64 : index
      %get3A_1925 = tpu.vector_load %arg5[%get3A_1922, %get3A_1923, %get3A_1924] {strides = array<i32>} : memref<2x4x128xi32, #tpu.memory_space<vmem>>, vector<16xi32>,
      %shift_right_arithmetic3A_1926 = arith.constant 15 : i32
      %shift_right_arithmetic3A_1927 = vector.broadcast %shift_right_arithmetic3A_1926 : i32 to vector<16xi32>
      %shift_right_arithmetic3A_1928 = arith.shrsi %get3A_1925, %shift_right_arithmetic3A_1927 : vector<16xi32>
      %shift_left3A_1929 = arith.constant 15 : i32
      %shift_left3A_1930 = vector.broadcast %shift_left3A_1929 : i32 to vector<16xi32>
      %shift_left3A_1931 = arith.shli %shift_right_arithmetic3A_1928, %shift_left3A_1930 : vector<16xi32>
      %and3A_1932 = arith.constant 8191 : i32
      %and3A_1933 = vector.broadcast %and3A_1932 : i32 to vector<16xi32>
      %and3A_1934 = arith.andi %get3A_1925, %and3A_1933 : vector<16xi32>
      %shift_left3A_1935 = arith.constant 2 : i32
      %shift_left3A_1936 = vector.broadcast %shift_left3A_1935 : i32 to vector<16xi32>
      %shift_left3A_1937 = arith.shli %and3A_1934, %shift_left3A_1936 : vector<16xi32>
      %or3A_1938 = arith.ori %shift_left3A_1931, %shift_left3A_1937 : vector<16xi32>
      %shift_right_arithmetic3A_1939 = arith.constant 13 : i32
      %shift_right_arithmetic3A_1940 = vector.broadcast %shift_right_arithmetic3A_1939 : i32 to vector<16xi32>
      %shift_right_arithmetic3A_1941 = arith.shrsi %get3A_1925, %shift_right_arithmetic3A_1940 : vector<16xi32>
      %and3A_1942 = arith.constant 3 : i32
      %and3A_1943 = vector.broadcast %and3A_1942 : i32 to vector<16xi32>
      %and3A_1944 = arith.andi %shift_right_arithmetic3A_1941, %and3A_1943 : vector<16xi32>
      %or3A_1945 = arith.ori %or3A_1938, %and3A_1944 : vector<16xi32>
      %swap3A_1946 = arith.constant 1 : i32
      %swap3A_1947 = arith.constant 2 : i32
      %swap3A_1948 = arith.index_cast %swap3A_1946 : i32 to index
      %swap3A_1949 = arith.index_cast %swap3A_1947 : i32 to index
      %swap3A_1950 = arith.constant 64 : index
      %swap3A_1951 = tpu.vector_load %arg5[%swap3A_1948, %swap3A_1949, %swap3A_1950] {strides = array<i32>} : memref<2x4x128xi32, #tpu.memory_space<vmem>>, vector<16xi32>,
      tpu.vector_store %arg5[%swap3A_1948, %swap3A_1949, %swap3A_1950], %or3A_1945 {strides = array<i32>} : memref<2x4x128xi32, #tpu.memory_space<vmem>>, vector<16xi32>,
      %get3A_1952 = arith.constant 1 : i32
      %get3A_1953 = arith.constant 2 : i32
      %get3A_1954 = arith.index_cast %get3A_1952 : i32 to index
      %get3A_1955 = arith.index_cast %get3A_1953 : i32 to index
      %get3A_1956 = arith.constant 80 : index
      %get3A_1957 = tpu.vector_load %arg5[%get3A_1954, %get3A_1955, %get3A_1956] {strides = array<i32>} : memref<2x4x128xi32, #tpu.memory_space<vmem>>, vector<16xi32>,
      %shift_right_arithmetic3A_1958 = arith.constant 15 : i32
      %shift_right_arithmetic3A_1959 = vector.broadcast %shift_right_arithmetic3A_1958 : i32 to vector<16xi32>
      %shift_right_arithmetic3A_1960 = arith.shrsi %get3A_1957, %shift_right_arithmetic3A_1959 : vector<16xi32>
      %shift_left3A_1961 = arith.constant 15 : i32
      %shift_left3A_1962 = vector.broadcast %shift_left3A_1961 : i32 to vector<16xi32>
      %shift_left3A_1963 = arith.shli %shift_right_arithmetic3A_1960, %shift_left3A_1962 : vector<16xi32>
      %and3A_1964 = arith.constant 8191 : i32
      %and3A_1965 = vector.broadcast %and3A_1964 : i32 to vector<16xi32>
      %and3A_1966 = arith.andi %get3A_1957, %and3A_1965 : vector<16xi32>
      %shift_left3A_1967 = arith.constant 2 : i32
      %shift_left3A_1968 = vector.broadcast %shift_left3A_1967 : i32 to vector<16xi32>
      %shift_left3A_1969 = arith.shli %and3A_1966, %shift_left3A_1968 : vector<16xi32>
      %or3A_1970 = arith.ori %shift_left3A_1963, %shift_left3A_1969 : vector<16xi32>
      %shift_right_arithmetic3A_1971 = arith.constant 13 : i32
      %shift_right_arithmetic3A_1972 = vector.broadcast %shift_right_arithmetic3A_1971 : i32 to vector<16xi32>
      %shift_right_arithmetic3A_1973 = arith.shrsi %get3A_1957, %shift_right_arithmetic3A_1972 : vector<16xi32>
      %and3A_1974 = arith.constant 3 : i32
      %and3A_1975 = vector.broadcast %and3A_1974 : i32 to vector<16xi32>
      %and3A_1976 = arith.andi %shift_right_arithmetic3A_1973, %and3A_1975 : vector<16xi32>
      %or3A_1977 = arith.ori %or3A_1970, %and3A_1976 : vector<16xi32>
      %swap3A_1978 = arith.constant 1 : i32
      %swap3A_1979 = arith.constant 2 : i32
      %swap3A_1980 = arith.index_cast %swap3A_1978 : i32 to index
      %swap3A_1981 = arith.index_cast %swap3A_1979 : i32 to index
      %swap3A_1982 = arith.constant 80 : index
      %swap3A_1983 = tpu.vector_load %arg5[%swap3A_1980, %swap3A_1981, %swap3A_1982] {strides = array<i32>} : memref<2x4x128xi32, #tpu.memory_space<vmem>>, vector<16xi32>,
      tpu.vector_store %arg5[%swap3A_1980, %swap3A_1981, %swap3A_1982], %or3A_1977 {strides = array<i32>} : memref<2x4x128xi32, #tpu.memory_space<vmem>>, vector<16xi32>,
      %get3A_1984 = arith.constant 1 : i32
      %get3A_1985 = arith.constant 2 : i32
      %get3A_1986 = arith.index_cast %get3A_1984 : i32 to index
      %get3A_1987 = arith.index_cast %get3A_1985 : i32 to index
      %get3A_1988 = arith.constant 96 : index
      %get3A_1989 = tpu.vector_load %arg5[%get3A_1986, %get3A_1987, %get3A_1988] {strides = array<i32>} : memref<2x4x128xi32, #tpu.memory_space<vmem>>, vector<16xi32>,
      %shift_right_arithmetic3A_1990 = arith.constant 15 : i32
      %shift_right_arithmetic3A_1991 = vector.broadcast %shift_right_arithmetic3A_1990 : i32 to vector<16xi32>
      %shift_right_arithmetic3A_1992 = arith.shrsi %get3A_1989, %shift_right_arithmetic3A_1991 : vector<16xi32>
      %shift_left3A_1993 = arith.constant 15 : i32
      %shift_left3A_1994 = vector.broadcast %shift_left3A_1993 : i32 to vector<16xi32>
      %shift_left3A_1995 = arith.shli %shift_right_arithmetic3A_1992, %shift_left3A_1994 : vector<16xi32>
      %and3A_1996 = arith.constant 8191 : i32
      %and3A_1997 = vector.broadcast %and3A_1996 : i32 to vector<16xi32>
      %and3A_1998 = arith.andi %get3A_1989, %and3A_1997 : vector<16xi32>
      %shift_left3A_1999 = arith.constant 2 : i32
      %shift_left3A_2000 = vector.broadcast %shift_left3A_1999 : i32 to vector<16xi32>
      %shift_left3A_2001 = arith.shli %and3A_1998, %shift_left3A_2000 : vector<16xi32>
      %or3A_2002 = arith.ori %shift_left3A_1995, %shift_left3A_2001 : vector<16xi32>
      %shift_right_arithmetic3A_2003 = arith.constant 13 : i32
      %shift_right_arithmetic3A_2004 = vector.broadcast %shift_right_arithmetic3A_2003 : i32 to vector<16xi32>
      %shift_right_arithmetic3A_2005 = arith.shrsi %get3A_1989, %shift_right_arithmetic3A_2004 : vector<16xi32>
      %and3A_2006 = arith.constant 3 : i32
      %and3A_2007 = vector.broadcast %and3A_2006 : i32 to vector<16xi32>
      %and3A_2008 = arith.andi %shift_right_arithmetic3A_2005, %and3A_2007 : vector<16xi32>
      %or3A_2009 = arith.ori %or3A_2002, %and3A_2008 : vector<16xi32>
      %swap3A_2010 = arith.constant 1 : i32
      %swap3A_2011 = arith.constant 2 : i32
      %swap3A_2012 = arith.index_cast %swap3A_2010 : i32 to index
      %swap3A_2013 = arith.index_cast %swap3A_2011 : i32 to index
      %swap3A_2014 = arith.constant 96 : index
      %swap3A_2015 = tpu.vector_load %arg5[%swap3A_2012, %swap3A_2013, %swap3A_2014] {strides = array<i32>} : memref<2x4x128xi32, #tpu.memory_space<vmem>>, vector<16xi32>,
      tpu.vector_store %arg5[%swap3A_2012, %swap3A_2013, %swap3A_2014], %or3A_2009 {strides = array<i32>} : memref<2x4x128xi32, #tpu.memory_space<vmem>>, vector<16xi32>,
      %get3A_2016 = arith.constant 1 : i32
      %get3A_2017 = arith.constant 2 : i32
      %get3A_2018 = arith.index_cast %get3A_2016 : i32 to index
      %get3A_2019 = arith.index_cast %get3A_2017 : i32 to index
      %get3A_2020 = arith.constant 112 : index
      %get3A_2021 = tpu.vector_load %arg5[%get3A_2018, %get3A_2019, %get3A_2020] {strides = array<i32>} : memref<2x4x128xi32, #tpu.memory_space<vmem>>, vector<16xi32>,
      %shift_right_arithmetic3A_2022 = arith.constant 15 : i32
      %shift_right_arithmetic3A_2023 = vector.broadcast %shift_right_arithmetic3A_2022 : i32 to vector<16xi32>
      %shift_right_arithmetic3A_2024 = arith.shrsi %get3A_2021, %shift_right_arithmetic3A_2023 : vector<16xi32>
      %shift_left3A_2025 = arith.constant 15 : i32
      %shift_left3A_2026 = vector.broadcast %shift_left3A_2025 : i32 to vector<16xi32>
      %shift_left3A_2027 = arith.shli %shift_right_arithmetic3A_2024, %shift_left3A_2026 : vector<16xi32>
      %and3A_2028 = arith.constant 8191 : i32
      %and3A_2029 = vector.broadcast %and3A_2028 : i32 to vector<16xi32>
      %and3A_2030 = arith.andi %get3A_2021, %and3A_2029 : vector<16xi32>
      %shift_left3A_2031 = arith.constant 2 : i32
      %shift_left3A_2032 = vector.broadcast %shift_left3A_2031 : i32 to vector<16xi32>
      %shift_left3A_2033 = arith.shli %and3A_2030, %shift_left3A_2032 : vector<16xi32>
      %or3A_2034 = arith.ori %shift_left3A_2027, %shift_left3A_2033 : vector<16xi32>
      %shift_right_arithmetic3A_2035 = arith.constant 13 : i32
      %shift_right_arithmetic3A_2036 = vector.broadcast %shift_right_arithmetic3A_2035 : i32 to vector<16xi32>
      %shift_right_arithmetic3A_2037 = arith.shrsi %get3A_2021, %shift_right_arithmetic3A_2036 : vector<16xi32>
      %and3A_2038 = arith.constant 3 : i32
      %and3A_2039 = vector.broadcast %and3A_2038 : i32 to vector<16xi32>
      %and3A_2040 = arith.andi %shift_right_arithmetic3A_2037, %and3A_2039 : vector<16xi32>
      %or3A_2041 = arith.ori %or3A_2034, %and3A_2040 : vector<16xi32>
      %swap3A_2042 = arith.constant 1 : i32
      %swap3A_2043 = arith.constant 2 : i32
      %swap3A_2044 = arith.index_cast %swap3A_2042 : i32 to index
      %swap3A_2045 = arith.index_cast %swap3A_2043 : i32 to index
      %swap3A_2046 = arith.constant 112 : index
      %swap3A_2047 = tpu.vector_load %arg5[%swap3A_2044, %swap3A_2045, %swap3A_2046] {strides = array<i32>} : memref<2x4x128xi32, #tpu.memory_space<vmem>>, vector<16xi32>,
      tpu.vector_store %arg5[%swap3A_2044, %swap3A_2045, %swap3A_2046], %or3A_2041 {strides = array<i32>} : memref<2x4x128xi32, #tpu.memory_space<vmem>>, vector<16xi32>,
      %get3A_2048 = arith.constant 1 : i32
      %get3A_2049 = arith.constant 3 : i32
      %get3A_2050 = arith.index_cast %get3A_2048 : i32 to index
      %get3A_2051 = arith.index_cast %get3A_2049 : i32 to index
      %get3A_2052 = arith.constant 0 : index
      %get3A_2053 = tpu.vector_load %arg5[%get3A_2050, %get3A_2051, %get3A_2052] {strides = array<i32>} : memref<2x4x128xi32, #tpu.memory_space<vmem>>, vector<16xi32>,
      %shift_right_arithmetic3A_2054 = arith.constant 15 : i32
      %shift_right_arithmetic3A_2055 = vector.broadcast %shift_right_arithmetic3A_2054 : i32 to vector<16xi32>
      %shift_right_arithmetic3A_2056 = arith.shrsi %get3A_2053, %shift_right_arithmetic3A_2055 : vector<16xi32>
      %shift_left3A_2057 = arith.constant 15 : i32
      %shift_left3A_2058 = vector.broadcast %shift_left3A_2057 : i32 to vector<16xi32>
      %shift_left3A_2059 = arith.shli %shift_right_arithmetic3A_2056, %shift_left3A_2058 : vector<16xi32>
      %and3A_2060 = arith.constant 8191 : i32
      %and3A_2061 = vector.broadcast %and3A_2060 : i32 to vector<16xi32>
      %and3A_2062 = arith.andi %get3A_2053, %and3A_2061 : vector<16xi32>
      %shift_left3A_2063 = arith.constant 2 : i32
      %shift_left3A_2064 = vector.broadcast %shift_left3A_2063 : i32 to vector<16xi32>
      %shift_left3A_2065 = arith.shli %and3A_2062, %shift_left3A_2064 : vector<16xi32>
      %or3A_2066 = arith.ori %shift_left3A_2059, %shift_left3A_2065 : vector<16xi32>
      %shift_right_arithmetic3A_2067 = arith.constant 13 : i32
      %shift_right_arithmetic3A_2068 = vector.broadcast %shift_right_arithmetic3A_2067 : i32 to vector<16xi32>
      %shift_right_arithmetic3A_2069 = arith.shrsi %get3A_2053, %shift_right_arithmetic3A_2068 : vector<16xi32>
      %and3A_2070 = arith.constant 3 : i32
      %and3A_2071 = vector.broadcast %and3A_2070 : i32 to vector<16xi32>
      %and3A_2072 = arith.andi %shift_right_arithmetic3A_2069, %and3A_2071 : vector<16xi32>
      %or3A_2073 = arith.ori %or3A_2066, %and3A_2072 : vector<16xi32>
      %swap3A_2074 = arith.constant 1 : i32
      %swap3A_2075 = arith.constant 3 : i32
      %swap3A_2076 = arith.index_cast %swap3A_2074 : i32 to index
      %swap3A_2077 = arith.index_cast %swap3A_2075 : i32 to index
      %swap3A_2078 = arith.constant 0 : index
      %swap3A_2079 = tpu.vector_load %arg5[%swap3A_2076, %swap3A_2077, %swap3A_2078] {strides = array<i32>} : memref<2x4x128xi32, #tpu.memory_space<vmem>>, vector<16xi32>,
      tpu.vector_store %arg5[%swap3A_2076, %swap3A_2077, %swap3A_2078], %or3A_2073 {strides = array<i32>} : memref<2x4x128xi32, #tpu.memory_space<vmem>>, vector<16xi32>,
      %get3A_2080 = arith.constant 1 : i32
      %get3A_2081 = arith.constant 3 : i32
      %get3A_2082 = arith.index_cast %get3A_2080 : i32 to index
      %get3A_2083 = arith.index_cast %get3A_2081 : i32 to index
      %get3A_2084 = arith.constant 16 : index
      %get3A_2085 = tpu.vector_load %arg5[%get3A_2082, %get3A_2083, %get3A_2084] {strides = array<i32>} : memref<2x4x128xi32, #tpu.memory_space<vmem>>, vector<16xi32>,
      %shift_right_arithmetic3A_2086 = arith.constant 15 : i32
      %shift_right_arithmetic3A_2087 = vector.broadcast %shift_right_arithmetic3A_2086 : i32 to vector<16xi32>
      %shift_right_arithmetic3A_2088 = arith.shrsi %get3A_2085, %shift_right_arithmetic3A_2087 : vector<16xi32>
      %shift_left3A_2089 = arith.constant 15 : i32
      %shift_left3A_2090 = vector.broadcast %shift_left3A_2089 : i32 to vector<16xi32>
      %shift_left3A_2091 = arith.shli %shift_right_arithmetic3A_2088, %shift_left3A_2090 : vector<16xi32>
      %and3A_2092 = arith.constant 8191 : i32
      %and3A_2093 = vector.broadcast %and3A_2092 : i32 to vector<16xi32>
      %and3A_2094 = arith.andi %get3A_2085, %and3A_2093 : vector<16xi32>
      %shift_left3A_2095 = arith.constant 2 : i32
      %shift_left3A_2096 = vector.broadcast %shift_left3A_2095 : i32 to vector<16xi32>
      %shift_left3A_2097 = arith.shli %and3A_2094, %shift_left3A_2096 : vector<16xi32>
      %or3A_2098 = arith.ori %shift_left3A_2091, %shift_left3A_2097 : vector<16xi32>
      %shift_right_arithmetic3A_2099 = arith.constant 13 : i32
      %shift_right_arithmetic3A_2100 = vector.broadcast %shift_right_arithmetic3A_2099 : i32 to vector<16xi32>
      %shift_right_arithmetic3A_2101 = arith.shrsi %get3A_2085, %shift_right_arithmetic3A_2100 : vector<16xi32>
      %and3A_2102 = arith.constant 3 : i32
      %and3A_2103 = vector.broadcast %and3A_2102 : i32 to vector<16xi32>
      %and3A_2104 = arith.andi %shift_right_arithmetic3A_2101, %and3A_2103 : vector<16xi32>
      %or3A_2105 = arith.ori %or3A_2098, %and3A_2104 : vector<16xi32>
      %swap3A_2106 = arith.constant 1 : i32
      %swap3A_2107 = arith.constant 3 : i32
      %swap3A_2108 = arith.index_cast %swap3A_2106 : i32 to index
      %swap3A_2109 = arith.index_cast %swap3A_2107 : i32 to index
      %swap3A_2110 = arith.constant 16 : index
      %swap3A_2111 = tpu.vector_load %arg5[%swap3A_2108, %swap3A_2109, %swap3A_2110] {strides = array<i32>} : memref<2x4x128xi32, #tpu.memory_space<vmem>>, vector<16xi32>,
      tpu.vector_store %arg5[%swap3A_2108, %swap3A_2109, %swap3A_2110], %or3A_2105 {strides = array<i32>} : memref<2x4x128xi32, #tpu.memory_space<vmem>>, vector<16xi32>,
      %get3A_2112 = arith.constant 1 : i32
      %get3A_2113 = arith.constant 3 : i32
      %get3A_2114 = arith.index_cast %get3A_2112 : i32 to index
      %get3A_2115 = arith.index_cast %get3A_2113 : i32 to index
      %get3A_2116 = arith.constant 32 : index
      %get3A_2117 = tpu.vector_load %arg5[%get3A_2114, %get3A_2115, %get3A_2116] {strides = array<i32>} : memref<2x4x128xi32, #tpu.memory_space<vmem>>, vector<16xi32>,
      %shift_right_arithmetic3A_2118 = arith.constant 15 : i32
      %shift_right_arithmetic3A_2119 = vector.broadcast %shift_right_arithmetic3A_2118 : i32 to vector<16xi32>
      %shift_right_arithmetic3A_2120 = arith.shrsi %get3A_2117, %shift_right_arithmetic3A_2119 : vector<16xi32>
      %shift_left3A_2121 = arith.constant 15 : i32
      %shift_left3A_2122 = vector.broadcast %shift_left3A_2121 : i32 to vector<16xi32>
      %shift_left3A_2123 = arith.shli %shift_right_arithmetic3A_2120, %shift_left3A_2122 : vector<16xi32>
      %and3A_2124 = arith.constant 8191 : i32
      %and3A_2125 = vector.broadcast %and3A_2124 : i32 to vector<16xi32>
      %and3A_2126 = arith.andi %get3A_2117, %and3A_2125 : vector<16xi32>
      %shift_left3A_2127 = arith.constant 2 : i32
      %shift_left3A_2128 = vector.broadcast %shift_left3A_2127 : i32 to vector<16xi32>
      %shift_left3A_2129 = arith.shli %and3A_2126, %shift_left3A_2128 : vector<16xi32>
      %or3A_2130 = arith.ori %shift_left3A_2123, %shift_left3A_2129 : vector<16xi32>
      %shift_right_arithmetic3A_2131 = arith.constant 13 : i32
      %shift_right_arithmetic3A_2132 = vector.broadcast %shift_right_arithmetic3A_2131 : i32 to vector<16xi32>
      %shift_right_arithmetic3A_2133 = arith.shrsi %get3A_2117, %shift_right_arithmetic3A_2132 : vector<16xi32>
      %and3A_2134 = arith.constant 3 : i32
      %and3A_2135 = vector.broadcast %and3A_2134 : i32 to vector<16xi32>
      %and3A_2136 = arith.andi %shift_right_arithmetic3A_2133, %and3A_2135 : vector<16xi32>
      %or3A_2137 = arith.ori %or3A_2130, %and3A_2136 : vector<16xi32>
      %swap3A_2138 = arith.constant 1 : i32
      %swap3A_2139 = arith.constant 3 : i32
      %swap3A_2140 = arith.index_cast %swap3A_2138 : i32 to index
      %swap3A_2141 = arith.index_cast %swap3A_2139 : i32 to index
      %swap3A_2142 = arith.constant 32 : index
      %swap3A_2143 = tpu.vector_load %arg5[%swap3A_2140, %swap3A_2141, %swap3A_2142] {strides = array<i32>} : memref<2x4x128xi32, #tpu.memory_space<vmem>>, vector<16xi32>,
      tpu.vector_store %arg5[%swap3A_2140, %swap3A_2141, %swap3A_2142], %or3A_2137 {strides = array<i32>} : memref<2x4x128xi32, #tpu.memory_space<vmem>>, vector<16xi32>,
      %get3A_2144 = arith.constant 1 : i32
      %get3A_2145 = arith.constant 3 : i32
      %get3A_2146 = arith.index_cast %get3A_2144 : i32 to index
      %get3A_2147 = arith.index_cast %get3A_2145 : i32 to index
      %get3A_2148 = arith.constant 48 : index
      %get3A_2149 = tpu.vector_load %arg5[%get3A_2146, %get3A_2147, %get3A_2148] {strides = array<i32>} : memref<2x4x128xi32, #tpu.memory_space<vmem>>, vector<16xi32>,
      %shift_right_arithmetic3A_2150 = arith.constant 15 : i32
      %shift_right_arithmetic3A_2151 = vector.broadcast %shift_right_arithmetic3A_2150 : i32 to vector<16xi32>
      %shift_right_arithmetic3A_2152 = arith.shrsi %get3A_2149, %shift_right_arithmetic3A_2151 : vector<16xi32>
      %shift_left3A_2153 = arith.constant 15 : i32
      %shift_left3A_2154 = vector.broadcast %shift_left3A_2153 : i32 to vector<16xi32>
      %shift_left3A_2155 = arith.shli %shift_right_arithmetic3A_2152, %shift_left3A_2154 : vector<16xi32>
      %and3A_2156 = arith.constant 8191 : i32
      %and3A_2157 = vector.broadcast %and3A_2156 : i32 to vector<16xi32>
      %and3A_2158 = arith.andi %get3A_2149, %and3A_2157 : vector<16xi32>
      %shift_left3A_2159 = arith.constant 2 : i32
      %shift_left3A_2160 = vector.broadcast %shift_left3A_2159 : i32 to vector<16xi32>
      %shift_left3A_2161 = arith.shli %and3A_2158, %shift_left3A_2160 : vector<16xi32>
      %or3A_2162 = arith.ori %shift_left3A_2155, %shift_left3A_2161 : vector<16xi32>
      %shift_right_arithmetic3A_2163 = arith.constant 13 : i32
      %shift_right_arithmetic3A_2164 = vector.broadcast %shift_right_arithmetic3A_2163 : i32 to vector<16xi32>
      %shift_right_arithmetic3A_2165 = arith.shrsi %get3A_2149, %shift_right_arithmetic3A_2164 : vector<16xi32>
      %and3A_2166 = arith.constant 3 : i32
      %and3A_2167 = vector.broadcast %and3A_2166 : i32 to vector<16xi32>
      %and3A_2168 = arith.andi %shift_right_arithmetic3A_2165, %and3A_2167 : vector<16xi32>
      %or3A_2169 = arith.ori %or3A_2162, %and3A_2168 : vector<16xi32>
      %swap3A_2170 = arith.constant 1 : i32
      %swap3A_2171 = arith.constant 3 : i32
      %swap3A_2172 = arith.index_cast %swap3A_2170 : i32 to index
      %swap3A_2173 = arith.index_cast %swap3A_2171 : i32 to index
      %swap3A_2174 = arith.constant 48 : index
      %swap3A_2175 = tpu.vector_load %arg5[%swap3A_2172, %swap3A_2173, %swap3A_2174] {strides = array<i32>} : memref<2x4x128xi32, #tpu.memory_space<vmem>>, vector<16xi32>,
      tpu.vector_store %arg5[%swap3A_2172, %swap3A_2173, %swap3A_2174], %or3A_2169 {strides = array<i32>} : memref<2x4x128xi32, #tpu.memory_space<vmem>>, vector<16xi32>,
      %get3A_2176 = arith.constant 1 : i32
      %get3A_2177 = arith.constant 3 : i32
      %get3A_2178 = arith.index_cast %get3A_2176 : i32 to index
      %get3A_2179 = arith.index_cast %get3A_2177 : i32 to index
      %get3A_2180 = arith.constant 64 : index
      %get3A_2181 = tpu.vector_load %arg5[%get3A_2178, %get3A_2179, %get3A_2180] {strides = array<i32>} : memref<2x4x128xi32, #tpu.memory_space<vmem>>, vector<16xi32>,
      %shift_right_arithmetic3A_2182 = arith.constant 15 : i32
      %shift_right_arithmetic3A_2183 = vector.broadcast %shift_right_arithmetic3A_2182 : i32 to vector<16xi32>
      %shift_right_arithmetic3A_2184 = arith.shrsi %get3A_2181, %shift_right_arithmetic3A_2183 : vector<16xi32>
      %shift_left3A_2185 = arith.constant 15 : i32
      %shift_left3A_2186 = vector.broadcast %shift_left3A_2185 : i32 to vector<16xi32>
      %shift_left3A_2187 = arith.shli %shift_right_arithmetic3A_2184, %shift_left3A_2186 : vector<16xi32>
      %and3A_2188 = arith.constant 8191 : i32
      %and3A_2189 = vector.broadcast %and3A_2188 : i32 to vector<16xi32>
      %and3A_2190 = arith.andi %get3A_2181, %and3A_2189 : vector<16xi32>
      %shift_left3A_2191 = arith.constant 2 : i32
      %shift_left3A_2192 = vector.broadcast %shift_left3A_2191 : i32 to vector<16xi32>
      %shift_left3A_2193 = arith.shli %and3A_2190, %shift_left3A_2192 : vector<16xi32>
      %or3A_2194 = arith.ori %shift_left3A_2187, %shift_left3A_2193 : vector<16xi32>
      %shift_right_arithmetic3A_2195 = arith.constant 13 : i32
      %shift_right_arithmetic3A_2196 = vector.broadcast %shift_right_arithmetic3A_2195 : i32 to vector<16xi32>
      %shift_right_arithmetic3A_2197 = arith.shrsi %get3A_2181, %shift_right_arithmetic3A_2196 : vector<16xi32>
      %and3A_2198 = arith.constant 3 : i32
      %and3A_2199 = vector.broadcast %and3A_2198 : i32 to vector<16xi32>
      %and3A_2200 = arith.andi %shift_right_arithmetic3A_2197, %and3A_2199 : vector<16xi32>
      %or3A_2201 = arith.ori %or3A_2194, %and3A_2200 : vector<16xi32>
      %swap3A_2202 = arith.constant 1 : i32
      %swap3A_2203 = arith.constant 3 : i32
      %swap3A_2204 = arith.index_cast %swap3A_2202 : i32 to index
      %swap3A_2205 = arith.index_cast %swap3A_2203 : i32 to index
      %swap3A_2206 = arith.constant 64 : index
      %swap3A_2207 = tpu.vector_load %arg5[%swap3A_2204, %swap3A_2205, %swap3A_2206] {strides = array<i32>} : memref<2x4x128xi32, #tpu.memory_space<vmem>>, vector<16xi32>,
      tpu.vector_store %arg5[%swap3A_2204, %swap3A_2205, %swap3A_2206], %or3A_2201 {strides = array<i32>} : memref<2x4x128xi32, #tpu.memory_space<vmem>>, vector<16xi32>,
      %get3A_2208 = arith.constant 1 : i32
      %get3A_2209 = arith.constant 3 : i32
      %get3A_2210 = arith.index_cast %get3A_2208 : i32 to index
      %get3A_2211 = arith.index_cast %get3A_2209 : i32 to index
      %get3A_2212 = arith.constant 80 : index
      %get3A_2213 = tpu.vector_load %arg5[%get3A_2210, %get3A_2211, %get3A_2212] {strides = array<i32>} : memref<2x4x128xi32, #tpu.memory_space<vmem>>, vector<16xi32>,
      %shift_right_arithmetic3A_2214 = arith.constant 15 : i32
      %shift_right_arithmetic3A_2215 = vector.broadcast %shift_right_arithmetic3A_2214 : i32 to vector<16xi32>
      %shift_right_arithmetic3A_2216 = arith.shrsi %get3A_2213, %shift_right_arithmetic3A_2215 : vector<16xi32>
      %shift_left3A_2217 = arith.constant 15 : i32
      %shift_left3A_2218 = vector.broadcast %shift_left3A_2217 : i32 to vector<16xi32>
      %shift_left3A_2219 = arith.shli %shift_right_arithmetic3A_2216, %shift_left3A_2218 : vector<16xi32>
      %and3A_2220 = arith.constant 8191 : i32
      %and3A_2221 = vector.broadcast %and3A_2220 : i32 to vector<16xi32>
      %and3A_2222 = arith.andi %get3A_2213, %and3A_2221 : vector<16xi32>
      %shift_left3A_2223 = arith.constant 2 : i32
      %shift_left3A_2224 = vector.broadcast %shift_left3A_2223 : i32 to vector<16xi32>
      %shift_left3A_2225 = arith.shli %and3A_2222, %shift_left3A_2224 : vector<16xi32>
      %or3A_2226 = arith.ori %shift_left3A_2219, %shift_left3A_2225 : vector<16xi32>
      %shift_right_arithmetic3A_2227 = arith.constant 13 : i32
      %shift_right_arithmetic3A_2228 = vector.broadcast %shift_right_arithmetic3A_2227 : i32 to vector<16xi32>
      %shift_right_arithmetic3A_2229 = arith.shrsi %get3A_2213, %shift_right_arithmetic3A_2228 : vector<16xi32>
      %and3A_2230 = arith.constant 3 : i32
      %and3A_2231 = vector.broadcast %and3A_2230 : i32 to vector<16xi32>
      %and3A_2232 = arith.andi %shift_right_arithmetic3A_2229, %and3A_2231 : vector<16xi32>
      %or3A_2233 = arith.ori %or3A_2226, %and3A_2232 : vector<16xi32>
      %swap3A_2234 = arith.constant 1 : i32
      %swap3A_2235 = arith.constant 3 : i32
      %swap3A_2236 = arith.index_cast %swap3A_2234 : i32 to index
      %swap3A_2237 = arith.index_cast %swap3A_2235 : i32 to index
      %swap3A_2238 = arith.constant 80 : index
      %swap3A_2239 = tpu.vector_load %arg5[%swap3A_2236, %swap3A_2237, %swap3A_2238] {strides = array<i32>} : memref<2x4x128xi32, #tpu.memory_space<vmem>>, vector<16xi32>,
      tpu.vector_store %arg5[%swap3A_2236, %swap3A_2237, %swap3A_2238], %or3A_2233 {strides = array<i32>} : memref<2x4x128xi32, #tpu.memory_space<vmem>>, vector<16xi32>,
      %get3A_2240 = arith.constant 1 : i32
      %get3A_2241 = arith.constant 3 : i32
      %get3A_2242 = arith.index_cast %get3A_2240 : i32 to index
      %get3A_2243 = arith.index_cast %get3A_2241 : i32 to index
      %get3A_2244 = arith.constant 96 : index
      %get3A_2245 = tpu.vector_load %arg5[%get3A_2242, %get3A_2243, %get3A_2244] {strides = array<i32>} : memref<2x4x128xi32, #tpu.memory_space<vmem>>, vector<16xi32>,
      %shift_right_arithmetic3A_2246 = arith.constant 15 : i32
      %shift_right_arithmetic3A_2247 = vector.broadcast %shift_right_arithmetic3A_2246 : i32 to vector<16xi32>
      %shift_right_arithmetic3A_2248 = arith.shrsi %get3A_2245, %shift_right_arithmetic3A_2247 : vector<16xi32>
      %shift_left3A_2249 = arith.constant 15 : i32
      %shift_left3A_2250 = vector.broadcast %shift_left3A_2249 : i32 to vector<16xi32>
      %shift_left3A_2251 = arith.shli %shift_right_arithmetic3A_2248, %shift_left3A_2250 : vector<16xi32>
      %and3A_2252 = arith.constant 8191 : i32
      %and3A_2253 = vector.broadcast %and3A_2252 : i32 to vector<16xi32>
      %and3A_2254 = arith.andi %get3A_2245, %and3A_2253 : vector<16xi32>
      %shift_left3A_2255 = arith.constant 2 : i32
      %shift_left3A_2256 = vector.broadcast %shift_left3A_2255 : i32 to vector<16xi32>
      %shift_left3A_2257 = arith.shli %and3A_2254, %shift_left3A_2256 : vector<16xi32>
      %or3A_2258 = arith.ori %shift_left3A_2251, %shift_left3A_2257 : vector<16xi32>
      %shift_right_arithmetic3A_2259 = arith.constant 13 : i32
      %shift_right_arithmetic3A_2260 = vector.broadcast %shift_right_arithmetic3A_2259 : i32 to vector<16xi32>
      %shift_right_arithmetic3A_2261 = arith.shrsi %get3A_2245, %shift_right_arithmetic3A_2260 : vector<16xi32>
      %and3A_2262 = arith.constant 3 : i32
      %and3A_2263 = vector.broadcast %and3A_2262 : i32 to vector<16xi32>
      %and3A_2264 = arith.andi %shift_right_arithmetic3A_2261, %and3A_2263 : vector<16xi32>
      %or3A_2265 = arith.ori %or3A_2258, %and3A_2264 : vector<16xi32>
      %swap3A_2266 = arith.constant 1 : i32
      %swap3A_2267 = arith.constant 3 : i32
      %swap3A_2268 = arith.index_cast %swap3A_2266 : i32 to index
      %swap3A_2269 = arith.index_cast %swap3A_2267 : i32 to index
      %swap3A_2270 = arith.constant 96 : index
      %swap3A_2271 = tpu.vector_load %arg5[%swap3A_2268, %swap3A_2269, %swap3A_2270] {strides = array<i32>} : memref<2x4x128xi32, #tpu.memory_space<vmem>>, vector<16xi32>,
      tpu.vector_store %arg5[%swap3A_2268, %swap3A_2269, %swap3A_2270], %or3A_2265 {strides = array<i32>} : memref<2x4x128xi32, #tpu.memory_space<vmem>>, vector<16xi32>,
      %get3A_2272 = arith.constant 1 : i32
      %get3A_2273 = arith.constant 3 : i32
      %get3A_2274 = arith.index_cast %get3A_2272 : i32 to index
      %get3A_2275 = arith.index_cast %get3A_2273 : i32 to index
      %get3A_2276 = arith.constant 112 : index
      %get3A_2277 = tpu.vector_load %arg5[%get3A_2274, %get3A_2275, %get3A_2276] {strides = array<i32>} : memref<2x4x128xi32, #tpu.memory_space<vmem>>, vector<16xi32>,
      %shift_right_arithmetic3A_2278 = arith.constant 15 : i32
      %shift_right_arithmetic3A_2279 = vector.broadcast %shift_right_arithmetic3A_2278 : i32 to vector<16xi32>
      %shift_right_arithmetic3A_2280 = arith.shrsi %get3A_2277, %shift_right_arithmetic3A_2279 : vector<16xi32>
      %shift_left3A_2281 = arith.constant 15 : i32
      %shift_left3A_2282 = vector.broadcast %shift_left3A_2281 : i32 to vector<16xi32>
      %shift_left3A_2283 = arith.shli %shift_right_arithmetic3A_2280, %shift_left3A_2282 : vector<16xi32>
      %and3A_2284 = arith.constant 8191 : i32
      %and3A_2285 = vector.broadcast %and3A_2284 : i32 to vector<16xi32>
      %and3A_2286 = arith.andi %get3A_2277, %and3A_2285 : vector<16xi32>
      %shift_left3A_2287 = arith.constant 2 : i32
      %shift_left3A_2288 = vector.broadcast %shift_left3A_2287 : i32 to vector<16xi32>
      %shift_left3A_2289 = arith.shli %and3A_2286, %shift_left3A_2288 : vector<16xi32>
      %or3A_2290 = arith.ori %shift_left3A_2283, %shift_left3A_2289 : vector<16xi32>
      %shift_right_arithmetic3A_2291 = arith.constant 13 : i32
      %shift_right_arithmetic3A_2292 = vector.broadcast %shift_right_arithmetic3A_2291 : i32 to vector<16xi32>
      %shift_right_arithmetic3A_2293 = arith.shrsi %get3A_2277, %shift_right_arithmetic3A_2292 : vector<16xi32>
      %and3A_2294 = arith.constant 3 : i32
      %and3A_2295 = vector.broadcast %and3A_2294 : i32 to vector<16xi32>
      %and3A_2296 = arith.andi %shift_right_arithmetic3A_2293, %and3A_2295 : vector<16xi32>
      %or3A_2297 = arith.ori %or3A_2290, %and3A_2296 : vector<16xi32>
      %swap3A_2298 = arith.constant 1 : i32
      %swap3A_2299 = arith.constant 3 : i32
      %swap3A_2300 = arith.index_cast %swap3A_2298 : i32 to index
      %swap3A_2301 = arith.index_cast %swap3A_2299 : i32 to index
      %swap3A_2302 = arith.constant 112 : index
      %swap3A_2303 = tpu.vector_load %arg5[%swap3A_2300, %swap3A_2301, %swap3A_2302] {strides = array<i32>} : memref<2x4x128xi32, #tpu.memory_space<vmem>>, vector<16xi32>,
      tpu.vector_store %arg5[%swap3A_2300, %swap3A_2301, %swap3A_2302], %or3A_2297 {strides = array<i32>} : memref<2x4x128xi32, #tpu.memory_space<vmem>>, vector<16xi32>,
      %dma_start3A_2304 = arith.constant 1 : i32
      %dma_start3A_2305 = arith.constant 0 : i32
      %dma_start3A_2306 = arith.constant 1 : i32
      %dma_start3A_2307 = arith.constant 0 : i32
      %dma_start3A_2308 = arith.constant 0 : i32
      %dma_start3A_2309 = tpu.memref_slice %arg6[%dma_start3A_2306, %dma_start3A_2307, %dma_start3A_2308] : memref<2x512x32xf32, #tpu.memory_space<vmem>> -> memref<1x128x32xf32, #tpu.memory_space<vmem>>
      %dma_start3A_2310 = tpu.memref_squeeze %dma_start3A_2309 : memref<1x128x32xf32, #tpu.memory_space<vmem>> -> memref<128x32xf32, #tpu.memory_space<vmem>>
      %dma_start3A_2311 = arith.constant 0 : i32
      %dma_start3A_2312 = tpu.memref_slice %arg5[%dma_start3A_2304, %dma_start3A_2305, %dma_start3A_2311] : memref<2x4x128xi32, #tpu.memory_space<vmem>> -> memref<1x1x128xi32, #tpu.memory_space<vmem>>
      %dma_start3A_2313 = tpu.memref_squeeze %dma_start3A_2312 : memref<1x1x128xi32, #tpu.memory_space<vmem>> -> memref<128xi32, #tpu.memory_space<vmem>>
      %dma_start3A_2314 = arith.constant 0 : i32
      %dma_start3A_2315 = arith.constant 0 : i32
      %dma_start3A_2316 = tpu.memref_slice %arg3[%dma_start3A_2314, %dma_start3A_2315] : memref<1015808x32xf32, #tpu.memory_space<hbm>> -> memref<1015808x32xf32, #tpu.memory_space<hbm>>
      tpu.enqueue_indirect_dma source(%dma_start3A_2316 : memref<1015808x32xf32, #tpu.memory_space<hbm>>) target(%dma_start3A_2310 : memref<128x32xf32, #tpu.memory_space<vmem>>) offsets(%dma_start3A_2313 : memref<128xi32, #tpu.memory_space<vmem>>) semaphore(%arg9 : memref<!tpu.dma_semaphore, #tpu.memory_space<semaphore_mem>>)
      %dma_start3A_2317 = arith.constant 1 : i32
      %dma_start3A_2318 = arith.constant 1 : i32
      %dma_start3A_2319 = arith.constant 1 : i32
      %dma_start3A_2320 = arith.constant 128 : i32
      %dma_start3A_2321 = arith.constant 0 : i32
      %dma_start3A_2322 = tpu.memref_slice %arg6[%dma_start3A_2319, %dma_start3A_2320, %dma_start3A_2321] : memref<2x512x32xf32, #tpu.memory_space<vmem>> -> memref<1x128x32xf32, #tpu.memory_space<vmem>>
      %dma_start3A_2323 = tpu.memref_squeeze %dma_start3A_2322 : memref<1x128x32xf32, #tpu.memory_space<vmem>> -> memref<128x32xf32, #tpu.memory_space<vmem>>
      %dma_start3A_2324 = arith.constant 0 : i32
      %dma_start3A_2325 = tpu.memref_slice %arg5[%dma_start3A_2317, %dma_start3A_2318, %dma_start3A_2324] : memref<2x4x128xi32, #tpu.memory_space<vmem>> -> memref<1x1x128xi32, #tpu.memory_space<vmem>>
      %dma_start3A_2326 = tpu.memref_squeeze %dma_start3A_2325 : memref<1x1x128xi32, #tpu.memory_space<vmem>> -> memref<128xi32, #tpu.memory_space<vmem>>
      %dma_start3A_2327 = arith.constant 0 : i32
      %dma_start3A_2328 = arith.constant 0 : i32
      %dma_start3A_2329 = tpu.memref_slice %arg3[%dma_start3A_2327, %dma_start3A_2328] : memref<1015808x32xf32, #tpu.memory_space<hbm>> -> memref<1015808x32xf32, #tpu.memory_space<hbm>>
      tpu.enqueue_indirect_dma source(%dma_start3A_2329 : memref<1015808x32xf32, #tpu.memory_space<hbm>>) target(%dma_start3A_2323 : memref<128x32xf32, #tpu.memory_space<vmem>>) offsets(%dma_start3A_2326 : memref<128xi32, #tpu.memory_space<vmem>>) semaphore(%arg9 : memref<!tpu.dma_semaphore, #tpu.memory_space<semaphore_mem>>)
      %dma_start3A_2330 = arith.constant 1 : i32
      %dma_start3A_2331 = arith.constant 2 : i32
      %dma_start3A_2332 = arith.constant 1 : i32
      %dma_start3A_2333 = arith.constant 256 : i32
      %dma_start3A_2334 = arith.constant 0 : i32
      %dma_start3A_2335 = tpu.memref_slice %arg6[%dma_start3A_2332, %dma_start3A_2333, %dma_start3A_2334] : memref<2x512x32xf32, #tpu.memory_space<vmem>> -> memref<1x128x32xf32, #tpu.memory_space<vmem>>
      %dma_start3A_2336 = tpu.memref_squeeze %dma_start3A_2335 : memref<1x128x32xf32, #tpu.memory_space<vmem>> -> memref<128x32xf32, #tpu.memory_space<vmem>>
      %dma_start3A_2337 = arith.constant 0 : i32
      %dma_start3A_2338 = tpu.memref_slice %arg5[%dma_start3A_2330, %dma_start3A_2331, %dma_start3A_2337] : memref<2x4x128xi32, #tpu.memory_space<vmem>> -> memref<1x1x128xi32, #tpu.memory_space<vmem>>
      %dma_start3A_2339 = tpu.memref_squeeze %dma_start3A_2338 : memref<1x1x128xi32, #tpu.memory_space<vmem>> -> memref<128xi32, #tpu.memory_space<vmem>>
      %dma_start3A_2340 = arith.constant 0 : i32
      %dma_start3A_2341 = arith.constant 0 : i32
      %dma_start3A_2342 = tpu.memref_slice %arg3[%dma_start3A_2340, %dma_start3A_2341] : memref<1015808x32xf32, #tpu.memory_space<hbm>> -> memref<1015808x32xf32, #tpu.memory_space<hbm>>
      tpu.enqueue_indirect_dma source(%dma_start3A_2342 : memref<1015808x32xf32, #tpu.memory_space<hbm>>) target(%dma_start3A_2336 : memref<128x32xf32, #tpu.memory_space<vmem>>) offsets(%dma_start3A_2339 : memref<128xi32, #tpu.memory_space<vmem>>) semaphore(%arg9 : memref<!tpu.dma_semaphore, #tpu.memory_space<semaphore_mem>>)
      %dma_start3A_2343 = arith.constant 1 : i32
      %dma_start3A_2344 = arith.constant 3 : i32
      %dma_start3A_2345 = arith.constant 1 : i32
      %dma_start3A_2346 = arith.constant 384 : i32
      %dma_start3A_2347 = arith.constant 0 : i32
      %dma_start3A_2348 = tpu.memref_slice %arg6[%dma_start3A_2345, %dma_start3A_2346, %dma_start3A_2347] : memref<2x512x32xf32, #tpu.memory_space<vmem>> -> memref<1x128x32xf32, #tpu.memory_space<vmem>>
      %dma_start3A_2349 = tpu.memref_squeeze %dma_start3A_2348 : memref<1x128x32xf32, #tpu.memory_space<vmem>> -> memref<128x32xf32, #tpu.memory_space<vmem>>
      %dma_start3A_2350 = arith.constant 0 : i32
      %dma_start3A_2351 = tpu.memref_slice %arg5[%dma_start3A_2343, %dma_start3A_2344, %dma_start3A_2350] : memref<2x4x128xi32, #tpu.memory_space<vmem>> -> memref<1x1x128xi32, #tpu.memory_space<vmem>>
      %dma_start3A_2352 = tpu.memref_squeeze %dma_start3A_2351 : memref<1x1x128xi32, #tpu.memory_space<vmem>> -> memref<128xi32, #tpu.memory_space<vmem>>
      %dma_start3A_2353 = arith.constant 0 : i32
      %dma_start3A_2354 = arith.constant 0 : i32
      %dma_start3A_2355 = tpu.memref_slice %arg3[%dma_start3A_2353, %dma_start3A_2354] : memref<1015808x32xf32, #tpu.memory_space<hbm>> -> memref<1015808x32xf32, #tpu.memory_space<hbm>>
      tpu.enqueue_indirect_dma source(%dma_start3A_2355 : memref<1015808x32xf32, #tpu.memory_space<hbm>>) target(%dma_start3A_2349 : memref<128x32xf32, #tpu.memory_space<vmem>>) offsets(%dma_start3A_2352 : memref<128xi32, #tpu.memory_space<vmem>>) semaphore(%arg9 : memref<!tpu.dma_semaphore, #tpu.memory_space<semaphore_mem>>)
      %dma_wait3A_2356 = arith.constant 0 : i32
      %dma_wait3A_2357 = arith.constant 0 : i32
      %dma_wait3A_2358 = arith.constant 0 : i32
      %dma_wait3A_2359 = arith.constant 0 : i32
      %dma_wait3A_2360 = arith.constant 0 : i32
      %dma_wait3A_2361 = tpu.memref_slice %arg6[%dma_wait3A_2358, %dma_wait3A_2359, %dma_wait3A_2360] : memref<2x512x32xf32, #tpu.memory_space<vmem>> -> memref<1x128x32xf32, #tpu.memory_space<vmem>>
      %dma_wait3A_2362 = tpu.memref_squeeze %dma_wait3A_2361 : memref<1x128x32xf32, #tpu.memory_space<vmem>> -> memref<128x32xf32, #tpu.memory_space<vmem>>
      %dma_wait3A_2363 = arith.constant 0 : i32
      %dma_wait3A_2364 = tpu.memref_slice %arg5[%dma_wait3A_2356, %dma_wait3A_2357, %dma_wait3A_2363] : memref<2x4x128xi32, #tpu.memory_space<vmem>> -> memref<1x1x128xi32, #tpu.memory_space<vmem>>
      %dma_wait3A_2365 = tpu.memref_squeeze %dma_wait3A_2364 : memref<1x1x128xi32, #tpu.memory_space<vmem>> -> memref<128xi32, #tpu.memory_space<vmem>>
      %dma_wait3A_2366 = arith.constant 0 : i32
      %dma_wait3A_2367 = arith.constant 0 : i32
      %dma_wait3A_2368 = tpu.memref_slice %arg3[%dma_wait3A_2366, %dma_wait3A_2367] : memref<1015808x32xf32, #tpu.memory_space<hbm>> -> memref<1015808x32xf32, #tpu.memory_space<hbm>>
      tpu.wait_indirect_dma semaphore(%arg8 : memref<!tpu.dma_semaphore, #tpu.memory_space<semaphore_mem>>) src(%dma_wait3A_2368 : memref<1015808x32xf32, #tpu.memory_space<hbm>>) dst(%dma_wait3A_2362 : memref<128x32xf32, #tpu.memory_space<vmem>>)
      %dma_wait3A_2369 = arith.constant 0 : i32
      %dma_wait3A_2370 = arith.constant 1 : i32
      %dma_wait3A_2371 = arith.constant 0 : i32
      %dma_wait3A_2372 = arith.constant 128 : i32
      %dma_wait3A_2373 = arith.constant 0 : i32
      %dma_wait3A_2374 = tpu.memref_slice %arg6[%dma_wait3A_2371, %dma_wait3A_2372, %dma_wait3A_2373] : memref<2x512x32xf32, #tpu.memory_space<vmem>> -> memref<1x128x32xf32, #tpu.memory_space<vmem>>
      %dma_wait3A_2375 = tpu.memref_squeeze %dma_wait3A_2374 : memref<1x128x32xf32, #tpu.memory_space<vmem>> -> memref<128x32xf32, #tpu.memory_space<vmem>>
      %dma_wait3A_2376 = arith.constant 0 : i32
      %dma_wait3A_2377 = tpu.memref_slice %arg5[%dma_wait3A_2369, %dma_wait3A_2370, %dma_wait3A_2376] : memref<2x4x128xi32, #tpu.memory_space<vmem>> -> memref<1x1x128xi32, #tpu.memory_space<vmem>>
      %dma_wait3A_2378 = tpu.memref_squeeze %dma_wait3A_2377 : memref<1x1x128xi32, #tpu.memory_space<vmem>> -> memref<128xi32, #tpu.memory_space<vmem>>
      %dma_wait3A_2379 = arith.constant 0 : i32
      %dma_wait3A_2380 = arith.constant 0 : i32
      %dma_wait3A_2381 = tpu.memref_slice %arg3[%dma_wait3A_2379, %dma_wait3A_2380] : memref<1015808x32xf32, #tpu.memory_space<hbm>> -> memref<1015808x32xf32, #tpu.memory_space<hbm>>
      tpu.wait_indirect_dma semaphore(%arg8 : memref<!tpu.dma_semaphore, #tpu.memory_space<semaphore_mem>>) src(%dma_wait3A_2381 : memref<1015808x32xf32, #tpu.memory_space<hbm>>) dst(%dma_wait3A_2375 : memref<128x32xf32, #tpu.memory_space<vmem>>)
      %dma_wait3A_2382 = arith.constant 0 : i32
      %dma_wait3A_2383 = arith.constant 2 : i32
      %dma_wait3A_2384 = arith.constant 0 : i32
      %dma_wait3A_2385 = arith.constant 256 : i32
      %dma_wait3A_2386 = arith.constant 0 : i32
      %dma_wait3A_2387 = tpu.memref_slice %arg6[%dma_wait3A_2384, %dma_wait3A_2385, %dma_wait3A_2386] : memref<2x512x32xf32, #tpu.memory_space<vmem>> -> memref<1x128x32xf32, #tpu.memory_space<vmem>>
      %dma_wait3A_2388 = tpu.memref_squeeze %dma_wait3A_2387 : memref<1x128x32xf32, #tpu.memory_space<vmem>> -> memref<128x32xf32, #tpu.memory_space<vmem>>
      %dma_wait3A_2389 = arith.constant 0 : i32
      %dma_wait3A_2390 = tpu.memref_slice %arg5[%dma_wait3A_2382, %dma_wait3A_2383, %dma_wait3A_2389] : memref<2x4x128xi32, #tpu.memory_space<vmem>> -> memref<1x1x128xi32, #tpu.memory_space<vmem>>
      %dma_wait3A_2391 = tpu.memref_squeeze %dma_wait3A_2390 : memref<1x1x128xi32, #tpu.memory_space<vmem>> -> memref<128xi32, #tpu.memory_space<vmem>>
      %dma_wait3A_2392 = arith.constant 0 : i32
      %dma_wait3A_2393 = arith.constant 0 : i32
      %dma_wait3A_2394 = tpu.memref_slice %arg3[%dma_wait3A_2392, %dma_wait3A_2393] : memref<1015808x32xf32, #tpu.memory_space<hbm>> -> memref<1015808x32xf32, #tpu.memory_space<hbm>>
      tpu.wait_indirect_dma semaphore(%arg8 : memref<!tpu.dma_semaphore, #tpu.memory_space<semaphore_mem>>) src(%dma_wait3A_2394 : memref<1015808x32xf32, #tpu.memory_space<hbm>>) dst(%dma_wait3A_2388 : memref<128x32xf32, #tpu.memory_space<vmem>>)
      %dma_wait3A_2395 = arith.constant 0 : i32
      %dma_wait3A_2396 = arith.constant 3 : i32
      %dma_wait3A_2397 = arith.constant 0 : i32
      %dma_wait3A_2398 = arith.constant 384 : i32
      %dma_wait3A_2399 = arith.constant 0 : i32
      %dma_wait3A_2400 = tpu.memref_slice %arg6[%dma_wait3A_2397, %dma_wait3A_2398, %dma_wait3A_2399] : memref<2x512x32xf32, #tpu.memory_space<vmem>> -> memref<1x128x32xf32, #tpu.memory_space<vmem>>
      %dma_wait3A_2401 = tpu.memref_squeeze %dma_wait3A_2400 : memref<1x128x32xf32, #tpu.memory_space<vmem>> -> memref<128x32xf32, #tpu.memory_space<vmem>>
      %dma_wait3A_2402 = arith.constant 0 : i32
      %dma_wait3A_2403 = tpu.memref_slice %arg5[%dma_wait3A_2395, %dma_wait3A_2396, %dma_wait3A_2402] : memref<2x4x128xi32, #tpu.memory_space<vmem>> -> memref<1x1x128xi32, #tpu.memory_space<vmem>>
      %dma_wait3A_2404 = tpu.memref_squeeze %dma_wait3A_2403 : memref<1x1x128xi32, #tpu.memory_space<vmem>> -> memref<128xi32, #tpu.memory_space<vmem>>
      %dma_wait3A_2405 = arith.constant 0 : i32
      %dma_wait3A_2406 = arith.constant 0 : i32
      %dma_wait3A_2407 = tpu.memref_slice %arg3[%dma_wait3A_2405, %dma_wait3A_2406] : memref<1015808x32xf32, #tpu.memory_space<hbm>> -> memref<1015808x32xf32, #tpu.memory_space<hbm>>
      tpu.wait_indirect_dma semaphore(%arg8 : memref<!tpu.dma_semaphore, #tpu.memory_space<semaphore_mem>>) src(%dma_wait3A_2407 : memref<1015808x32xf32, #tpu.memory_space<hbm>>) dst(%dma_wait3A_2401 : memref<128x32xf32, #tpu.memory_space<vmem>>)
      %gt3A = arith.constant 0 : i32
      %gt3A_2408 = arith.cmpi sgt, %scan3A_1270, %gt3A : i32
      %convert_element_type3A = arith.extui %gt3A_2408 : i1 to i32
      %cond3A = arith.constant 0 : i32
      %cond3A_2409 = arith.cmpi ne, %convert_element_type3A, %cond3A : i32
      scf.if %cond3A_2409 {
        %sub3A_2648 = arith.constant 2 : i32
        %sub3A_2649 = arith.subi %mul3A_1273, %sub3A_2648 : i32
        %mul3A_2650 = arith.constant 512 : i32
        %mul3A_2651 = arith.muli %sub3A_2649, %mul3A_2650 : i32
        %add3A_2652 = arith.constant 0 : i32
        %add3A_2653 = arith.addi %mul3A_2651, %add3A_2652 : i32
        %add3A_2654 = arith.addi %add3A_2653, %mul3A_2 : i32
        %mul3A_2655 = arith.constant 8 : i32
        %mul3A_2656 = arith.muli %add3A_2654, %mul3A_2655 : i32
        %dma_wait3A_2657 = arith.constant 0 : i32
        %dma_wait3A_2658 = arith.constant 0 : i32
        %dma_wait3A_2659 = arith.constant 0 : i32
        %dma_wait3A_2660 = arith.constant 0 : i32
        %dma_wait3A_2661 = tpu.memref_slice %arg7[%dma_wait3A_2657, %dma_wait3A_2658, %dma_wait3A_2659, %dma_wait3A_2660] : memref<2x4x40x129xf32, #tpu.memory_space<vmem>> -> memref<1x1x32x128xf32, #tpu.memory_space<vmem>>
        %dma_wait3A_2662 = tpu.memref_squeeze %dma_wait3A_2661 : memref<1x1x32x128xf32, #tpu.memory_space<vmem>> -> memref<32x128xf32, #tpu.memory_space<vmem>>
        %dma_wait3A_2663 = arith.constant 0 : i32
        %dma_wait3A_2664 = tpu.memref_slice %arg4[%mul3A_2656, %dma_wait3A_2663] : memref<819200x128xf32, #tpu.memory_space<hbm>> -> memref<32x128xf32, #tpu.memory_space<hbm>>
        %dma_wait3A_2665 = arith.constant 0 : i32
        %dma_wait3A_2666 = tpu.memref_slice %arg4[%mul3A_2656, %dma_wait3A_2665] : memref<819200x128xf32, #tpu.memory_space<hbm>> -> memref<32x128xf32, #tpu.memory_space<hbm>>
        %dma_wait3A_2667 = arith.constant 0 : i32
        %dma_wait3A_2668 = arith.constant 0 : i32
        %dma_wait3A_2669 = tpu.memref_slice %arg7[%dma_wait3A_2657, %dma_wait3A_2658, %dma_wait3A_2667, %dma_wait3A_2668] : memref<2x4x40x129xf32, #tpu.memory_space<vmem>> -> memref<1x1x32x128xf32, #tpu.memory_space<vmem>>
        %dma_wait3A_2670 = tpu.memref_squeeze %dma_wait3A_2669 : memref<1x1x32x128xf32, #tpu.memory_space<vmem>> -> memref<32x128xf32, #tpu.memory_space<vmem>>
        tpu.wait_dma2 semaphore(%arg10 : memref<!tpu.dma_semaphore, #tpu.memory_space<semaphore_mem>>) src(%dma_wait3A_2670 : memref<32x128xf32, #tpu.memory_space<vmem>>) dst(%dma_wait3A_2666 : memref<32x128xf32, #tpu.memory_space<hbm>>)
        %mul3A_2671 = arith.constant 512 : i32
        %mul3A_2672 = arith.muli %sub3A_2649, %mul3A_2671 : i32
        %add3A_2673 = arith.constant 128 : i32
        %add3A_2674 = arith.addi %mul3A_2672, %add3A_2673 : i32
        %add3A_2675 = arith.addi %add3A_2674, %mul3A_2 : i32
        %mul3A_2676 = arith.constant 8 : i32
        %mul3A_2677 = arith.muli %add3A_2675, %mul3A_2676 : i32
        %dma_wait3A_2678 = arith.constant 0 : i32
        %dma_wait3A_2679 = arith.constant 1 : i32
        %dma_wait3A_2680 = arith.constant 0 : i32
        %dma_wait3A_2681 = arith.constant 0 : i32
        %dma_wait3A_2682 = tpu.memref_slice %arg7[%dma_wait3A_2678, %dma_wait3A_2679, %dma_wait3A_2680, %dma_wait3A_2681] : memref<2x4x40x129xf32, #tpu.memory_space<vmem>> -> memref<1x1x32x128xf32, #tpu.memory_space<vmem>>
        %dma_wait3A_2683 = tpu.memref_squeeze %dma_wait3A_2682 : memref<1x1x32x128xf32, #tpu.memory_space<vmem>> -> memref<32x128xf32, #tpu.memory_space<vmem>>
        %dma_wait3A_2684 = arith.constant 0 : i32
        %dma_wait3A_2685 = tpu.memref_slice %arg4[%mul3A_2677, %dma_wait3A_2684] : memref<819200x128xf32, #tpu.memory_space<hbm>> -> memref<32x128xf32, #tpu.memory_space<hbm>>
        %dma_wait3A_2686 = arith.constant 0 : i32
        %dma_wait3A_2687 = tpu.memref_slice %arg4[%mul3A_2677, %dma_wait3A_2686] : memref<819200x128xf32, #tpu.memory_space<hbm>> -> memref<32x128xf32, #tpu.memory_space<hbm>>
        %dma_wait3A_2688 = arith.constant 0 : i32
        %dma_wait3A_2689 = arith.constant 0 : i32
        %dma_wait3A_2690 = tpu.memref_slice %arg7[%dma_wait3A_2678, %dma_wait3A_2679, %dma_wait3A_2688, %dma_wait3A_2689] : memref<2x4x40x129xf32, #tpu.memory_space<vmem>> -> memref<1x1x32x128xf32, #tpu.memory_space<vmem>>
        %dma_wait3A_2691 = tpu.memref_squeeze %dma_wait3A_2690 : memref<1x1x32x128xf32, #tpu.memory_space<vmem>> -> memref<32x128xf32, #tpu.memory_space<vmem>>
        tpu.wait_dma2 semaphore(%arg10 : memref<!tpu.dma_semaphore, #tpu.memory_space<semaphore_mem>>) src(%dma_wait3A_2691 : memref<32x128xf32, #tpu.memory_space<vmem>>) dst(%dma_wait3A_2687 : memref<32x128xf32, #tpu.memory_space<hbm>>)
        %mul3A_2692 = arith.constant 512 : i32
        %mul3A_2693 = arith.muli %sub3A_2649, %mul3A_2692 : i32
        %add3A_2694 = arith.constant 256 : i32
        %add3A_2695 = arith.addi %mul3A_2693, %add3A_2694 : i32
        %add3A_2696 = arith.addi %add3A_2695, %mul3A_2 : i32
        %mul3A_2697 = arith.constant 8 : i32
        %mul3A_2698 = arith.muli %add3A_2696, %mul3A_2697 : i32
        %dma_wait3A_2699 = arith.constant 0 : i32
        %dma_wait3A_2700 = arith.constant 2 : i32
        %dma_wait3A_2701 = arith.constant 0 : i32
        %dma_wait3A_2702 = arith.constant 0 : i32
        %dma_wait3A_2703 = tpu.memref_slice %arg7[%dma_wait3A_2699, %dma_wait3A_2700, %dma_wait3A_2701, %dma_wait3A_2702] : memref<2x4x40x129xf32, #tpu.memory_space<vmem>> -> memref<1x1x32x128xf32, #tpu.memory_space<vmem>>
        %dma_wait3A_2704 = tpu.memref_squeeze %dma_wait3A_2703 : memref<1x1x32x128xf32, #tpu.memory_space<vmem>> -> memref<32x128xf32, #tpu.memory_space<vmem>>
        %dma_wait3A_2705 = arith.constant 0 : i32
        %dma_wait3A_2706 = tpu.memref_slice %arg4[%mul3A_2698, %dma_wait3A_2705] : memref<819200x128xf32, #tpu.memory_space<hbm>> -> memref<32x128xf32, #tpu.memory_space<hbm>>
        %dma_wait3A_2707 = arith.constant 0 : i32
        %dma_wait3A_2708 = tpu.memref_slice %arg4[%mul3A_2698, %dma_wait3A_2707] : memref<819200x128xf32, #tpu.memory_space<hbm>> -> memref<32x128xf32, #tpu.memory_space<hbm>>
        %dma_wait3A_2709 = arith.constant 0 : i32
        %dma_wait3A_2710 = arith.constant 0 : i32
        %dma_wait3A_2711 = tpu.memref_slice %arg7[%dma_wait3A_2699, %dma_wait3A_2700, %dma_wait3A_2709, %dma_wait3A_2710] : memref<2x4x40x129xf32, #tpu.memory_space<vmem>> -> memref<1x1x32x128xf32, #tpu.memory_space<vmem>>
        %dma_wait3A_2712 = tpu.memref_squeeze %dma_wait3A_2711 : memref<1x1x32x128xf32, #tpu.memory_space<vmem>> -> memref<32x128xf32, #tpu.memory_space<vmem>>
        tpu.wait_dma2 semaphore(%arg10 : memref<!tpu.dma_semaphore, #tpu.memory_space<semaphore_mem>>) src(%dma_wait3A_2712 : memref<32x128xf32, #tpu.memory_space<vmem>>) dst(%dma_wait3A_2708 : memref<32x128xf32, #tpu.memory_space<hbm>>)
        %mul3A_2713 = arith.constant 512 : i32
        %mul3A_2714 = arith.muli %sub3A_2649, %mul3A_2713 : i32
        %add3A_2715 = arith.constant 384 : i32
        %add3A_2716 = arith.addi %mul3A_2714, %add3A_2715 : i32
        %add3A_2717 = arith.addi %add3A_2716, %mul3A_2 : i32
        %mul3A_2718 = arith.constant 8 : i32
        %mul3A_2719 = arith.muli %add3A_2717, %mul3A_2718 : i32
        %dma_wait3A_2720 = arith.constant 0 : i32
        %dma_wait3A_2721 = arith.constant 3 : i32
        %dma_wait3A_2722 = arith.constant 0 : i32
        %dma_wait3A_2723 = arith.constant 0 : i32
        %dma_wait3A_2724 = tpu.memref_slice %arg7[%dma_wait3A_2720, %dma_wait3A_2721, %dma_wait3A_2722, %dma_wait3A_2723] : memref<2x4x40x129xf32, #tpu.memory_space<vmem>> -> memref<1x1x32x128xf32, #tpu.memory_space<vmem>>
        %dma_wait3A_2725 = tpu.memref_squeeze %dma_wait3A_2724 : memref<1x1x32x128xf32, #tpu.memory_space<vmem>> -> memref<32x128xf32, #tpu.memory_space<vmem>>
        %dma_wait3A_2726 = arith.constant 0 : i32
        %dma_wait3A_2727 = tpu.memref_slice %arg4[%mul3A_2719, %dma_wait3A_2726] : memref<819200x128xf32, #tpu.memory_space<hbm>> -> memref<32x128xf32, #tpu.memory_space<hbm>>
        %dma_wait3A_2728 = arith.constant 0 : i32
        %dma_wait3A_2729 = tpu.memref_slice %arg4[%mul3A_2719, %dma_wait3A_2728] : memref<819200x128xf32, #tpu.memory_space<hbm>> -> memref<32x128xf32, #tpu.memory_space<hbm>>
        %dma_wait3A_2730 = arith.constant 0 : i32
        %dma_wait3A_2731 = arith.constant 0 : i32
        %dma_wait3A_2732 = tpu.memref_slice %arg7[%dma_wait3A_2720, %dma_wait3A_2721, %dma_wait3A_2730, %dma_wait3A_2731] : memref<2x4x40x129xf32, #tpu.memory_space<vmem>> -> memref<1x1x32x128xf32, #tpu.memory_space<vmem>>
        %dma_wait3A_2733 = tpu.memref_squeeze %dma_wait3A_2732 : memref<1x1x32x128xf32, #tpu.memory_space<vmem>> -> memref<32x128xf32, #tpu.memory_space<vmem>>
        tpu.wait_dma2 semaphore(%arg10 : memref<!tpu.dma_semaphore, #tpu.memory_space<semaphore_mem>>) src(%dma_wait3A_2733 : memref<32x128xf32, #tpu.memory_space<vmem>>) dst(%dma_wait3A_2729 : memref<32x128xf32, #tpu.memory_space<hbm>>)
      } else {
      }
      %parallel_loop3A = arith.constant 0 : i32
      %parallel_loop3A_2410 = arith.constant 512 : i32
      %parallel_loop3A_2411 = arith.constant 1 : i32
      scf.for %parallel_loop3A_2648 = %parallel_loop3A to %parallel_loop3A_2410 step %parallel_loop3A_2411  : i32 {
        %parallel_loop3A_2649 = arith.constant 7 : i32
        %parallel_loop3A_2650 = arith.shrsi %parallel_loop3A_2648, %parallel_loop3A_2649 : i32
        %parallel_loop3A_2651 = arith.constant 8 : i32
        %parallel_loop3A_2652 = arith.muli %parallel_loop3A_2650, %parallel_loop3A_2651 : i32
        %parallel_loop3A_2653 = vector.broadcast %parallel_loop3A_2652 : i32 to vector<16xi32>
        %parallel_loop3A_2654 = arith.addi %select_n3A_48, %parallel_loop3A_2653 : vector<16xi32>
        %parallel_loop3A_2655 = arith.constant 127 : i32
        %parallel_loop3A_2656 = arith.andi %parallel_loop3A_2648, %parallel_loop3A_2655 : i32
        %parallel_loop3A_2657 = vector.broadcast %parallel_loop3A_2656 : i32 to vector<16xi32>
        %parallel_loop3A_2658 = arith.constant 0 : i32
        %parallel_loop3A_2659 = arith.index_cast %parallel_loop3A_2658 : i32 to index
        %parallel_loop3A_2660 = arith.index_cast %parallel_loop3A_2648 : i32 to index
        %parallel_loop3A_2661 = arith.constant 0 : index
        %parallel_loop3A_2662 = tpu.vector_load %arg6[%parallel_loop3A_2659, %parallel_loop3A_2660, %parallel_loop3A_2661] {strides = array<i32>} : memref<2x512x32xf32, #tpu.memory_space<vmem>>, vector<16xf32>,
        %parallel_loop3A_2663 = arith.constant 0 : i32
        %parallel_loop3A_2664 = arith.index_cast %parallel_loop3A_2663 : i32 to index
        %parallel_loop3A_2665 = arith.index_cast %parallel_loop3A_2648 : i32 to index
        %parallel_loop3A_2666 = arith.constant 16 : index
        %parallel_loop3A_2667 = tpu.vector_load %arg6[%parallel_loop3A_2664, %parallel_loop3A_2665, %parallel_loop3A_2666] {strides = array<i32>} : memref<2x512x32xf32, #tpu.memory_space<vmem>>, vector<16xf32>,
        %parallel_loop3A_2668 = arith.constant 0 : i32
        %parallel_loop3A_2669 = arith.constant 0 : i32
        %parallel_loop3A_2670 = arith.constant 0 : i32
        %parallel_loop3A_2671 = arith.constant 0 : i32
        %parallel_loop3A_2672 = tpu.memref_slice %arg7[%parallel_loop3A_2668, %parallel_loop3A_2669, %parallel_loop3A_2670, %parallel_loop3A_2671] : memref<2x4x40x129xf32, #tpu.memory_space<vmem>> -> memref<1x4x40x129xf32, #tpu.memory_space<vmem>>
        %parallel_loop3A_2673 = tpu.memref_squeeze %parallel_loop3A_2672 : memref<1x4x40x129xf32, #tpu.memory_space<vmem>> -> memref<4x40x129xf32, #tpu.memory_space<vmem>>
        tpu.vector_store_idx %parallel_loop3A_2673[%select_n3A, %parallel_loop3A_2654, %parallel_loop3A_2657], %parallel_loop3A_2662 : memref<4x40x129xf32, #tpu.memory_space<vmem>>[vector<16xi32>, vector<16xi32>, vector<16xi32>], vector<16xf32>,
        %parallel_loop3A_2674 = arith.constant 0 : i32
        %parallel_loop3A_2675 = arith.constant 0 : i32
        %parallel_loop3A_2676 = arith.constant 0 : i32
        %parallel_loop3A_2677 = arith.constant 0 : i32
        %parallel_loop3A_2678 = tpu.memref_slice %arg7[%parallel_loop3A_2674, %parallel_loop3A_2675, %parallel_loop3A_2676, %parallel_loop3A_2677] : memref<2x4x40x129xf32, #tpu.memory_space<vmem>> -> memref<1x4x40x129xf32, #tpu.memory_space<vmem>>
        %parallel_loop3A_2679 = tpu.memref_squeeze %parallel_loop3A_2678 : memref<1x4x40x129xf32, #tpu.memory_space<vmem>> -> memref<4x40x129xf32, #tpu.memory_space<vmem>>
        tpu.vector_store_idx %parallel_loop3A_2679[%add3A_28, %parallel_loop3A_2654, %parallel_loop3A_2657], %parallel_loop3A_2667 : memref<4x40x129xf32, #tpu.memory_space<vmem>>[vector<16xi32>, vector<16xi32>, vector<16xi32>], vector<16xf32>,
      } {sc.loop_unroll_factor = 8 : i64, sc.parallel_access}
      %mul3A_2412 = arith.constant 512 : i32
      %mul3A_2413 = arith.muli %mul3A_1273, %mul3A_2412 : i32
      %add3A_2414 = arith.constant 0 : i32
      %add3A_2415 = arith.addi %mul3A_2413, %add3A_2414 : i32
      %add3A_2416 = arith.addi %add3A_2415, %mul3A_2 : i32
      %mul3A_2417 = arith.constant 8 : i32
      %mul3A_2418 = arith.muli %add3A_2416, %mul3A_2417 : i32
      %dma_start3A_2419 = arith.constant 0 : i32
      %dma_start3A_2420 = arith.constant 0 : i32
      %dma_start3A_2421 = arith.constant 0 : i32
      %dma_start3A_2422 = arith.constant 0 : i32
      %dma_start3A_2423 = tpu.memref_slice %arg7[%dma_start3A_2419, %dma_start3A_2420, %dma_start3A_2421, %dma_start3A_2422] : memref<2x4x40x129xf32, #tpu.memory_space<vmem>> -> memref<1x1x32x128xf32, #tpu.memory_space<vmem>>
      %dma_start3A_2424 = tpu.memref_squeeze %dma_start3A_2423 : memref<1x1x32x128xf32, #tpu.memory_space<vmem>> -> memref<32x128xf32, #tpu.memory_space<vmem>>
      %dma_start3A_2425 = arith.constant 0 : i32
      %dma_start3A_2426 = tpu.memref_slice %arg4[%mul3A_2418, %dma_start3A_2425] : memref<819200x128xf32, #tpu.memory_space<hbm>> -> memref<32x128xf32, #tpu.memory_space<hbm>>
      %dma_start3A_2427 = arith.constant 0 : i32
      %dma_start3A_2428 = tpu.memref_slice %arg4[%mul3A_2418, %dma_start3A_2427] : memref<819200x128xf32, #tpu.memory_space<hbm>> -> memref<32x128xf32, #tpu.memory_space<hbm>>
      %dma_start3A_2429 = arith.constant 0 : i32
      %dma_start3A_2430 = arith.constant 0 : i32
      %dma_start3A_2431 = tpu.memref_slice %arg7[%dma_start3A_2419, %dma_start3A_2420, %dma_start3A_2429, %dma_start3A_2430] : memref<2x4x40x129xf32, #tpu.memory_space<vmem>> -> memref<1x1x32x128xf32, #tpu.memory_space<vmem>>
      %dma_start3A_2432 = tpu.memref_squeeze %dma_start3A_2431 : memref<1x1x32x128xf32, #tpu.memory_space<vmem>> -> memref<32x128xf32, #tpu.memory_space<vmem>>
      tpu.enqueue_dma source(%dma_start3A_2432 : memref<32x128xf32, #tpu.memory_space<vmem>>) target(%dma_start3A_2428 : memref<32x128xf32, #tpu.memory_space<hbm>>) target_semaphore(%arg10 : memref<!tpu.dma_semaphore, #tpu.memory_space<semaphore_mem>>)
      %mul3A_2433 = arith.constant 512 : i32
      %mul3A_2434 = arith.muli %mul3A_1273, %mul3A_2433 : i32
      %add3A_2435 = arith.constant 128 : i32
      %add3A_2436 = arith.addi %mul3A_2434, %add3A_2435 : i32
      %add3A_2437 = arith.addi %add3A_2436, %mul3A_2 : i32
      %mul3A_2438 = arith.constant 8 : i32
      %mul3A_2439 = arith.muli %add3A_2437, %mul3A_2438 : i32
      %dma_start3A_2440 = arith.constant 0 : i32
      %dma_start3A_2441 = arith.constant 1 : i32
      %dma_start3A_2442 = arith.constant 0 : i32
      %dma_start3A_2443 = arith.constant 0 : i32
      %dma_start3A_2444 = tpu.memref_slice %arg7[%dma_start3A_2440, %dma_start3A_2441, %dma_start3A_2442, %dma_start3A_2443] : memref<2x4x40x129xf32, #tpu.memory_space<vmem>> -> memref<1x1x32x128xf32, #tpu.memory_space<vmem>>
      %dma_start3A_2445 = tpu.memref_squeeze %dma_start3A_2444 : memref<1x1x32x128xf32, #tpu.memory_space<vmem>> -> memref<32x128xf32, #tpu.memory_space<vmem>>
      %dma_start3A_2446 = arith.constant 0 : i32
      %dma_start3A_2447 = tpu.memref_slice %arg4[%mul3A_2439, %dma_start3A_2446] : memref<819200x128xf32, #tpu.memory_space<hbm>> -> memref<32x128xf32, #tpu.memory_space<hbm>>
      %dma_start3A_2448 = arith.constant 0 : i32
      %dma_start3A_2449 = tpu.memref_slice %arg4[%mul3A_2439, %dma_start3A_2448] : memref<819200x128xf32, #tpu.memory_space<hbm>> -> memref<32x128xf32, #tpu.memory_space<hbm>>
      %dma_start3A_2450 = arith.constant 0 : i32
      %dma_start3A_2451 = arith.constant 0 : i32
      %dma_start3A_2452 = tpu.memref_slice %arg7[%dma_start3A_2440, %dma_start3A_2441, %dma_start3A_2450, %dma_start3A_2451] : memref<2x4x40x129xf32, #tpu.memory_space<vmem>> -> memref<1x1x32x128xf32, #tpu.memory_space<vmem>>
      %dma_start3A_2453 = tpu.memref_squeeze %dma_start3A_2452 : memref<1x1x32x128xf32, #tpu.memory_space<vmem>> -> memref<32x128xf32, #tpu.memory_space<vmem>>
      tpu.enqueue_dma source(%dma_start3A_2453 : memref<32x128xf32, #tpu.memory_space<vmem>>) target(%dma_start3A_2449 : memref<32x128xf32, #tpu.memory_space<hbm>>) target_semaphore(%arg10 : memref<!tpu.dma_semaphore, #tpu.memory_space<semaphore_mem>>)
      %mul3A_2454 = arith.constant 512 : i32
      %mul3A_2455 = arith.muli %mul3A_1273, %mul3A_2454 : i32
      %add3A_2456 = arith.constant 256 : i32
      %add3A_2457 = arith.addi %mul3A_2455, %add3A_2456 : i32
      %add3A_2458 = arith.addi %add3A_2457, %mul3A_2 : i32
      %mul3A_2459 = arith.constant 8 : i32
      %mul3A_2460 = arith.muli %add3A_2458, %mul3A_2459 : i32
      %dma_start3A_2461 = arith.constant 0 : i32
      %dma_start3A_2462 = arith.constant 2 : i32
      %dma_start3A_2463 = arith.constant 0 : i32
      %dma_start3A_2464 = arith.constant 0 : i32
      %dma_start3A_2465 = tpu.memref_slice %arg7[%dma_start3A_2461, %dma_start3A_2462, %dma_start3A_2463, %dma_start3A_2464] : memref<2x4x40x129xf32, #tpu.memory_space<vmem>> -> memref<1x1x32x128xf32, #tpu.memory_space<vmem>>
      %dma_start3A_2466 = tpu.memref_squeeze %dma_start3A_2465 : memref<1x1x32x128xf32, #tpu.memory_space<vmem>> -> memref<32x128xf32, #tpu.memory_space<vmem>>
      %dma_start3A_2467 = arith.constant 0 : i32
      %dma_start3A_2468 = tpu.memref_slice %arg4[%mul3A_2460, %dma_start3A_2467] : memref<819200x128xf32, #tpu.memory_space<hbm>> -> memref<32x128xf32, #tpu.memory_space<hbm>>
      %dma_start3A_2469 = arith.constant 0 : i32
      %dma_start3A_2470 = tpu.memref_slice %arg4[%mul3A_2460, %dma_start3A_2469] : memref<819200x128xf32, #tpu.memory_space<hbm>> -> memref<32x128xf32, #tpu.memory_space<hbm>>
      %dma_start3A_2471 = arith.constant 0 : i32
      %dma_start3A_2472 = arith.constant 0 : i32
      %dma_start3A_2473 = tpu.memref_slice %arg7[%dma_start3A_2461, %dma_start3A_2462, %dma_start3A_2471, %dma_start3A_2472] : memref<2x4x40x129xf32, #tpu.memory_space<vmem>> -> memref<1x1x32x128xf32, #tpu.memory_space<vmem>>
      %dma_start3A_2474 = tpu.memref_squeeze %dma_start3A_2473 : memref<1x1x32x128xf32, #tpu.memory_space<vmem>> -> memref<32x128xf32, #tpu.memory_space<vmem>>
      tpu.enqueue_dma source(%dma_start3A_2474 : memref<32x128xf32, #tpu.memory_space<vmem>>) target(%dma_start3A_2470 : memref<32x128xf32, #tpu.memory_space<hbm>>) target_semaphore(%arg10 : memref<!tpu.dma_semaphore, #tpu.memory_space<semaphore_mem>>)
      %mul3A_2475 = arith.constant 512 : i32
      %mul3A_2476 = arith.muli %mul3A_1273, %mul3A_2475 : i32
      %add3A_2477 = arith.constant 384 : i32
      %add3A_2478 = arith.addi %mul3A_2476, %add3A_2477 : i32
      %add3A_2479 = arith.addi %add3A_2478, %mul3A_2 : i32
      %mul3A_2480 = arith.constant 8 : i32
      %mul3A_2481 = arith.muli %add3A_2479, %mul3A_2480 : i32
      %dma_start3A_2482 = arith.constant 0 : i32
      %dma_start3A_2483 = arith.constant 3 : i32
      %dma_start3A_2484 = arith.constant 0 : i32
      %dma_start3A_2485 = arith.constant 0 : i32
      %dma_start3A_2486 = tpu.memref_slice %arg7[%dma_start3A_2482, %dma_start3A_2483, %dma_start3A_2484, %dma_start3A_2485] : memref<2x4x40x129xf32, #tpu.memory_space<vmem>> -> memref<1x1x32x128xf32, #tpu.memory_space<vmem>>
      %dma_start3A_2487 = tpu.memref_squeeze %dma_start3A_2486 : memref<1x1x32x128xf32, #tpu.memory_space<vmem>> -> memref<32x128xf32, #tpu.memory_space<vmem>>
      %dma_start3A_2488 = arith.constant 0 : i32
      %dma_start3A_2489 = tpu.memref_slice %arg4[%mul3A_2481, %dma_start3A_2488] : memref<819200x128xf32, #tpu.memory_space<hbm>> -> memref<32x128xf32, #tpu.memory_space<hbm>>
      %dma_start3A_2490 = arith.constant 0 : i32
      %dma_start3A_2491 = tpu.memref_slice %arg4[%mul3A_2481, %dma_start3A_2490] : memref<819200x128xf32, #tpu.memory_space<hbm>> -> memref<32x128xf32, #tpu.memory_space<hbm>>
      %dma_start3A_2492 = arith.constant 0 : i32
      %dma_start3A_2493 = arith.constant 0 : i32
      %dma_start3A_2494 = tpu.memref_slice %arg7[%dma_start3A_2482, %dma_start3A_2483, %dma_start3A_2492, %dma_start3A_2493] : memref<2x4x40x129xf32, #tpu.memory_space<vmem>> -> memref<1x1x32x128xf32, #tpu.memory_space<vmem>>
      %dma_start3A_2495 = tpu.memref_squeeze %dma_start3A_2494 : memref<1x1x32x128xf32, #tpu.memory_space<vmem>> -> memref<32x128xf32, #tpu.memory_space<vmem>>
      tpu.enqueue_dma source(%dma_start3A_2495 : memref<32x128xf32, #tpu.memory_space<vmem>>) target(%dma_start3A_2491 : memref<32x128xf32, #tpu.memory_space<hbm>>) target_semaphore(%arg10 : memref<!tpu.dma_semaphore, #tpu.memory_space<semaphore_mem>>)
      %add3A_2496 = arith.constant 1 : i32
      %add3A_2497 = arith.addi %add3A_1275, %add3A_2496 : i32
      %lt3A_2498 = arith.constant 200 : i32
      %lt3A_2499 = arith.cmpi slt, %add3A_2497, %lt3A_2498 : i32
      %convert_element_type3A_2500 = arith.extui %lt3A_2499 : i1 to i32
      %cond3A_2501 = arith.constant 0 : i32
      %cond3A_2502 = arith.cmpi ne, %convert_element_type3A_2500, %cond3A_2501 : i32
      scf.if %cond3A_2502 {
        %add3A_2648 = arith.constant 1 : i32
        %add3A_2649 = arith.addi %add3A_1275, %add3A_2648 : i32
        %mul3A_2650 = arith.constant 128 : i32
        %mul3A_2651 = arith.muli %add3A_2649, %mul3A_2650 : i32
        %add3A_2652 = arith.addi %mul3A_2651, %mul3A_2 : i32
        %run_scoped3A_2653 = arith.constant 0 : i32
        "tpu.region"() ({
          %run_scoped3A_3730 = tpu.sem_alloc : memref<!tpu.dma_semaphore, #tpu.memory_space<semaphore_mem>>
          %dma_start3A_3731 = arith.constant 0 : i32
          %dma_start3A_3732 = arith.constant 0 : i32
          %dma_start3A_3733 = tpu.memref_slice %arg5[%run_scoped3A_2653, %dma_start3A_3731, %dma_start3A_3732] : memref<2x4x128xi32, #tpu.memory_space<vmem>> -> memref<1x4x128xi32, #tpu.memory_space<vmem>>
          %dma_start3A_3734 = tpu.memref_squeeze %dma_start3A_3733 : memref<1x4x128xi32, #tpu.memory_space<vmem>> -> memref<4x128xi32, #tpu.memory_space<vmem>>
          %dma_start3A_3735 = arith.constant 0 : i32
          %dma_start3A_3736 = tpu.memref_slice %arg2[%add3A_2652, %dma_start3A_3735] : memref<25600x128xi32, #tpu.memory_space<hbm>> -> memref<4x128xi32, #tpu.memory_space<hbm>>
          %dma_start3A_3737 = arith.constant 0 : i32
          %dma_start3A_3738 = arith.constant 0 : i32
          %dma_start3A_3739 = tpu.memref_slice %arg5[%run_scoped3A_2653, %dma_start3A_3737, %dma_start3A_3738] : memref<2x4x128xi32, #tpu.memory_space<vmem>> -> memref<1x4x128xi32, #tpu.memory_space<vmem>>
          %dma_start3A_3740 = tpu.memref_squeeze %dma_start3A_3739 : memref<1x4x128xi32, #tpu.memory_space<vmem>> -> memref<4x128xi32, #tpu.memory_space<vmem>>
          %dma_start3A_3741 = arith.constant 0 : i32
          %dma_start3A_3742 = tpu.memref_slice %arg2[%add3A_2652, %dma_start3A_3741] : memref<25600x128xi32, #tpu.memory_space<hbm>> -> memref<4x128xi32, #tpu.memory_space<hbm>>
          tpu.enqueue_dma source(%dma_start3A_3742 : memref<4x128xi32, #tpu.memory_space<hbm>>) target(%dma_start3A_3740 : memref<4x128xi32, #tpu.memory_space<vmem>>) target_semaphore(%run_scoped3A_3730 : memref<!tpu.dma_semaphore, #tpu.memory_space<semaphore_mem>>)
          %dma_wait3A_3743 = arith.constant 0 : i32
          %dma_wait3A_3744 = arith.constant 0 : i32
          %dma_wait3A_3745 = tpu.memref_slice %arg5[%run_scoped3A_2653, %dma_wait3A_3743, %dma_wait3A_3744] : memref<2x4x128xi32, #tpu.memory_space<vmem>> -> memref<1x4x128xi32, #tpu.memory_space<vmem>>
          %dma_wait3A_3746 = tpu.memref_squeeze %dma_wait3A_3745 : memref<1x4x128xi32, #tpu.memory_space<vmem>> -> memref<4x128xi32, #tpu.memory_space<vmem>>
          %dma_wait3A_3747 = arith.constant 0 : i32
          %dma_wait3A_3748 = tpu.memref_slice %arg2[%add3A_2652, %dma_wait3A_3747] : memref<25600x128xi32, #tpu.memory_space<hbm>> -> memref<4x128xi32, #tpu.memory_space<hbm>>
          %dma_wait3A_3749 = arith.constant 0 : i32
          %dma_wait3A_3750 = arith.constant 0 : i32
          %dma_wait3A_3751 = tpu.memref_slice %arg5[%run_scoped3A_2653, %dma_wait3A_3749, %dma_wait3A_3750] : memref<2x4x128xi32, #tpu.memory_space<vmem>> -> memref<1x4x128xi32, #tpu.memory_space<vmem>>
          %dma_wait3A_3752 = tpu.memref_squeeze %dma_wait3A_3751 : memref<1x4x128xi32, #tpu.memory_space<vmem>> -> memref<4x128xi32, #tpu.memory_space<vmem>>
          %dma_wait3A_3753 = arith.constant 0 : i32
          %dma_wait3A_3754 = tpu.memref_slice %arg2[%add3A_2652, %dma_wait3A_3753] : memref<25600x128xi32, #tpu.memory_space<hbm>> -> memref<4x128xi32, #tpu.memory_space<hbm>>
          tpu.wait_dma2 semaphore(%run_scoped3A_3730 : memref<!tpu.dma_semaphore, #tpu.memory_space<semaphore_mem>>) src(%dma_wait3A_3754 : memref<4x128xi32, #tpu.memory_space<hbm>>) dst(%dma_wait3A_3752 : memref<4x128xi32, #tpu.memory_space<vmem>>)
          tpu.yield
        }) : () -> ()
        %get3A_2654 = arith.constant 0 : i32
        %get3A_2655 = arith.constant 0 : i32
        %get3A_2656 = arith.index_cast %get3A_2654 : i32 to index
        %get3A_2657 = arith.index_cast %get3A_2655 : i32 to index
        %get3A_2658 = arith.constant 0 : index
        %get3A_2659 = tpu.vector_load %arg5[%get3A_2656, %get3A_2657, %get3A_2658] {strides = array<i32>} : memref<2x4x128xi32, #tpu.memory_space<vmem>>, vector<16xi32>,
        %shift_right_arithmetic3A_2660 = arith.constant 15 : i32
        %shift_right_arithmetic3A_2661 = vector.broadcast %shift_right_arithmetic3A_2660 : i32 to vector<16xi32>
        %shift_right_arithmetic3A_2662 = arith.shrsi %get3A_2659, %shift_right_arithmetic3A_2661 : vector<16xi32>
        %shift_left3A_2663 = arith.constant 15 : i32
        %shift_left3A_2664 = vector.broadcast %shift_left3A_2663 : i32 to vector<16xi32>
        %shift_left3A_2665 = arith.shli %shift_right_arithmetic3A_2662, %shift_left3A_2664 : vector<16xi32>
        %and3A_2666 = arith.constant 8191 : i32
        %and3A_2667 = vector.broadcast %and3A_2666 : i32 to vector<16xi32>
        %and3A_2668 = arith.andi %get3A_2659, %and3A_2667 : vector<16xi32>
        %shift_left3A_2669 = arith.constant 2 : i32
        %shift_left3A_2670 = vector.broadcast %shift_left3A_2669 : i32 to vector<16xi32>
        %shift_left3A_2671 = arith.shli %and3A_2668, %shift_left3A_2670 : vector<16xi32>
        %or3A_2672 = arith.ori %shift_left3A_2665, %shift_left3A_2671 : vector<16xi32>
        %shift_right_arithmetic3A_2673 = arith.constant 13 : i32
        %shift_right_arithmetic3A_2674 = vector.broadcast %shift_right_arithmetic3A_2673 : i32 to vector<16xi32>
        %shift_right_arithmetic3A_2675 = arith.shrsi %get3A_2659, %shift_right_arithmetic3A_2674 : vector<16xi32>
        %and3A_2676 = arith.constant 3 : i32
        %and3A_2677 = vector.broadcast %and3A_2676 : i32 to vector<16xi32>
        %and3A_2678 = arith.andi %shift_right_arithmetic3A_2675, %and3A_2677 : vector<16xi32>
        %or3A_2679 = arith.ori %or3A_2672, %and3A_2678 : vector<16xi32>
        %swap3A_2680 = arith.constant 0 : i32
        %swap3A_2681 = arith.constant 0 : i32
        %swap3A_2682 = arith.index_cast %swap3A_2680 : i32 to index
        %swap3A_2683 = arith.index_cast %swap3A_2681 : i32 to index
        %swap3A_2684 = arith.constant 0 : index
        %swap3A_2685 = tpu.vector_load %arg5[%swap3A_2682, %swap3A_2683, %swap3A_2684] {strides = array<i32>} : memref<2x4x128xi32, #tpu.memory_space<vmem>>, vector<16xi32>,
        tpu.vector_store %arg5[%swap3A_2682, %swap3A_2683, %swap3A_2684], %or3A_2679 {strides = array<i32>} : memref<2x4x128xi32, #tpu.memory_space<vmem>>, vector<16xi32>,
        %get3A_2686 = arith.constant 0 : i32
        %get3A_2687 = arith.constant 0 : i32
        %get3A_2688 = arith.index_cast %get3A_2686 : i32 to index
        %get3A_2689 = arith.index_cast %get3A_2687 : i32 to index
        %get3A_2690 = arith.constant 16 : index
        %get3A_2691 = tpu.vector_load %arg5[%get3A_2688, %get3A_2689, %get3A_2690] {strides = array<i32>} : memref<2x4x128xi32, #tpu.memory_space<vmem>>, vector<16xi32>,
        %shift_right_arithmetic3A_2692 = arith.constant 15 : i32
        %shift_right_arithmetic3A_2693 = vector.broadcast %shift_right_arithmetic3A_2692 : i32 to vector<16xi32>
        %shift_right_arithmetic3A_2694 = arith.shrsi %get3A_2691, %shift_right_arithmetic3A_2693 : vector<16xi32>
        %shift_left3A_2695 = arith.constant 15 : i32
        %shift_left3A_2696 = vector.broadcast %shift_left3A_2695 : i32 to vector<16xi32>
        %shift_left3A_2697 = arith.shli %shift_right_arithmetic3A_2694, %shift_left3A_2696 : vector<16xi32>
        %and3A_2698 = arith.constant 8191 : i32
        %and3A_2699 = vector.broadcast %and3A_2698 : i32 to vector<16xi32>
        %and3A_2700 = arith.andi %get3A_2691, %and3A_2699 : vector<16xi32>
        %shift_left3A_2701 = arith.constant 2 : i32
        %shift_left3A_2702 = vector.broadcast %shift_left3A_2701 : i32 to vector<16xi32>
        %shift_left3A_2703 = arith.shli %and3A_2700, %shift_left3A_2702 : vector<16xi32>
        %or3A_2704 = arith.ori %shift_left3A_2697, %shift_left3A_2703 : vector<16xi32>
        %shift_right_arithmetic3A_2705 = arith.constant 13 : i32
        %shift_right_arithmetic3A_2706 = vector.broadcast %shift_right_arithmetic3A_2705 : i32 to vector<16xi32>
        %shift_right_arithmetic3A_2707 = arith.shrsi %get3A_2691, %shift_right_arithmetic3A_2706 : vector<16xi32>
        %and3A_2708 = arith.constant 3 : i32
        %and3A_2709 = vector.broadcast %and3A_2708 : i32 to vector<16xi32>
        %and3A_2710 = arith.andi %shift_right_arithmetic3A_2707, %and3A_2709 : vector<16xi32>
        %or3A_2711 = arith.ori %or3A_2704, %and3A_2710 : vector<16xi32>
        %swap3A_2712 = arith.constant 0 : i32
        %swap3A_2713 = arith.constant 0 : i32
        %swap3A_2714 = arith.index_cast %swap3A_2712 : i32 to index
        %swap3A_2715 = arith.index_cast %swap3A_2713 : i32 to index
        %swap3A_2716 = arith.constant 16 : index
        %swap3A_2717 = tpu.vector_load %arg5[%swap3A_2714, %swap3A_2715, %swap3A_2716] {strides = array<i32>} : memref<2x4x128xi32, #tpu.memory_space<vmem>>, vector<16xi32>,
        tpu.vector_store %arg5[%swap3A_2714, %swap3A_2715, %swap3A_2716], %or3A_2711 {strides = array<i32>} : memref<2x4x128xi32, #tpu.memory_space<vmem>>, vector<16xi32>,
        %get3A_2718 = arith.constant 0 : i32
        %get3A_2719 = arith.constant 0 : i32
        %get3A_2720 = arith.index_cast %get3A_2718 : i32 to index
        %get3A_2721 = arith.index_cast %get3A_2719 : i32 to index
        %get3A_2722 = arith.constant 32 : index
        %get3A_2723 = tpu.vector_load %arg5[%get3A_2720, %get3A_2721, %get3A_2722] {strides = array<i32>} : memref<2x4x128xi32, #tpu.memory_space<vmem>>, vector<16xi32>,
        %shift_right_arithmetic3A_2724 = arith.constant 15 : i32
        %shift_right_arithmetic3A_2725 = vector.broadcast %shift_right_arithmetic3A_2724 : i32 to vector<16xi32>
        %shift_right_arithmetic3A_2726 = arith.shrsi %get3A_2723, %shift_right_arithmetic3A_2725 : vector<16xi32>
        %shift_left3A_2727 = arith.constant 15 : i32
        %shift_left3A_2728 = vector.broadcast %shift_left3A_2727 : i32 to vector<16xi32>
        %shift_left3A_2729 = arith.shli %shift_right_arithmetic3A_2726, %shift_left3A_2728 : vector<16xi32>
        %and3A_2730 = arith.constant 8191 : i32
        %and3A_2731 = vector.broadcast %and3A_2730 : i32 to vector<16xi32>
        %and3A_2732 = arith.andi %get3A_2723, %and3A_2731 : vector<16xi32>
        %shift_left3A_2733 = arith.constant 2 : i32
        %shift_left3A_2734 = vector.broadcast %shift_left3A_2733 : i32 to vector<16xi32>
        %shift_left3A_2735 = arith.shli %and3A_2732, %shift_left3A_2734 : vector<16xi32>
        %or3A_2736 = arith.ori %shift_left3A_2729, %shift_left3A_2735 : vector<16xi32>
        %shift_right_arithmetic3A_2737 = arith.constant 13 : i32
        %shift_right_arithmetic3A_2738 = vector.broadcast %shift_right_arithmetic3A_2737 : i32 to vector<16xi32>
        %shift_right_arithmetic3A_2739 = arith.shrsi %get3A_2723, %shift_right_arithmetic3A_2738 : vector<16xi32>
        %and3A_2740 = arith.constant 3 : i32
        %and3A_2741 = vector.broadcast %and3A_2740 : i32 to vector<16xi32>
        %and3A_2742 = arith.andi %shift_right_arithmetic3A_2739, %and3A_2741 : vector<16xi32>
        %or3A_2743 = arith.ori %or3A_2736, %and3A_2742 : vector<16xi32>
        %swap3A_2744 = arith.constant 0 : i32
        %swap3A_2745 = arith.constant 0 : i32
        %swap3A_2746 = arith.index_cast %swap3A_2744 : i32 to index
        %swap3A_2747 = arith.index_cast %swap3A_2745 : i32 to index
        %swap3A_2748 = arith.constant 32 : index
        %swap3A_2749 = tpu.vector_load %arg5[%swap3A_2746, %swap3A_2747, %swap3A_2748] {strides = array<i32>} : memref<2x4x128xi32, #tpu.memory_space<vmem>>, vector<16xi32>,
        tpu.vector_store %arg5[%swap3A_2746, %swap3A_2747, %swap3A_2748], %or3A_2743 {strides = array<i32>} : memref<2x4x128xi32, #tpu.memory_space<vmem>>, vector<16xi32>,
        %get3A_2750 = arith.constant 0 : i32
        %get3A_2751 = arith.constant 0 : i32
        %get3A_2752 = arith.index_cast %get3A_2750 : i32 to index
        %get3A_2753 = arith.index_cast %get3A_2751 : i32 to index
        %get3A_2754 = arith.constant 48 : index
        %get3A_2755 = tpu.vector_load %arg5[%get3A_2752, %get3A_2753, %get3A_2754] {strides = array<i32>} : memref<2x4x128xi32, #tpu.memory_space<vmem>>, vector<16xi32>,
        %shift_right_arithmetic3A_2756 = arith.constant 15 : i32
        %shift_right_arithmetic3A_2757 = vector.broadcast %shift_right_arithmetic3A_2756 : i32 to vector<16xi32>
        %shift_right_arithmetic3A_2758 = arith.shrsi %get3A_2755, %shift_right_arithmetic3A_2757 : vector<16xi32>
        %shift_left3A_2759 = arith.constant 15 : i32
        %shift_left3A_2760 = vector.broadcast %shift_left3A_2759 : i32 to vector<16xi32>
        %shift_left3A_2761 = arith.shli %shift_right_arithmetic3A_2758, %shift_left3A_2760 : vector<16xi32>
        %and3A_2762 = arith.constant 8191 : i32
        %and3A_2763 = vector.broadcast %and3A_2762 : i32 to vector<16xi32>
        %and3A_2764 = arith.andi %get3A_2755, %and3A_2763 : vector<16xi32>
        %shift_left3A_2765 = arith.constant 2 : i32
        %shift_left3A_2766 = vector.broadcast %shift_left3A_2765 : i32 to vector<16xi32>
        %shift_left3A_2767 = arith.shli %and3A_2764, %shift_left3A_2766 : vector<16xi32>
        %or3A_2768 = arith.ori %shift_left3A_2761, %shift_left3A_2767 : vector<16xi32>
        %shift_right_arithmetic3A_2769 = arith.constant 13 : i32
        %shift_right_arithmetic3A_2770 = vector.broadcast %shift_right_arithmetic3A_2769 : i32 to vector<16xi32>
        %shift_right_arithmetic3A_2771 = arith.shrsi %get3A_2755, %shift_right_arithmetic3A_2770 : vector<16xi32>
        %and3A_2772 = arith.constant 3 : i32
        %and3A_2773 = vector.broadcast %and3A_2772 : i32 to vector<16xi32>
        %and3A_2774 = arith.andi %shift_right_arithmetic3A_2771, %and3A_2773 : vector<16xi32>
        %or3A_2775 = arith.ori %or3A_2768, %and3A_2774 : vector<16xi32>
        %swap3A_2776 = arith.constant 0 : i32
        %swap3A_2777 = arith.constant 0 : i32
        %swap3A_2778 = arith.index_cast %swap3A_2776 : i32 to index
        %swap3A_2779 = arith.index_cast %swap3A_2777 : i32 to index
        %swap3A_2780 = arith.constant 48 : index
        %swap3A_2781 = tpu.vector_load %arg5[%swap3A_2778, %swap3A_2779, %swap3A_2780] {strides = array<i32>} : memref<2x4x128xi32, #tpu.memory_space<vmem>>, vector<16xi32>,
        tpu.vector_store %arg5[%swap3A_2778, %swap3A_2779, %swap3A_2780], %or3A_2775 {strides = array<i32>} : memref<2x4x128xi32, #tpu.memory_space<vmem>>, vector<16xi32>,
        %get3A_2782 = arith.constant 0 : i32
        %get3A_2783 = arith.constant 0 : i32
        %get3A_2784 = arith.index_cast %get3A_2782 : i32 to index
        %get3A_2785 = arith.index_cast %get3A_2783 : i32 to index
        %get3A_2786 = arith.constant 64 : index
        %get3A_2787 = tpu.vector_load %arg5[%get3A_2784, %get3A_2785, %get3A_2786] {strides = array<i32>} : memref<2x4x128xi32, #tpu.memory_space<vmem>>, vector<16xi32>,
        %shift_right_arithmetic3A_2788 = arith.constant 15 : i32
        %shift_right_arithmetic3A_2789 = vector.broadcast %shift_right_arithmetic3A_2788 : i32 to vector<16xi32>
        %shift_right_arithmetic3A_2790 = arith.shrsi %get3A_2787, %shift_right_arithmetic3A_2789 : vector<16xi32>
        %shift_left3A_2791 = arith.constant 15 : i32
        %shift_left3A_2792 = vector.broadcast %shift_left3A_2791 : i32 to vector<16xi32>
        %shift_left3A_2793 = arith.shli %shift_right_arithmetic3A_2790, %shift_left3A_2792 : vector<16xi32>
        %and3A_2794 = arith.constant 8191 : i32
        %and3A_2795 = vector.broadcast %and3A_2794 : i32 to vector<16xi32>
        %and3A_2796 = arith.andi %get3A_2787, %and3A_2795 : vector<16xi32>
        %shift_left3A_2797 = arith.constant 2 : i32
        %shift_left3A_2798 = vector.broadcast %shift_left3A_2797 : i32 to vector<16xi32>
        %shift_left3A_2799 = arith.shli %and3A_2796, %shift_left3A_2798 : vector<16xi32>
        %or3A_2800 = arith.ori %shift_left3A_2793, %shift_left3A_2799 : vector<16xi32>
        %shift_right_arithmetic3A_2801 = arith.constant 13 : i32
        %shift_right_arithmetic3A_2802 = vector.broadcast %shift_right_arithmetic3A_2801 : i32 to vector<16xi32>
        %shift_right_arithmetic3A_2803 = arith.shrsi %get3A_2787, %shift_right_arithmetic3A_2802 : vector<16xi32>
        %and3A_2804 = arith.constant 3 : i32
        %and3A_2805 = vector.broadcast %and3A_2804 : i32 to vector<16xi32>
        %and3A_2806 = arith.andi %shift_right_arithmetic3A_2803, %and3A_2805 : vector<16xi32>
        %or3A_2807 = arith.ori %or3A_2800, %and3A_2806 : vector<16xi32>
        %swap3A_2808 = arith.constant 0 : i32
        %swap3A_2809 = arith.constant 0 : i32
        %swap3A_2810 = arith.index_cast %swap3A_2808 : i32 to index
        %swap3A_2811 = arith.index_cast %swap3A_2809 : i32 to index
        %swap3A_2812 = arith.constant 64 : index
        %swap3A_2813 = tpu.vector_load %arg5[%swap3A_2810, %swap3A_2811, %swap3A_2812] {strides = array<i32>} : memref<2x4x128xi32, #tpu.memory_space<vmem>>, vector<16xi32>,
        tpu.vector_store %arg5[%swap3A_2810, %swap3A_2811, %swap3A_2812], %or3A_2807 {strides = array<i32>} : memref<2x4x128xi32, #tpu.memory_space<vmem>>, vector<16xi32>,
        %get3A_2814 = arith.constant 0 : i32
        %get3A_2815 = arith.constant 0 : i32
        %get3A_2816 = arith.index_cast %get3A_2814 : i32 to index
        %get3A_2817 = arith.index_cast %get3A_2815 : i32 to index
        %get3A_2818 = arith.constant 80 : index
        %get3A_2819 = tpu.vector_load %arg5[%get3A_2816, %get3A_2817, %get3A_2818] {strides = array<i32>} : memref<2x4x128xi32, #tpu.memory_space<vmem>>, vector<16xi32>,
        %shift_right_arithmetic3A_2820 = arith.constant 15 : i32
        %shift_right_arithmetic3A_2821 = vector.broadcast %shift_right_arithmetic3A_2820 : i32 to vector<16xi32>
        %shift_right_arithmetic3A_2822 = arith.shrsi %get3A_2819, %shift_right_arithmetic3A_2821 : vector<16xi32>
        %shift_left3A_2823 = arith.constant 15 : i32
        %shift_left3A_2824 = vector.broadcast %shift_left3A_2823 : i32 to vector<16xi32>
        %shift_left3A_2825 = arith.shli %shift_right_arithmetic3A_2822, %shift_left3A_2824 : vector<16xi32>
        %and3A_2826 = arith.constant 8191 : i32
        %and3A_2827 = vector.broadcast %and3A_2826 : i32 to vector<16xi32>
        %and3A_2828 = arith.andi %get3A_2819, %and3A_2827 : vector<16xi32>
        %shift_left3A_2829 = arith.constant 2 : i32
        %shift_left3A_2830 = vector.broadcast %shift_left3A_2829 : i32 to vector<16xi32>
        %shift_left3A_2831 = arith.shli %and3A_2828, %shift_left3A_2830 : vector<16xi32>
        %or3A_2832 = arith.ori %shift_left3A_2825, %shift_left3A_2831 : vector<16xi32>
        %shift_right_arithmetic3A_2833 = arith.constant 13 : i32
        %shift_right_arithmetic3A_2834 = vector.broadcast %shift_right_arithmetic3A_2833 : i32 to vector<16xi32>
        %shift_right_arithmetic3A_2835 = arith.shrsi %get3A_2819, %shift_right_arithmetic3A_2834 : vector<16xi32>
        %and3A_2836 = arith.constant 3 : i32
        %and3A_2837 = vector.broadcast %and3A_2836 : i32 to vector<16xi32>
        %and3A_2838 = arith.andi %shift_right_arithmetic3A_2835, %and3A_2837 : vector<16xi32>
        %or3A_2839 = arith.ori %or3A_2832, %and3A_2838 : vector<16xi32>
        %swap3A_2840 = arith.constant 0 : i32
        %swap3A_2841 = arith.constant 0 : i32
        %swap3A_2842 = arith.index_cast %swap3A_2840 : i32 to index
        %swap3A_2843 = arith.index_cast %swap3A_2841 : i32 to index
        %swap3A_2844 = arith.constant 80 : index
        %swap3A_2845 = tpu.vector_load %arg5[%swap3A_2842, %swap3A_2843, %swap3A_2844] {strides = array<i32>} : memref<2x4x128xi32, #tpu.memory_space<vmem>>, vector<16xi32>,
        tpu.vector_store %arg5[%swap3A_2842, %swap3A_2843, %swap3A_2844], %or3A_2839 {strides = array<i32>} : memref<2x4x128xi32, #tpu.memory_space<vmem>>, vector<16xi32>,
        %get3A_2846 = arith.constant 0 : i32
        %get3A_2847 = arith.constant 0 : i32
        %get3A_2848 = arith.index_cast %get3A_2846 : i32 to index
        %get3A_2849 = arith.index_cast %get3A_2847 : i32 to index
        %get3A_2850 = arith.constant 96 : index
        %get3A_2851 = tpu.vector_load %arg5[%get3A_2848, %get3A_2849, %get3A_2850] {strides = array<i32>} : memref<2x4x128xi32, #tpu.memory_space<vmem>>, vector<16xi32>,
        %shift_right_arithmetic3A_2852 = arith.constant 15 : i32
        %shift_right_arithmetic3A_2853 = vector.broadcast %shift_right_arithmetic3A_2852 : i32 to vector<16xi32>
        %shift_right_arithmetic3A_2854 = arith.shrsi %get3A_2851, %shift_right_arithmetic3A_2853 : vector<16xi32>
        %shift_left3A_2855 = arith.constant 15 : i32
        %shift_left3A_2856 = vector.broadcast %shift_left3A_2855 : i32 to vector<16xi32>
        %shift_left3A_2857 = arith.shli %shift_right_arithmetic3A_2854, %shift_left3A_2856 : vector<16xi32>
        %and3A_2858 = arith.constant 8191 : i32
        %and3A_2859 = vector.broadcast %and3A_2858 : i32 to vector<16xi32>
        %and3A_2860 = arith.andi %get3A_2851, %and3A_2859 : vector<16xi32>
        %shift_left3A_2861 = arith.constant 2 : i32
        %shift_left3A_2862 = vector.broadcast %shift_left3A_2861 : i32 to vector<16xi32>
        %shift_left3A_2863 = arith.shli %and3A_2860, %shift_left3A_2862 : vector<16xi32>
        %or3A_2864 = arith.ori %shift_left3A_2857, %shift_left3A_2863 : vector<16xi32>
        %shift_right_arithmetic3A_2865 = arith.constant 13 : i32
        %shift_right_arithmetic3A_2866 = vector.broadcast %shift_right_arithmetic3A_2865 : i32 to vector<16xi32>
        %shift_right_arithmetic3A_2867 = arith.shrsi %get3A_2851, %shift_right_arithmetic3A_2866 : vector<16xi32>
        %and3A_2868 = arith.constant 3 : i32
        %and3A_2869 = vector.broadcast %and3A_2868 : i32 to vector<16xi32>
        %and3A_2870 = arith.andi %shift_right_arithmetic3A_2867, %and3A_2869 : vector<16xi32>
        %or3A_2871 = arith.ori %or3A_2864, %and3A_2870 : vector<16xi32>
        %swap3A_2872 = arith.constant 0 : i32
        %swap3A_2873 = arith.constant 0 : i32
        %swap3A_2874 = arith.index_cast %swap3A_2872 : i32 to index
        %swap3A_2875 = arith.index_cast %swap3A_2873 : i32 to index
        %swap3A_2876 = arith.constant 96 : index
        %swap3A_2877 = tpu.vector_load %arg5[%swap3A_2874, %swap3A_2875, %swap3A_2876] {strides = array<i32>} : memref<2x4x128xi32, #tpu.memory_space<vmem>>, vector<16xi32>,
        tpu.vector_store %arg5[%swap3A_2874, %swap3A_2875, %swap3A_2876], %or3A_2871 {strides = array<i32>} : memref<2x4x128xi32, #tpu.memory_space<vmem>>, vector<16xi32>,
        %get3A_2878 = arith.constant 0 : i32
        %get3A_2879 = arith.constant 0 : i32
        %get3A_2880 = arith.index_cast %get3A_2878 : i32 to index
        %get3A_2881 = arith.index_cast %get3A_2879 : i32 to index
        %get3A_2882 = arith.constant 112 : index
        %get3A_2883 = tpu.vector_load %arg5[%get3A_2880, %get3A_2881, %get3A_2882] {strides = array<i32>} : memref<2x4x128xi32, #tpu.memory_space<vmem>>, vector<16xi32>,
        %shift_right_arithmetic3A_2884 = arith.constant 15 : i32
        %shift_right_arithmetic3A_2885 = vector.broadcast %shift_right_arithmetic3A_2884 : i32 to vector<16xi32>
        %shift_right_arithmetic3A_2886 = arith.shrsi %get3A_2883, %shift_right_arithmetic3A_2885 : vector<16xi32>
        %shift_left3A_2887 = arith.constant 15 : i32
        %shift_left3A_2888 = vector.broadcast %shift_left3A_2887 : i32 to vector<16xi32>
        %shift_left3A_2889 = arith.shli %shift_right_arithmetic3A_2886, %shift_left3A_2888 : vector<16xi32>
        %and3A_2890 = arith.constant 8191 : i32
        %and3A_2891 = vector.broadcast %and3A_2890 : i32 to vector<16xi32>
        %and3A_2892 = arith.andi %get3A_2883, %and3A_2891 : vector<16xi32>
        %shift_left3A_2893 = arith.constant 2 : i32
        %shift_left3A_2894 = vector.broadcast %shift_left3A_2893 : i32 to vector<16xi32>
        %shift_left3A_2895 = arith.shli %and3A_2892, %shift_left3A_2894 : vector<16xi32>
        %or3A_2896 = arith.ori %shift_left3A_2889, %shift_left3A_2895 : vector<16xi32>
        %shift_right_arithmetic3A_2897 = arith.constant 13 : i32
        %shift_right_arithmetic3A_2898 = vector.broadcast %shift_right_arithmetic3A_2897 : i32 to vector<16xi32>
        %shift_right_arithmetic3A_2899 = arith.shrsi %get3A_2883, %shift_right_arithmetic3A_2898 : vector<16xi32>
        %and3A_2900 = arith.constant 3 : i32
        %and3A_2901 = vector.broadcast %and3A_2900 : i32 to vector<16xi32>
        %and3A_2902 = arith.andi %shift_right_arithmetic3A_2899, %and3A_2901 : vector<16xi32>
        %or3A_2903 = arith.ori %or3A_2896, %and3A_2902 : vector<16xi32>
        %swap3A_2904 = arith.constant 0 : i32
        %swap3A_2905 = arith.constant 0 : i32
        %swap3A_2906 = arith.index_cast %swap3A_2904 : i32 to index
        %swap3A_2907 = arith.index_cast %swap3A_2905 : i32 to index
        %swap3A_2908 = arith.constant 112 : index
        %swap3A_2909 = tpu.vector_load %arg5[%swap3A_2906, %swap3A_2907, %swap3A_2908] {strides = array<i32>} : memref<2x4x128xi32, #tpu.memory_space<vmem>>, vector<16xi32>,
        tpu.vector_store %arg5[%swap3A_2906, %swap3A_2907, %swap3A_2908], %or3A_2903 {strides = array<i32>} : memref<2x4x128xi32, #tpu.memory_space<vmem>>, vector<16xi32>,
        %get3A_2910 = arith.constant 0 : i32
        %get3A_2911 = arith.constant 1 : i32
        %get3A_2912 = arith.index_cast %get3A_2910 : i32 to index
        %get3A_2913 = arith.index_cast %get3A_2911 : i32 to index
        %get3A_2914 = arith.constant 0 : index
        %get3A_2915 = tpu.vector_load %arg5[%get3A_2912, %get3A_2913, %get3A_2914] {strides = array<i32>} : memref<2x4x128xi32, #tpu.memory_space<vmem>>, vector<16xi32>,
        %shift_right_arithmetic3A_2916 = arith.constant 15 : i32
        %shift_right_arithmetic3A_2917 = vector.broadcast %shift_right_arithmetic3A_2916 : i32 to vector<16xi32>
        %shift_right_arithmetic3A_2918 = arith.shrsi %get3A_2915, %shift_right_arithmetic3A_2917 : vector<16xi32>
        %shift_left3A_2919 = arith.constant 15 : i32
        %shift_left3A_2920 = vector.broadcast %shift_left3A_2919 : i32 to vector<16xi32>
        %shift_left3A_2921 = arith.shli %shift_right_arithmetic3A_2918, %shift_left3A_2920 : vector<16xi32>
        %and3A_2922 = arith.constant 8191 : i32
        %and3A_2923 = vector.broadcast %and3A_2922 : i32 to vector<16xi32>
        %and3A_2924 = arith.andi %get3A_2915, %and3A_2923 : vector<16xi32>
        %shift_left3A_2925 = arith.constant 2 : i32
        %shift_left3A_2926 = vector.broadcast %shift_left3A_2925 : i32 to vector<16xi32>
        %shift_left3A_2927 = arith.shli %and3A_2924, %shift_left3A_2926 : vector<16xi32>
        %or3A_2928 = arith.ori %shift_left3A_2921, %shift_left3A_2927 : vector<16xi32>
        %shift_right_arithmetic3A_2929 = arith.constant 13 : i32
        %shift_right_arithmetic3A_2930 = vector.broadcast %shift_right_arithmetic3A_2929 : i32 to vector<16xi32>
        %shift_right_arithmetic3A_2931 = arith.shrsi %get3A_2915, %shift_right_arithmetic3A_2930 : vector<16xi32>
        %and3A_2932 = arith.constant 3 : i32
        %and3A_2933 = vector.broadcast %and3A_2932 : i32 to vector<16xi32>
        %and3A_2934 = arith.andi %shift_right_arithmetic3A_2931, %and3A_2933 : vector<16xi32>
        %or3A_2935 = arith.ori %or3A_2928, %and3A_2934 : vector<16xi32>
        %swap3A_2936 = arith.constant 0 : i32
        %swap3A_2937 = arith.constant 1 : i32
        %swap3A_2938 = arith.index_cast %swap3A_2936 : i32 to index
        %swap3A_2939 = arith.index_cast %swap3A_2937 : i32 to index
        %swap3A_2940 = arith.constant 0 : index
        %swap3A_2941 = tpu.vector_load %arg5[%swap3A_2938, %swap3A_2939, %swap3A_2940] {strides = array<i32>} : memref<2x4x128xi32, #tpu.memory_space<vmem>>, vector<16xi32>,
        tpu.vector_store %arg5[%swap3A_2938, %swap3A_2939, %swap3A_2940], %or3A_2935 {strides = array<i32>} : memref<2x4x128xi32, #tpu.memory_space<vmem>>, vector<16xi32>,
        %get3A_2942 = arith.constant 0 : i32
        %get3A_2943 = arith.constant 1 : i32
        %get3A_2944 = arith.index_cast %get3A_2942 : i32 to index
        %get3A_2945 = arith.index_cast %get3A_2943 : i32 to index
        %get3A_2946 = arith.constant 16 : index
        %get3A_2947 = tpu.vector_load %arg5[%get3A_2944, %get3A_2945, %get3A_2946] {strides = array<i32>} : memref<2x4x128xi32, #tpu.memory_space<vmem>>, vector<16xi32>,
        %shift_right_arithmetic3A_2948 = arith.constant 15 : i32
        %shift_right_arithmetic3A_2949 = vector.broadcast %shift_right_arithmetic3A_2948 : i32 to vector<16xi32>
        %shift_right_arithmetic3A_2950 = arith.shrsi %get3A_2947, %shift_right_arithmetic3A_2949 : vector<16xi32>
        %shift_left3A_2951 = arith.constant 15 : i32
        %shift_left3A_2952 = vector.broadcast %shift_left3A_2951 : i32 to vector<16xi32>
        %shift_left3A_2953 = arith.shli %shift_right_arithmetic3A_2950, %shift_left3A_2952 : vector<16xi32>
        %and3A_2954 = arith.constant 8191 : i32
        %and3A_2955 = vector.broadcast %and3A_2954 : i32 to vector<16xi32>
        %and3A_2956 = arith.andi %get3A_2947, %and3A_2955 : vector<16xi32>
        %shift_left3A_2957 = arith.constant 2 : i32
        %shift_left3A_2958 = vector.broadcast %shift_left3A_2957 : i32 to vector<16xi32>
        %shift_left3A_2959 = arith.shli %and3A_2956, %shift_left3A_2958 : vector<16xi32>
        %or3A_2960 = arith.ori %shift_left3A_2953, %shift_left3A_2959 : vector<16xi32>
        %shift_right_arithmetic3A_2961 = arith.constant 13 : i32
        %shift_right_arithmetic3A_2962 = vector.broadcast %shift_right_arithmetic3A_2961 : i32 to vector<16xi32>
        %shift_right_arithmetic3A_2963 = arith.shrsi %get3A_2947, %shift_right_arithmetic3A_2962 : vector<16xi32>
        %and3A_2964 = arith.constant 3 : i32
        %and3A_2965 = vector.broadcast %and3A_2964 : i32 to vector<16xi32>
        %and3A_2966 = arith.andi %shift_right_arithmetic3A_2963, %and3A_2965 : vector<16xi32>
        %or3A_2967 = arith.ori %or3A_2960, %and3A_2966 : vector<16xi32>
        %swap3A_2968 = arith.constant 0 : i32
        %swap3A_2969 = arith.constant 1 : i32
        %swap3A_2970 = arith.index_cast %swap3A_2968 : i32 to index
        %swap3A_2971 = arith.index_cast %swap3A_2969 : i32 to index
        %swap3A_2972 = arith.constant 16 : index
        %swap3A_2973 = tpu.vector_load %arg5[%swap3A_2970, %swap3A_2971, %swap3A_2972] {strides = array<i32>} : memref<2x4x128xi32, #tpu.memory_space<vmem>>, vector<16xi32>,
        tpu.vector_store %arg5[%swap3A_2970, %swap3A_2971, %swap3A_2972], %or3A_2967 {strides = array<i32>} : memref<2x4x128xi32, #tpu.memory_space<vmem>>, vector<16xi32>,
        %get3A_2974 = arith.constant 0 : i32
        %get3A_2975 = arith.constant 1 : i32
        %get3A_2976 = arith.index_cast %get3A_2974 : i32 to index
        %get3A_2977 = arith.index_cast %get3A_2975 : i32 to index
        %get3A_2978 = arith.constant 32 : index
        %get3A_2979 = tpu.vector_load %arg5[%get3A_2976, %get3A_2977, %get3A_2978] {strides = array<i32>} : memref<2x4x128xi32, #tpu.memory_space<vmem>>, vector<16xi32>,
        %shift_right_arithmetic3A_2980 = arith.constant 15 : i32
        %shift_right_arithmetic3A_2981 = vector.broadcast %shift_right_arithmetic3A_2980 : i32 to vector<16xi32>
        %shift_right_arithmetic3A_2982 = arith.shrsi %get3A_2979, %shift_right_arithmetic3A_2981 : vector<16xi32>
        %shift_left3A_2983 = arith.constant 15 : i32
        %shift_left3A_2984 = vector.broadcast %shift_left3A_2983 : i32 to vector<16xi32>
        %shift_left3A_2985 = arith.shli %shift_right_arithmetic3A_2982, %shift_left3A_2984 : vector<16xi32>
        %and3A_2986 = arith.constant 8191 : i32
        %and3A_2987 = vector.broadcast %and3A_2986 : i32 to vector<16xi32>
        %and3A_2988 = arith.andi %get3A_2979, %and3A_2987 : vector<16xi32>
        %shift_left3A_2989 = arith.constant 2 : i32
        %shift_left3A_2990 = vector.broadcast %shift_left3A_2989 : i32 to vector<16xi32>
        %shift_left3A_2991 = arith.shli %and3A_2988, %shift_left3A_2990 : vector<16xi32>
        %or3A_2992 = arith.ori %shift_left3A_2985, %shift_left3A_2991 : vector<16xi32>
        %shift_right_arithmetic3A_2993 = arith.constant 13 : i32
        %shift_right_arithmetic3A_2994 = vector.broadcast %shift_right_arithmetic3A_2993 : i32 to vector<16xi32>
        %shift_right_arithmetic3A_2995 = arith.shrsi %get3A_2979, %shift_right_arithmetic3A_2994 : vector<16xi32>
        %and3A_2996 = arith.constant 3 : i32
        %and3A_2997 = vector.broadcast %and3A_2996 : i32 to vector<16xi32>
        %and3A_2998 = arith.andi %shift_right_arithmetic3A_2995, %and3A_2997 : vector<16xi32>
        %or3A_2999 = arith.ori %or3A_2992, %and3A_2998 : vector<16xi32>
        %swap3A_3000 = arith.constant 0 : i32
        %swap3A_3001 = arith.constant 1 : i32
        %swap3A_3002 = arith.index_cast %swap3A_3000 : i32 to index
        %swap3A_3003 = arith.index_cast %swap3A_3001 : i32 to index
        %swap3A_3004 = arith.constant 32 : index
        %swap3A_3005 = tpu.vector_load %arg5[%swap3A_3002, %swap3A_3003, %swap3A_3004] {strides = array<i32>} : memref<2x4x128xi32, #tpu.memory_space<vmem>>, vector<16xi32>,
        tpu.vector_store %arg5[%swap3A_3002, %swap3A_3003, %swap3A_3004], %or3A_2999 {strides = array<i32>} : memref<2x4x128xi32, #tpu.memory_space<vmem>>, vector<16xi32>,
        %get3A_3006 = arith.constant 0 : i32
        %get3A_3007 = arith.constant 1 : i32
        %get3A_3008 = arith.index_cast %get3A_3006 : i32 to index
        %get3A_3009 = arith.index_cast %get3A_3007 : i32 to index
        %get3A_3010 = arith.constant 48 : index
        %get3A_3011 = tpu.vector_load %arg5[%get3A_3008, %get3A_3009, %get3A_3010] {strides = array<i32>} : memref<2x4x128xi32, #tpu.memory_space<vmem>>, vector<16xi32>,
        %shift_right_arithmetic3A_3012 = arith.constant 15 : i32
        %shift_right_arithmetic3A_3013 = vector.broadcast %shift_right_arithmetic3A_3012 : i32 to vector<16xi32>
        %shift_right_arithmetic3A_3014 = arith.shrsi %get3A_3011, %shift_right_arithmetic3A_3013 : vector<16xi32>
        %shift_left3A_3015 = arith.constant 15 : i32
        %shift_left3A_3016 = vector.broadcast %shift_left3A_3015 : i32 to vector<16xi32>
        %shift_left3A_3017 = arith.shli %shift_right_arithmetic3A_3014, %shift_left3A_3016 : vector<16xi32>
        %and3A_3018 = arith.constant 8191 : i32
        %and3A_3019 = vector.broadcast %and3A_3018 : i32 to vector<16xi32>
        %and3A_3020 = arith.andi %get3A_3011, %and3A_3019 : vector<16xi32>
        %shift_left3A_3021 = arith.constant 2 : i32
        %shift_left3A_3022 = vector.broadcast %shift_left3A_3021 : i32 to vector<16xi32>
        %shift_left3A_3023 = arith.shli %and3A_3020, %shift_left3A_3022 : vector<16xi32>
        %or3A_3024 = arith.ori %shift_left3A_3017, %shift_left3A_3023 : vector<16xi32>
        %shift_right_arithmetic3A_3025 = arith.constant 13 : i32
        %shift_right_arithmetic3A_3026 = vector.broadcast %shift_right_arithmetic3A_3025 : i32 to vector<16xi32>
        %shift_right_arithmetic3A_3027 = arith.shrsi %get3A_3011, %shift_right_arithmetic3A_3026 : vector<16xi32>
        %and3A_3028 = arith.constant 3 : i32
        %and3A_3029 = vector.broadcast %and3A_3028 : i32 to vector<16xi32>
        %and3A_3030 = arith.andi %shift_right_arithmetic3A_3027, %and3A_3029 : vector<16xi32>
        %or3A_3031 = arith.ori %or3A_3024, %and3A_3030 : vector<16xi32>
        %swap3A_3032 = arith.constant 0 : i32
        %swap3A_3033 = arith.constant 1 : i32
        %swap3A_3034 = arith.index_cast %swap3A_3032 : i32 to index
        %swap3A_3035 = arith.index_cast %swap3A_3033 : i32 to index
        %swap3A_3036 = arith.constant 48 : index
        %swap3A_3037 = tpu.vector_load %arg5[%swap3A_3034, %swap3A_3035, %swap3A_3036] {strides = array<i32>} : memref<2x4x128xi32, #tpu.memory_space<vmem>>, vector<16xi32>,
        tpu.vector_store %arg5[%swap3A_3034, %swap3A_3035, %swap3A_3036], %or3A_3031 {strides = array<i32>} : memref<2x4x128xi32, #tpu.memory_space<vmem>>, vector<16xi32>,
        %get3A_3038 = arith.constant 0 : i32
        %get3A_3039 = arith.constant 1 : i32
        %get3A_3040 = arith.index_cast %get3A_3038 : i32 to index
        %get3A_3041 = arith.index_cast %get3A_3039 : i32 to index
        %get3A_3042 = arith.constant 64 : index
        %get3A_3043 = tpu.vector_load %arg5[%get3A_3040, %get3A_3041, %get3A_3042] {strides = array<i32>} : memref<2x4x128xi32, #tpu.memory_space<vmem>>, vector<16xi32>,
        %shift_right_arithmetic3A_3044 = arith.constant 15 : i32
        %shift_right_arithmetic3A_3045 = vector.broadcast %shift_right_arithmetic3A_3044 : i32 to vector<16xi32>
        %shift_right_arithmetic3A_3046 = arith.shrsi %get3A_3043, %shift_right_arithmetic3A_3045 : vector<16xi32>
        %shift_left3A_3047 = arith.constant 15 : i32
        %shift_left3A_3048 = vector.broadcast %shift_left3A_3047 : i32 to vector<16xi32>
        %shift_left3A_3049 = arith.shli %shift_right_arithmetic3A_3046, %shift_left3A_3048 : vector<16xi32>
        %and3A_3050 = arith.constant 8191 : i32
        %and3A_3051 = vector.broadcast %and3A_3050 : i32 to vector<16xi32>
        %and3A_3052 = arith.andi %get3A_3043, %and3A_3051 : vector<16xi32>
        %shift_left3A_3053 = arith.constant 2 : i32
        %shift_left3A_3054 = vector.broadcast %shift_left3A_3053 : i32 to vector<16xi32>
        %shift_left3A_3055 = arith.shli %and3A_3052, %shift_left3A_3054 : vector<16xi32>
        %or3A_3056 = arith.ori %shift_left3A_3049, %shift_left3A_3055 : vector<16xi32>
        %shift_right_arithmetic3A_3057 = arith.constant 13 : i32
        %shift_right_arithmetic3A_3058 = vector.broadcast %shift_right_arithmetic3A_3057 : i32 to vector<16xi32>
        %shift_right_arithmetic3A_3059 = arith.shrsi %get3A_3043, %shift_right_arithmetic3A_3058 : vector<16xi32>
        %and3A_3060 = arith.constant 3 : i32
        %and3A_3061 = vector.broadcast %and3A_3060 : i32 to vector<16xi32>
        %and3A_3062 = arith.andi %shift_right_arithmetic3A_3059, %and3A_3061 : vector<16xi32>
        %or3A_3063 = arith.ori %or3A_3056, %and3A_3062 : vector<16xi32>
        %swap3A_3064 = arith.constant 0 : i32
        %swap3A_3065 = arith.constant 1 : i32
        %swap3A_3066 = arith.index_cast %swap3A_3064 : i32 to index
        %swap3A_3067 = arith.index_cast %swap3A_3065 : i32 to index
        %swap3A_3068 = arith.constant 64 : index
        %swap3A_3069 = tpu.vector_load %arg5[%swap3A_3066, %swap3A_3067, %swap3A_3068] {strides = array<i32>} : memref<2x4x128xi32, #tpu.memory_space<vmem>>, vector<16xi32>,
        tpu.vector_store %arg5[%swap3A_3066, %swap3A_3067, %swap3A_3068], %or3A_3063 {strides = array<i32>} : memref<2x4x128xi32, #tpu.memory_space<vmem>>, vector<16xi32>,
        %get3A_3070 = arith.constant 0 : i32
        %get3A_3071 = arith.constant 1 : i32
        %get3A_3072 = arith.index_cast %get3A_3070 : i32 to index
        %get3A_3073 = arith.index_cast %get3A_3071 : i32 to index
        %get3A_3074 = arith.constant 80 : index
        %get3A_3075 = tpu.vector_load %arg5[%get3A_3072, %get3A_3073, %get3A_3074] {strides = array<i32>} : memref<2x4x128xi32, #tpu.memory_space<vmem>>, vector<16xi32>,
        %shift_right_arithmetic3A_3076 = arith.constant 15 : i32
        %shift_right_arithmetic3A_3077 = vector.broadcast %shift_right_arithmetic3A_3076 : i32 to vector<16xi32>
        %shift_right_arithmetic3A_3078 = arith.shrsi %get3A_3075, %shift_right_arithmetic3A_3077 : vector<16xi32>
        %shift_left3A_3079 = arith.constant 15 : i32
        %shift_left3A_3080 = vector.broadcast %shift_left3A_3079 : i32 to vector<16xi32>
        %shift_left3A_3081 = arith.shli %shift_right_arithmetic3A_3078, %shift_left3A_3080 : vector<16xi32>
        %and3A_3082 = arith.constant 8191 : i32
        %and3A_3083 = vector.broadcast %and3A_3082 : i32 to vector<16xi32>
        %and3A_3084 = arith.andi %get3A_3075, %and3A_3083 : vector<16xi32>
        %shift_left3A_3085 = arith.constant 2 : i32
        %shift_left3A_3086 = vector.broadcast %shift_left3A_3085 : i32 to vector<16xi32>
        %shift_left3A_3087 = arith.shli %and3A_3084, %shift_left3A_3086 : vector<16xi32>
        %or3A_3088 = arith.ori %shift_left3A_3081, %shift_left3A_3087 : vector<16xi32>
        %shift_right_arithmetic3A_3089 = arith.constant 13 : i32
        %shift_right_arithmetic3A_3090 = vector.broadcast %shift_right_arithmetic3A_3089 : i32 to vector<16xi32>
        %shift_right_arithmetic3A_3091 = arith.shrsi %get3A_3075, %shift_right_arithmetic3A_3090 : vector<16xi32>
        %and3A_3092 = arith.constant 3 : i32
        %and3A_3093 = vector.broadcast %and3A_3092 : i32 to vector<16xi32>
        %and3A_3094 = arith.andi %shift_right_arithmetic3A_3091, %and3A_3093 : vector<16xi32>
        %or3A_3095 = arith.ori %or3A_3088, %and3A_3094 : vector<16xi32>
        %swap3A_3096 = arith.constant 0 : i32
        %swap3A_3097 = arith.constant 1 : i32
        %swap3A_3098 = arith.index_cast %swap3A_3096 : i32 to index
        %swap3A_3099 = arith.index_cast %swap3A_3097 : i32 to index
        %swap3A_3100 = arith.constant 80 : index
        %swap3A_3101 = tpu.vector_load %arg5[%swap3A_3098, %swap3A_3099, %swap3A_3100] {strides = array<i32>} : memref<2x4x128xi32, #tpu.memory_space<vmem>>, vector<16xi32>,
        tpu.vector_store %arg5[%swap3A_3098, %swap3A_3099, %swap3A_3100], %or3A_3095 {strides = array<i32>} : memref<2x4x128xi32, #tpu.memory_space<vmem>>, vector<16xi32>,
        %get3A_3102 = arith.constant 0 : i32
        %get3A_3103 = arith.constant 1 : i32
        %get3A_3104 = arith.index_cast %get3A_3102 : i32 to index
        %get3A_3105 = arith.index_cast %get3A_3103 : i32 to index
        %get3A_3106 = arith.constant 96 : index
        %get3A_3107 = tpu.vector_load %arg5[%get3A_3104, %get3A_3105, %get3A_3106] {strides = array<i32>} : memref<2x4x128xi32, #tpu.memory_space<vmem>>, vector<16xi32>,
        %shift_right_arithmetic3A_3108 = arith.constant 15 : i32
        %shift_right_arithmetic3A_3109 = vector.broadcast %shift_right_arithmetic3A_3108 : i32 to vector<16xi32>
        %shift_right_arithmetic3A_3110 = arith.shrsi %get3A_3107, %shift_right_arithmetic3A_3109 : vector<16xi32>
        %shift_left3A_3111 = arith.constant 15 : i32
        %shift_left3A_3112 = vector.broadcast %shift_left3A_3111 : i32 to vector<16xi32>
        %shift_left3A_3113 = arith.shli %shift_right_arithmetic3A_3110, %shift_left3A_3112 : vector<16xi32>
        %and3A_3114 = arith.constant 8191 : i32
        %and3A_3115 = vector.broadcast %and3A_3114 : i32 to vector<16xi32>
        %and3A_3116 = arith.andi %get3A_3107, %and3A_3115 : vector<16xi32>
        %shift_left3A_3117 = arith.constant 2 : i32
        %shift_left3A_3118 = vector.broadcast %shift_left3A_3117 : i32 to vector<16xi32>
        %shift_left3A_3119 = arith.shli %and3A_3116, %shift_left3A_3118 : vector<16xi32>
        %or3A_3120 = arith.ori %shift_left3A_3113, %shift_left3A_3119 : vector<16xi32>
        %shift_right_arithmetic3A_3121 = arith.constant 13 : i32
        %shift_right_arithmetic3A_3122 = vector.broadcast %shift_right_arithmetic3A_3121 : i32 to vector<16xi32>
        %shift_right_arithmetic3A_3123 = arith.shrsi %get3A_3107, %shift_right_arithmetic3A_3122 : vector<16xi32>
        %and3A_3124 = arith.constant 3 : i32
        %and3A_3125 = vector.broadcast %and3A_3124 : i32 to vector<16xi32>
        %and3A_3126 = arith.andi %shift_right_arithmetic3A_3123, %and3A_3125 : vector<16xi32>
        %or3A_3127 = arith.ori %or3A_3120, %and3A_3126 : vector<16xi32>
        %swap3A_3128 = arith.constant 0 : i32
        %swap3A_3129 = arith.constant 1 : i32
        %swap3A_3130 = arith.index_cast %swap3A_3128 : i32 to index
        %swap3A_3131 = arith.index_cast %swap3A_3129 : i32 to index
        %swap3A_3132 = arith.constant 96 : index
        %swap3A_3133 = tpu.vector_load %arg5[%swap3A_3130, %swap3A_3131, %swap3A_3132] {strides = array<i32>} : memref<2x4x128xi32, #tpu.memory_space<vmem>>, vector<16xi32>,
        tpu.vector_store %arg5[%swap3A_3130, %swap3A_3131, %swap3A_3132], %or3A_3127 {strides = array<i32>} : memref<2x4x128xi32, #tpu.memory_space<vmem>>, vector<16xi32>,
        %get3A_3134 = arith.constant 0 : i32
        %get3A_3135 = arith.constant 1 : i32
        %get3A_3136 = arith.index_cast %get3A_3134 : i32 to index
        %get3A_3137 = arith.index_cast %get3A_3135 : i32 to index
        %get3A_3138 = arith.constant 112 : index
        %get3A_3139 = tpu.vector_load %arg5[%get3A_3136, %get3A_3137, %get3A_3138] {strides = array<i32>} : memref<2x4x128xi32, #tpu.memory_space<vmem>>, vector<16xi32>,
        %shift_right_arithmetic3A_3140 = arith.constant 15 : i32
        %shift_right_arithmetic3A_3141 = vector.broadcast %shift_right_arithmetic3A_3140 : i32 to vector<16xi32>
        %shift_right_arithmetic3A_3142 = arith.shrsi %get3A_3139, %shift_right_arithmetic3A_3141 : vector<16xi32>
        %shift_left3A_3143 = arith.constant 15 : i32
        %shift_left3A_3144 = vector.broadcast %shift_left3A_3143 : i32 to vector<16xi32>
        %shift_left3A_3145 = arith.shli %shift_right_arithmetic3A_3142, %shift_left3A_3144 : vector<16xi32>
        %and3A_3146 = arith.constant 8191 : i32
        %and3A_3147 = vector.broadcast %and3A_3146 : i32 to vector<16xi32>
        %and3A_3148 = arith.andi %get3A_3139, %and3A_3147 : vector<16xi32>
        %shift_left3A_3149 = arith.constant 2 : i32
        %shift_left3A_3150 = vector.broadcast %shift_left3A_3149 : i32 to vector<16xi32>
        %shift_left3A_3151 = arith.shli %and3A_3148, %shift_left3A_3150 : vector<16xi32>
        %or3A_3152 = arith.ori %shift_left3A_3145, %shift_left3A_3151 : vector<16xi32>
        %shift_right_arithmetic3A_3153 = arith.constant 13 : i32
        %shift_right_arithmetic3A_3154 = vector.broadcast %shift_right_arithmetic3A_3153 : i32 to vector<16xi32>
        %shift_right_arithmetic3A_3155 = arith.shrsi %get3A_3139, %shift_right_arithmetic3A_3154 : vector<16xi32>
        %and3A_3156 = arith.constant 3 : i32
        %and3A_3157 = vector.broadcast %and3A_3156 : i32 to vector<16xi32>
        %and3A_3158 = arith.andi %shift_right_arithmetic3A_3155, %and3A_3157 : vector<16xi32>
        %or3A_3159 = arith.ori %or3A_3152, %and3A_3158 : vector<16xi32>
        %swap3A_3160 = arith.constant 0 : i32
        %swap3A_3161 = arith.constant 1 : i32
        %swap3A_3162 = arith.index_cast %swap3A_3160 : i32 to index
        %swap3A_3163 = arith.index_cast %swap3A_3161 : i32 to index
        %swap3A_3164 = arith.constant 112 : index
        %swap3A_3165 = tpu.vector_load %arg5[%swap3A_3162, %swap3A_3163, %swap3A_3164] {strides = array<i32>} : memref<2x4x128xi32, #tpu.memory_space<vmem>>, vector<16xi32>,
        tpu.vector_store %arg5[%swap3A_3162, %swap3A_3163, %swap3A_3164], %or3A_3159 {strides = array<i32>} : memref<2x4x128xi32, #tpu.memory_space<vmem>>, vector<16xi32>,
        %get3A_3166 = arith.constant 0 : i32
        %get3A_3167 = arith.constant 2 : i32
        %get3A_3168 = arith.index_cast %get3A_3166 : i32 to index
        %get3A_3169 = arith.index_cast %get3A_3167 : i32 to index
        %get3A_3170 = arith.constant 0 : index
        %get3A_3171 = tpu.vector_load %arg5[%get3A_3168, %get3A_3169, %get3A_3170] {strides = array<i32>} : memref<2x4x128xi32, #tpu.memory_space<vmem>>, vector<16xi32>,
        %shift_right_arithmetic3A_3172 = arith.constant 15 : i32
        %shift_right_arithmetic3A_3173 = vector.broadcast %shift_right_arithmetic3A_3172 : i32 to vector<16xi32>
        %shift_right_arithmetic3A_3174 = arith.shrsi %get3A_3171, %shift_right_arithmetic3A_3173 : vector<16xi32>
        %shift_left3A_3175 = arith.constant 15 : i32
        %shift_left3A_3176 = vector.broadcast %shift_left3A_3175 : i32 to vector<16xi32>
        %shift_left3A_3177 = arith.shli %shift_right_arithmetic3A_3174, %shift_left3A_3176 : vector<16xi32>
        %and3A_3178 = arith.constant 8191 : i32
        %and3A_3179 = vector.broadcast %and3A_3178 : i32 to vector<16xi32>
        %and3A_3180 = arith.andi %get3A_3171, %and3A_3179 : vector<16xi32>
        %shift_left3A_3181 = arith.constant 2 : i32
        %shift_left3A_3182 = vector.broadcast %shift_left3A_3181 : i32 to vector<16xi32>
        %shift_left3A_3183 = arith.shli %and3A_3180, %shift_left3A_3182 : vector<16xi32>
        %or3A_3184 = arith.ori %shift_left3A_3177, %shift_left3A_3183 : vector<16xi32>
        %shift_right_arithmetic3A_3185 = arith.constant 13 : i32
        %shift_right_arithmetic3A_3186 = vector.broadcast %shift_right_arithmetic3A_3185 : i32 to vector<16xi32>
        %shift_right_arithmetic3A_3187 = arith.shrsi %get3A_3171, %shift_right_arithmetic3A_3186 : vector<16xi32>
        %and3A_3188 = arith.constant 3 : i32
        %and3A_3189 = vector.broadcast %and3A_3188 : i32 to vector<16xi32>
        %and3A_3190 = arith.andi %shift_right_arithmetic3A_3187, %and3A_3189 : vector<16xi32>
        %or3A_3191 = arith.ori %or3A_3184, %and3A_3190 : vector<16xi32>
        %swap3A_3192 = arith.constant 0 : i32
        %swap3A_3193 = arith.constant 2 : i32
        %swap3A_3194 = arith.index_cast %swap3A_3192 : i32 to index
        %swap3A_3195 = arith.index_cast %swap3A_3193 : i32 to index
        %swap3A_3196 = arith.constant 0 : index
        %swap3A_3197 = tpu.vector_load %arg5[%swap3A_3194, %swap3A_3195, %swap3A_3196] {strides = array<i32>} : memref<2x4x128xi32, #tpu.memory_space<vmem>>, vector<16xi32>,
        tpu.vector_store %arg5[%swap3A_3194, %swap3A_3195, %swap3A_3196], %or3A_3191 {strides = array<i32>} : memref<2x4x128xi32, #tpu.memory_space<vmem>>, vector<16xi32>,
        %get3A_3198 = arith.constant 0 : i32
        %get3A_3199 = arith.constant 2 : i32
        %get3A_3200 = arith.index_cast %get3A_3198 : i32 to index
        %get3A_3201 = arith.index_cast %get3A_3199 : i32 to index
        %get3A_3202 = arith.constant 16 : index
        %get3A_3203 = tpu.vector_load %arg5[%get3A_3200, %get3A_3201, %get3A_3202] {strides = array<i32>} : memref<2x4x128xi32, #tpu.memory_space<vmem>>, vector<16xi32>,
        %shift_right_arithmetic3A_3204 = arith.constant 15 : i32
        %shift_right_arithmetic3A_3205 = vector.broadcast %shift_right_arithmetic3A_3204 : i32 to vector<16xi32>
        %shift_right_arithmetic3A_3206 = arith.shrsi %get3A_3203, %shift_right_arithmetic3A_3205 : vector<16xi32>
        %shift_left3A_3207 = arith.constant 15 : i32
        %shift_left3A_3208 = vector.broadcast %shift_left3A_3207 : i32 to vector<16xi32>
        %shift_left3A_3209 = arith.shli %shift_right_arithmetic3A_3206, %shift_left3A_3208 : vector<16xi32>
        %and3A_3210 = arith.constant 8191 : i32
        %and3A_3211 = vector.broadcast %and3A_3210 : i32 to vector<16xi32>
        %and3A_3212 = arith.andi %get3A_3203, %and3A_3211 : vector<16xi32>
        %shift_left3A_3213 = arith.constant 2 : i32
        %shift_left3A_3214 = vector.broadcast %shift_left3A_3213 : i32 to vector<16xi32>
        %shift_left3A_3215 = arith.shli %and3A_3212, %shift_left3A_3214 : vector<16xi32>
        %or3A_3216 = arith.ori %shift_left3A_3209, %shift_left3A_3215 : vector<16xi32>
        %shift_right_arithmetic3A_3217 = arith.constant 13 : i32
        %shift_right_arithmetic3A_3218 = vector.broadcast %shift_right_arithmetic3A_3217 : i32 to vector<16xi32>
        %shift_right_arithmetic3A_3219 = arith.shrsi %get3A_3203, %shift_right_arithmetic3A_3218 : vector<16xi32>
        %and3A_3220 = arith.constant 3 : i32
        %and3A_3221 = vector.broadcast %and3A_3220 : i32 to vector<16xi32>
        %and3A_3222 = arith.andi %shift_right_arithmetic3A_3219, %and3A_3221 : vector<16xi32>
        %or3A_3223 = arith.ori %or3A_3216, %and3A_3222 : vector<16xi32>
        %swap3A_3224 = arith.constant 0 : i32
        %swap3A_3225 = arith.constant 2 : i32
        %swap3A_3226 = arith.index_cast %swap3A_3224 : i32 to index
        %swap3A_3227 = arith.index_cast %swap3A_3225 : i32 to index
        %swap3A_3228 = arith.constant 16 : index
        %swap3A_3229 = tpu.vector_load %arg5[%swap3A_3226, %swap3A_3227, %swap3A_3228] {strides = array<i32>} : memref<2x4x128xi32, #tpu.memory_space<vmem>>, vector<16xi32>,
        tpu.vector_store %arg5[%swap3A_3226, %swap3A_3227, %swap3A_3228], %or3A_3223 {strides = array<i32>} : memref<2x4x128xi32, #tpu.memory_space<vmem>>, vector<16xi32>,
        %get3A_3230 = arith.constant 0 : i32
        %get3A_3231 = arith.constant 2 : i32
        %get3A_3232 = arith.index_cast %get3A_3230 : i32 to index
        %get3A_3233 = arith.index_cast %get3A_3231 : i32 to index
        %get3A_3234 = arith.constant 32 : index
        %get3A_3235 = tpu.vector_load %arg5[%get3A_3232, %get3A_3233, %get3A_3234] {strides = array<i32>} : memref<2x4x128xi32, #tpu.memory_space<vmem>>, vector<16xi32>,
        %shift_right_arithmetic3A_3236 = arith.constant 15 : i32
        %shift_right_arithmetic3A_3237 = vector.broadcast %shift_right_arithmetic3A_3236 : i32 to vector<16xi32>
        %shift_right_arithmetic3A_3238 = arith.shrsi %get3A_3235, %shift_right_arithmetic3A_3237 : vector<16xi32>
        %shift_left3A_3239 = arith.constant 15 : i32
        %shift_left3A_3240 = vector.broadcast %shift_left3A_3239 : i32 to vector<16xi32>
        %shift_left3A_3241 = arith.shli %shift_right_arithmetic3A_3238, %shift_left3A_3240 : vector<16xi32>
        %and3A_3242 = arith.constant 8191 : i32
        %and3A_3243 = vector.broadcast %and3A_3242 : i32 to vector<16xi32>
        %and3A_3244 = arith.andi %get3A_3235, %and3A_3243 : vector<16xi32>
        %shift_left3A_3245 = arith.constant 2 : i32
        %shift_left3A_3246 = vector.broadcast %shift_left3A_3245 : i32 to vector<16xi32>
        %shift_left3A_3247 = arith.shli %and3A_3244, %shift_left3A_3246 : vector<16xi32>
        %or3A_3248 = arith.ori %shift_left3A_3241, %shift_left3A_3247 : vector<16xi32>
        %shift_right_arithmetic3A_3249 = arith.constant 13 : i32
        %shift_right_arithmetic3A_3250 = vector.broadcast %shift_right_arithmetic3A_3249 : i32 to vector<16xi32>
        %shift_right_arithmetic3A_3251 = arith.shrsi %get3A_3235, %shift_right_arithmetic3A_3250 : vector<16xi32>
        %and3A_3252 = arith.constant 3 : i32
        %and3A_3253 = vector.broadcast %and3A_3252 : i32 to vector<16xi32>
        %and3A_3254 = arith.andi %shift_right_arithmetic3A_3251, %and3A_3253 : vector<16xi32>
        %or3A_3255 = arith.ori %or3A_3248, %and3A_3254 : vector<16xi32>
        %swap3A_3256 = arith.constant 0 : i32
        %swap3A_3257 = arith.constant 2 : i32
        %swap3A_3258 = arith.index_cast %swap3A_3256 : i32 to index
        %swap3A_3259 = arith.index_cast %swap3A_3257 : i32 to index
        %swap3A_3260 = arith.constant 32 : index
        %swap3A_3261 = tpu.vector_load %arg5[%swap3A_3258, %swap3A_3259, %swap3A_3260] {strides = array<i32>} : memref<2x4x128xi32, #tpu.memory_space<vmem>>, vector<16xi32>,
        tpu.vector_store %arg5[%swap3A_3258, %swap3A_3259, %swap3A_3260], %or3A_3255 {strides = array<i32>} : memref<2x4x128xi32, #tpu.memory_space<vmem>>, vector<16xi32>,
        %get3A_3262 = arith.constant 0 : i32
        %get3A_3263 = arith.constant 2 : i32
        %get3A_3264 = arith.index_cast %get3A_3262 : i32 to index
        %get3A_3265 = arith.index_cast %get3A_3263 : i32 to index
        %get3A_3266 = arith.constant 48 : index
        %get3A_3267 = tpu.vector_load %arg5[%get3A_3264, %get3A_3265, %get3A_3266] {strides = array<i32>} : memref<2x4x128xi32, #tpu.memory_space<vmem>>, vector<16xi32>,
        %shift_right_arithmetic3A_3268 = arith.constant 15 : i32
        %shift_right_arithmetic3A_3269 = vector.broadcast %shift_right_arithmetic3A_3268 : i32 to vector<16xi32>
        %shift_right_arithmetic3A_3270 = arith.shrsi %get3A_3267, %shift_right_arithmetic3A_3269 : vector<16xi32>
        %shift_left3A_3271 = arith.constant 15 : i32
        %shift_left3A_3272 = vector.broadcast %shift_left3A_3271 : i32 to vector<16xi32>
        %shift_left3A_3273 = arith.shli %shift_right_arithmetic3A_3270, %shift_left3A_3272 : vector<16xi32>
        %and3A_3274 = arith.constant 8191 : i32
        %and3A_3275 = vector.broadcast %and3A_3274 : i32 to vector<16xi32>
        %and3A_3276 = arith.andi %get3A_3267, %and3A_3275 : vector<16xi32>
        %shift_left3A_3277 = arith.constant 2 : i32
        %shift_left3A_3278 = vector.broadcast %shift_left3A_3277 : i32 to vector<16xi32>
        %shift_left3A_3279 = arith.shli %and3A_3276, %shift_left3A_3278 : vector<16xi32>
        %or3A_3280 = arith.ori %shift_left3A_3273, %shift_left3A_3279 : vector<16xi32>
        %shift_right_arithmetic3A_3281 = arith.constant 13 : i32
        %shift_right_arithmetic3A_3282 = vector.broadcast %shift_right_arithmetic3A_3281 : i32 to vector<16xi32>
        %shift_right_arithmetic3A_3283 = arith.shrsi %get3A_3267, %shift_right_arithmetic3A_3282 : vector<16xi32>
        %and3A_3284 = arith.constant 3 : i32
        %and3A_3285 = vector.broadcast %and3A_3284 : i32 to vector<16xi32>
        %and3A_3286 = arith.andi %shift_right_arithmetic3A_3283, %and3A_3285 : vector<16xi32>
        %or3A_3287 = arith.ori %or3A_3280, %and3A_3286 : vector<16xi32>
        %swap3A_3288 = arith.constant 0 : i32
        %swap3A_3289 = arith.constant 2 : i32
        %swap3A_3290 = arith.index_cast %swap3A_3288 : i32 to index
        %swap3A_3291 = arith.index_cast %swap3A_3289 : i32 to index
        %swap3A_3292 = arith.constant 48 : index
        %swap3A_3293 = tpu.vector_load %arg5[%swap3A_3290, %swap3A_3291, %swap3A_3292] {strides = array<i32>} : memref<2x4x128xi32, #tpu.memory_space<vmem>>, vector<16xi32>,
        tpu.vector_store %arg5[%swap3A_3290, %swap3A_3291, %swap3A_3292], %or3A_3287 {strides = array<i32>} : memref<2x4x128xi32, #tpu.memory_space<vmem>>, vector<16xi32>,
        %get3A_3294 = arith.constant 0 : i32
        %get3A_3295 = arith.constant 2 : i32
        %get3A_3296 = arith.index_cast %get3A_3294 : i32 to index
        %get3A_3297 = arith.index_cast %get3A_3295 : i32 to index
        %get3A_3298 = arith.constant 64 : index
        %get3A_3299 = tpu.vector_load %arg5[%get3A_3296, %get3A_3297, %get3A_3298] {strides = array<i32>} : memref<2x4x128xi32, #tpu.memory_space<vmem>>, vector<16xi32>,
        %shift_right_arithmetic3A_3300 = arith.constant 15 : i32
        %shift_right_arithmetic3A_3301 = vector.broadcast %shift_right_arithmetic3A_3300 : i32 to vector<16xi32>
        %shift_right_arithmetic3A_3302 = arith.shrsi %get3A_3299, %shift_right_arithmetic3A_3301 : vector<16xi32>
        %shift_left3A_3303 = arith.constant 15 : i32
        %shift_left3A_3304 = vector.broadcast %shift_left3A_3303 : i32 to vector<16xi32>
        %shift_left3A_3305 = arith.shli %shift_right_arithmetic3A_3302, %shift_left3A_3304 : vector<16xi32>
        %and3A_3306 = arith.constant 8191 : i32
        %and3A_3307 = vector.broadcast %and3A_3306 : i32 to vector<16xi32>
        %and3A_3308 = arith.andi %get3A_3299, %and3A_3307 : vector<16xi32>
        %shift_left3A_3309 = arith.constant 2 : i32
        %shift_left3A_3310 = vector.broadcast %shift_left3A_3309 : i32 to vector<16xi32>
        %shift_left3A_3311 = arith.shli %and3A_3308, %shift_left3A_3310 : vector<16xi32>
        %or3A_3312 = arith.ori %shift_left3A_3305, %shift_left3A_3311 : vector<16xi32>
        %shift_right_arithmetic3A_3313 = arith.constant 13 : i32
        %shift_right_arithmetic3A_3314 = vector.broadcast %shift_right_arithmetic3A_3313 : i32 to vector<16xi32>
        %shift_right_arithmetic3A_3315 = arith.shrsi %get3A_3299, %shift_right_arithmetic3A_3314 : vector<16xi32>
        %and3A_3316 = arith.constant 3 : i32
        %and3A_3317 = vector.broadcast %and3A_3316 : i32 to vector<16xi32>
        %and3A_3318 = arith.andi %shift_right_arithmetic3A_3315, %and3A_3317 : vector<16xi32>
        %or3A_3319 = arith.ori %or3A_3312, %and3A_3318 : vector<16xi32>
        %swap3A_3320 = arith.constant 0 : i32
        %swap3A_3321 = arith.constant 2 : i32
        %swap3A_3322 = arith.index_cast %swap3A_3320 : i32 to index
        %swap3A_3323 = arith.index_cast %swap3A_3321 : i32 to index
        %swap3A_3324 = arith.constant 64 : index
        %swap3A_3325 = tpu.vector_load %arg5[%swap3A_3322, %swap3A_3323, %swap3A_3324] {strides = array<i32>} : memref<2x4x128xi32, #tpu.memory_space<vmem>>, vector<16xi32>,
        tpu.vector_store %arg5[%swap3A_3322, %swap3A_3323, %swap3A_3324], %or3A_3319 {strides = array<i32>} : memref<2x4x128xi32, #tpu.memory_space<vmem>>, vector<16xi32>,
        %get3A_3326 = arith.constant 0 : i32
        %get3A_3327 = arith.constant 2 : i32
        %get3A_3328 = arith.index_cast %get3A_3326 : i32 to index
        %get3A_3329 = arith.index_cast %get3A_3327 : i32 to index
        %get3A_3330 = arith.constant 80 : index
        %get3A_3331 = tpu.vector_load %arg5[%get3A_3328, %get3A_3329, %get3A_3330] {strides = array<i32>} : memref<2x4x128xi32, #tpu.memory_space<vmem>>, vector<16xi32>,
        %shift_right_arithmetic3A_3332 = arith.constant 15 : i32
        %shift_right_arithmetic3A_3333 = vector.broadcast %shift_right_arithmetic3A_3332 : i32 to vector<16xi32>
        %shift_right_arithmetic3A_3334 = arith.shrsi %get3A_3331, %shift_right_arithmetic3A_3333 : vector<16xi32>
        %shift_left3A_3335 = arith.constant 15 : i32
        %shift_left3A_3336 = vector.broadcast %shift_left3A_3335 : i32 to vector<16xi32>
        %shift_left3A_3337 = arith.shli %shift_right_arithmetic3A_3334, %shift_left3A_3336 : vector<16xi32>
        %and3A_3338 = arith.constant 8191 : i32
        %and3A_3339 = vector.broadcast %and3A_3338 : i32 to vector<16xi32>
        %and3A_3340 = arith.andi %get3A_3331, %and3A_3339 : vector<16xi32>
        %shift_left3A_3341 = arith.constant 2 : i32
        %shift_left3A_3342 = vector.broadcast %shift_left3A_3341 : i32 to vector<16xi32>
        %shift_left3A_3343 = arith.shli %and3A_3340, %shift_left3A_3342 : vector<16xi32>
        %or3A_3344 = arith.ori %shift_left3A_3337, %shift_left3A_3343 : vector<16xi32>
        %shift_right_arithmetic3A_3345 = arith.constant 13 : i32
        %shift_right_arithmetic3A_3346 = vector.broadcast %shift_right_arithmetic3A_3345 : i32 to vector<16xi32>
        %shift_right_arithmetic3A_3347 = arith.shrsi %get3A_3331, %shift_right_arithmetic3A_3346 : vector<16xi32>
        %and3A_3348 = arith.constant 3 : i32
        %and3A_3349 = vector.broadcast %and3A_3348 : i32 to vector<16xi32>
        %and3A_3350 = arith.andi %shift_right_arithmetic3A_3347, %and3A_3349 : vector<16xi32>
        %or3A_3351 = arith.ori %or3A_3344, %and3A_3350 : vector<16xi32>
        %swap3A_3352 = arith.constant 0 : i32
        %swap3A_3353 = arith.constant 2 : i32
        %swap3A_3354 = arith.index_cast %swap3A_3352 : i32 to index
        %swap3A_3355 = arith.index_cast %swap3A_3353 : i32 to index
        %swap3A_3356 = arith.constant 80 : index
        %swap3A_3357 = tpu.vector_load %arg5[%swap3A_3354, %swap3A_3355, %swap3A_3356] {strides = array<i32>} : memref<2x4x128xi32, #tpu.memory_space<vmem>>, vector<16xi32>,
        tpu.vector_store %arg5[%swap3A_3354, %swap3A_3355, %swap3A_3356], %or3A_3351 {strides = array<i32>} : memref<2x4x128xi32, #tpu.memory_space<vmem>>, vector<16xi32>,
        %get3A_3358 = arith.constant 0 : i32
        %get3A_3359 = arith.constant 2 : i32
        %get3A_3360 = arith.index_cast %get3A_3358 : i32 to index
        %get3A_3361 = arith.index_cast %get3A_3359 : i32 to index
        %get3A_3362 = arith.constant 96 : index
        %get3A_3363 = tpu.vector_load %arg5[%get3A_3360, %get3A_3361, %get3A_3362] {strides = array<i32>} : memref<2x4x128xi32, #tpu.memory_space<vmem>>, vector<16xi32>,
        %shift_right_arithmetic3A_3364 = arith.constant 15 : i32
        %shift_right_arithmetic3A_3365 = vector.broadcast %shift_right_arithmetic3A_3364 : i32 to vector<16xi32>
        %shift_right_arithmetic3A_3366 = arith.shrsi %get3A_3363, %shift_right_arithmetic3A_3365 : vector<16xi32>
        %shift_left3A_3367 = arith.constant 15 : i32
        %shift_left3A_3368 = vector.broadcast %shift_left3A_3367 : i32 to vector<16xi32>
        %shift_left3A_3369 = arith.shli %shift_right_arithmetic3A_3366, %shift_left3A_3368 : vector<16xi32>
        %and3A_3370 = arith.constant 8191 : i32
        %and3A_3371 = vector.broadcast %and3A_3370 : i32 to vector<16xi32>
        %and3A_3372 = arith.andi %get3A_3363, %and3A_3371 : vector<16xi32>
        %shift_left3A_3373 = arith.constant 2 : i32
        %shift_left3A_3374 = vector.broadcast %shift_left3A_3373 : i32 to vector<16xi32>
        %shift_left3A_3375 = arith.shli %and3A_3372, %shift_left3A_3374 : vector<16xi32>
        %or3A_3376 = arith.ori %shift_left3A_3369, %shift_left3A_3375 : vector<16xi32>
        %shift_right_arithmetic3A_3377 = arith.constant 13 : i32
        %shift_right_arithmetic3A_3378 = vector.broadcast %shift_right_arithmetic3A_3377 : i32 to vector<16xi32>
        %shift_right_arithmetic3A_3379 = arith.shrsi %get3A_3363, %shift_right_arithmetic3A_3378 : vector<16xi32>
        %and3A_3380 = arith.constant 3 : i32
        %and3A_3381 = vector.broadcast %and3A_3380 : i32 to vector<16xi32>
        %and3A_3382 = arith.andi %shift_right_arithmetic3A_3379, %and3A_3381 : vector<16xi32>
        %or3A_3383 = arith.ori %or3A_3376, %and3A_3382 : vector<16xi32>
        %swap3A_3384 = arith.constant 0 : i32
        %swap3A_3385 = arith.constant 2 : i32
        %swap3A_3386 = arith.index_cast %swap3A_3384 : i32 to index
        %swap3A_3387 = arith.index_cast %swap3A_3385 : i32 to index
        %swap3A_3388 = arith.constant 96 : index
        %swap3A_3389 = tpu.vector_load %arg5[%swap3A_3386, %swap3A_3387, %swap3A_3388] {strides = array<i32>} : memref<2x4x128xi32, #tpu.memory_space<vmem>>, vector<16xi32>,
        tpu.vector_store %arg5[%swap3A_3386, %swap3A_3387, %swap3A_3388], %or3A_3383 {strides = array<i32>} : memref<2x4x128xi32, #tpu.memory_space<vmem>>, vector<16xi32>,
        %get3A_3390 = arith.constant 0 : i32
        %get3A_3391 = arith.constant 2 : i32
        %get3A_3392 = arith.index_cast %get3A_3390 : i32 to index
        %get3A_3393 = arith.index_cast %get3A_3391 : i32 to index
        %get3A_3394 = arith.constant 112 : index
        %get3A_3395 = tpu.vector_load %arg5[%get3A_3392, %get3A_3393, %get3A_3394] {strides = array<i32>} : memref<2x4x128xi32, #tpu.memory_space<vmem>>, vector<16xi32>,
        %shift_right_arithmetic3A_3396 = arith.constant 15 : i32
        %shift_right_arithmetic3A_3397 = vector.broadcast %shift_right_arithmetic3A_3396 : i32 to vector<16xi32>
        %shift_right_arithmetic3A_3398 = arith.shrsi %get3A_3395, %shift_right_arithmetic3A_3397 : vector<16xi32>
        %shift_left3A_3399 = arith.constant 15 : i32
        %shift_left3A_3400 = vector.broadcast %shift_left3A_3399 : i32 to vector<16xi32>
        %shift_left3A_3401 = arith.shli %shift_right_arithmetic3A_3398, %shift_left3A_3400 : vector<16xi32>
        %and3A_3402 = arith.constant 8191 : i32
        %and3A_3403 = vector.broadcast %and3A_3402 : i32 to vector<16xi32>
        %and3A_3404 = arith.andi %get3A_3395, %and3A_3403 : vector<16xi32>
        %shift_left3A_3405 = arith.constant 2 : i32
        %shift_left3A_3406 = vector.broadcast %shift_left3A_3405 : i32 to vector<16xi32>
        %shift_left3A_3407 = arith.shli %and3A_3404, %shift_left3A_3406 : vector<16xi32>
        %or3A_3408 = arith.ori %shift_left3A_3401, %shift_left3A_3407 : vector<16xi32>
        %shift_right_arithmetic3A_3409 = arith.constant 13 : i32
        %shift_right_arithmetic3A_3410 = vector.broadcast %shift_right_arithmetic3A_3409 : i32 to vector<16xi32>
        %shift_right_arithmetic3A_3411 = arith.shrsi %get3A_3395, %shift_right_arithmetic3A_3410 : vector<16xi32>
        %and3A_3412 = arith.constant 3 : i32
        %and3A_3413 = vector.broadcast %and3A_3412 : i32 to vector<16xi32>
        %and3A_3414 = arith.andi %shift_right_arithmetic3A_3411, %and3A_3413 : vector<16xi32>
        %or3A_3415 = arith.ori %or3A_3408, %and3A_3414 : vector<16xi32>
        %swap3A_3416 = arith.constant 0 : i32
        %swap3A_3417 = arith.constant 2 : i32
        %swap3A_3418 = arith.index_cast %swap3A_3416 : i32 to index
        %swap3A_3419 = arith.index_cast %swap3A_3417 : i32 to index
        %swap3A_3420 = arith.constant 112 : index
        %swap3A_3421 = tpu.vector_load %arg5[%swap3A_3418, %swap3A_3419, %swap3A_3420] {strides = array<i32>} : memref<2x4x128xi32, #tpu.memory_space<vmem>>, vector<16xi32>,
        tpu.vector_store %arg5[%swap3A_3418, %swap3A_3419, %swap3A_3420], %or3A_3415 {strides = array<i32>} : memref<2x4x128xi32, #tpu.memory_space<vmem>>, vector<16xi32>,
        %get3A_3422 = arith.constant 0 : i32
        %get3A_3423 = arith.constant 3 : i32
        %get3A_3424 = arith.index_cast %get3A_3422 : i32 to index
        %get3A_3425 = arith.index_cast %get3A_3423 : i32 to index
        %get3A_3426 = arith.constant 0 : index
        %get3A_3427 = tpu.vector_load %arg5[%get3A_3424, %get3A_3425, %get3A_3426] {strides = array<i32>} : memref<2x4x128xi32, #tpu.memory_space<vmem>>, vector<16xi32>,
        %shift_right_arithmetic3A_3428 = arith.constant 15 : i32
        %shift_right_arithmetic3A_3429 = vector.broadcast %shift_right_arithmetic3A_3428 : i32 to vector<16xi32>
        %shift_right_arithmetic3A_3430 = arith.shrsi %get3A_3427, %shift_right_arithmetic3A_3429 : vector<16xi32>
        %shift_left3A_3431 = arith.constant 15 : i32
        %shift_left3A_3432 = vector.broadcast %shift_left3A_3431 : i32 to vector<16xi32>
        %shift_left3A_3433 = arith.shli %shift_right_arithmetic3A_3430, %shift_left3A_3432 : vector<16xi32>
        %and3A_3434 = arith.constant 8191 : i32
        %and3A_3435 = vector.broadcast %and3A_3434 : i32 to vector<16xi32>
        %and3A_3436 = arith.andi %get3A_3427, %and3A_3435 : vector<16xi32>
        %shift_left3A_3437 = arith.constant 2 : i32
        %shift_left3A_3438 = vector.broadcast %shift_left3A_3437 : i32 to vector<16xi32>
        %shift_left3A_3439 = arith.shli %and3A_3436, %shift_left3A_3438 : vector<16xi32>
        %or3A_3440 = arith.ori %shift_left3A_3433, %shift_left3A_3439 : vector<16xi32>
        %shift_right_arithmetic3A_3441 = arith.constant 13 : i32
        %shift_right_arithmetic3A_3442 = vector.broadcast %shift_right_arithmetic3A_3441 : i32 to vector<16xi32>
        %shift_right_arithmetic3A_3443 = arith.shrsi %get3A_3427, %shift_right_arithmetic3A_3442 : vector<16xi32>
        %and3A_3444 = arith.constant 3 : i32
        %and3A_3445 = vector.broadcast %and3A_3444 : i32 to vector<16xi32>
        %and3A_3446 = arith.andi %shift_right_arithmetic3A_3443, %and3A_3445 : vector<16xi32>
        %or3A_3447 = arith.ori %or3A_3440, %and3A_3446 : vector<16xi32>
        %swap3A_3448 = arith.constant 0 : i32
        %swap3A_3449 = arith.constant 3 : i32
        %swap3A_3450 = arith.index_cast %swap3A_3448 : i32 to index
        %swap3A_3451 = arith.index_cast %swap3A_3449 : i32 to index
        %swap3A_3452 = arith.constant 0 : index
        %swap3A_3453 = tpu.vector_load %arg5[%swap3A_3450, %swap3A_3451, %swap3A_3452] {strides = array<i32>} : memref<2x4x128xi32, #tpu.memory_space<vmem>>, vector<16xi32>,
        tpu.vector_store %arg5[%swap3A_3450, %swap3A_3451, %swap3A_3452], %or3A_3447 {strides = array<i32>} : memref<2x4x128xi32, #tpu.memory_space<vmem>>, vector<16xi32>,
        %get3A_3454 = arith.constant 0 : i32
        %get3A_3455 = arith.constant 3 : i32
        %get3A_3456 = arith.index_cast %get3A_3454 : i32 to index
        %get3A_3457 = arith.index_cast %get3A_3455 : i32 to index
        %get3A_3458 = arith.constant 16 : index
        %get3A_3459 = tpu.vector_load %arg5[%get3A_3456, %get3A_3457, %get3A_3458] {strides = array<i32>} : memref<2x4x128xi32, #tpu.memory_space<vmem>>, vector<16xi32>,
        %shift_right_arithmetic3A_3460 = arith.constant 15 : i32
        %shift_right_arithmetic3A_3461 = vector.broadcast %shift_right_arithmetic3A_3460 : i32 to vector<16xi32>
        %shift_right_arithmetic3A_3462 = arith.shrsi %get3A_3459, %shift_right_arithmetic3A_3461 : vector<16xi32>
        %shift_left3A_3463 = arith.constant 15 : i32
        %shift_left3A_3464 = vector.broadcast %shift_left3A_3463 : i32 to vector<16xi32>
        %shift_left3A_3465 = arith.shli %shift_right_arithmetic3A_3462, %shift_left3A_3464 : vector<16xi32>
        %and3A_3466 = arith.constant 8191 : i32
        %and3A_3467 = vector.broadcast %and3A_3466 : i32 to vector<16xi32>
        %and3A_3468 = arith.andi %get3A_3459, %and3A_3467 : vector<16xi32>
        %shift_left3A_3469 = arith.constant 2 : i32
        %shift_left3A_3470 = vector.broadcast %shift_left3A_3469 : i32 to vector<16xi32>
        %shift_left3A_3471 = arith.shli %and3A_3468, %shift_left3A_3470 : vector<16xi32>
        %or3A_3472 = arith.ori %shift_left3A_3465, %shift_left3A_3471 : vector<16xi32>
        %shift_right_arithmetic3A_3473 = arith.constant 13 : i32
        %shift_right_arithmetic3A_3474 = vector.broadcast %shift_right_arithmetic3A_3473 : i32 to vector<16xi32>
        %shift_right_arithmetic3A_3475 = arith.shrsi %get3A_3459, %shift_right_arithmetic3A_3474 : vector<16xi32>
        %and3A_3476 = arith.constant 3 : i32
        %and3A_3477 = vector.broadcast %and3A_3476 : i32 to vector<16xi32>
        %and3A_3478 = arith.andi %shift_right_arithmetic3A_3475, %and3A_3477 : vector<16xi32>
        %or3A_3479 = arith.ori %or3A_3472, %and3A_3478 : vector<16xi32>
        %swap3A_3480 = arith.constant 0 : i32
        %swap3A_3481 = arith.constant 3 : i32
        %swap3A_3482 = arith.index_cast %swap3A_3480 : i32 to index
        %swap3A_3483 = arith.index_cast %swap3A_3481 : i32 to index
        %swap3A_3484 = arith.constant 16 : index
        %swap3A_3485 = tpu.vector_load %arg5[%swap3A_3482, %swap3A_3483, %swap3A_3484] {strides = array<i32>} : memref<2x4x128xi32, #tpu.memory_space<vmem>>, vector<16xi32>,
        tpu.vector_store %arg5[%swap3A_3482, %swap3A_3483, %swap3A_3484], %or3A_3479 {strides = array<i32>} : memref<2x4x128xi32, #tpu.memory_space<vmem>>, vector<16xi32>,
        %get3A_3486 = arith.constant 0 : i32
        %get3A_3487 = arith.constant 3 : i32
        %get3A_3488 = arith.index_cast %get3A_3486 : i32 to index
        %get3A_3489 = arith.index_cast %get3A_3487 : i32 to index
        %get3A_3490 = arith.constant 32 : index
        %get3A_3491 = tpu.vector_load %arg5[%get3A_3488, %get3A_3489, %get3A_3490] {strides = array<i32>} : memref<2x4x128xi32, #tpu.memory_space<vmem>>, vector<16xi32>,
        %shift_right_arithmetic3A_3492 = arith.constant 15 : i32
        %shift_right_arithmetic3A_3493 = vector.broadcast %shift_right_arithmetic3A_3492 : i32 to vector<16xi32>
        %shift_right_arithmetic3A_3494 = arith.shrsi %get3A_3491, %shift_right_arithmetic3A_3493 : vector<16xi32>
        %shift_left3A_3495 = arith.constant 15 : i32
        %shift_left3A_3496 = vector.broadcast %shift_left3A_3495 : i32 to vector<16xi32>
        %shift_left3A_3497 = arith.shli %shift_right_arithmetic3A_3494, %shift_left3A_3496 : vector<16xi32>
        %and3A_3498 = arith.constant 8191 : i32
        %and3A_3499 = vector.broadcast %and3A_3498 : i32 to vector<16xi32>
        %and3A_3500 = arith.andi %get3A_3491, %and3A_3499 : vector<16xi32>
        %shift_left3A_3501 = arith.constant 2 : i32
        %shift_left3A_3502 = vector.broadcast %shift_left3A_3501 : i32 to vector<16xi32>
        %shift_left3A_3503 = arith.shli %and3A_3500, %shift_left3A_3502 : vector<16xi32>
        %or3A_3504 = arith.ori %shift_left3A_3497, %shift_left3A_3503 : vector<16xi32>
        %shift_right_arithmetic3A_3505 = arith.constant 13 : i32
        %shift_right_arithmetic3A_3506 = vector.broadcast %shift_right_arithmetic3A_3505 : i32 to vector<16xi32>
        %shift_right_arithmetic3A_3507 = arith.shrsi %get3A_3491, %shift_right_arithmetic3A_3506 : vector<16xi32>
        %and3A_3508 = arith.constant 3 : i32
        %and3A_3509 = vector.broadcast %and3A_3508 : i32 to vector<16xi32>
        %and3A_3510 = arith.andi %shift_right_arithmetic3A_3507, %and3A_3509 : vector<16xi32>
        %or3A_3511 = arith.ori %or3A_3504, %and3A_3510 : vector<16xi32>
        %swap3A_3512 = arith.constant 0 : i32
        %swap3A_3513 = arith.constant 3 : i32
        %swap3A_3514 = arith.index_cast %swap3A_3512 : i32 to index
        %swap3A_3515 = arith.index_cast %swap3A_3513 : i32 to index
        %swap3A_3516 = arith.constant 32 : index
        %swap3A_3517 = tpu.vector_load %arg5[%swap3A_3514, %swap3A_3515, %swap3A_3516] {strides = array<i32>} : memref<2x4x128xi32, #tpu.memory_space<vmem>>, vector<16xi32>,
        tpu.vector_store %arg5[%swap3A_3514, %swap3A_3515, %swap3A_3516], %or3A_3511 {strides = array<i32>} : memref<2x4x128xi32, #tpu.memory_space<vmem>>, vector<16xi32>,
        %get3A_3518 = arith.constant 0 : i32
        %get3A_3519 = arith.constant 3 : i32
        %get3A_3520 = arith.index_cast %get3A_3518 : i32 to index
        %get3A_3521 = arith.index_cast %get3A_3519 : i32 to index
        %get3A_3522 = arith.constant 48 : index
        %get3A_3523 = tpu.vector_load %arg5[%get3A_3520, %get3A_3521, %get3A_3522] {strides = array<i32>} : memref<2x4x128xi32, #tpu.memory_space<vmem>>, vector<16xi32>,
        %shift_right_arithmetic3A_3524 = arith.constant 15 : i32
        %shift_right_arithmetic3A_3525 = vector.broadcast %shift_right_arithmetic3A_3524 : i32 to vector<16xi32>
        %shift_right_arithmetic3A_3526 = arith.shrsi %get3A_3523, %shift_right_arithmetic3A_3525 : vector<16xi32>
        %shift_left3A_3527 = arith.constant 15 : i32
        %shift_left3A_3528 = vector.broadcast %shift_left3A_3527 : i32 to vector<16xi32>
        %shift_left3A_3529 = arith.shli %shift_right_arithmetic3A_3526, %shift_left3A_3528 : vector<16xi32>
        %and3A_3530 = arith.constant 8191 : i32
        %and3A_3531 = vector.broadcast %and3A_3530 : i32 to vector<16xi32>
        %and3A_3532 = arith.andi %get3A_3523, %and3A_3531 : vector<16xi32>
        %shift_left3A_3533 = arith.constant 2 : i32
        %shift_left3A_3534 = vector.broadcast %shift_left3A_3533 : i32 to vector<16xi32>
        %shift_left3A_3535 = arith.shli %and3A_3532, %shift_left3A_3534 : vector<16xi32>
        %or3A_3536 = arith.ori %shift_left3A_3529, %shift_left3A_3535 : vector<16xi32>
        %shift_right_arithmetic3A_3537 = arith.constant 13 : i32
        %shift_right_arithmetic3A_3538 = vector.broadcast %shift_right_arithmetic3A_3537 : i32 to vector<16xi32>
        %shift_right_arithmetic3A_3539 = arith.shrsi %get3A_3523, %shift_right_arithmetic3A_3538 : vector<16xi32>
        %and3A_3540 = arith.constant 3 : i32
        %and3A_3541 = vector.broadcast %and3A_3540 : i32 to vector<16xi32>
        %and3A_3542 = arith.andi %shift_right_arithmetic3A_3539, %and3A_3541 : vector<16xi32>
        %or3A_3543 = arith.ori %or3A_3536, %and3A_3542 : vector<16xi32>
        %swap3A_3544 = arith.constant 0 : i32
        %swap3A_3545 = arith.constant 3 : i32
        %swap3A_3546 = arith.index_cast %swap3A_3544 : i32 to index
        %swap3A_3547 = arith.index_cast %swap3A_3545 : i32 to index
        %swap3A_3548 = arith.constant 48 : index
        %swap3A_3549 = tpu.vector_load %arg5[%swap3A_3546, %swap3A_3547, %swap3A_3548] {strides = array<i32>} : memref<2x4x128xi32, #tpu.memory_space<vmem>>, vector<16xi32>,
        tpu.vector_store %arg5[%swap3A_3546, %swap3A_3547, %swap3A_3548], %or3A_3543 {strides = array<i32>} : memref<2x4x128xi32, #tpu.memory_space<vmem>>, vector<16xi32>,
        %get3A_3550 = arith.constant 0 : i32
        %get3A_3551 = arith.constant 3 : i32
        %get3A_3552 = arith.index_cast %get3A_3550 : i32 to index
        %get3A_3553 = arith.index_cast %get3A_3551 : i32 to index
        %get3A_3554 = arith.constant 64 : index
        %get3A_3555 = tpu.vector_load %arg5[%get3A_3552, %get3A_3553, %get3A_3554] {strides = array<i32>} : memref<2x4x128xi32, #tpu.memory_space<vmem>>, vector<16xi32>,
        %shift_right_arithmetic3A_3556 = arith.constant 15 : i32
        %shift_right_arithmetic3A_3557 = vector.broadcast %shift_right_arithmetic3A_3556 : i32 to vector<16xi32>
        %shift_right_arithmetic3A_3558 = arith.shrsi %get3A_3555, %shift_right_arithmetic3A_3557 : vector<16xi32>
        %shift_left3A_3559 = arith.constant 15 : i32
        %shift_left3A_3560 = vector.broadcast %shift_left3A_3559 : i32 to vector<16xi32>
        %shift_left3A_3561 = arith.shli %shift_right_arithmetic3A_3558, %shift_left3A_3560 : vector<16xi32>
        %and3A_3562 = arith.constant 8191 : i32
        %and3A_3563 = vector.broadcast %and3A_3562 : i32 to vector<16xi32>
        %and3A_3564 = arith.andi %get3A_3555, %and3A_3563 : vector<16xi32>
        %shift_left3A_3565 = arith.constant 2 : i32
        %shift_left3A_3566 = vector.broadcast %shift_left3A_3565 : i32 to vector<16xi32>
        %shift_left3A_3567 = arith.shli %and3A_3564, %shift_left3A_3566 : vector<16xi32>
        %or3A_3568 = arith.ori %shift_left3A_3561, %shift_left3A_3567 : vector<16xi32>
        %shift_right_arithmetic3A_3569 = arith.constant 13 : i32
        %shift_right_arithmetic3A_3570 = vector.broadcast %shift_right_arithmetic3A_3569 : i32 to vector<16xi32>
        %shift_right_arithmetic3A_3571 = arith.shrsi %get3A_3555, %shift_right_arithmetic3A_3570 : vector<16xi32>
        %and3A_3572 = arith.constant 3 : i32
        %and3A_3573 = vector.broadcast %and3A_3572 : i32 to vector<16xi32>
        %and3A_3574 = arith.andi %shift_right_arithmetic3A_3571, %and3A_3573 : vector<16xi32>
        %or3A_3575 = arith.ori %or3A_3568, %and3A_3574 : vector<16xi32>
        %swap3A_3576 = arith.constant 0 : i32
        %swap3A_3577 = arith.constant 3 : i32
        %swap3A_3578 = arith.index_cast %swap3A_3576 : i32 to index
        %swap3A_3579 = arith.index_cast %swap3A_3577 : i32 to index
        %swap3A_3580 = arith.constant 64 : index
        %swap3A_3581 = tpu.vector_load %arg5[%swap3A_3578, %swap3A_3579, %swap3A_3580] {strides = array<i32>} : memref<2x4x128xi32, #tpu.memory_space<vmem>>, vector<16xi32>,
        tpu.vector_store %arg5[%swap3A_3578, %swap3A_3579, %swap3A_3580], %or3A_3575 {strides = array<i32>} : memref<2x4x128xi32, #tpu.memory_space<vmem>>, vector<16xi32>,
        %get3A_3582 = arith.constant 0 : i32
        %get3A_3583 = arith.constant 3 : i32
        %get3A_3584 = arith.index_cast %get3A_3582 : i32 to index
        %get3A_3585 = arith.index_cast %get3A_3583 : i32 to index
        %get3A_3586 = arith.constant 80 : index
        %get3A_3587 = tpu.vector_load %arg5[%get3A_3584, %get3A_3585, %get3A_3586] {strides = array<i32>} : memref<2x4x128xi32, #tpu.memory_space<vmem>>, vector<16xi32>,
        %shift_right_arithmetic3A_3588 = arith.constant 15 : i32
        %shift_right_arithmetic3A_3589 = vector.broadcast %shift_right_arithmetic3A_3588 : i32 to vector<16xi32>
        %shift_right_arithmetic3A_3590 = arith.shrsi %get3A_3587, %shift_right_arithmetic3A_3589 : vector<16xi32>
        %shift_left3A_3591 = arith.constant 15 : i32
        %shift_left3A_3592 = vector.broadcast %shift_left3A_3591 : i32 to vector<16xi32>
        %shift_left3A_3593 = arith.shli %shift_right_arithmetic3A_3590, %shift_left3A_3592 : vector<16xi32>
        %and3A_3594 = arith.constant 8191 : i32
        %and3A_3595 = vector.broadcast %and3A_3594 : i32 to vector<16xi32>
        %and3A_3596 = arith.andi %get3A_3587, %and3A_3595 : vector<16xi32>
        %shift_left3A_3597 = arith.constant 2 : i32
        %shift_left3A_3598 = vector.broadcast %shift_left3A_3597 : i32 to vector<16xi32>
        %shift_left3A_3599 = arith.shli %and3A_3596, %shift_left3A_3598 : vector<16xi32>
        %or3A_3600 = arith.ori %shift_left3A_3593, %shift_left3A_3599 : vector<16xi32>
        %shift_right_arithmetic3A_3601 = arith.constant 13 : i32
        %shift_right_arithmetic3A_3602 = vector.broadcast %shift_right_arithmetic3A_3601 : i32 to vector<16xi32>
        %shift_right_arithmetic3A_3603 = arith.shrsi %get3A_3587, %shift_right_arithmetic3A_3602 : vector<16xi32>
        %and3A_3604 = arith.constant 3 : i32
        %and3A_3605 = vector.broadcast %and3A_3604 : i32 to vector<16xi32>
        %and3A_3606 = arith.andi %shift_right_arithmetic3A_3603, %and3A_3605 : vector<16xi32>
        %or3A_3607 = arith.ori %or3A_3600, %and3A_3606 : vector<16xi32>
        %swap3A_3608 = arith.constant 0 : i32
        %swap3A_3609 = arith.constant 3 : i32
        %swap3A_3610 = arith.index_cast %swap3A_3608 : i32 to index
        %swap3A_3611 = arith.index_cast %swap3A_3609 : i32 to index
        %swap3A_3612 = arith.constant 80 : index
        %swap3A_3613 = tpu.vector_load %arg5[%swap3A_3610, %swap3A_3611, %swap3A_3612] {strides = array<i32>} : memref<2x4x128xi32, #tpu.memory_space<vmem>>, vector<16xi32>,
        tpu.vector_store %arg5[%swap3A_3610, %swap3A_3611, %swap3A_3612], %or3A_3607 {strides = array<i32>} : memref<2x4x128xi32, #tpu.memory_space<vmem>>, vector<16xi32>,
        %get3A_3614 = arith.constant 0 : i32
        %get3A_3615 = arith.constant 3 : i32
        %get3A_3616 = arith.index_cast %get3A_3614 : i32 to index
        %get3A_3617 = arith.index_cast %get3A_3615 : i32 to index
        %get3A_3618 = arith.constant 96 : index
        %get3A_3619 = tpu.vector_load %arg5[%get3A_3616, %get3A_3617, %get3A_3618] {strides = array<i32>} : memref<2x4x128xi32, #tpu.memory_space<vmem>>, vector<16xi32>,
        %shift_right_arithmetic3A_3620 = arith.constant 15 : i32
        %shift_right_arithmetic3A_3621 = vector.broadcast %shift_right_arithmetic3A_3620 : i32 to vector<16xi32>
        %shift_right_arithmetic3A_3622 = arith.shrsi %get3A_3619, %shift_right_arithmetic3A_3621 : vector<16xi32>
        %shift_left3A_3623 = arith.constant 15 : i32
        %shift_left3A_3624 = vector.broadcast %shift_left3A_3623 : i32 to vector<16xi32>
        %shift_left3A_3625 = arith.shli %shift_right_arithmetic3A_3622, %shift_left3A_3624 : vector<16xi32>
        %and3A_3626 = arith.constant 8191 : i32
        %and3A_3627 = vector.broadcast %and3A_3626 : i32 to vector<16xi32>
        %and3A_3628 = arith.andi %get3A_3619, %and3A_3627 : vector<16xi32>
        %shift_left3A_3629 = arith.constant 2 : i32
        %shift_left3A_3630 = vector.broadcast %shift_left3A_3629 : i32 to vector<16xi32>
        %shift_left3A_3631 = arith.shli %and3A_3628, %shift_left3A_3630 : vector<16xi32>
        %or3A_3632 = arith.ori %shift_left3A_3625, %shift_left3A_3631 : vector<16xi32>
        %shift_right_arithmetic3A_3633 = arith.constant 13 : i32
        %shift_right_arithmetic3A_3634 = vector.broadcast %shift_right_arithmetic3A_3633 : i32 to vector<16xi32>
        %shift_right_arithmetic3A_3635 = arith.shrsi %get3A_3619, %shift_right_arithmetic3A_3634 : vector<16xi32>
        %and3A_3636 = arith.constant 3 : i32
        %and3A_3637 = vector.broadcast %and3A_3636 : i32 to vector<16xi32>
        %and3A_3638 = arith.andi %shift_right_arithmetic3A_3635, %and3A_3637 : vector<16xi32>
        %or3A_3639 = arith.ori %or3A_3632, %and3A_3638 : vector<16xi32>
        %swap3A_3640 = arith.constant 0 : i32
        %swap3A_3641 = arith.constant 3 : i32
        %swap3A_3642 = arith.index_cast %swap3A_3640 : i32 to index
        %swap3A_3643 = arith.index_cast %swap3A_3641 : i32 to index
        %swap3A_3644 = arith.constant 96 : index
        %swap3A_3645 = tpu.vector_load %arg5[%swap3A_3642, %swap3A_3643, %swap3A_3644] {strides = array<i32>} : memref<2x4x128xi32, #tpu.memory_space<vmem>>, vector<16xi32>,
        tpu.vector_store %arg5[%swap3A_3642, %swap3A_3643, %swap3A_3644], %or3A_3639 {strides = array<i32>} : memref<2x4x128xi32, #tpu.memory_space<vmem>>, vector<16xi32>,
        %get3A_3646 = arith.constant 0 : i32
        %get3A_3647 = arith.constant 3 : i32
        %get3A_3648 = arith.index_cast %get3A_3646 : i32 to index
        %get3A_3649 = arith.index_cast %get3A_3647 : i32 to index
        %get3A_3650 = arith.constant 112 : index
        %get3A_3651 = tpu.vector_load %arg5[%get3A_3648, %get3A_3649, %get3A_3650] {strides = array<i32>} : memref<2x4x128xi32, #tpu.memory_space<vmem>>, vector<16xi32>,
        %shift_right_arithmetic3A_3652 = arith.constant 15 : i32
        %shift_right_arithmetic3A_3653 = vector.broadcast %shift_right_arithmetic3A_3652 : i32 to vector<16xi32>
        %shift_right_arithmetic3A_3654 = arith.shrsi %get3A_3651, %shift_right_arithmetic3A_3653 : vector<16xi32>
        %shift_left3A_3655 = arith.constant 15 : i32
        %shift_left3A_3656 = vector.broadcast %shift_left3A_3655 : i32 to vector<16xi32>
        %shift_left3A_3657 = arith.shli %shift_right_arithmetic3A_3654, %shift_left3A_3656 : vector<16xi32>
        %and3A_3658 = arith.constant 8191 : i32
        %and3A_3659 = vector.broadcast %and3A_3658 : i32 to vector<16xi32>
        %and3A_3660 = arith.andi %get3A_3651, %and3A_3659 : vector<16xi32>
        %shift_left3A_3661 = arith.constant 2 : i32
        %shift_left3A_3662 = vector.broadcast %shift_left3A_3661 : i32 to vector<16xi32>
        %shift_left3A_3663 = arith.shli %and3A_3660, %shift_left3A_3662 : vector<16xi32>
        %or3A_3664 = arith.ori %shift_left3A_3657, %shift_left3A_3663 : vector<16xi32>
        %shift_right_arithmetic3A_3665 = arith.constant 13 : i32
        %shift_right_arithmetic3A_3666 = vector.broadcast %shift_right_arithmetic3A_3665 : i32 to vector<16xi32>
        %shift_right_arithmetic3A_3667 = arith.shrsi %get3A_3651, %shift_right_arithmetic3A_3666 : vector<16xi32>
        %and3A_3668 = arith.constant 3 : i32
        %and3A_3669 = vector.broadcast %and3A_3668 : i32 to vector<16xi32>
        %and3A_3670 = arith.andi %shift_right_arithmetic3A_3667, %and3A_3669 : vector<16xi32>
        %or3A_3671 = arith.ori %or3A_3664, %and3A_3670 : vector<16xi32>
        %swap3A_3672 = arith.constant 0 : i32
        %swap3A_3673 = arith.constant 3 : i32
        %swap3A_3674 = arith.index_cast %swap3A_3672 : i32 to index
        %swap3A_3675 = arith.index_cast %swap3A_3673 : i32 to index
        %swap3A_3676 = arith.constant 112 : index
        %swap3A_3677 = tpu.vector_load %arg5[%swap3A_3674, %swap3A_3675, %swap3A_3676] {strides = array<i32>} : memref<2x4x128xi32, #tpu.memory_space<vmem>>, vector<16xi32>,
        tpu.vector_store %arg5[%swap3A_3674, %swap3A_3675, %swap3A_3676], %or3A_3671 {strides = array<i32>} : memref<2x4x128xi32, #tpu.memory_space<vmem>>, vector<16xi32>,
        %dma_start3A_3678 = arith.constant 0 : i32
        %dma_start3A_3679 = arith.constant 0 : i32
        %dma_start3A_3680 = arith.constant 0 : i32
        %dma_start3A_3681 = arith.constant 0 : i32
        %dma_start3A_3682 = arith.constant 0 : i32
        %dma_start3A_3683 = tpu.memref_slice %arg6[%dma_start3A_3680, %dma_start3A_3681, %dma_start3A_3682] : memref<2x512x32xf32, #tpu.memory_space<vmem>> -> memref<1x128x32xf32, #tpu.memory_space<vmem>>
        %dma_start3A_3684 = tpu.memref_squeeze %dma_start3A_3683 : memref<1x128x32xf32, #tpu.memory_space<vmem>> -> memref<128x32xf32, #tpu.memory_space<vmem>>
        %dma_start3A_3685 = arith.constant 0 : i32
        %dma_start3A_3686 = tpu.memref_slice %arg5[%dma_start3A_3678, %dma_start3A_3679, %dma_start3A_3685] : memref<2x4x128xi32, #tpu.memory_space<vmem>> -> memref<1x1x128xi32, #tpu.memory_space<vmem>>
        %dma_start3A_3687 = tpu.memref_squeeze %dma_start3A_3686 : memref<1x1x128xi32, #tpu.memory_space<vmem>> -> memref<128xi32, #tpu.memory_space<vmem>>
        %dma_start3A_3688 = arith.constant 0 : i32
        %dma_start3A_3689 = arith.constant 0 : i32
        %dma_start3A_3690 = tpu.memref_slice %arg3[%dma_start3A_3688, %dma_start3A_3689] : memref<1015808x32xf32, #tpu.memory_space<hbm>> -> memref<1015808x32xf32, #tpu.memory_space<hbm>>
        tpu.enqueue_indirect_dma source(%dma_start3A_3690 : memref<1015808x32xf32, #tpu.memory_space<hbm>>) target(%dma_start3A_3684 : memref<128x32xf32, #tpu.memory_space<vmem>>) offsets(%dma_start3A_3687 : memref<128xi32, #tpu.memory_space<vmem>>) semaphore(%arg8 : memref<!tpu.dma_semaphore, #tpu.memory_space<semaphore_mem>>)
        %dma_start3A_3691 = arith.constant 0 : i32
        %dma_start3A_3692 = arith.constant 1 : i32
        %dma_start3A_3693 = arith.constant 0 : i32
        %dma_start3A_3694 = arith.constant 128 : i32
        %dma_start3A_3695 = arith.constant 0 : i32
        %dma_start3A_3696 = tpu.memref_slice %arg6[%dma_start3A_3693, %dma_start3A_3694, %dma_start3A_3695] : memref<2x512x32xf32, #tpu.memory_space<vmem>> -> memref<1x128x32xf32, #tpu.memory_space<vmem>>
        %dma_start3A_3697 = tpu.memref_squeeze %dma_start3A_3696 : memref<1x128x32xf32, #tpu.memory_space<vmem>> -> memref<128x32xf32, #tpu.memory_space<vmem>>
        %dma_start3A_3698 = arith.constant 0 : i32
        %dma_start3A_3699 = tpu.memref_slice %arg5[%dma_start3A_3691, %dma_start3A_3692, %dma_start3A_3698] : memref<2x4x128xi32, #tpu.memory_space<vmem>> -> memref<1x1x128xi32, #tpu.memory_space<vmem>>
        %dma_start3A_3700 = tpu.memref_squeeze %dma_start3A_3699 : memref<1x1x128xi32, #tpu.memory_space<vmem>> -> memref<128xi32, #tpu.memory_space<vmem>>
        %dma_start3A_3701 = arith.constant 0 : i32
        %dma_start3A_3702 = arith.constant 0 : i32
        %dma_start3A_3703 = tpu.memref_slice %arg3[%dma_start3A_3701, %dma_start3A_3702] : memref<1015808x32xf32, #tpu.memory_space<hbm>> -> memref<1015808x32xf32, #tpu.memory_space<hbm>>
        tpu.enqueue_indirect_dma source(%dma_start3A_3703 : memref<1015808x32xf32, #tpu.memory_space<hbm>>) target(%dma_start3A_3697 : memref<128x32xf32, #tpu.memory_space<vmem>>) offsets(%dma_start3A_3700 : memref<128xi32, #tpu.memory_space<vmem>>) semaphore(%arg8 : memref<!tpu.dma_semaphore, #tpu.memory_space<semaphore_mem>>)
        %dma_start3A_3704 = arith.constant 0 : i32
        %dma_start3A_3705 = arith.constant 2 : i32
        %dma_start3A_3706 = arith.constant 0 : i32
        %dma_start3A_3707 = arith.constant 256 : i32
        %dma_start3A_3708 = arith.constant 0 : i32
        %dma_start3A_3709 = tpu.memref_slice %arg6[%dma_start3A_3706, %dma_start3A_3707, %dma_start3A_3708] : memref<2x512x32xf32, #tpu.memory_space<vmem>> -> memref<1x128x32xf32, #tpu.memory_space<vmem>>
        %dma_start3A_3710 = tpu.memref_squeeze %dma_start3A_3709 : memref<1x128x32xf32, #tpu.memory_space<vmem>> -> memref<128x32xf32, #tpu.memory_space<vmem>>
        %dma_start3A_3711 = arith.constant 0 : i32
        %dma_start3A_3712 = tpu.memref_slice %arg5[%dma_start3A_3704, %dma_start3A_3705, %dma_start3A_3711] : memref<2x4x128xi32, #tpu.memory_space<vmem>> -> memref<1x1x128xi32, #tpu.memory_space<vmem>>
        %dma_start3A_3713 = tpu.memref_squeeze %dma_start3A_3712 : memref<1x1x128xi32, #tpu.memory_space<vmem>> -> memref<128xi32, #tpu.memory_space<vmem>>
        %dma_start3A_3714 = arith.constant 0 : i32
        %dma_start3A_3715 = arith.constant 0 : i32
        %dma_start3A_3716 = tpu.memref_slice %arg3[%dma_start3A_3714, %dma_start3A_3715] : memref<1015808x32xf32, #tpu.memory_space<hbm>> -> memref<1015808x32xf32, #tpu.memory_space<hbm>>
        tpu.enqueue_indirect_dma source(%dma_start3A_3716 : memref<1015808x32xf32, #tpu.memory_space<hbm>>) target(%dma_start3A_3710 : memref<128x32xf32, #tpu.memory_space<vmem>>) offsets(%dma_start3A_3713 : memref<128xi32, #tpu.memory_space<vmem>>) semaphore(%arg8 : memref<!tpu.dma_semaphore, #tpu.memory_space<semaphore_mem>>)
        %dma_start3A_3717 = arith.constant 0 : i32
        %dma_start3A_3718 = arith.constant 3 : i32
        %dma_start3A_3719 = arith.constant 0 : i32
        %dma_start3A_3720 = arith.constant 384 : i32
        %dma_start3A_3721 = arith.constant 0 : i32
        %dma_start3A_3722 = tpu.memref_slice %arg6[%dma_start3A_3719, %dma_start3A_3720, %dma_start3A_3721] : memref<2x512x32xf32, #tpu.memory_space<vmem>> -> memref<1x128x32xf32, #tpu.memory_space<vmem>>
        %dma_start3A_3723 = tpu.memref_squeeze %dma_start3A_3722 : memref<1x128x32xf32, #tpu.memory_space<vmem>> -> memref<128x32xf32, #tpu.memory_space<vmem>>
        %dma_start3A_3724 = arith.constant 0 : i32
        %dma_start3A_3725 = tpu.memref_slice %arg5[%dma_start3A_3717, %dma_start3A_3718, %dma_start3A_3724] : memref<2x4x128xi32, #tpu.memory_space<vmem>> -> memref<1x1x128xi32, #tpu.memory_space<vmem>>
        %dma_start3A_3726 = tpu.memref_squeeze %dma_start3A_3725 : memref<1x1x128xi32, #tpu.memory_space<vmem>> -> memref<128xi32, #tpu.memory_space<vmem>>
        %dma_start3A_3727 = arith.constant 0 : i32
        %dma_start3A_3728 = arith.constant 0 : i32
        %dma_start3A_3729 = tpu.memref_slice %arg3[%dma_start3A_3727, %dma_start3A_3728] : memref<1015808x32xf32, #tpu.memory_space<hbm>> -> memref<1015808x32xf32, #tpu.memory_space<hbm>>
        tpu.enqueue_indirect_dma source(%dma_start3A_3729 : memref<1015808x32xf32, #tpu.memory_space<hbm>>) target(%dma_start3A_3723 : memref<128x32xf32, #tpu.memory_space<vmem>>) offsets(%dma_start3A_3726 : memref<128xi32, #tpu.memory_space<vmem>>) semaphore(%arg8 : memref<!tpu.dma_semaphore, #tpu.memory_space<semaphore_mem>>)
      } else {
      }
      %dma_wait3A_2503 = arith.constant 1 : i32
      %dma_wait3A_2504 = arith.constant 0 : i32
      %dma_wait3A_2505 = arith.constant 1 : i32
      %dma_wait3A_2506 = arith.constant 0 : i32
      %dma_wait3A_2507 = arith.constant 0 : i32
      %dma_wait3A_2508 = tpu.memref_slice %arg6[%dma_wait3A_2505, %dma_wait3A_2506, %dma_wait3A_2507] : memref<2x512x32xf32, #tpu.memory_space<vmem>> -> memref<1x128x32xf32, #tpu.memory_space<vmem>>
      %dma_wait3A_2509 = tpu.memref_squeeze %dma_wait3A_2508 : memref<1x128x32xf32, #tpu.memory_space<vmem>> -> memref<128x32xf32, #tpu.memory_space<vmem>>
      %dma_wait3A_2510 = arith.constant 0 : i32
      %dma_wait3A_2511 = tpu.memref_slice %arg5[%dma_wait3A_2503, %dma_wait3A_2504, %dma_wait3A_2510] : memref<2x4x128xi32, #tpu.memory_space<vmem>> -> memref<1x1x128xi32, #tpu.memory_space<vmem>>
      %dma_wait3A_2512 = tpu.memref_squeeze %dma_wait3A_2511 : memref<1x1x128xi32, #tpu.memory_space<vmem>> -> memref<128xi32, #tpu.memory_space<vmem>>
      %dma_wait3A_2513 = arith.constant 0 : i32
      %dma_wait3A_2514 = arith.constant 0 : i32
      %dma_wait3A_2515 = tpu.memref_slice %arg3[%dma_wait3A_2513, %dma_wait3A_2514] : memref<1015808x32xf32, #tpu.memory_space<hbm>> -> memref<1015808x32xf32, #tpu.memory_space<hbm>>
      tpu.wait_indirect_dma semaphore(%arg9 : memref<!tpu.dma_semaphore, #tpu.memory_space<semaphore_mem>>) src(%dma_wait3A_2515 : memref<1015808x32xf32, #tpu.memory_space<hbm>>) dst(%dma_wait3A_2509 : memref<128x32xf32, #tpu.memory_space<vmem>>)
      %dma_wait3A_2516 = arith.constant 1 : i32
      %dma_wait3A_2517 = arith.constant 1 : i32
      %dma_wait3A_2518 = arith.constant 1 : i32
      %dma_wait3A_2519 = arith.constant 128 : i32
      %dma_wait3A_2520 = arith.constant 0 : i32
      %dma_wait3A_2521 = tpu.memref_slice %arg6[%dma_wait3A_2518, %dma_wait3A_2519, %dma_wait3A_2520] : memref<2x512x32xf32, #tpu.memory_space<vmem>> -> memref<1x128x32xf32, #tpu.memory_space<vmem>>
      %dma_wait3A_2522 = tpu.memref_squeeze %dma_wait3A_2521 : memref<1x128x32xf32, #tpu.memory_space<vmem>> -> memref<128x32xf32, #tpu.memory_space<vmem>>
      %dma_wait3A_2523 = arith.constant 0 : i32
      %dma_wait3A_2524 = tpu.memref_slice %arg5[%dma_wait3A_2516, %dma_wait3A_2517, %dma_wait3A_2523] : memref<2x4x128xi32, #tpu.memory_space<vmem>> -> memref<1x1x128xi32, #tpu.memory_space<vmem>>
      %dma_wait3A_2525 = tpu.memref_squeeze %dma_wait3A_2524 : memref<1x1x128xi32, #tpu.memory_space<vmem>> -> memref<128xi32, #tpu.memory_space<vmem>>
      %dma_wait3A_2526 = arith.constant 0 : i32
      %dma_wait3A_2527 = arith.constant 0 : i32
      %dma_wait3A_2528 = tpu.memref_slice %arg3[%dma_wait3A_2526, %dma_wait3A_2527] : memref<1015808x32xf32, #tpu.memory_space<hbm>> -> memref<1015808x32xf32, #tpu.memory_space<hbm>>
      tpu.wait_indirect_dma semaphore(%arg9 : memref<!tpu.dma_semaphore, #tpu.memory_space<semaphore_mem>>) src(%dma_wait3A_2528 : memref<1015808x32xf32, #tpu.memory_space<hbm>>) dst(%dma_wait3A_2522 : memref<128x32xf32, #tpu.memory_space<vmem>>)
      %dma_wait3A_2529 = arith.constant 1 : i32
      %dma_wait3A_2530 = arith.constant 2 : i32
      %dma_wait3A_2531 = arith.constant 1 : i32
      %dma_wait3A_2532 = arith.constant 256 : i32
      %dma_wait3A_2533 = arith.constant 0 : i32
      %dma_wait3A_2534 = tpu.memref_slice %arg6[%dma_wait3A_2531, %dma_wait3A_2532, %dma_wait3A_2533] : memref<2x512x32xf32, #tpu.memory_space<vmem>> -> memref<1x128x32xf32, #tpu.memory_space<vmem>>
      %dma_wait3A_2535 = tpu.memref_squeeze %dma_wait3A_2534 : memref<1x128x32xf32, #tpu.memory_space<vmem>> -> memref<128x32xf32, #tpu.memory_space<vmem>>
      %dma_wait3A_2536 = arith.constant 0 : i32
      %dma_wait3A_2537 = tpu.memref_slice %arg5[%dma_wait3A_2529, %dma_wait3A_2530, %dma_wait3A_2536] : memref<2x4x128xi32, #tpu.memory_space<vmem>> -> memref<1x1x128xi32, #tpu.memory_space<vmem>>
      %dma_wait3A_2538 = tpu.memref_squeeze %dma_wait3A_2537 : memref<1x1x128xi32, #tpu.memory_space<vmem>> -> memref<128xi32, #tpu.memory_space<vmem>>
      %dma_wait3A_2539 = arith.constant 0 : i32
      %dma_wait3A_2540 = arith.constant 0 : i32
      %dma_wait3A_2541 = tpu.memref_slice %arg3[%dma_wait3A_2539, %dma_wait3A_2540] : memref<1015808x32xf32, #tpu.memory_space<hbm>> -> memref<1015808x32xf32, #tpu.memory_space<hbm>>
      tpu.wait_indirect_dma semaphore(%arg9 : memref<!tpu.dma_semaphore, #tpu.memory_space<semaphore_mem>>) src(%dma_wait3A_2541 : memref<1015808x32xf32, #tpu.memory_space<hbm>>) dst(%dma_wait3A_2535 : memref<128x32xf32, #tpu.memory_space<vmem>>)
      %dma_wait3A_2542 = arith.constant 1 : i32
      %dma_wait3A_2543 = arith.constant 3 : i32
      %dma_wait3A_2544 = arith.constant 1 : i32
      %dma_wait3A_2545 = arith.constant 384 : i32
      %dma_wait3A_2546 = arith.constant 0 : i32
      %dma_wait3A_2547 = tpu.memref_slice %arg6[%dma_wait3A_2544, %dma_wait3A_2545, %dma_wait3A_2546] : memref<2x512x32xf32, #tpu.memory_space<vmem>> -> memref<1x128x32xf32, #tpu.memory_space<vmem>>
      %dma_wait3A_2548 = tpu.memref_squeeze %dma_wait3A_2547 : memref<1x128x32xf32, #tpu.memory_space<vmem>> -> memref<128x32xf32, #tpu.memory_space<vmem>>
      %dma_wait3A_2549 = arith.constant 0 : i32
      %dma_wait3A_2550 = tpu.memref_slice %arg5[%dma_wait3A_2542, %dma_wait3A_2543, %dma_wait3A_2549] : memref<2x4x128xi32, #tpu.memory_space<vmem>> -> memref<1x1x128xi32, #tpu.memory_space<vmem>>
      %dma_wait3A_2551 = tpu.memref_squeeze %dma_wait3A_2550 : memref<1x1x128xi32, #tpu.memory_space<vmem>> -> memref<128xi32, #tpu.memory_space<vmem>>
      %dma_wait3A_2552 = arith.constant 0 : i32
      %dma_wait3A_2553 = arith.constant 0 : i32
      %dma_wait3A_2554 = tpu.memref_slice %arg3[%dma_wait3A_2552, %dma_wait3A_2553] : memref<1015808x32xf32, #tpu.memory_space<hbm>> -> memref<1015808x32xf32, #tpu.memory_space<hbm>>
      tpu.wait_indirect_dma semaphore(%arg9 : memref<!tpu.dma_semaphore, #tpu.memory_space<semaphore_mem>>) src(%dma_wait3A_2554 : memref<1015808x32xf32, #tpu.memory_space<hbm>>) dst(%dma_wait3A_2548 : memref<128x32xf32, #tpu.memory_space<vmem>>)
      %gt3A_2555 = arith.constant 0 : i32
      %gt3A_2556 = arith.cmpi sgt, %scan3A_1270, %gt3A_2555 : i32
      %convert_element_type3A_2557 = arith.extui %gt3A_2556 : i1 to i32
      %cond3A_2558 = arith.constant 0 : i32
      %cond3A_2559 = arith.cmpi ne, %convert_element_type3A_2557, %cond3A_2558 : i32
      scf.if %cond3A_2559 {
        %sub3A_2648 = arith.constant 2 : i32
        %sub3A_2649 = arith.subi %add3A_1275, %sub3A_2648 : i32
        %mul3A_2650 = arith.constant 512 : i32
        %mul3A_2651 = arith.muli %sub3A_2649, %mul3A_2650 : i32
        %add3A_2652 = arith.constant 0 : i32
        %add3A_2653 = arith.addi %mul3A_2651, %add3A_2652 : i32
        %add3A_2654 = arith.addi %add3A_2653, %mul3A_2 : i32
        %mul3A_2655 = arith.constant 8 : i32
        %mul3A_2656 = arith.muli %add3A_2654, %mul3A_2655 : i32
        %dma_wait3A_2657 = arith.constant 1 : i32
        %dma_wait3A_2658 = arith.constant 0 : i32
        %dma_wait3A_2659 = arith.constant 0 : i32
        %dma_wait3A_2660 = arith.constant 0 : i32
        %dma_wait3A_2661 = tpu.memref_slice %arg7[%dma_wait3A_2657, %dma_wait3A_2658, %dma_wait3A_2659, %dma_wait3A_2660] : memref<2x4x40x129xf32, #tpu.memory_space<vmem>> -> memref<1x1x32x128xf32, #tpu.memory_space<vmem>>
        %dma_wait3A_2662 = tpu.memref_squeeze %dma_wait3A_2661 : memref<1x1x32x128xf32, #tpu.memory_space<vmem>> -> memref<32x128xf32, #tpu.memory_space<vmem>>
        %dma_wait3A_2663 = arith.constant 0 : i32
        %dma_wait3A_2664 = tpu.memref_slice %arg4[%mul3A_2656, %dma_wait3A_2663] : memref<819200x128xf32, #tpu.memory_space<hbm>> -> memref<32x128xf32, #tpu.memory_space<hbm>>
        %dma_wait3A_2665 = arith.constant 0 : i32
        %dma_wait3A_2666 = tpu.memref_slice %arg4[%mul3A_2656, %dma_wait3A_2665] : memref<819200x128xf32, #tpu.memory_space<hbm>> -> memref<32x128xf32, #tpu.memory_space<hbm>>
        %dma_wait3A_2667 = arith.constant 0 : i32
        %dma_wait3A_2668 = arith.constant 0 : i32
        %dma_wait3A_2669 = tpu.memref_slice %arg7[%dma_wait3A_2657, %dma_wait3A_2658, %dma_wait3A_2667, %dma_wait3A_2668] : memref<2x4x40x129xf32, #tpu.memory_space<vmem>> -> memref<1x1x32x128xf32, #tpu.memory_space<vmem>>
        %dma_wait3A_2670 = tpu.memref_squeeze %dma_wait3A_2669 : memref<1x1x32x128xf32, #tpu.memory_space<vmem>> -> memref<32x128xf32, #tpu.memory_space<vmem>>
        tpu.wait_dma2 semaphore(%arg11 : memref<!tpu.dma_semaphore, #tpu.memory_space<semaphore_mem>>) src(%dma_wait3A_2670 : memref<32x128xf32, #tpu.memory_space<vmem>>) dst(%dma_wait3A_2666 : memref<32x128xf32, #tpu.memory_space<hbm>>)
        %mul3A_2671 = arith.constant 512 : i32
        %mul3A_2672 = arith.muli %sub3A_2649, %mul3A_2671 : i32
        %add3A_2673 = arith.constant 128 : i32
        %add3A_2674 = arith.addi %mul3A_2672, %add3A_2673 : i32
        %add3A_2675 = arith.addi %add3A_2674, %mul3A_2 : i32
        %mul3A_2676 = arith.constant 8 : i32
        %mul3A_2677 = arith.muli %add3A_2675, %mul3A_2676 : i32
        %dma_wait3A_2678 = arith.constant 1 : i32
        %dma_wait3A_2679 = arith.constant 1 : i32
        %dma_wait3A_2680 = arith.constant 0 : i32
        %dma_wait3A_2681 = arith.constant 0 : i32
        %dma_wait3A_2682 = tpu.memref_slice %arg7[%dma_wait3A_2678, %dma_wait3A_2679, %dma_wait3A_2680, %dma_wait3A_2681] : memref<2x4x40x129xf32, #tpu.memory_space<vmem>> -> memref<1x1x32x128xf32, #tpu.memory_space<vmem>>
        %dma_wait3A_2683 = tpu.memref_squeeze %dma_wait3A_2682 : memref<1x1x32x128xf32, #tpu.memory_space<vmem>> -> memref<32x128xf32, #tpu.memory_space<vmem>>
        %dma_wait3A_2684 = arith.constant 0 : i32
        %dma_wait3A_2685 = tpu.memref_slice %arg4[%mul3A_2677, %dma_wait3A_2684] : memref<819200x128xf32, #tpu.memory_space<hbm>> -> memref<32x128xf32, #tpu.memory_space<hbm>>
        %dma_wait3A_2686 = arith.constant 0 : i32
        %dma_wait3A_2687 = tpu.memref_slice %arg4[%mul3A_2677, %dma_wait3A_2686] : memref<819200x128xf32, #tpu.memory_space<hbm>> -> memref<32x128xf32, #tpu.memory_space<hbm>>
        %dma_wait3A_2688 = arith.constant 0 : i32
        %dma_wait3A_2689 = arith.constant 0 : i32
        %dma_wait3A_2690 = tpu.memref_slice %arg7[%dma_wait3A_2678, %dma_wait3A_2679, %dma_wait3A_2688, %dma_wait3A_2689] : memref<2x4x40x129xf32, #tpu.memory_space<vmem>> -> memref<1x1x32x128xf32, #tpu.memory_space<vmem>>
        %dma_wait3A_2691 = tpu.memref_squeeze %dma_wait3A_2690 : memref<1x1x32x128xf32, #tpu.memory_space<vmem>> -> memref<32x128xf32, #tpu.memory_space<vmem>>
        tpu.wait_dma2 semaphore(%arg11 : memref<!tpu.dma_semaphore, #tpu.memory_space<semaphore_mem>>) src(%dma_wait3A_2691 : memref<32x128xf32, #tpu.memory_space<vmem>>) dst(%dma_wait3A_2687 : memref<32x128xf32, #tpu.memory_space<hbm>>)
        %mul3A_2692 = arith.constant 512 : i32
        %mul3A_2693 = arith.muli %sub3A_2649, %mul3A_2692 : i32
        %add3A_2694 = arith.constant 256 : i32
        %add3A_2695 = arith.addi %mul3A_2693, %add3A_2694 : i32
        %add3A_2696 = arith.addi %add3A_2695, %mul3A_2 : i32
        %mul3A_2697 = arith.constant 8 : i32
        %mul3A_2698 = arith.muli %add3A_2696, %mul3A_2697 : i32
        %dma_wait3A_2699 = arith.constant 1 : i32
        %dma_wait3A_2700 = arith.constant 2 : i32
        %dma_wait3A_2701 = arith.constant 0 : i32
        %dma_wait3A_2702 = arith.constant 0 : i32
        %dma_wait3A_2703 = tpu.memref_slice %arg7[%dma_wait3A_2699, %dma_wait3A_2700, %dma_wait3A_2701, %dma_wait3A_2702] : memref<2x4x40x129xf32, #tpu.memory_space<vmem>> -> memref<1x1x32x128xf32, #tpu.memory_space<vmem>>
        %dma_wait3A_2704 = tpu.memref_squeeze %dma_wait3A_2703 : memref<1x1x32x128xf32, #tpu.memory_space<vmem>> -> memref<32x128xf32, #tpu.memory_space<vmem>>
        %dma_wait3A_2705 = arith.constant 0 : i32
        %dma_wait3A_2706 = tpu.memref_slice %arg4[%mul3A_2698, %dma_wait3A_2705] : memref<819200x128xf32, #tpu.memory_space<hbm>> -> memref<32x128xf32, #tpu.memory_space<hbm>>
        %dma_wait3A_2707 = arith.constant 0 : i32
        %dma_wait3A_2708 = tpu.memref_slice %arg4[%mul3A_2698, %dma_wait3A_2707] : memref<819200x128xf32, #tpu.memory_space<hbm>> -> memref<32x128xf32, #tpu.memory_space<hbm>>
        %dma_wait3A_2709 = arith.constant 0 : i32
        %dma_wait3A_2710 = arith.constant 0 : i32
        %dma_wait3A_2711 = tpu.memref_slice %arg7[%dma_wait3A_2699, %dma_wait3A_2700, %dma_wait3A_2709, %dma_wait3A_2710] : memref<2x4x40x129xf32, #tpu.memory_space<vmem>> -> memref<1x1x32x128xf32, #tpu.memory_space<vmem>>
        %dma_wait3A_2712 = tpu.memref_squeeze %dma_wait3A_2711 : memref<1x1x32x128xf32, #tpu.memory_space<vmem>> -> memref<32x128xf32, #tpu.memory_space<vmem>>
        tpu.wait_dma2 semaphore(%arg11 : memref<!tpu.dma_semaphore, #tpu.memory_space<semaphore_mem>>) src(%dma_wait3A_2712 : memref<32x128xf32, #tpu.memory_space<vmem>>) dst(%dma_wait3A_2708 : memref<32x128xf32, #tpu.memory_space<hbm>>)
        %mul3A_2713 = arith.constant 512 : i32
        %mul3A_2714 = arith.muli %sub3A_2649, %mul3A_2713 : i32
        %add3A_2715 = arith.constant 384 : i32
        %add3A_2716 = arith.addi %mul3A_2714, %add3A_2715 : i32
        %add3A_2717 = arith.addi %add3A_2716, %mul3A_2 : i32
        %mul3A_2718 = arith.constant 8 : i32
        %mul3A_2719 = arith.muli %add3A_2717, %mul3A_2718 : i32
        %dma_wait3A_2720 = arith.constant 1 : i32
        %dma_wait3A_2721 = arith.constant 3 : i32
        %dma_wait3A_2722 = arith.constant 0 : i32
        %dma_wait3A_2723 = arith.constant 0 : i32
        %dma_wait3A_2724 = tpu.memref_slice %arg7[%dma_wait3A_2720, %dma_wait3A_2721, %dma_wait3A_2722, %dma_wait3A_2723] : memref<2x4x40x129xf32, #tpu.memory_space<vmem>> -> memref<1x1x32x128xf32, #tpu.memory_space<vmem>>
        %dma_wait3A_2725 = tpu.memref_squeeze %dma_wait3A_2724 : memref<1x1x32x128xf32, #tpu.memory_space<vmem>> -> memref<32x128xf32, #tpu.memory_space<vmem>>
        %dma_wait3A_2726 = arith.constant 0 : i32
        %dma_wait3A_2727 = tpu.memref_slice %arg4[%mul3A_2719, %dma_wait3A_2726] : memref<819200x128xf32, #tpu.memory_space<hbm>> -> memref<32x128xf32, #tpu.memory_space<hbm>>
        %dma_wait3A_2728 = arith.constant 0 : i32
        %dma_wait3A_2729 = tpu.memref_slice %arg4[%mul3A_2719, %dma_wait3A_2728] : memref<819200x128xf32, #tpu.memory_space<hbm>> -> memref<32x128xf32, #tpu.memory_space<hbm>>
        %dma_wait3A_2730 = arith.constant 0 : i32
        %dma_wait3A_2731 = arith.constant 0 : i32
        %dma_wait3A_2732 = tpu.memref_slice %arg7[%dma_wait3A_2720, %dma_wait3A_2721, %dma_wait3A_2730, %dma_wait3A_2731] : memref<2x4x40x129xf32, #tpu.memory_space<vmem>> -> memref<1x1x32x128xf32, #tpu.memory_space<vmem>>
        %dma_wait3A_2733 = tpu.memref_squeeze %dma_wait3A_2732 : memref<1x1x32x128xf32, #tpu.memory_space<vmem>> -> memref<32x128xf32, #tpu.memory_space<vmem>>
        tpu.wait_dma2 semaphore(%arg11 : memref<!tpu.dma_semaphore, #tpu.memory_space<semaphore_mem>>) src(%dma_wait3A_2733 : memref<32x128xf32, #tpu.memory_space<vmem>>) dst(%dma_wait3A_2729 : memref<32x128xf32, #tpu.memory_space<hbm>>)
      } else {
      }
      %parallel_loop3A_2560 = arith.constant 0 : i32
      %parallel_loop3A_2561 = arith.constant 512 : i32
      %parallel_loop3A_2562 = arith.constant 1 : i32
      scf.for %parallel_loop3A_2648 = %parallel_loop3A_2560 to %parallel_loop3A_2561 step %parallel_loop3A_2562  : i32 {
        %parallel_loop3A_2649 = arith.constant 7 : i32
        %parallel_loop3A_2650 = arith.shrsi %parallel_loop3A_2648, %parallel_loop3A_2649 : i32
        %parallel_loop3A_2651 = arith.constant 8 : i32
        %parallel_loop3A_2652 = arith.muli %parallel_loop3A_2650, %parallel_loop3A_2651 : i32
        %parallel_loop3A_2653 = vector.broadcast %parallel_loop3A_2652 : i32 to vector<16xi32>
        %parallel_loop3A_2654 = arith.addi %select_n3A_48, %parallel_loop3A_2653 : vector<16xi32>
        %parallel_loop3A_2655 = arith.constant 127 : i32
        %parallel_loop3A_2656 = arith.andi %parallel_loop3A_2648, %parallel_loop3A_2655 : i32
        %parallel_loop3A_2657 = vector.broadcast %parallel_loop3A_2656 : i32 to vector<16xi32>
        %parallel_loop3A_2658 = arith.constant 1 : i32
        %parallel_loop3A_2659 = arith.index_cast %parallel_loop3A_2658 : i32 to index
        %parallel_loop3A_2660 = arith.index_cast %parallel_loop3A_2648 : i32 to index
        %parallel_loop3A_2661 = arith.constant 0 : index
        %parallel_loop3A_2662 = tpu.vector_load %arg6[%parallel_loop3A_2659, %parallel_loop3A_2660, %parallel_loop3A_2661] {strides = array<i32>} : memref<2x512x32xf32, #tpu.memory_space<vmem>>, vector<16xf32>,
        %parallel_loop3A_2663 = arith.constant 1 : i32
        %parallel_loop3A_2664 = arith.index_cast %parallel_loop3A_2663 : i32 to index
        %parallel_loop3A_2665 = arith.index_cast %parallel_loop3A_2648 : i32 to index
        %parallel_loop3A_2666 = arith.constant 16 : index
        %parallel_loop3A_2667 = tpu.vector_load %arg6[%parallel_loop3A_2664, %parallel_loop3A_2665, %parallel_loop3A_2666] {strides = array<i32>} : memref<2x512x32xf32, #tpu.memory_space<vmem>>, vector<16xf32>,
        %parallel_loop3A_2668 = arith.constant 1 : i32
        %parallel_loop3A_2669 = arith.constant 0 : i32
        %parallel_loop3A_2670 = arith.constant 0 : i32
        %parallel_loop3A_2671 = arith.constant 0 : i32
        %parallel_loop3A_2672 = tpu.memref_slice %arg7[%parallel_loop3A_2668, %parallel_loop3A_2669, %parallel_loop3A_2670, %parallel_loop3A_2671] : memref<2x4x40x129xf32, #tpu.memory_space<vmem>> -> memref<1x4x40x129xf32, #tpu.memory_space<vmem>>
        %parallel_loop3A_2673 = tpu.memref_squeeze %parallel_loop3A_2672 : memref<1x4x40x129xf32, #tpu.memory_space<vmem>> -> memref<4x40x129xf32, #tpu.memory_space<vmem>>
        tpu.vector_store_idx %parallel_loop3A_2673[%select_n3A, %parallel_loop3A_2654, %parallel_loop3A_2657], %parallel_loop3A_2662 : memref<4x40x129xf32, #tpu.memory_space<vmem>>[vector<16xi32>, vector<16xi32>, vector<16xi32>], vector<16xf32>,
        %parallel_loop3A_2674 = arith.constant 1 : i32
        %parallel_loop3A_2675 = arith.constant 0 : i32
        %parallel_loop3A_2676 = arith.constant 0 : i32
        %parallel_loop3A_2677 = arith.constant 0 : i32
        %parallel_loop3A_2678 = tpu.memref_slice %arg7[%parallel_loop3A_2674, %parallel_loop3A_2675, %parallel_loop3A_2676, %parallel_loop3A_2677] : memref<2x4x40x129xf32, #tpu.memory_space<vmem>> -> memref<1x4x40x129xf32, #tpu.memory_space<vmem>>
        %parallel_loop3A_2679 = tpu.memref_squeeze %parallel_loop3A_2678 : memref<1x4x40x129xf32, #tpu.memory_space<vmem>> -> memref<4x40x129xf32, #tpu.memory_space<vmem>>
        tpu.vector_store_idx %parallel_loop3A_2679[%add3A_28, %parallel_loop3A_2654, %parallel_loop3A_2657], %parallel_loop3A_2667 : memref<4x40x129xf32, #tpu.memory_space<vmem>>[vector<16xi32>, vector<16xi32>, vector<16xi32>], vector<16xf32>,
      } {sc.loop_unroll_factor = 8 : i64, sc.parallel_access}
      %mul3A_2563 = arith.constant 512 : i32
      %mul3A_2564 = arith.muli %add3A_1275, %mul3A_2563 : i32
      %add3A_2565 = arith.constant 0 : i32
      %add3A_2566 = arith.addi %mul3A_2564, %add3A_2565 : i32
      %add3A_2567 = arith.addi %add3A_2566, %mul3A_2 : i32
      %mul3A_2568 = arith.constant 8 : i32
      %mul3A_2569 = arith.muli %add3A_2567, %mul3A_2568 : i32
      %dma_start3A_2570 = arith.constant 1 : i32
      %dma_start3A_2571 = arith.constant 0 : i32
      %dma_start3A_2572 = arith.constant 0 : i32
      %dma_start3A_2573 = arith.constant 0 : i32
      %dma_start3A_2574 = tpu.memref_slice %arg7[%dma_start3A_2570, %dma_start3A_2571, %dma_start3A_2572, %dma_start3A_2573] : memref<2x4x40x129xf32, #tpu.memory_space<vmem>> -> memref<1x1x32x128xf32, #tpu.memory_space<vmem>>
      %dma_start3A_2575 = tpu.memref_squeeze %dma_start3A_2574 : memref<1x1x32x128xf32, #tpu.memory_space<vmem>> -> memref<32x128xf32, #tpu.memory_space<vmem>>
      %dma_start3A_2576 = arith.constant 0 : i32
      %dma_start3A_2577 = tpu.memref_slice %arg4[%mul3A_2569, %dma_start3A_2576] : memref<819200x128xf32, #tpu.memory_space<hbm>> -> memref<32x128xf32, #tpu.memory_space<hbm>>
      %dma_start3A_2578 = arith.constant 0 : i32
      %dma_start3A_2579 = tpu.memref_slice %arg4[%mul3A_2569, %dma_start3A_2578] : memref<819200x128xf32, #tpu.memory_space<hbm>> -> memref<32x128xf32, #tpu.memory_space<hbm>>
      %dma_start3A_2580 = arith.constant 0 : i32
      %dma_start3A_2581 = arith.constant 0 : i32
      %dma_start3A_2582 = tpu.memref_slice %arg7[%dma_start3A_2570, %dma_start3A_2571, %dma_start3A_2580, %dma_start3A_2581] : memref<2x4x40x129xf32, #tpu.memory_space<vmem>> -> memref<1x1x32x128xf32, #tpu.memory_space<vmem>>
      %dma_start3A_2583 = tpu.memref_squeeze %dma_start3A_2582 : memref<1x1x32x128xf32, #tpu.memory_space<vmem>> -> memref<32x128xf32, #tpu.memory_space<vmem>>
      tpu.enqueue_dma source(%dma_start3A_2583 : memref<32x128xf32, #tpu.memory_space<vmem>>) target(%dma_start3A_2579 : memref<32x128xf32, #tpu.memory_space<hbm>>) target_semaphore(%arg11 : memref<!tpu.dma_semaphore, #tpu.memory_space<semaphore_mem>>)
      %mul3A_2584 = arith.constant 512 : i32
      %mul3A_2585 = arith.muli %add3A_1275, %mul3A_2584 : i32
      %add3A_2586 = arith.constant 128 : i32
      %add3A_2587 = arith.addi %mul3A_2585, %add3A_2586 : i32
      %add3A_2588 = arith.addi %add3A_2587, %mul3A_2 : i32
      %mul3A_2589 = arith.constant 8 : i32
      %mul3A_2590 = arith.muli %add3A_2588, %mul3A_2589 : i32
      %dma_start3A_2591 = arith.constant 1 : i32
      %dma_start3A_2592 = arith.constant 1 : i32
      %dma_start3A_2593 = arith.constant 0 : i32
      %dma_start3A_2594 = arith.constant 0 : i32
      %dma_start3A_2595 = tpu.memref_slice %arg7[%dma_start3A_2591, %dma_start3A_2592, %dma_start3A_2593, %dma_start3A_2594] : memref<2x4x40x129xf32, #tpu.memory_space<vmem>> -> memref<1x1x32x128xf32, #tpu.memory_space<vmem>>
      %dma_start3A_2596 = tpu.memref_squeeze %dma_start3A_2595 : memref<1x1x32x128xf32, #tpu.memory_space<vmem>> -> memref<32x128xf32, #tpu.memory_space<vmem>>
      %dma_start3A_2597 = arith.constant 0 : i32
      %dma_start3A_2598 = tpu.memref_slice %arg4[%mul3A_2590, %dma_start3A_2597] : memref<819200x128xf32, #tpu.memory_space<hbm>> -> memref<32x128xf32, #tpu.memory_space<hbm>>
      %dma_start3A_2599 = arith.constant 0 : i32
      %dma_start3A_2600 = tpu.memref_slice %arg4[%mul3A_2590, %dma_start3A_2599] : memref<819200x128xf32, #tpu.memory_space<hbm>> -> memref<32x128xf32, #tpu.memory_space<hbm>>
      %dma_start3A_2601 = arith.constant 0 : i32
      %dma_start3A_2602 = arith.constant 0 : i32
      %dma_start3A_2603 = tpu.memref_slice %arg7[%dma_start3A_2591, %dma_start3A_2592, %dma_start3A_2601, %dma_start3A_2602] : memref<2x4x40x129xf32, #tpu.memory_space<vmem>> -> memref<1x1x32x128xf32, #tpu.memory_space<vmem>>
      %dma_start3A_2604 = tpu.memref_squeeze %dma_start3A_2603 : memref<1x1x32x128xf32, #tpu.memory_space<vmem>> -> memref<32x128xf32, #tpu.memory_space<vmem>>
      tpu.enqueue_dma source(%dma_start3A_2604 : memref<32x128xf32, #tpu.memory_space<vmem>>) target(%dma_start3A_2600 : memref<32x128xf32, #tpu.memory_space<hbm>>) target_semaphore(%arg11 : memref<!tpu.dma_semaphore, #tpu.memory_space<semaphore_mem>>)
      %mul3A_2605 = arith.constant 512 : i32
      %mul3A_2606 = arith.muli %add3A_1275, %mul3A_2605 : i32
      %add3A_2607 = arith.constant 256 : i32
      %add3A_2608 = arith.addi %mul3A_2606, %add3A_2607 : i32
      %add3A_2609 = arith.addi %add3A_2608, %mul3A_2 : i32
      %mul3A_2610 = arith.constant 8 : i32
      %mul3A_2611 = arith.muli %add3A_2609, %mul3A_2610 : i32
      %dma_start3A_2612 = arith.constant 1 : i32
      %dma_start3A_2613 = arith.constant 2 : i32
      %dma_start3A_2614 = arith.constant 0 : i32
      %dma_start3A_2615 = arith.constant 0 : i32
      %dma_start3A_2616 = tpu.memref_slice %arg7[%dma_start3A_2612, %dma_start3A_2613, %dma_start3A_2614, %dma_start3A_2615] : memref<2x4x40x129xf32, #tpu.memory_space<vmem>> -> memref<1x1x32x128xf32, #tpu.memory_space<vmem>>
      %dma_start3A_2617 = tpu.memref_squeeze %dma_start3A_2616 : memref<1x1x32x128xf32, #tpu.memory_space<vmem>> -> memref<32x128xf32, #tpu.memory_space<vmem>>
      %dma_start3A_2618 = arith.constant 0 : i32
      %dma_start3A_2619 = tpu.memref_slice %arg4[%mul3A_2611, %dma_start3A_2618] : memref<819200x128xf32, #tpu.memory_space<hbm>> -> memref<32x128xf32, #tpu.memory_space<hbm>>
      %dma_start3A_2620 = arith.constant 0 : i32
      %dma_start3A_2621 = tpu.memref_slice %arg4[%mul3A_2611, %dma_start3A_2620] : memref<819200x128xf32, #tpu.memory_space<hbm>> -> memref<32x128xf32, #tpu.memory_space<hbm>>
      %dma_start3A_2622 = arith.constant 0 : i32
      %dma_start3A_2623 = arith.constant 0 : i32
      %dma_start3A_2624 = tpu.memref_slice %arg7[%dma_start3A_2612, %dma_start3A_2613, %dma_start3A_2622, %dma_start3A_2623] : memref<2x4x40x129xf32, #tpu.memory_space<vmem>> -> memref<1x1x32x128xf32, #tpu.memory_space<vmem>>
      %dma_start3A_2625 = tpu.memref_squeeze %dma_start3A_2624 : memref<1x1x32x128xf32, #tpu.memory_space<vmem>> -> memref<32x128xf32, #tpu.memory_space<vmem>>
      tpu.enqueue_dma source(%dma_start3A_2625 : memref<32x128xf32, #tpu.memory_space<vmem>>) target(%dma_start3A_2621 : memref<32x128xf32, #tpu.memory_space<hbm>>) target_semaphore(%arg11 : memref<!tpu.dma_semaphore, #tpu.memory_space<semaphore_mem>>)
      %mul3A_2626 = arith.constant 512 : i32
      %mul3A_2627 = arith.muli %add3A_1275, %mul3A_2626 : i32
      %add3A_2628 = arith.constant 384 : i32
      %add3A_2629 = arith.addi %mul3A_2627, %add3A_2628 : i32
      %add3A_2630 = arith.addi %add3A_2629, %mul3A_2 : i32
      %mul3A_2631 = arith.constant 8 : i32
      %mul3A_2632 = arith.muli %add3A_2630, %mul3A_2631 : i32
      %dma_start3A_2633 = arith.constant 1 : i32
      %dma_start3A_2634 = arith.constant 3 : i32
      %dma_start3A_2635 = arith.constant 0 : i32
      %dma_start3A_2636 = arith.constant 0 : i32
      %dma_start3A_2637 = tpu.memref_slice %arg7[%dma_start3A_2633, %dma_start3A_2634, %dma_start3A_2635, %dma_start3A_2636] : memref<2x4x40x129xf32, #tpu.memory_space<vmem>> -> memref<1x1x32x128xf32, #tpu.memory_space<vmem>>
      %dma_start3A_2638 = tpu.memref_squeeze %dma_start3A_2637 : memref<1x1x32x128xf32, #tpu.memory_space<vmem>> -> memref<32x128xf32, #tpu.memory_space<vmem>>
      %dma_start3A_2639 = arith.constant 0 : i32
      %dma_start3A_2640 = tpu.memref_slice %arg4[%mul3A_2632, %dma_start3A_2639] : memref<819200x128xf32, #tpu.memory_space<hbm>> -> memref<32x128xf32, #tpu.memory_space<hbm>>
      %dma_start3A_2641 = arith.constant 0 : i32
      %dma_start3A_2642 = tpu.memref_slice %arg4[%mul3A_2632, %dma_start3A_2641] : memref<819200x128xf32, #tpu.memory_space<hbm>> -> memref<32x128xf32, #tpu.memory_space<hbm>>
      %dma_start3A_2643 = arith.constant 0 : i32
      %dma_start3A_2644 = arith.constant 0 : i32
      %dma_start3A_2645 = tpu.memref_slice %arg7[%dma_start3A_2633, %dma_start3A_2634, %dma_start3A_2643, %dma_start3A_2644] : memref<2x4x40x129xf32, #tpu.memory_space<vmem>> -> memref<1x1x32x128xf32, #tpu.memory_space<vmem>>
      %dma_start3A_2646 = tpu.memref_squeeze %dma_start3A_2645 : memref<1x1x32x128xf32, #tpu.memory_space<vmem>> -> memref<32x128xf32, #tpu.memory_space<vmem>>
      tpu.enqueue_dma source(%dma_start3A_2646 : memref<32x128xf32, #tpu.memory_space<vmem>>) target(%dma_start3A_2642 : memref<32x128xf32, #tpu.memory_space<hbm>>) target_semaphore(%arg11 : memref<!tpu.dma_semaphore, #tpu.memory_space<semaphore_mem>>)
      %scan3A_2647 = arith.constant 0 : i32
      scf.yield %scan3A_2647 : i32
    }
    %scan3A_1126 = arith.constant 100 : i32
    %add3A_1127 = arith.constant 101376 : i32
    %add3A_1128 = arith.addi %add3A_1127, %mul3A_2 : i32
    %mul3A_1129 = arith.constant 8 : i32
    %mul3A_1130 = arith.muli %add3A_1128, %mul3A_1129 : i32
    %dma_wait3A = arith.constant 0 : i32
    %dma_wait3A_1131 = arith.constant 0 : i32
    %dma_wait3A_1132 = arith.constant 0 : i32
    %dma_wait3A_1133 = arith.constant 0 : i32
    %dma_wait3A_1134 = tpu.memref_slice %arg7[%dma_wait3A, %dma_wait3A_1131, %dma_wait3A_1132, %dma_wait3A_1133] : memref<2x4x40x129xf32, #tpu.memory_space<vmem>> -> memref<1x1x32x128xf32, #tpu.memory_space<vmem>>
    %dma_wait3A_1135 = tpu.memref_squeeze %dma_wait3A_1134 : memref<1x1x32x128xf32, #tpu.memory_space<vmem>> -> memref<32x128xf32, #tpu.memory_space<vmem>>
    %dma_wait3A_1136 = arith.constant 0 : i32
    %dma_wait3A_1137 = tpu.memref_slice %arg4[%mul3A_1130, %dma_wait3A_1136] : memref<819200x128xf32, #tpu.memory_space<hbm>> -> memref<32x128xf32, #tpu.memory_space<hbm>>
    %dma_wait3A_1138 = arith.constant 0 : i32
    %dma_wait3A_1139 = tpu.memref_slice %arg4[%mul3A_1130, %dma_wait3A_1138] : memref<819200x128xf32, #tpu.memory_space<hbm>> -> memref<32x128xf32, #tpu.memory_space<hbm>>
    %dma_wait3A_1140 = arith.constant 0 : i32
    %dma_wait3A_1141 = arith.constant 0 : i32
    %dma_wait3A_1142 = tpu.memref_slice %arg7[%dma_wait3A, %dma_wait3A_1131, %dma_wait3A_1140, %dma_wait3A_1141] : memref<2x4x40x129xf32, #tpu.memory_space<vmem>> -> memref<1x1x32x128xf32, #tpu.memory_space<vmem>>
    %dma_wait3A_1143 = tpu.memref_squeeze %dma_wait3A_1142 : memref<1x1x32x128xf32, #tpu.memory_space<vmem>> -> memref<32x128xf32, #tpu.memory_space<vmem>>
    tpu.wait_dma2 semaphore(%arg10 : memref<!tpu.dma_semaphore, #tpu.memory_space<semaphore_mem>>) src(%dma_wait3A_1143 : memref<32x128xf32, #tpu.memory_space<vmem>>) dst(%dma_wait3A_1139 : memref<32x128xf32, #tpu.memory_space<hbm>>)
    %add3A_1144 = arith.constant 101504 : i32
    %add3A_1145 = arith.addi %add3A_1144, %mul3A_2 : i32
    %mul3A_1146 = arith.constant 8 : i32
    %mul3A_1147 = arith.muli %add3A_1145, %mul3A_1146 : i32
    %dma_wait3A_1148 = arith.constant 0 : i32
    %dma_wait3A_1149 = arith.constant 1 : i32
    %dma_wait3A_1150 = arith.constant 0 : i32
    %dma_wait3A_1151 = arith.constant 0 : i32
    %dma_wait3A_1152 = tpu.memref_slice %arg7[%dma_wait3A_1148, %dma_wait3A_1149, %dma_wait3A_1150, %dma_wait3A_1151] : memref<2x4x40x129xf32, #tpu.memory_space<vmem>> -> memref<1x1x32x128xf32, #tpu.memory_space<vmem>>
    %dma_wait3A_1153 = tpu.memref_squeeze %dma_wait3A_1152 : memref<1x1x32x128xf32, #tpu.memory_space<vmem>> -> memref<32x128xf32, #tpu.memory_space<vmem>>
    %dma_wait3A_1154 = arith.constant 0 : i32
    %dma_wait3A_1155 = tpu.memref_slice %arg4[%mul3A_1147, %dma_wait3A_1154] : memref<819200x128xf32, #tpu.memory_space<hbm>> -> memref<32x128xf32, #tpu.memory_space<hbm>>
    %dma_wait3A_1156 = arith.constant 0 : i32
    %dma_wait3A_1157 = tpu.memref_slice %arg4[%mul3A_1147, %dma_wait3A_1156] : memref<819200x128xf32, #tpu.memory_space<hbm>> -> memref<32x128xf32, #tpu.memory_space<hbm>>
    %dma_wait3A_1158 = arith.constant 0 : i32
    %dma_wait3A_1159 = arith.constant 0 : i32
    %dma_wait3A_1160 = tpu.memref_slice %arg7[%dma_wait3A_1148, %dma_wait3A_1149, %dma_wait3A_1158, %dma_wait3A_1159] : memref<2x4x40x129xf32, #tpu.memory_space<vmem>> -> memref<1x1x32x128xf32, #tpu.memory_space<vmem>>
    %dma_wait3A_1161 = tpu.memref_squeeze %dma_wait3A_1160 : memref<1x1x32x128xf32, #tpu.memory_space<vmem>> -> memref<32x128xf32, #tpu.memory_space<vmem>>
    tpu.wait_dma2 semaphore(%arg10 : memref<!tpu.dma_semaphore, #tpu.memory_space<semaphore_mem>>) src(%dma_wait3A_1161 : memref<32x128xf32, #tpu.memory_space<vmem>>) dst(%dma_wait3A_1157 : memref<32x128xf32, #tpu.memory_space<hbm>>)
    %add3A_1162 = arith.constant 101632 : i32
    %add3A_1163 = arith.addi %add3A_1162, %mul3A_2 : i32
    %mul3A_1164 = arith.constant 8 : i32
    %mul3A_1165 = arith.muli %add3A_1163, %mul3A_1164 : i32
    %dma_wait3A_1166 = arith.constant 0 : i32
    %dma_wait3A_1167 = arith.constant 2 : i32
    %dma_wait3A_1168 = arith.constant 0 : i32
    %dma_wait3A_1169 = arith.constant 0 : i32
    %dma_wait3A_1170 = tpu.memref_slice %arg7[%dma_wait3A_1166, %dma_wait3A_1167, %dma_wait3A_1168, %dma_wait3A_1169] : memref<2x4x40x129xf32, #tpu.memory_space<vmem>> -> memref<1x1x32x128xf32, #tpu.memory_space<vmem>>
    %dma_wait3A_1171 = tpu.memref_squeeze %dma_wait3A_1170 : memref<1x1x32x128xf32, #tpu.memory_space<vmem>> -> memref<32x128xf32, #tpu.memory_space<vmem>>
    %dma_wait3A_1172 = arith.constant 0 : i32
    %dma_wait3A_1173 = tpu.memref_slice %arg4[%mul3A_1165, %dma_wait3A_1172] : memref<819200x128xf32, #tpu.memory_space<hbm>> -> memref<32x128xf32, #tpu.memory_space<hbm>>
    %dma_wait3A_1174 = arith.constant 0 : i32
    %dma_wait3A_1175 = tpu.memref_slice %arg4[%mul3A_1165, %dma_wait3A_1174] : memref<819200x128xf32, #tpu.memory_space<hbm>> -> memref<32x128xf32, #tpu.memory_space<hbm>>
    %dma_wait3A_1176 = arith.constant 0 : i32
    %dma_wait3A_1177 = arith.constant 0 : i32
    %dma_wait3A_1178 = tpu.memref_slice %arg7[%dma_wait3A_1166, %dma_wait3A_1167, %dma_wait3A_1176, %dma_wait3A_1177] : memref<2x4x40x129xf32, #tpu.memory_space<vmem>> -> memref<1x1x32x128xf32, #tpu.memory_space<vmem>>
    %dma_wait3A_1179 = tpu.memref_squeeze %dma_wait3A_1178 : memref<1x1x32x128xf32, #tpu.memory_space<vmem>> -> memref<32x128xf32, #tpu.memory_space<vmem>>
    tpu.wait_dma2 semaphore(%arg10 : memref<!tpu.dma_semaphore, #tpu.memory_space<semaphore_mem>>) src(%dma_wait3A_1179 : memref<32x128xf32, #tpu.memory_space<vmem>>) dst(%dma_wait3A_1175 : memref<32x128xf32, #tpu.memory_space<hbm>>)
    %add3A_1180 = arith.constant 101760 : i32
    %add3A_1181 = arith.addi %add3A_1180, %mul3A_2 : i32
    %mul3A_1182 = arith.constant 8 : i32
    %mul3A_1183 = arith.muli %add3A_1181, %mul3A_1182 : i32
    %dma_wait3A_1184 = arith.constant 0 : i32
    %dma_wait3A_1185 = arith.constant 3 : i32
    %dma_wait3A_1186 = arith.constant 0 : i32
    %dma_wait3A_1187 = arith.constant 0 : i32
    %dma_wait3A_1188 = tpu.memref_slice %arg7[%dma_wait3A_1184, %dma_wait3A_1185, %dma_wait3A_1186, %dma_wait3A_1187] : memref<2x4x40x129xf32, #tpu.memory_space<vmem>> -> memref<1x1x32x128xf32, #tpu.memory_space<vmem>>
    %dma_wait3A_1189 = tpu.memref_squeeze %dma_wait3A_1188 : memref<1x1x32x128xf32, #tpu.memory_space<vmem>> -> memref<32x128xf32, #tpu.memory_space<vmem>>
    %dma_wait3A_1190 = arith.constant 0 : i32
    %dma_wait3A_1191 = tpu.memref_slice %arg4[%mul3A_1183, %dma_wait3A_1190] : memref<819200x128xf32, #tpu.memory_space<hbm>> -> memref<32x128xf32, #tpu.memory_space<hbm>>
    %dma_wait3A_1192 = arith.constant 0 : i32
    %dma_wait3A_1193 = tpu.memref_slice %arg4[%mul3A_1183, %dma_wait3A_1192] : memref<819200x128xf32, #tpu.memory_space<hbm>> -> memref<32x128xf32, #tpu.memory_space<hbm>>
    %dma_wait3A_1194 = arith.constant 0 : i32
    %dma_wait3A_1195 = arith.constant 0 : i32
    %dma_wait3A_1196 = tpu.memref_slice %arg7[%dma_wait3A_1184, %dma_wait3A_1185, %dma_wait3A_1194, %dma_wait3A_1195] : memref<2x4x40x129xf32, #tpu.memory_space<vmem>> -> memref<1x1x32x128xf32, #tpu.memory_space<vmem>>
    %dma_wait3A_1197 = tpu.memref_squeeze %dma_wait3A_1196 : memref<1x1x32x128xf32, #tpu.memory_space<vmem>> -> memref<32x128xf32, #tpu.memory_space<vmem>>
    tpu.wait_dma2 semaphore(%arg10 : memref<!tpu.dma_semaphore, #tpu.memory_space<semaphore_mem>>) src(%dma_wait3A_1197 : memref<32x128xf32, #tpu.memory_space<vmem>>) dst(%dma_wait3A_1193 : memref<32x128xf32, #tpu.memory_space<hbm>>)
    %add3A_1198 = arith.constant 101888 : i32
    %add3A_1199 = arith.addi %add3A_1198, %mul3A_2 : i32
    %mul3A_1200 = arith.constant 8 : i32
    %mul3A_1201 = arith.muli %add3A_1199, %mul3A_1200 : i32
    %dma_wait3A_1202 = arith.constant 1 : i32
    %dma_wait3A_1203 = arith.constant 0 : i32
    %dma_wait3A_1204 = arith.constant 0 : i32
    %dma_wait3A_1205 = arith.constant 0 : i32
    %dma_wait3A_1206 = tpu.memref_slice %arg7[%dma_wait3A_1202, %dma_wait3A_1203, %dma_wait3A_1204, %dma_wait3A_1205] : memref<2x4x40x129xf32, #tpu.memory_space<vmem>> -> memref<1x1x32x128xf32, #tpu.memory_space<vmem>>
    %dma_wait3A_1207 = tpu.memref_squeeze %dma_wait3A_1206 : memref<1x1x32x128xf32, #tpu.memory_space<vmem>> -> memref<32x128xf32, #tpu.memory_space<vmem>>
    %dma_wait3A_1208 = arith.constant 0 : i32
    %dma_wait3A_1209 = tpu.memref_slice %arg4[%mul3A_1201, %dma_wait3A_1208] : memref<819200x128xf32, #tpu.memory_space<hbm>> -> memref<32x128xf32, #tpu.memory_space<hbm>>
    %dma_wait3A_1210 = arith.constant 0 : i32
    %dma_wait3A_1211 = tpu.memref_slice %arg4[%mul3A_1201, %dma_wait3A_1210] : memref<819200x128xf32, #tpu.memory_space<hbm>> -> memref<32x128xf32, #tpu.memory_space<hbm>>
    %dma_wait3A_1212 = arith.constant 0 : i32
    %dma_wait3A_1213 = arith.constant 0 : i32
    %dma_wait3A_1214 = tpu.memref_slice %arg7[%dma_wait3A_1202, %dma_wait3A_1203, %dma_wait3A_1212, %dma_wait3A_1213] : memref<2x4x40x129xf32, #tpu.memory_space<vmem>> -> memref<1x1x32x128xf32, #tpu.memory_space<vmem>>
    %dma_wait3A_1215 = tpu.memref_squeeze %dma_wait3A_1214 : memref<1x1x32x128xf32, #tpu.memory_space<vmem>> -> memref<32x128xf32, #tpu.memory_space<vmem>>
    tpu.wait_dma2 semaphore(%arg11 : memref<!tpu.dma_semaphore, #tpu.memory_space<semaphore_mem>>) src(%dma_wait3A_1215 : memref<32x128xf32, #tpu.memory_space<vmem>>) dst(%dma_wait3A_1211 : memref<32x128xf32, #tpu.memory_space<hbm>>)
    %add3A_1216 = arith.constant 102016 : i32
    %add3A_1217 = arith.addi %add3A_1216, %mul3A_2 : i32
    %mul3A_1218 = arith.constant 8 : i32
    %mul3A_1219 = arith.muli %add3A_1217, %mul3A_1218 : i32
    %dma_wait3A_1220 = arith.constant 1 : i32
    %dma_wait3A_1221 = arith.constant 1 : i32
    %dma_wait3A_1222 = arith.constant 0 : i32
    %dma_wait3A_1223 = arith.constant 0 : i32
    %dma_wait3A_1224 = tpu.memref_slice %arg7[%dma_wait3A_1220, %dma_wait3A_1221, %dma_wait3A_1222, %dma_wait3A_1223] : memref<2x4x40x129xf32, #tpu.memory_space<vmem>> -> memref<1x1x32x128xf32, #tpu.memory_space<vmem>>
    %dma_wait3A_1225 = tpu.memref_squeeze %dma_wait3A_1224 : memref<1x1x32x128xf32, #tpu.memory_space<vmem>> -> memref<32x128xf32, #tpu.memory_space<vmem>>
    %dma_wait3A_1226 = arith.constant 0 : i32
    %dma_wait3A_1227 = tpu.memref_slice %arg4[%mul3A_1219, %dma_wait3A_1226] : memref<819200x128xf32, #tpu.memory_space<hbm>> -> memref<32x128xf32, #tpu.memory_space<hbm>>
    %dma_wait3A_1228 = arith.constant 0 : i32
    %dma_wait3A_1229 = tpu.memref_slice %arg4[%mul3A_1219, %dma_wait3A_1228] : memref<819200x128xf32, #tpu.memory_space<hbm>> -> memref<32x128xf32, #tpu.memory_space<hbm>>
    %dma_wait3A_1230 = arith.constant 0 : i32
    %dma_wait3A_1231 = arith.constant 0 : i32
    %dma_wait3A_1232 = tpu.memref_slice %arg7[%dma_wait3A_1220, %dma_wait3A_1221, %dma_wait3A_1230, %dma_wait3A_1231] : memref<2x4x40x129xf32, #tpu.memory_space<vmem>> -> memref<1x1x32x128xf32, #tpu.memory_space<vmem>>
    %dma_wait3A_1233 = tpu.memref_squeeze %dma_wait3A_1232 : memref<1x1x32x128xf32, #tpu.memory_space<vmem>> -> memref<32x128xf32, #tpu.memory_space<vmem>>
    tpu.wait_dma2 semaphore(%arg11 : memref<!tpu.dma_semaphore, #tpu.memory_space<semaphore_mem>>) src(%dma_wait3A_1233 : memref<32x128xf32, #tpu.memory_space<vmem>>) dst(%dma_wait3A_1229 : memref<32x128xf32, #tpu.memory_space<hbm>>)
    %add3A_1234 = arith.constant 102144 : i32
    %add3A_1235 = arith.addi %add3A_1234, %mul3A_2 : i32
    %mul3A_1236 = arith.constant 8 : i32
    %mul3A_1237 = arith.muli %add3A_1235, %mul3A_1236 : i32
    %dma_wait3A_1238 = arith.constant 1 : i32
    %dma_wait3A_1239 = arith.constant 2 : i32
    %dma_wait3A_1240 = arith.constant 0 : i32
    %dma_wait3A_1241 = arith.constant 0 : i32
    %dma_wait3A_1242 = tpu.memref_slice %arg7[%dma_wait3A_1238, %dma_wait3A_1239, %dma_wait3A_1240, %dma_wait3A_1241] : memref<2x4x40x129xf32, #tpu.memory_space<vmem>> -> memref<1x1x32x128xf32, #tpu.memory_space<vmem>>
    %dma_wait3A_1243 = tpu.memref_squeeze %dma_wait3A_1242 : memref<1x1x32x128xf32, #tpu.memory_space<vmem>> -> memref<32x128xf32, #tpu.memory_space<vmem>>
    %dma_wait3A_1244 = arith.constant 0 : i32
    %dma_wait3A_1245 = tpu.memref_slice %arg4[%mul3A_1237, %dma_wait3A_1244] : memref<819200x128xf32, #tpu.memory_space<hbm>> -> memref<32x128xf32, #tpu.memory_space<hbm>>
    %dma_wait3A_1246 = arith.constant 0 : i32
    %dma_wait3A_1247 = tpu.memref_slice %arg4[%mul3A_1237, %dma_wait3A_1246] : memref<819200x128xf32, #tpu.memory_space<hbm>> -> memref<32x128xf32, #tpu.memory_space<hbm>>
    %dma_wait3A_1248 = arith.constant 0 : i32
    %dma_wait3A_1249 = arith.constant 0 : i32
    %dma_wait3A_1250 = tpu.memref_slice %arg7[%dma_wait3A_1238, %dma_wait3A_1239, %dma_wait3A_1248, %dma_wait3A_1249] : memref<2x4x40x129xf32, #tpu.memory_space<vmem>> -> memref<1x1x32x128xf32, #tpu.memory_space<vmem>>
    %dma_wait3A_1251 = tpu.memref_squeeze %dma_wait3A_1250 : memref<1x1x32x128xf32, #tpu.memory_space<vmem>> -> memref<32x128xf32, #tpu.memory_space<vmem>>
    tpu.wait_dma2 semaphore(%arg11 : memref<!tpu.dma_semaphore, #tpu.memory_space<semaphore_mem>>) src(%dma_wait3A_1251 : memref<32x128xf32, #tpu.memory_space<vmem>>) dst(%dma_wait3A_1247 : memref<32x128xf32, #tpu.memory_space<hbm>>)
    %add3A_1252 = arith.constant 102272 : i32
    %add3A_1253 = arith.addi %add3A_1252, %mul3A_2 : i32
    %mul3A_1254 = arith.constant 8 : i32
    %mul3A_1255 = arith.muli %add3A_1253, %mul3A_1254 : i32
    %dma_wait3A_1256 = arith.constant 1 : i32
    %dma_wait3A_1257 = arith.constant 3 : i32
    %dma_wait3A_1258 = arith.constant 0 : i32
    %dma_wait3A_1259 = arith.constant 0 : i32
    %dma_wait3A_1260 = tpu.memref_slice %arg7[%dma_wait3A_1256, %dma_wait3A_1257, %dma_wait3A_1258, %dma_wait3A_1259] : memref<2x4x40x129xf32, #tpu.memory_space<vmem>> -> memref<1x1x32x128xf32, #tpu.memory_space<vmem>>
    %dma_wait3A_1261 = tpu.memref_squeeze %dma_wait3A_1260 : memref<1x1x32x128xf32, #tpu.memory_space<vmem>> -> memref<32x128xf32, #tpu.memory_space<vmem>>
    %dma_wait3A_1262 = arith.constant 0 : i32
    %dma_wait3A_1263 = tpu.memref_slice %arg4[%mul3A_1255, %dma_wait3A_1262] : memref<819200x128xf32, #tpu.memory_space<hbm>> -> memref<32x128xf32, #tpu.memory_space<hbm>>
    %dma_wait3A_1264 = arith.constant 0 : i32
    %dma_wait3A_1265 = tpu.memref_slice %arg4[%mul3A_1255, %dma_wait3A_1264] : memref<819200x128xf32, #tpu.memory_space<hbm>> -> memref<32x128xf32, #tpu.memory_space<hbm>>
    %dma_wait3A_1266 = arith.constant 0 : i32
    %dma_wait3A_1267 = arith.constant 0 : i32
    %dma_wait3A_1268 = tpu.memref_slice %arg7[%dma_wait3A_1256, %dma_wait3A_1257, %dma_wait3A_1266, %dma_wait3A_1267] : memref<2x4x40x129xf32, #tpu.memory_space<vmem>> -> memref<1x1x32x128xf32, #tpu.memory_space<vmem>>
    %dma_wait3A_1269 = tpu.memref_squeeze %dma_wait3A_1268 : memref<1x1x32x128xf32, #tpu.memory_space<vmem>> -> memref<32x128xf32, #tpu.memory_space<vmem>>
    tpu.wait_dma2 semaphore(%arg11 : memref<!tpu.dma_semaphore, #tpu.memory_space<semaphore_mem>>) src(%dma_wait3A_1269 : memref<32x128xf32, #tpu.memory_space<vmem>>) dst(%dma_wait3A_1265 : memref<32x128xf32, #tpu.memory_space<hbm>>)
    return
  }
}

module attributes {stable_mosaic.version = 14 : i64} {
  func.func @_tab_body(%arg0: i32, %arg1: memref<32x32768xf32, #tpu.memory_space<vmem>>, %arg2: memref<8192x128xf32, #tpu.memory_space<vmem>>) attributes {dimension_semantics = [#tpu.dimension_semantics<arbitrary>], iteration_bounds = array<i64: 31>, scalar_prefetch = 0 : i64, scratch_operands = 0 : i64, tpu.core_type = #tpu.core_type<tc>, window_params = [{transform_indices = @transform_0, window_bounds = array<i64: 32, 32768>}, {transform_indices = @transform_1, window_bounds = array<i64: 8192, 128>}]} {
    %get3A = arith.constant 0 : index
    %get3A_0 = arith.constant 0 : index
    %get3A_1 = vector.load %arg1[%get3A, %get3A_0] : memref<32x32768xf32, #tpu.memory_space<vmem>>, vector<32x8192xf32>
    %transpose3A = tpu.transpose %get3A_1, [1, 0] : vector<32x8192xf32> -> vector<8192x32xf32>
    %swap3A = arith.constant 0 : index
    %swap3A_2 = arith.constant 0 : index
    %swap3A_3 = vector.load %arg2[%swap3A, %swap3A_2] : memref<8192x128xf32, #tpu.memory_space<vmem>>, vector<8192x32xf32>
    tpu.vector_store %arg2[%swap3A, %swap3A_2], %transpose3A {strides = array<i32>} : memref<8192x128xf32, #tpu.memory_space<vmem>>, vector<8192x32xf32>,
    %get3A_4 = arith.constant 0 : index
    %get3A_5 = arith.constant 8192 : index
    %get3A_6 = vector.load %arg1[%get3A_4, %get3A_5] : memref<32x32768xf32, #tpu.memory_space<vmem>>, vector<32x8192xf32>
    %transpose3A_7 = tpu.transpose %get3A_6, [1, 0] : vector<32x8192xf32> -> vector<8192x32xf32>
    %swap3A_8 = arith.constant 0 : index
    %swap3A_9 = arith.constant 32 : index
    %swap3A_10 = vector.load %arg2[%swap3A_8, %swap3A_9] : memref<8192x128xf32, #tpu.memory_space<vmem>>, vector<8192x32xf32>
    tpu.vector_store %arg2[%swap3A_8, %swap3A_9], %transpose3A_7 {strides = array<i32>} : memref<8192x128xf32, #tpu.memory_space<vmem>>, vector<8192x32xf32>,
    %get3A_11 = arith.constant 0 : index
    %get3A_12 = arith.constant 16384 : index
    %get3A_13 = vector.load %arg1[%get3A_11, %get3A_12] : memref<32x32768xf32, #tpu.memory_space<vmem>>, vector<32x8192xf32>
    %transpose3A_14 = tpu.transpose %get3A_13, [1, 0] : vector<32x8192xf32> -> vector<8192x32xf32>
    %swap3A_15 = arith.constant 0 : index
    %swap3A_16 = arith.constant 64 : index
    %swap3A_17 = vector.load %arg2[%swap3A_15, %swap3A_16] : memref<8192x128xf32, #tpu.memory_space<vmem>>, vector<8192x32xf32>
    tpu.vector_store %arg2[%swap3A_15, %swap3A_16], %transpose3A_14 {strides = array<i32>} : memref<8192x128xf32, #tpu.memory_space<vmem>>, vector<8192x32xf32>,
    %get3A_18 = arith.constant 0 : index
    %get3A_19 = arith.constant 24576 : index
    %get3A_20 = vector.load %arg1[%get3A_18, %get3A_19] : memref<32x32768xf32, #tpu.memory_space<vmem>>, vector<32x8192xf32>
    %transpose3A_21 = tpu.transpose %get3A_20, [1, 0] : vector<32x8192xf32> -> vector<8192x32xf32>
    %swap3A_22 = arith.constant 0 : index
    %swap3A_23 = arith.constant 96 : index
    %swap3A_24 = vector.load %arg2[%swap3A_22, %swap3A_23] : memref<8192x128xf32, #tpu.memory_space<vmem>>, vector<8192x32xf32>
    tpu.vector_store %arg2[%swap3A_22, %swap3A_23], %transpose3A_21 {strides = array<i32>} : memref<8192x128xf32, #tpu.memory_space<vmem>>, vector<8192x32xf32>,
    return
  }
  func.func @transform_0(%arg0: i32) -> (i32, i32) {
    %c0_i32 = arith.constant 0 : i32
    %c0_i32_0 = arith.constant 0 : i32
    return %c0_i32, %arg0 : i32, i32
  }
  func.func @transform_1(%arg0: i32) -> (i32, i32) {
    %c0_i32 = arith.constant 0 : i32
    %c0_i32_0 = arith.constant 0 : i32
    return %arg0, %c0_i32 : i32, i32
  }
}

</mosaic_0001>

<sc_bundles>
// kernel: kernel.4.cloned.1.call-start
scs
__scs_entry_jumppad:
0x0: {  	(pc) =	sbr.rel $0x88, $3  }
0x1: {  	(tag) =	ssettag $0x0;
	lr =	simm.s32 $0x1  }
0x2: {  	[smem:$0x3F9F] =	sst lr;
	_ =	strace $0xD0000000  }
0x3: {  	_ = 	snop  }
0x4: {  	_ = 	snop  }
0x5: {  	_ = 	snop  }
0x6: {  	_ = 	snop  }
0x7: {  	_ = 	snop  }
__scs_overlays_trampoline_lowered:
0x8: {  	[smem:$0x3FAE] =	sst s0  }
0x9: {  	[smem:$0x3FAF] =	sst s1  }
0xa: {  	[smem:$0x3FB0] =	sst s2  }
0xb: {  	[smem:$0x3FB1] =	sst s3  }
0xc: {  	[smem:$0x3FB2] =	sst s4  }
0xd: {  	[smem:$0x3FB3] =	sst s5  }
0xe: {  	[smem:$0x3FB4] =	sst s6  }
0xf: {  	[smem:$0x3FB5] =	sst s7  }
0x10: {  	[smem:$0x3FB6] =	sst s8  }
0x11: {  	[smem:$0x3FB7] =	sst s9;
	s0 =	simm.s32 @!p0 $0x0  }
0x12: {  	s1 =	sld [smem:$0x3F9D];
	s0 =	simm.s32 @p0 $0x1  }
0x13: {  	[smem:$0x3FB8] =	sst s0;
	s0 =	simm.s32 @!p1 $0x0  }
0x14: {  	s2 =	sld [smem:$0x3F9C];
	s0 =	simm.s32 @p1 $0x1  }
0x15: {  	[smem:$0x3FB9] =	sst s0;
	s0 =	simm.s32 @!p2 $0x0  }
0x16: {  	s3 =	sld [smem:$0x3FDB];
	s0 =	simm.s32 @p2 $0x1  }
0x17: {  	s4 =	simm.s32 $0x1BF5;
	[smem:$0x3FBB] =	sst s0  }
0x18: {  	s0 =	sld [smem:$0x3F9E];
	_ =	swait.ge [sflag:s4], $0x0  }
0x19: {  	s7 =	sld [smem:$0x3F9F]  }
0x1a: {  	s8 =	sadd.s32 $0xFFFFE003, lr  }
0x1b: {  	s9 =	sadd.s32 $0xFFFFFEF7, lr;
	s5 =	simm.s32 $0xFFFFFFFF;
	p2 =	slt.u32 s8, $0xFFFFF086  }
0x1c: {  	p1 =	slt.u32 s9, $0xF7A;
	s5 =	simm.s32 @!p2 $0x0  }
0x1d: {  	s5 =	simm.s32 @p1 $0x1;
	p0 =	seq.s32 s7, s2  }
0x1e: {  	s7 =	smul.u32 @!p0 $0xF7A, s2;
	p2 =	seq.s32 @!p0 s5, $0x0  }
0x1f: {  	s9 =	smul.u32 $0xF7A, s1;
	s8 =	simm.s32 @!p0 $0x1BF5;
	p2 =	por !p2, p0  }
0x20: {  	[sflag:s8] =	ssyncset.s32 @!p0 $0xFFFFF086;
	s6 =	sadd.s32 @!p0 s3, s7;
	s7 =	simm.s32 @!p0 $0x108  }
0x21: {  	s3 =	sadd.s32 s3, s9;
	s6 =	sadd.s32 @!p0 $0x88, s6;
	s7 =	simm.s32 @p2 $0x1082  }
0x22: {  	[simem:s7], [sflag:s8] =	dma.local @!p0 [hbm:s6], $0xF7A  }
0x23: {  	s9 =	sor.u32 $0xD0000000, s2;
	s6 =	simm.s32 $0x108;
	_ =	swait.ge @!p0 [sflag:s8], $0x0  }
0x24: {  	s3 =	sadd.s32 $0x88, s3;
	s6 =	simm.s32 @!p1 $0x1082;
	[sflag:s4] =	ssyncset.s32 $0xFFFFF086  }
0x25: {  	[simem:s6], [sflag:s4] =	dma.local [hbm:s3], $0xF7A  }
0x26: {  	[smem:$0x3F9F] =	sst s1;
	(tag) =	ssettag s2;
	_ =	strace s9  }
0x27: {  	s1 =	sld [smem:$0x3FAF]  }
0x28: {  	s2 =	sld [smem:$0x3FB0]  }
0x29: {  	s4 =	sld [smem:$0x3FB2]  }
0x2a: {  	p0 =	seq.s32 s5, $0x0;
	s5 =	sld [smem:$0x3FB3]  }
0x2b: {  	s6 =	sld [smem:$0x3FB4]  }
0x2c: {  	s7 =	sld [smem:$0x3FB5]  }
0x2d: {  	s3 =	simm.s32 $0x108;
	s8 =	sld [smem:$0x3FB6]  }
0x2e: {  	s3 =	simm.s32 @!p0 $0x1082;
	s9 =	sld [smem:$0x3FB7]  }
0x2f: {  	lr =	sadd.s32 s0, s3;
	s0 =	sld [smem:$0x3FAE]  }
0x30: {  	s3 =	sld [smem:$0x3FB1]  }
0x31: {  	[smem:$0x3FBA] =	sst s10  }
0x32: {  	s10 =	sld [smem:$0x3FB8];
	_ =	sdelay $0x3  }
0x33: {  	p0 =	seq.s32 s10, $0x1;
	s10 =	sld [smem:$0x3FBA];
	_ =	sdelay $0x3  }
0x34: {  	[smem:$0x3FBA] =	sst s10  }
0x35: {  	s10 =	sld [smem:$0x3FB9];
	_ =	sdelay $0x3  }
0x36: {  	p1 =	seq.s32 s10, $0x1;
	s10 =	sld [smem:$0x3FBA];
	_ =	sdelay $0x3  }
0x37: {  	[smem:$0x3FBA] =	sst s10  }
0x38: {  	s10 =	sld [smem:$0x3FBB]  }
0x39: {  	_ = 	snop;
	(pc) =	sbr.ind lr, $3  }
0x3a: {  	_ = 	snop  }
0x3b: {  	_ = 	snop  }
0x3c: {  	p2 =	seq.s32 s10, $0x1;
	s10 =	sld [smem:$0x3FBA]  }
0x3d: {  	_ =	shalt  }
0x3e: {  	_ =	shalt  }
0x3f: {  	_ =	shalt  }
0x40: {  	_ =	shalt  }
0x41: {  	_ =	shalt  }
0x42: {  	_ =	shalt  }
0x43: {  	_ =	shalt  }
0x44: {  	_ =	shalt  }
0x45: {  	_ =	shalt  }
0x46: {  	_ =	shalt  }
0x47: {  	_ =	shalt  }
0x48: {  	_ =	shalt  }
0x49: {  	_ =	shalt  }
0x4a: {  	_ =	shalt  }
0x4b: {  	_ =	shalt  }
0x4c: {  	_ =	shalt  }
0x4d: {  	_ =	shalt  }
0x4e: {  	_ =	shalt  }
0x4f: {  	_ =	shalt  }
0x50: {  	_ =	shalt  }
0x51: {  	_ =	shalt  }
0x52: {  	_ =	shalt  }
0x53: {  	_ =	shalt  }
0x54: {  	_ =	shalt  }
0x55: {  	_ =	shalt  }
0x56: {  	_ =	shalt  }
0x57: {  	_ =	shalt  }
0x58: {  	_ =	shalt  }
0x59: {  	_ =	shalt  }
0x5a: {  	_ =	shalt  }
0x5b: {  	_ =	shalt  }
0x5c: {  	_ =	shalt  }
0x5d: {  	_ =	shalt  }
0x5e: {  	_ =	shalt  }
0x5f: {  	_ =	shalt  }
0x60: {  	_ =	shalt  }
0x61: {  	_ =	shalt  }
0x62: {  	_ =	shalt  }
0x63: {  	_ =	shalt  }
0x64: {  	_ =	shalt  }
0x65: {  	_ =	shalt  }
0x66: {  	_ =	shalt  }
0x67: {  	_ =	shalt  }
0x68: {  	_ =	shalt  }
0x69: {  	_ =	shalt  }
0x6a: {  	_ =	shalt  }
0x6b: {  	_ =	shalt  }
0x6c: {  	_ =	shalt  }
0x6d: {  	_ =	shalt  }
0x6e: {  	_ =	shalt  }
0x6f: {  	_ =	shalt  }
0x70: {  	_ =	shalt  }
0x71: {  	_ =	shalt  }
0x72: {  	_ =	shalt  }
0x73: {  	_ =	shalt  }
0x74: {  	_ =	shalt  }
0x75: {  	_ =	shalt  }
0x76: {  	_ =	shalt  }
0x77: {  	_ =	shalt  }
0x78: {  	_ =	shalt  }
0x79: {  	_ =	shalt  }
0x7a: {  	_ =	shalt  }
0x7b: {  	_ =	shalt  }
0x7c: {  	_ =	shalt  }
0x7d: {  	_ =	shalt  }
0x7e: {  	_ =	shalt  }
0x7f: {  	_ =	shalt  }
0x80: {  	_ =	shalt  }
0x81: {  	_ =	shalt  }
0x82: {  	_ =	shalt  }
0x83: {  	_ =	shalt  }
0x84: {  	_ =	shalt  }
0x85: {  	_ =	shalt  }
0x86: {  	_ =	shalt  }
0x87: {  	_ =	shalt  }
.Lfunc_end0:
.L_simem_size_0:
called_computation_lowered:
.L_overlay_start_0:
0x88: {  	s2 =	sld [smem:$0x3FD9]  }
0x89: {  	s3 =	sld [smem:$0x3FFE];
	_ =	sdelay $0x1  }
0x8a: {  	s1 =	srdreg.scid  }
0x8b: {  	s0 =	sand.u32 $0x1, s1  }
0x8c: {  	s17 =	sshll.u32 s0, $0xA;
	s2 =	sadd.s32 s3, s2  }
0x8d: {  	s2 =	sadd.s32 s2, s17  }
0x8e: {  	[smem:$0x3FC6] =	sst s2  }
0x8f: {  	_ = 	snop  }
0x90: {  	s2 =	sld [smem:$0x3FD0];
	(tm) =	ssettm $0x1  }
0x91: {  	s18 =	sld [smem:$0x3FFB];
	_ =	sdelay $0x3  }
0x92: {  	_ =	strace s18  }
0x93: {  	s3 =	sld [smem:$0x3FFC];
	_ =	sdelay $0x3  }
0x94: {  	_ =	strace s3  }
0x95: {  	s3 =	sld [smem:$0x3FFD];
	_ =	sdelay $0x3  }
0x96: {  	_ =	strace s3  }
0x97: {  	_ =	strace $0x8FFFFFFF  }
0x98: {  	s19 =	sld [smem:$0x3FDB];
	_ =	sdelay $0x1  }
0x99: {  	s4 =	simm.s32 $_scs_section_size  }
0x9a: {  	s5 =	simm.s32 $_size__tile_overlayer_lowered;
	s6 =	simm.s32 $_tile_overlayer_lowered  }
0x9b: {  	s22 =	simm.s32 $0x1BFF;
	s21 =	sshll.u32 s6, $0x1;
	s3 =	sadd.s32 s4, s19  }
0x9c: {  	s7 =	simm.s32 $0x0;
	s20 =	sshll.u32 s5, $0x1;
	s5 =	sadd.s32 s21, s3  }
0x9d: {  	[timem:s7], [sflag:s22] =	dma.local [hbm:s5], s20  }
0x9e: {  	_ =	swait.ge [sflag:s22], s20  }
0x9f: {  	s4 =	ssub.s32 $0x0, s20;
	[sflag:s22] =	ssyncset.done $0x0  }
0xa0: {  	[sflag:s22] =	ssyncadd.s32 s4;
	_ =	sdelay $0x1  }
0xa1: {  	s23 =	simm.s32 $0x1B8B  }
0xa2: {  	_ =	swait.ge [sflag:s23], $0x1  }
0xa3: {  	[sflag:s23] =	ssyncset.done $0x0  }
0xa4: {  	s25 =	simm.s32 $0x1B8E;
	s24 =	sld [smem:$0x3FFE];
	[sflag:s23] =	ssyncadd.s32 $0xFFFFFFFF  }
0xa5: {  	s26 =	simm.s32 $execute0_lowered;
	[smem:$0x3FD2] =	sst s25  }
0xa6: {  	s5 =	sshll.u32 s26, $0x1;
	_ =	strace $0x80000046;
	[dreg:$0x1] =	wrdreg $0xFFFFFFFF  }
0xa7: {  	s28 =	simm.s32 $_size_execute0_lowered;
	s3 =	sadd.s32 s3, s5;
	[dreg:$0x0] =	wrdreg $0x0  }
0xa8: {  	s5 =	sshll.u32 s28, $0x1;
	[dreg:$0x2] =	wrdreg s3  }
0xa9: {  	[dreg:$0x3] =	wrdreg s5  }
0xaa: {  	[dreg:$0x4] =	wrdreg $0xC0  }
0xab: {  	_ =	task [dreg:s7], $0x5FFFF  }
0xac: {  	[dreg:$0x1] =	wrdreg $0xFFFFFFFF  }
0xad: {  	[dreg:$0x0] =	wrdreg $0x60  }
0xae: {  	[dreg:$0x2] =	wrdreg s24  }
0xaf: {  	[dreg:$0x3] =	wrdreg s2  }
0xb0: {  	[dreg:$0x4] =	wrdreg $0x9  }
0xb1: {  	_ =	task.clear_ibuf [dreg:s7], $0x5FFFF;
	_ =	strace $0x90000046  }
0xb2: {  	s29 =	simm.s32 $0x9;
	_ =	strace $0x80000048  }
0xb3: {  	_ =	swait.ge [sflag:s29], $0x1  }
0xb4: {  	[sflag:s29] =	ssyncadd.s32 $0xFFFFFFFF  }
0xb5: {  	_ =	strace $0x90000048  }
0xb6: {  	_ =	sfence  }
0xb7: {  	s30 =	sld [smem:$0x0];
	_ =	sdelay $0x2  }
0xb8: {  	s31 =	sshll.u32 s1, $0xD;
	s1 =	sshrl.u32 s1, $0x2  }
0xb9: {  	s3 =	sand.u32 $0x4000, s31;
	s1 =	sadd.s32 s1, s30  }
0xba: {  	s0 =	sor.u32 s3, s0;
	s1 =	sshll.u32 s1, $0x11  }
0xbb: {  	s0 =	sor.u32 s1, s0  }
0xbc: {  	s0 =	sadd.s32 $0x8F2B, s0  }
0xbd: {  	[sflag:s0] =	ssyncadd.remote.s32 $0x1  }
0xbe: {  	_ =	sfence.sel $0xFFFF  }
0xbf: {  	[dreg:$0x0] =	wrdreg $0xFFFFFFFF;
	(pc) =	sbr.abs _section_cstart, $3  }
0xc0: {  	[dreg:$0x1] =	wrdreg $0xFFFFFFFF  }
0xc1: {  	_ =	task.clear_ibuf [dreg:s7], $0x2FFFF;
	_ =	strace $0x9FFFFFFF  }
0xc2: {  	(tm) =	ssettm $0x7FFFFFFF  }
0xc3: {  	_ =	shalt  }
tec
execute0_lowered:
.L_overlay_start_1:
0x0: {  	(tag) =	ssettag $0x1  }
0x1: {  	v0 =	vimm.s32 $0x18F8  }
0x2: {  	vm0 =	vcmask $0x300;
	vm1 =	vcmask $0x704;
	v1 =	vimm.s32 $0x4378  }
0x3: {  	vm2 =	vcmask $0xB08;
	v0 =	vsel vm0, $0x0, v0;
	v1 =	vsel vm0, $0x2A80, v1  }
0x4: {  	s0 =	rddreg [dreg:$0x0];
	vm3 =	vcmask $0xF0C;
	v0 =	vsel vm1, $0x88, v0;
	v1 =	vsel vm1, $0x2B08, v1  }
0x5: {  	s1 =	rddreg [dreg:$0x1];
	s2 =	srdreg.scid;
	vm15 =	vcmask $0x1310;
	v0 =	vsel vm2, $0x110, v0;
	v1 =	vsel vm2, $0x2B90, v1  }
0x6: {  	s4 =	stileid.u32;
	s3 =	simm.s32 $0x0;
	vm6 =	vcmask $0x1714;
	s12 =	simm.s32 $0x5;
	v0 =	vsel vm3, $0x198, v0;
	v1 =	vsel vm3, $0x2C18, v1  }
0x7: {  	vm7 =	vcmask $0x1B18;
	s13 =	simm.s32 $0x80;
	s20 =	simm.s32 $0x200;
	s23 =	simm.s32 $0x5400;
	v0 =	vsel vm15, $0x220, v0;
	v1 =	vsel vm15, $0x2CA0, v1  }
0x8: {  	vm8 =	vcmask $0x1F1C;
	s28 =	simm.s32 $0x7400;
	s29 =	simm.s32 $0x1;
	s30 =	simm.s32 $0x8400;
	v0 =	vsel vm6, $0x2A8, v0;
	v1 =	vsel vm6, $0x2D28, v1  }
0x9: {  	vm9 =	vcmask $0x2320;
	s31 =	simm.s32 $0x2;
	s11 =	simm.s32 $0x0;
	s2 =	sand.u32 $0x1, s2;
	v0 =	vsel vm7, $0x330, v0;
	v1 =	vsel vm7, $0x2DB0, v1  }
0xa: {  	vm10 =	vcmask $0x2724;
	s4 =	sshll.u32 s4, $0x3;
	[smem:$0x7FF] =	sst s3;
	s7 =	sadd.s32 $0x4000, s1;
	v0 =	vsel vm8, $0x3B8, v0;
	v1 =	vsel vm8, $0x2E38, v1  }
0xb: {  	vm11 =	vcmask $0x2B28;
	s8 =	sadd.s32 $0x8000, s1;
	s5 =	sshll.u32 s2, $0x2;
	s2 =	ssub.s32 $0x2, s2;
	v0 =	vsel vm9, $0x1540, v0;
	v1 =	vsel vm9, $0x3FC0, v1  }
0xc: {  	vm12 =	vcmask $0x2F2C;
	s9 =	sadd.s32 $0xC000, s1;
	s6 =	sor.u32 s5, s4;
	s24 =	sshrl.u32 s2, $0x1;
	v0 =	vsel vm10, $0x15C8, v0;
	v1 =	vsel vm10, $0x4048, v1  }
0xd: {  	vm13 =	vcmask $0x3330;
	_ =	strace $0x80000047;
	s4 =	sshll.u32 s6, $0x4;
	s25 =	ssub.s32 s2, s24;
	v0 =	vsel vm11, $0x1650, v0;
	v1 =	vsel vm11, $0x40D0, v1  }
0xe: {  	vm14 =	vcmask $0x3734;
	s6 =	sshll.u32 s6, $0x7;
	s24 =	simm.s32 $0x300;
	s10 =	sadd.s32 s4, s0;
	v0 =	vsel vm12, $0x16D8, v0;
	v1 =	vsel vm12, $0x4158, v1  }
0xf: {  	v2 =	vimm.s32 $0x0;
	s4 =	sadd.s32 $0x64400, s0;
	s0 =	smax.u32 s25, $0x1;
	s25 =	simm.s32 $0x6400;
	v0 =	vsel vm13, $0x1760, v0;
	v1 =	vsel vm13, $0x41E0, v1  }
0x10: {  	vm15 =	vcmask $0x3B38;
	s5 =	sadd.s32 $0x400, s10;
	s26 =	sadd.s32 $0x1400, s10;
	[dreg:$0x4] =	wrdreg s0;
	v0 =	vsel vm14, $0x17E8, v0;
	v3 =	vsel vm14, $0x4268, v1  }
0x11: {  	s0 =	simm.s32 $0xD900;
	[dreg:$0x3] =	wrdreg s26;
	s26 =	simm.s32 $0x380;
	v1 =	vsel vm0, $0x3, v2;
	v0 =	vsel vm15, $0x1870, v0;
	v2 =	vsel vm15, $0x42F0, v3  }
.LBB2_1:
0x12: {  	[dreg:$0x5] =	wrdreg s11  }
0x13: {  	[tilespmem:s3], [sflag:$0x5] =	stream.linear.gather [hbm4b:s5+s3], $0x200, $0x38;
	[tilespmem:$0x12E00] =	vst v63  }
0x14: {  	_ =	swait.ge [sflag:s12], $0x200  }
0x15: {  	[sflag:s12] =	ssyncset.done $0x0  }
0x16: {  	[sflag:s12] =	ssyncadd.s32 $0xFFFFFE00  }
0x17: {  	v3 =	vld [tilespmem:$0x0]  }
0x18: {  	v4 =	vld [tilespmem:$0x10]  }
0x19: {  	v5 =	vld [tilespmem:$0x20]  }
0x1a: {  	v8 =	vld [tilespmem:$0x30]  }
0x1b: {  	v9 =	vld [tilespmem:$0x40]  }
0x1c: {  	v11 =	vld [tilespmem:$0x50]  }
0x1d: {  	v44 =	vld [tilespmem:$0x60];
	v6 =	vshll.u32 v3, $0x2  }
0x1e: {  	v12 =	vld [tilespmem:$0x70];
	v7 =	vand.u32 $0xFFFF8000, v3;
	v3 =	vshrl.u32 v3, $0xD;
	v36 =	vshll.u32 v4, $0x2  }
0x1f: {  	v48 =	vld [tilespmem:$0x80];
	v37 =	vand.u32 $0xFFFF8000, v4;
	v4 =	vshrl.u32 v4, $0xD;
	v38 =	vshll.u32 v5, $0x2  }
0x20: {  	v14 =	vld [tilespmem:$0x90];
	v10 =	vand.u32 $0xFFFF8000, v5;
	v5 =	vshrl.u32 v5, $0xD;
	v40 =	vshll.u32 v8, $0x2  }
0x21: {  	v15 =	vld [tilespmem:$0xA0];
	v41 =	vand.u32 $0xFFFF8000, v8;
	v8 =	vshrl.u32 v8, $0xD;
	v43 =	vshll.u32 v9, $0x2  }
0x22: {  	v55 =	vld [tilespmem:$0xB0];
	v45 =	vand.u32 $0xFFFF8000, v9;
	v46 =	vshrl.u32 v9, $0xD;
	v47 =	vshll.u32 v11, $0x2  }
0x23: {  	v17 =	vld [tilespmem:$0xC0];
	v13 =	vand.u32 $0xFFFF8000, v11;
	v11 =	vshrl.u32 v11, $0xD;
	v49 =	vshll.u32 v44, $0x2  }
0x24: {  	v18 =	vld [tilespmem:$0xD0];
	v50 =	vand.u32 $0xFFFF8000, v44;
	v51 =	vshll.u32 v12, $0x2;
	v52 =	vand.u32 $0xFFFF8000, v12  }
0x25: {  	v63 =	vld [tilespmem:$0xE0];
	v53 =	vshrl.u32 v12, $0xD;
	v54 =	vshll.u32 v48, $0x2;
	v16 =	vand.u32 $0xFFFF8000, v48  }
0x26: {  	v20 =	vld [tilespmem:$0xF0];
	v56 =	vshll.u32 v14, $0x2;
	v57 =	vand.u32 $0xFFFF8000, v14;
	v14 =	vshrl.u32 v14, $0xD  }
0x27: {  	v21 =	vld [tilespmem:$0x100];
	v59 =	vshll.u32 v15, $0x2;
	v60 =	vand.u32 $0xFFFF8000, v15;
	v61 =	vshrl.u32 v15, $0xD  }
0x28: {  	v62 =	vshll.u32 v55, $0x2;
	v19 =	vand.u32 $0xFFFF8000, v55;
	v24 =	vshll.u32 v17, $0x2  }
0x29: {  	v25 =	vand.u32 $0xFFFF8000, v17;
	v17 =	vshrl.u32 v17, $0xD;
	v27 =	vshll.u32 v18, $0x2  }
0x2a: {  	v28 =	vand.u32 $0xFFFF8000, v18;
	v29 =	vshrl.u32 v18, $0xD;
	v30 =	vshll.u32 v63, $0x2  }
0x2b: {  	v22 =	vand.u32 $0xFFFF8000, v63;
	v32 =	vshll.u32 v20, $0x2;
	v33 =	vand.u32 $0xFFFF8000, v20  }
0x2c: {  	v20 =	vshrl.u32 v20, $0xD;
	v35 =	vshll.u32 v21, $0x2;
	v6 =	vand.u32 $0x7FFC, v6  }
0x2d: {  	v3 =	vand.u32 $0x3, v3;
	v4 =	vand.u32 $0x3, v4;
	v39 =	vand.u32 $0x3, v5  }
0x2e: {  	v42 =	vand.u32 $0x3, v8;
	v8 =	vand.u32 $0x7FFC, v43;
	v9 =	vand.u32 $0x7FFC, v47  }
0x2f: {  	v11 =	vand.u32 $0x3, v11;
	v12 =	vand.u32 $0x7FFC, v54;
	v58 =	vand.u32 $0x3, v14  }
0x30: {  	v31 =	vld [tilespmem:$0x110];
	v14 =	vand.u32 $0x7FFC, v59;
	v15 =	vand.u32 $0x7FFC, v62;
	v26 =	vand.u32 $0x3, v17  }
0x31: {  	v17 =	vand.u32 $0x7FFC, v27;
	v18 =	vand.u32 $0x7FFC, v30;
	v34 =	vand.u32 $0x3, v20  }
0x32: {  	v20 =	vand.u32 $0x7FFC, v35;
	v6 =	vor.u32 v7, v6;
	v7 =	vand.u32 $0x7FFC, v36  }
0x33: {  	v9 =	vor.u32 v13, v9;
	v13 =	vshrl.u32 v48, $0xD;
	v12 =	vor.u32 v16, v12  }
0x34: {  	v16 =	vshrl.u32 v55, $0xD;
	v15 =	vor.u32 v19, v15;
	v19 =	vshrl.u32 v63, $0xD  }
0x35: {  	v18 =	vor.u32 v22, v18;
	v36 =	vand.u32 $0xFFFF8000, v21;
	v22 =	vshrl.u32 v31, $0xD  }
0x36: {  	v3 =	vor.u32 v3, v6;
	v6 =	vor.u32 v37, v7;
	v7 =	vand.u32 $0x7FFC, v38  }
0x37: {  	v23 =	vld [tilespmem:$0x120];
	v13 =	vand.u32 $0x3, v13;
	v16 =	vand.u32 $0x3, v16;
	v19 =	vand.u32 $0x3, v19  }
0x38: {  	v37 =	vshrl.u32 v21, $0xD;
	v38 =	vshll.u32 v31, $0x2;
	v22 =	vand.u32 $0x3, v22  }
0x39: {  	v7 =	vor.u32 v10, v7;
	v5 =	vor.u32 v4, v6;
	v6 =	vand.u32 $0x7FFC, v40  }
0x3a: {  	v55 =	vld [tilespmem:$0x170];
	v10 =	vshrl.u32 v44, $0xD;
	v21 =	vand.u32 $0x7FFC, v38;
	v4 =	vor.u32 v39, v7  }
0x3b: {  	v6 =	vor.u32 v41, v6;
	v7 =	vor.u32 v45, v8;
	v8 =	vand.u32 $0x3, v46  }
0x3c: {  	v10 =	vand.u32 $0x3, v10;
	v41 =	vshll.u32 v23, $0x2;
	v6 =	vor.u32 v42, v6  }
0x3d: {  	v7 =	vor.u32 v8, v7;
	v8 =	vor.u32 v11, v9;
	v9 =	vand.u32 $0x7FFC, v49  }
0x3e: {  	v11 =	vand.u32 $0x7FFC, v51;
	v42 =	vand.u32 $0xFFFF8000, v23;
	v23 =	vshrl.u32 v23, $0xD  }
0x3f: {  	v39 =	vld [tilespmem:$0x140];
	v9 =	vor.u32 v50, v9;
	v43 =	vand.u32 $0x3, v23;
	v23 =	vshll.u32 v55, $0x2  }
0x40: {  	v9 =	vor.u32 v10, v9;
	v10 =	vor.u32 v52, v11;
	v11 =	vand.u32 $0x3, v53  }
0x41: {  	v10 =	vor.u32 v11, v10;
	v11 =	vor.u32 v13, v12;
	v12 =	vand.u32 $0x7FFC, v56  }
0x42: {  	v13 =	vor.u32 v60, v14;
	v14 =	vand.u32 $0x3, v61;
	v12 =	vor.u32 v57, v12  }
0x43: {  	v13 =	vor.u32 v14, v13;
	v14 =	vor.u32 v16, v15;
	v15 =	vand.u32 $0x7FFC, v24  }
0x44: {  	v38 =	vld [tilespmem:$0x1D0];
	v16 =	vor.u32 v28, v17;
	v17 =	vand.u32 $0x3, v29;
	v49 =	vshll.u32 v39, $0x2  }
0x45: {  	v50 =	vld [tilespmem:$0x160];
	v51 =	vand.u32 $0xFFFF8000, v39;
	v52 =	vshrl.u32 v39, $0xD;
	[tilespmem:$0x70] =	vst v10;
	v10 =	vand.u32 $0x7FFC, v23  }
0x46: {  	v12 =	vor.u32 v58, v12;
	v15 =	vor.u32 v25, v15;
	v16 =	vor.u32 v17, v16  }
0x47: {  	v17 =	vor.u32 v19, v18;
	v18 =	vand.u32 $0x7FFC, v32;
	v19 =	vor.u32 v36, v20  }
0x48: {  	v25 =	vand.u32 $0xFFFF8000, v31;
	v20 =	vand.u32 $0x3, v37;
	v54 =	vand.u32 $0x3, v52  }
0x49: {  	v52 =	vand.u32 $0xFFFF8000, v38;
	v15 =	vor.u32 v26, v15;
	v18 =	vor.u32 v33, v18  }
0x4a: {  	v61 =	vld [tilespmem:$0x180];
	v21 =	vor.u32 v25, v21;
	v19 =	vor.u32 v20, v19;
	v60 =	vshll.u32 v50, $0x2  }
0x4b: {  	[tilespmem:$0x0] =	vst v3;
	v24 =	vld [tilespmem:$0x130];
	v62 =	vand.u32 $0xFFFF8000, v50;
	v63 =	vshrl.u32 v50, $0xD;
	v25 =	vand.u32 $0xFFFF8000, v55  }
0x4c: {  	[tilespmem:$0x10] =	vst v5;
	v50 =	vshll.u32 v38, $0x2;
	v18 =	vor.u32 v34, v18;
	v40 =	vor.u32 v22, v21  }
0x4d: {  	[tilespmem:$0x50] =	vst v8;
	v21 =	vand.u32 $0x7FFC, v41;
	v22 =	vand.u32 $0x7FFC, v49;
	v8 =	vand.u32 $0x7FFC, v60  }
0x4e: {  	[tilespmem:$0x20] =	vst v4;
	v28 =	vld [tilespmem:$0x1A0];
	v10 =	vor.u32 v25, v10;
	v21 =	vor.u32 v42, v21;
	v4 =	vor.u32 v51, v22  }
0x4f: {  	[tilespmem:$0x40] =	vst v7;
	v7 =	vor.u32 v62, v8;
	v8 =	vand.u32 $0x3, v63;
	v30 =	vshll.u32 v61, $0x2  }
0x50: {  	[tilespmem:$0x60] =	vst v9;
	v36 =	vld [tilespmem:$0x1C0];
	v31 =	vand.u32 $0xFFFF8000, v61;
	v9 =	vshrl.u32 v61, $0xD;
	v44 =	vshll.u32 v24, $0x2  }
0x51: {  	[tilespmem:$0x30] =	vst v6;
	v26 =	vld [tilespmem:$0x150];
	v3 =	vor.u32 v43, v21;
	v45 =	vand.u32 $0xFFFF8000, v24;
	v48 =	vshrl.u32 v24, $0xD  }
0x52: {  	[tilespmem:$0x80] =	vst v11;
	v33 =	vld [tilespmem:$0x1B0];
	v4 =	vor.u32 v54, v4;
	v7 =	vor.u32 v8, v7;
	v9 =	vand.u32 $0x3, v9  }
0x53: {  	[tilespmem:$0xA0] =	vst v13;
	v35 =	vshll.u32 v28, $0x2;
	v37 =	vand.u32 $0xFFFF8000, v28;
	v13 =	vshrl.u32 v28, $0xD  }
0x54: {  	[tilespmem:$0xB0] =	vst v14;
	v46 =	vand.u32 $0x7FFC, v44;
	v53 =	vand.u32 $0x3, v48;
	v13 =	vand.u32 $0x3, v13  }
0x55: {  	[tilespmem:$0x160] =	vst v7;
	v49 =	vshrl.u32 v36, $0xD;
	v7 =	vand.u32 $0x7FFC, v50;
	v47 =	vor.u32 v45, v46  }
0x56: {  	[tilespmem:$0x90] =	vst v12;
	v56 =	vshll.u32 v26, $0x2;
	v57 =	vand.u32 $0xFFFF8000, v26;
	v58 =	vshrl.u32 v26, $0xD  }
0x57: {  	[tilespmem:$0x110] =	vst v40;
	v26 =	vshrl.u32 v55, $0xD;
	v40 =	vshll.u32 v33, $0x2;
	v41 =	vand.u32 $0xFFFF8000, v33  }
0x58: {  	[tilespmem:$0xD0] =	vst v16;
	v51 =	vld [tilespmem:$0x1F0];
	v42 =	vshrl.u32 v33, $0xD;
	v45 =	vshll.u32 v36, $0x2;
	v7 =	vor.u32 v52, v7  }
0x59: {  	[tilespmem:$0xE0] =	vst v17;
	v24 =	vld [tilespmem:$0x190];
	v5 =	vor.u32 v53, v47;
	v6 =	vand.u32 $0x7FFC, v56;
	v59 =	vand.u32 $0x3, v58  }
0x5a: {  	[tilespmem:$0xC0] =	vst v15;
	v27 =	vand.u32 $0x3, v26;
	v44 =	vand.u32 $0x3, v42;
	v47 =	vand.u32 $0xFFFF8000, v36  }
0x5b: {  	[tilespmem:$0x100] =	vst v19;
	v48 =	vand.u32 $0x7FFC, v45;
	v53 =	vshrl.u32 v38, $0xD;
	v6 =	vor.u32 v57, v6  }
0x5c: {  	v29 =	vor.u32 v27, v10;
	v10 =	vand.u32 $0x7FFC, v30;
	[tilespmem:$0x130] =	vst v5;
	v5 =	vor.u32 v47, v48  }
0x5d: {  	[tilespmem:$0xF0] =	vst v18;
	v46 =	vld [tilespmem:$0x1E0];
	v54 =	vand.u32 $0x3, v53;
	v61 =	vshll.u32 v51, $0x2;
	v62 =	vshrl.u32 v51, $0xD  }
0x5e: {  	[tilespmem:$0x120] =	vst v3;
	v6 =	vor.u32 v59, v6;
	v10 =	vor.u32 v31, v10;
	v32 =	vshll.u32 v24, $0x2  }
0x5f: {  	[tilespmem:$0x140] =	vst v4;
	v34 =	vand.u32 $0xFFFF8000, v24;
	v11 =	vshrl.u32 v24, $0xD;
	v55 =	vor.u32 v54, v7  }
0x60: {  	[tilespmem:$0x170] =	vst v29;
	v7 =	vand.u32 $0x7FFC, v61;
	v9 =	vor.u32 v9, v10;
	v12 =	vand.u32 $0x7FFC, v32  }
0x61: {  	v11 =	vand.u32 $0x3, v11;
	[tilespmem:$0x150] =	vst v6;
	v6 =	vand.u32 $0x3, v49;
	v10 =	vor.u32 v34, v12  }
0x62: {  	[tilespmem:$0x1D0] =	vst v55;
	v12 =	vand.u32 $0x7FFC, v35;
	v56 =	vshll.u32 v46, $0x2;
	v57 =	vand.u32 $0xFFFF8000, v46  }
0x63: {  	[tilespmem:$0x180] =	vst v9;
	v58 =	vshrl.u32 v46, $0xD;
	v12 =	vor.u32 v37, v12;
	v3 =	vor.u32 v11, v10  }
0x64: {  	v11 =	vand.u32 $0x7FFC, v40;
	v60 =	vand.u32 $0x3, v58;
	v39 =	vor.u32 v13, v12;
	[tilespmem:$0x190] =	vst v3  }
0x65: {  	v43 =	vor.u32 v41, v11;
	v3 =	vor.u32 v6, v5;
	v6 =	vand.u32 $0x7FFC, v56;
	[tilespmem:$0x1A0] =	vst v39  }
0x66: {  	v4 =	vor.u32 v44, v43;
	v59 =	vor.u32 v57, v6;
	[tilespmem:$0x1C0] =	vst v3;
	v3 =	vand.u32 $0xFFFF8000, v51  }
0x67: {  	v63 =	vand.u32 $0x3, v62;
	[tilespmem:$0x1B0] =	vst v4;
	v4 =	vor.u32 v60, v59;
	v3 =	vor.u32 v3, v7  }
0x68: {  	[tilespmem:$0x1E0] =	vst v4;
	v3 =	vor.u32 v63, v3  }
0x69: {  	s2 =	simm.s32 $0x400;
	[tilespmem:$0x1F0] =	vst v3  }
0x6a: {  	[tilespmem:s2], [sflag:$0x1] =	stream.indirect.gather [hbm4b:s4+s13], $0x20, s3, s13, $0xb8;
	[tilespmem:$0x12E00] =	vst v63  }
0x6b: {  	s18 =	simm.s32 $0x1400  }
0x6c: {  	[tilespmem:s18], [sflag:$0x1] =	stream.indirect.gather [hbm4b:s4+s13], $0x20, s13, s13, $0xb8;
	[tilespmem:$0x12E00] =	vst v63  }
0x6d: {  	s19 =	simm.s32 $0x100;
	s10 =	simm.s32 $0x2400  }
0x6e: {  	[tilespmem:s10], [sflag:$0x1] =	stream.indirect.gather [hbm4b:s4+s13], $0x20, s19, s13, $0xb8;
	[tilespmem:$0x12E00] =	vst v63  }
0x6f: {  	s21 =	simm.s32 $0x180;
	s22 =	simm.s32 $0x3400;
	s11 =	simm.s32 $0x0  }
0x70: {  	[tilespmem:s22], [sflag:$0x1] =	stream.indirect.gather [hbm4b:s4+s13], $0x20, s21, s13, $0xb8;
	[tilespmem:$0x12E00] =	vst v63  }
.LBB2_2:
0x71: {  	s2 =	sshllo.u32 s11, $0x1  }
0x72: {  	s14 =	sshll.u32 s2, $0xB  }
0x73: {  	s14 =	sadd.s32 s14, s5  }
0x74: {  	[tilespmem:s20], [sflag:$0x5] =	stream.linear.gather [hbm4b:s14+s3], $0x200, $0x38;
	[tilespmem:$0x12E00] =	vst v63  }
0x75: {  	_ =	swait.ge [sflag:s12], $0x200  }
0x76: {  	[sflag:s12] =	ssyncset.done $0x0  }
0x77: {  	[sflag:s12] =	ssyncadd.s32 $0xFFFFFE00  }
0x78: {  	v3 =	vld [tilespmem:$0x200];
	_ =	sdelay $0x1  }
0x79: {  	v4 =	vld [tilespmem:$0x210];
	_ =	sdelay $0x1  }
0x7a: {  	v5 =	vld [tilespmem:$0x220]  }
0x7b: {  	v6 =	vshll.u32 v3, $0x2  }
0x7c: {  	v7 =	vand.u32 $0xFFFF8000, v3;
	v3 =	vshrl.u32 v3, $0xD;
	v6 =	vand.u32 $0x7FFC, v6  }
0x7d: {  	v8 =	vld [tilespmem:$0x230];
	v3 =	vand.u32 $0x3, v3;
	v6 =	vor.u32 v7, v6;
	v7 =	vshll.u32 v4, $0x2  }
0x7e: {  	v3 =	vor.u32 v3, v6;
	v6 =	vand.u32 $0xFFFF8000, v4;
	v7 =	vand.u32 $0x7FFC, v7  }
0x7f: {  	v9 =	vld [tilespmem:$0x240];
	v10 =	vand.u32 $0xFFFF8000, v5;
	v6 =	vor.u32 v6, v7;
	v7 =	vshll.u32 v5, $0x2  }
0x80: {  	v4 =	vshrl.u32 v4, $0xD;
	v5 =	vshrl.u32 v5, $0xD;
	v7 =	vand.u32 $0x7FFC, v7  }
0x81: {  	v11 =	vld [tilespmem:$0x250];
	v4 =	vand.u32 $0x3, v4;
	v7 =	vor.u32 v10, v7;
	v10 =	vand.u32 $0x3, v5  }
0x82: {  	v5 =	vor.u32 v4, v6;
	v6 =	vshll.u32 v8, $0x2;
	v4 =	vor.u32 v10, v7  }
0x83: {  	v7 =	vand.u32 $0xFFFF8000, v8;
	v6 =	vand.u32 $0x7FFC, v6;
	v8 =	vshrl.u32 v8, $0xD  }
0x84: {  	v10 =	vld [tilespmem:$0x260];
	v6 =	vor.u32 v7, v6;
	v7 =	vand.u32 $0x3, v8;
	v8 =	vshll.u32 v9, $0x2  }
0x85: {  	v6 =	vor.u32 v7, v6;
	v7 =	vand.u32 $0xFFFF8000, v9;
	v8 =	vand.u32 $0x7FFC, v8  }
0x86: {  	v12 =	vld [tilespmem:$0x270];
	v7 =	vor.u32 v7, v8;
	v8 =	vshrl.u32 v9, $0xD;
	v9 =	vshll.u32 v11, $0x2  }
0x87: {  	v13 =	vand.u32 $0xFFFF8000, v11;
	v11 =	vshrl.u32 v11, $0xD;
	v9 =	vand.u32 $0x7FFC, v9  }
0x88: {  	v8 =	vand.u32 $0x3, v8;
	v11 =	vand.u32 $0x3, v11;
	v9 =	vor.u32 v13, v9;
	v13 =	vld [tilespmem:$0x280]  }
0x89: {  	v7 =	vor.u32 v8, v7;
	v8 =	vor.u32 v11, v9;
	v9 =	vshll.u32 v10, $0x2  }
0x8a: {  	v11 =	vand.u32 $0xFFFF8000, v10;
	v10 =	vshrl.u32 v10, $0xD;
	v9 =	vand.u32 $0x7FFC, v9  }
0x8b: {  	v14 =	vld [tilespmem:$0x290];
	v10 =	vand.u32 $0x3, v10;
	v9 =	vor.u32 v11, v9;
	v11 =	vshll.u32 v12, $0x2  }
0x8c: {  	v9 =	vor.u32 v10, v9;
	v10 =	vand.u32 $0xFFFF8000, v12;
	v11 =	vand.u32 $0x7FFC, v11  }
0x8d: {  	v15 =	vld [tilespmem:$0x2A0];
	v10 =	vor.u32 v10, v11;
	v11 =	vshrl.u32 v12, $0xD;
	v12 =	vshll.u32 v13, $0x2  }
0x8e: {  	v16 =	vand.u32 $0xFFFF8000, v13;
	v13 =	vshrl.u32 v13, $0xD;
	v12 =	vand.u32 $0x7FFC, v12  }
0x8f: {  	v11 =	vand.u32 $0x3, v11;
	v13 =	vand.u32 $0x3, v13;
	v12 =	vor.u32 v16, v12;
	v16 =	vld [tilespmem:$0x2B0]  }
0x90: {  	v10 =	vor.u32 v11, v10;
	v11 =	vor.u32 v13, v12;
	v12 =	vshll.u32 v14, $0x2  }
0x91: {  	v13 =	vand.u32 $0xFFFF8000, v14;
	v14 =	vshrl.u32 v14, $0xD;
	v12 =	vand.u32 $0x7FFC, v12  }
0x92: {  	v17 =	vld [tilespmem:$0x2C0];
	v12 =	vor.u32 v13, v12;
	v13 =	vand.u32 $0x3, v14;
	v14 =	vshll.u32 v15, $0x2  }
0x93: {  	v12 =	vor.u32 v13, v12;
	v13 =	vand.u32 $0xFFFF8000, v15;
	v14 =	vand.u32 $0x7FFC, v14  }
0x94: {  	v18 =	vld [tilespmem:$0x2D0];
	v13 =	vor.u32 v13, v14;
	v14 =	vshrl.u32 v15, $0xD;
	v15 =	vshll.u32 v16, $0x2  }
0x95: {  	v19 =	vand.u32 $0xFFFF8000, v16;
	v16 =	vshrl.u32 v16, $0xD;
	v15 =	vand.u32 $0x7FFC, v15  }
0x96: {  	v14 =	vand.u32 $0x3, v14;
	v16 =	vand.u32 $0x3, v16;
	v15 =	vor.u32 v19, v15;
	v19 =	vld [tilespmem:$0x2E0]  }
0x97: {  	v13 =	vor.u32 v14, v13;
	v14 =	vor.u32 v16, v15;
	v15 =	vshll.u32 v17, $0x2  }
0x98: {  	v16 =	vand.u32 $0xFFFF8000, v17;
	v17 =	vshrl.u32 v17, $0xD;
	v15 =	vand.u32 $0x7FFC, v15  }
0x99: {  	v20 =	vld [tilespmem:$0x2F0];
	v15 =	vor.u32 v16, v15;
	v16 =	vand.u32 $0x3, v17;
	v17 =	vshll.u32 v18, $0x2  }
0x9a: {  	v15 =	vor.u32 v16, v15;
	v16 =	vand.u32 $0xFFFF8000, v18;
	v17 =	vand.u32 $0x7FFC, v17  }
0x9b: {  	v21 =	vld [tilespmem:$0x300];
	v16 =	vor.u32 v16, v17;
	v17 =	vshrl.u32 v18, $0xD;
	v18 =	vshll.u32 v19, $0x2  }
0x9c: {  	v22 =	vand.u32 $0xFFFF8000, v19;
	v19 =	vshrl.u32 v19, $0xD;
	v18 =	vand.u32 $0x7FFC, v18  }
0x9d: {  	v17 =	vand.u32 $0x3, v17;
	v19 =	vand.u32 $0x3, v19;
	v18 =	vor.u32 v22, v18;
	v22 =	vld [tilespmem:$0x310]  }
0x9e: {  	v16 =	vor.u32 v17, v16;
	v17 =	vor.u32 v19, v18;
	v18 =	vshll.u32 v20, $0x2  }
0x9f: {  	v19 =	vand.u32 $0xFFFF8000, v20;
	v20 =	vshrl.u32 v20, $0xD;
	v18 =	vand.u32 $0x7FFC, v18  }
0xa0: {  	v23 =	vld [tilespmem:$0x320];
	v18 =	vor.u32 v19, v18;
	v19 =	vand.u32 $0x3, v20;
	v20 =	vshll.u32 v21, $0x2  }
0xa1: {  	v18 =	vor.u32 v19, v18;
	v19 =	vand.u32 $0xFFFF8000, v21;
	v20 =	vand.u32 $0x7FFC, v20  }
0xa2: {  	v24 =	vld [tilespmem:$0x330];
	v19 =	vor.u32 v19, v20;
	v20 =	vshrl.u32 v21, $0xD;
	v21 =	vshll.u32 v22, $0x2  }
0xa3: {  	v25 =	vand.u32 $0xFFFF8000, v22;
	v22 =	vshrl.u32 v22, $0xD;
	v21 =	vand.u32 $0x7FFC, v21  }
0xa4: {  	v57 =	vld [tilespmem:$0x340];
	v20 =	vand.u32 $0x3, v20;
	v22 =	vand.u32 $0x3, v22;
	v21 =	vor.u32 v25, v21  }
0xa5: {  	v19 =	vor.u32 v20, v19;
	v20 =	vor.u32 v22, v21;
	v21 =	vshll.u32 v23, $0x2  }
0xa6: {  	v26 =	vld [tilespmem:$0x350];
	[tilespmem:$0x200] =	vst v3;
	v22 =	vand.u32 $0xFFFF8000, v23;
	v23 =	vshrl.u32 v23, $0xD;
	v21 =	vand.u32 $0x7FFC, v21  }
0xa7: {  	[tilespmem:$0x210] =	vst v5;
	v21 =	vor.u32 v22, v21;
	v22 =	vand.u32 $0x3, v23;
	v23 =	vshll.u32 v24, $0x2  }
0xa8: {  	[tilespmem:$0x220] =	vst v4;
	v3 =	vor.u32 v22, v21;
	v21 =	vand.u32 $0xFFFF8000, v24;
	v22 =	vand.u32 $0x7FFC, v23  }
0xa9: {  	v58 =	vshrl.u32 v57, $0xD;
	[tilespmem:$0x230] =	vst v6;
	v23 =	vld [tilespmem:$0x360];
	v5 =	vor.u32 v21, v22;
	v22 =	vshll.u32 v57, $0x2  }
0xaa: {  	v4 =	vand.u32 $0xFFFF8000, v57;
	[tilespmem:$0x240] =	vst v7;
	v21 =	vshrl.u32 v24, $0xD;
	v22 =	vand.u32 $0x7FFC, v22  }
0xab: {  	v7 =	vand.u32 $0xFFFF8000, v26;
	[tilespmem:$0x250] =	vst v8;
	v6 =	vand.u32 $0x3, v21;
	v4 =	vor.u32 v4, v22;
	v22 =	vld [tilespmem:$0x370]  }
0xac: {  	[tilespmem:$0x260] =	vst v9;
	v21 =	vand.u32 $0x3, v58;
	v5 =	vor.u32 v6, v5;
	v6 =	vshll.u32 v26, $0x2  }
0xad: {  	v8 =	vshrl.u32 v26, $0xD;
	[tilespmem:$0x270] =	vst v10;
	v4 =	vor.u32 v21, v4;
	v6 =	vand.u32 $0x7FFC, v6  }
0xae: {  	v9 =	vld [tilespmem:$0x380];
	[tilespmem:$0x280] =	vst v11;
	v6 =	vor.u32 v7, v6;
	v7 =	vand.u32 $0x3, v8;
	v8 =	vshll.u32 v23, $0x2  }
0xaf: {  	v11 =	vld [tilespmem:$0x390];
	[tilespmem:$0x290] =	vst v12;
	v6 =	vor.u32 v7, v6;
	v7 =	vand.u32 $0xFFFF8000, v23;
	v8 =	vand.u32 $0x7FFC, v8  }
0xb0: {  	[tilespmem:$0x2A0] =	vst v13;
	v13 =	vld [tilespmem:$0x3A0];
	v7 =	vor.u32 v7, v8;
	v8 =	vshrl.u32 v23, $0xD;
	v10 =	vshll.u32 v22, $0x2  }
0xb1: {  	[tilespmem:$0x2B0] =	vst v14;
	v14 =	vld [tilespmem:$0x3B0];
	v12 =	vand.u32 $0xFFFF8000, v22;
	v21 =	vshrl.u32 v22, $0xD;
	v10 =	vand.u32 $0x7FFC, v10  }
0xb2: {  	v8 =	vand.u32 $0x3, v8;
	v10 =	vor.u32 v12, v10;
	v12 =	vand.u32 $0x3, v21  }
0xb3: {  	v7 =	vor.u32 v8, v7;
	v8 =	vor.u32 v12, v10;
	v10 =	vshll.u32 v9, $0x2  }
0xb4: {  	v12 =	vand.u32 $0xFFFF8000, v9;
	v9 =	vshrl.u32 v9, $0xD;
	v10 =	vand.u32 $0x7FFC, v10  }
0xb5: {  	[tilespmem:$0x2D0] =	vst v16;
	v16 =	vand.u32 $0xFFFF8000, v13;
	v9 =	vand.u32 $0x3, v9;
	v10 =	vor.u32 v12, v10  }
0xb6: {  	[tilespmem:$0x330] =	vst v5;
	v5 =	vand.u32 $0xFFFF8000, v14;
	v12 =	vshll.u32 v11, $0x2;
	v9 =	vor.u32 v9, v10  }
0xb7: {  	[tilespmem:$0x2C0] =	vst v15;
	v15 =	vld [tilespmem:$0x3C0];
	v10 =	vand.u32 $0xFFFF8000, v11;
	v12 =	vand.u32 $0x7FFC, v12;
	v11 =	vshrl.u32 v11, $0xD  }
0xb8: {  	[tilespmem:$0x2E0] =	vst v17;
	v10 =	vor.u32 v10, v12;
	v12 =	vshll.u32 v13, $0x2;
	v13 =	vshrl.u32 v13, $0xD  }
0xb9: {  	[tilespmem:$0x2F0] =	vst v18;
	v11 =	vand.u32 $0x3, v11;
	v12 =	vand.u32 $0x7FFC, v12;
	v13 =	vand.u32 $0x3, v13  }
0xba: {  	[tilespmem:$0x320] =	vst v3;
	v3 =	vor.u32 v11, v10;
	v11 =	vshll.u32 v14, $0x2;
	v12 =	vor.u32 v16, v12;
	v16 =	vld [tilespmem:$0x3D0]  }
0xbb: {  	[tilespmem:$0x300] =	vst v19;
	v11 =	vand.u32 $0x7FFC, v11;
	v10 =	vor.u32 v13, v12;
	v12 =	vshrl.u32 v14, $0xD  }
0xbc: {  	[tilespmem:$0x340] =	vst v4;
	v4 =	vor.u32 v5, v11;
	v11 =	vshll.u32 v15, $0x2;
	v5 =	vand.u32 $0x3, v12;
	v12 =	vld [tilespmem:$0x3E0]  }
0xbd: {  	[tilespmem:$0x350] =	vst v6;
	v6 =	vand.u32 $0x7FFC, v11;
	v11 =	vld [tilespmem:$0x3F0]  }
0xbe: {  	[tilespmem:$0x310] =	vst v20;
	v4 =	vor.u32 v5, v4;
	v5 =	vand.u32 $0xFFFF8000, v15  }
0xbf: {  	[tilespmem:$0x360] =	vst v7;
	v5 =	vor.u32 v5, v6;
	v6 =	vshrl.u32 v15, $0xD;
	v7 =	vshll.u32 v16, $0x2  }
0xc0: {  	[tilespmem:$0x370] =	vst v8;
	v8 =	vand.u32 $0xFFFF8000, v16;
	v6 =	vand.u32 $0x3, v6;
	v7 =	vand.u32 $0x7FFC, v7  }
0xc1: {  	[tilespmem:$0x390] =	vst v3;
	v13 =	vshrl.u32 v16, $0xD;
	v3 =	vor.u32 v6, v5;
	v7 =	vor.u32 v8, v7  }
0xc2: {  	v8 =	vand.u32 $0x3, v13;
	v6 =	vshll.u32 v12, $0x2;
	[tilespmem:$0x3C0] =	vst v3;
	v3 =	vand.u32 $0xFFFF8000, v11  }
0xc3: {  	[tilespmem:$0x380] =	vst v9;
	v5 =	vor.u32 v8, v7;
	v7 =	vand.u32 $0xFFFF8000, v12;
	v6 =	vand.u32 $0x7FFC, v6  }
0xc4: {  	[tilespmem:$0x3B0] =	vst v4;
	v8 =	vshrl.u32 v12, $0xD;
	v4 =	vor.u32 v7, v6;
	v7 =	vshll.u32 v11, $0x2  }
0xc5: {  	[tilespmem:$0x3A0] =	vst v10;
	v6 =	vand.u32 $0x3, v8;
	v8 =	vshrl.u32 v11, $0xD;
	v7 =	vand.u32 $0x7FFC, v7  }
0xc6: {  	[tilespmem:$0x3D0] =	vst v5;
	v4 =	vor.u32 v6, v4;
	v5 =	vand.u32 $0x3, v8;
	v3 =	vor.u32 v3, v7  }
0xc7: {  	[tilespmem:$0x3E0] =	vst v4;
	v3 =	vor.u32 v5, v3  }
0xc8: {  	s10 =	simm.s32 $0x4400;
	[tilespmem:$0x3F0] =	vst v3  }
0xc9: {  	[tilespmem:s10], [sflag:$0x2] =	stream.indirect.gather [hbm4b:s4+s13], $0x20, s20, s13, $0xb8;
	[tilespmem:$0x12E00] =	vst v63  }
0xca: {  	s16 =	simm.s32 $0x280  }
0xcb: {  	[tilespmem:s23], [sflag:$0x2] =	stream.indirect.gather [hbm4b:s4+s13], $0x20, s16, s13, $0xb8;
	[tilespmem:$0x12E00] =	vst v63  }
0xcc: {  	_ = 	snop  }
0xcd: {  	[tilespmem:s25], [sflag:$0x2] =	stream.indirect.gather [hbm4b:s4+s13], $0x20, s24, s13, $0xb8;
	[tilespmem:$0x12E00] =	vst v63  }
0xce: {  	_ = 	snop  }
0xcf: {  	[tilespmem:s28], [sflag:$0x2] =	stream.indirect.gather [hbm4b:s4+s13], $0x20, s26, s13, $0xb8;
	[tilespmem:$0x12E00] =	vst v63  }
0xd0: {  	_ =	swait.ge [sflag:s29], $0x1000  }
0xd1: {  	[sflag:s29] =	ssyncset.done $0x0  }
0xd2: {  	[sflag:s29] =	ssyncadd.s32 $0xFFFFF000  }
0xd3: {  	_ =	swait.ge [sflag:s29], $0x1000  }
0xd4: {  	[sflag:s29] =	ssyncset.done $0x0  }
0xd5: {  	[sflag:s29] =	ssyncadd.s32 $0xFFFFF000  }
0xd6: {  	_ =	swait.ge [sflag:s29], $0x1000  }
0xd7: {  	[sflag:s29] =	ssyncset.done $0x0  }
0xd8: {  	[sflag:s29] =	ssyncadd.s32 $0xFFFFF000  }
0xd9: {  	_ =	swait.ge [sflag:s29], $0x1000  }
0xda: {  	p0 =	seq.s32 s11, $0x0;
	[sflag:s29] =	ssyncset.done $0x0  }
0xdb: {  	s15 =	simm.s32 @!p0 $0x3;
	[sflag:s29] =	ssyncadd.s32 $0xFFFFF000  }
0xdc: {  	s14 =	simm.s32 $0x0;
	_ =	swait.ge @!p0 [sflag:s15], $0x1000  }
0xdd: {  	s17 =	sand.u32 $0x78, s14;
	[sflag:s15] =	ssyncset.done @!p0 $0x0  }
0xde: {  	s18 =	simm.s32 $0x5;
	s19 =	simm.s32 $0x0;
	v3 =	vmov s17;
	[sflag:s15] =	ssyncadd.s32 @!p0 $0xFFFFF000  }
0xdf: {  	s17 =	sand.u32 $0x78, s18;
	s18 =	sand.u32 $0x18, s19;
	v3 =	vshrl.u32 v3, $0x3;
	_ =	swait.ge @!p0 [sflag:s15], $0x1000  }
0xe0: {  	v5 =	vmov s17;
	v6 =	vmov s18;
	s10 =	simm.s32 $0x4;
	v3 =	vshll.u32 v3, v1;
	s16 =	simm.s32 $0x2;
	[sflag:s15] =	ssyncset.done @!p0 $0x0  }
0xe1: {  	v6 =	vmul.u32 $0x88, v6;
	s17 =	sand.u32 $0x78, s10;
	v5 =	vshrl.u32 v5, $0x3;
	v7 =	vbroadcast v3, $0x0;
	s16 =	sand.u32 $0x78, s16;
	[sflag:s15] =	ssyncadd.s32 @!p0 $0xFFFFF000  }
0xe2: {  	s19 =	simm.s32 $0x6;
	v10 =	vmov s17;
	v5 =	vshll.u32 v5, v1;
	v4 =	vmov s16;
	_ =	swait.ge @!p0 [sflag:s15], $0x1000  }
0xe3: {  	s21 =	simm.s32 $0x7;
	v8 =	vbroadcast v6, $0x0;
	v15 =	vshrl.u32 v10, $0x3;
	s16 =	sand.u32 $0x78, s19;
	v4 =	vshrl.u32 v4, $0x3;
	[sflag:s15] =	ssyncset.done @!p0 $0x0  }
0xe4: {  	s22 =	sand.u32 $0x78, s21;
	v15 =	vshll.u32 v15, v1;
	v3 =	vmov s16;
	v4 =	vshll.u32 v4, v1;
	[sflag:s15] =	ssyncadd.s32 @!p0 $0xFFFFF000  }
0xe5: {  	v6 =	vadd.s32 v0, v8;
	v9 =	vbroadcast v4, $0x0;
	v4 =	vmov s22;
	_ =	swait.ge @!p0 [sflag:s15], $0x1000  }
0xe6: {  	s18 =	simm.s32 $0x1;
	v13 =	vadd.s32 v2, v8;
	v3 =	vshrl.u32 v3, $0x3;
	v4 =	vshrl.u32 v4, $0x3;
	[sflag:s15] =	ssyncset.done @!p0 $0x0  }
0xe7: {  	s19 =	sand.u32 $0x78, s18;
	v8 =	vbroadcast v5, $0x0;
	v11 =	vshll.u32 v3, v1;
	v3 =	vshll.u32 v4, v1;
	[sflag:s15] =	ssyncadd.s32 @!p0 $0xFFFFF000;
	s15 =	simm.s32 $0x480  }
0xe8: {  	s21 =	simm.s32 $0x3;
	v62 =	vbroadcast v15, $0x0;
	v4 =	vmov s19;
	v17 =	vbroadcast v3, $0x0;
	v3 =	vld [tilespmem:s15+$0xFFFFFFF0]  }
0xe9: {  	v16 =	vadd.s32 v7, v6;
	v23 =	vadd.s32 v7, v13;
	s22 =	sand.u32 $0x78, s21;
	v14 =	vshrl.u32 v4, $0x3;
	v4 =	vld [tilespmem:s15+$0x70]  }
0xea: {  	v22 =	vbroadcast v11, $0x0;
	v10 =	vmov s22;
	v12 =	vadd.s32 v9, v6;
	v19 =	vld [tilespmem:s15+$0xFFFFFF80]  }
0xeb: {  	v10 =	vshrl.u32 v10, $0x3;
	v9 =	vadd.s32 v9, v13;
	v5 =	vshll.u32 v14, v1;
	v14 =	vld [tilespmem:s15+$0xFFFFFF90]  }
0xec: {  	v12 =	vor.u32 $0x2, v12;
	v18 =	vadd.s32 v22, v6;
	v11 =	vshll.u32 v10, v1;
	v59 =	vld [tilespmem:s15+$0xFFFFFFC0]  }
0xed: {  	v10 =	vadd.s32 v8, v13;
	v15 =	vadd.s32 v22, v13;
	v7 =	vbroadcast v5, $0x0;
	v5 =	vld [tilespmem:s15+$0xFFFFFFB0]  }
0xee: {  	v21 =	vbroadcast v11, $0x0;
	v61 =	vor.u32 $0x6, v18;
	v15 =	vor.u32 $0x6, v15;
	v60 =	vld [tilespmem:s15+$0x40]  }
0xef: {  	v22 =	vadd.s32 v17, v6;
	v63 =	vadd.s32 v17, v13;
	v20 =	vadd.s32 v7, v6;
	v18 =	vld [tilespmem:s15+$0xFFFFFFD0]  }
0xf0: {  	v11 =	vor.u32 $0x1, v20;
	v20 =	vor.u32 $0x2, v9;
	v9 =	vadd.s32 v21, v6;
	v17 =	vld [tilespmem:s15+$0x60];
	[tilespmem:v16+s30+$0x0] =	vst.idx.msk $0xffff, v19  }
0xf1: {  	v27 =	vadd.s32 v21, v13;
	v7 =	vadd.s32 v7, v13;
	v21 =	vor.u32 $0x3, v9;
	v19 =	vld [tilespmem:s15+$0xFFFFFFE0];
	[tilespmem:v12+s30+$0x0] =	vst.idx.msk $0xffff, v59  }
0xf2: {  	v7 =	vor.u32 $0x1, v7;
	v9 =	vor.u32 $0x3, v27;
	v16 =	vld [tilespmem:s15+$0xFFFFFFA0];
	v12 =	vor.u32 $0x7, v22;
	[tilespmem:v23+s30+$0x0] =	vst.idx.msk $0xffff, v14  }
0xf3: {  	s16 =	simm.s32 $0x580;
	v22 =	vadd.s32 v62, v13;
	v13 =	vor.u32 $0x7, v63;
	v14 =	vld [tilespmem:s15+$0x50];
	v23 =	vadd.s32 v62, v6;
	[tilespmem:v61+s30+$0x0] =	vst.idx.msk $0xffff, v60  }
.LBB2_3:
0xf4: {  	s17 =	sadd.s32 $0x9, s14  }
0xf5: {  	s18 =	sadd.s32 $0xA, s14;
	v24 =	vld [tilespmem:s16+$0xFFFFFFF0];
	[tilespmem:v20+s30+$0x0] =	vst.idx.msk $0xffff, v18;
	v6 =	vadd.s32 v8, v6;
	v8 =	vor.u32 $0x5, v10;
	s19 =	smov.u32 s14;
	s14 =	sadd.s32 $0x8, s14  }
0xf6: {  	v18 =	vor.u32 $0x4, v23;
	s10 =	sand.u32 $0x78, s14;
	s18 =	sand.u32 $0x78, s18;
	s21 =	sadd.s32 $0xD, s19;
	v10 =	vld [tilespmem:s16+$0x70];
	[tilespmem:v21+s30+$0x0] =	vst.idx.msk $0xffff, v19;
	v19 =	vor.u32 $0x5, v6  }
0xf7: {  	s22 =	sshrl.u32 s14, $0x4;
	v6 =	vmov s10;
	v20 =	vmov s18;
	s10 =	sadd.s32 $0xB, s19;
	s18 =	sand.u32 $0x78, s21;
	[tilespmem:v11+s30+$0x0] =	vst.idx.msk $0xffff, v16;
	v11 =	vld [tilespmem:s15+$0x0];
	v16 =	vor.u32 $0x4, v22  }
0xf8: {  	s21 =	sand.u32 $0x18, s22;
	s22 =	sadd.s32 $0xC, s19;
	v6 =	vshrl.u32 v6, $0x3;
	v20 =	vshrl.u32 v20, $0x3;
	v21 =	vmov s18;
	s18 =	sadd.s32 $0xE, s19;
	v22 =	vld [tilespmem:s15+$0x30];
	[tilespmem:v15+s30+$0x0] =	vst.idx.msk $0xffff, v14  }
0xf9: {  	v14 =	vmov s21;
	s10 =	sand.u32 $0x78, s10;
	s19 =	sadd.s32 $0xF, s19;
	v6 =	vshll.u32 v6, v1;
	v15 =	vshll.u32 v20, v1;
	s18 =	sand.u32 $0x78, s18;
	v20 =	vld [tilespmem:s15+$0x20];
	[tilespmem:v12+s30+$0x0] =	vst.idx.msk $0xffff, v17  }
0xfa: {  	p1 =	slt.u32 s14, $0x1F8;
	v12 =	vmul.u32 $0x88, v14;
	v14 =	vbroadcast v6, $0x0;
	v6 =	vmov s18;
	s18 =	sand.u32 $0x78, s19;
	v17 =	vld [tilespmem:s15+$0x10];
	[tilespmem:v13+s30+$0x0] =	vst.idx.msk $0xffff, v4;
	s15 =	smov.u32 s16  }
0xfb: {  	v13 =	vbroadcast v15, $0x0;
	s19 =	sand.u32 $0x78, s22;
	v6 =	vshrl.u32 v6, $0x3;
	v15 =	vmov s18;
	[tilespmem:v9+s30+$0x0] =	vst.idx.msk $0xffff, v3;
	v3 =	vmovc v24;
	v4 =	vmovc v10  }
0xfc: {  	v9 =	vbroadcast v12, $0x0;
	v10 =	vshrl.u32 v21, $0x3;
	v12 =	vshrl.u32 v15, $0x3;
	[tilespmem:v18+s30+$0x0] =	vst.idx.msk $0xffff, v11  }
0xfd: {  	v11 =	vmov s19;
	v15 =	vshll.u32 v6, v1;
	v12 =	vshll.u32 v12, v1;
	[tilespmem:v7+s30+$0x0] =	vst.idx.msk $0xffff, v5  }
0xfe: {  	s17 =	sand.u32 $0x78, s17;
	v6 =	vadd.s32 v0, v9;
	v24 =	vadd.s32 v2, v9;
	v23 =	vbroadcast v12, $0x0;
	[tilespmem:v19+s30+$0x0] =	vst.idx.msk $0xffff, v20  }
0xff: {  	v5 =	vmov s17;
	v9 =	vshll.u32 v10, v1;
	v7 =	vadd.s32 v13, v6;
	[tilespmem:v8+s30+$0x0] =	vst.idx.msk $0xffff, v22  }
0x100: {  	v15 =	vbroadcast v15, $0x0;
	v5 =	vshrl.u32 v5, $0x3;
	v12 =	vshrl.u32 v11, $0x3;
	[tilespmem:v16+s30+$0x0] =	vst.idx.msk $0xffff, v17  }
0x101: {  	v10 =	vmov s10;
	v8 =	vbroadcast v9, $0x0;
	v16 =	vadd.s32 v14, v6  }
0x102: {  	v5 =	vshll.u32 v5, v1;
	v17 =	vor.u32 $0x2, v7;
	v7 =	vshrl.u32 v10, $0x3;
	v9 =	vld [tilespmem:s16+$0xFFFFFF80]  }
0x103: {  	v18 =	vadd.s32 v15, v6;
	v14 =	vadd.s32 v14, v24;
	v11 =	vbroadcast v5, $0x0;
	v19 =	vld [tilespmem:s16+$0xFFFFFF90]  }
0x104: {  	v13 =	vadd.s32 v13, v24;
	v7 =	vshll.u32 v7, v1;
	v10 =	vadd.s32 v8, v24;
	v5 =	vld [tilespmem:s16+$0xFFFFFFB0]  }
0x105: {  	v20 =	vadd.s32 v11, v6;
	v21 =	vadd.s32 v11, v24;
	v25 =	vbroadcast v7, $0x0;
	v22 =	vld [tilespmem:s16+$0xFFFFFFC0]  }
0x106: {  	v27 =	vor.u32 $0x6, v18;
	v11 =	vor.u32 $0x1, v20;
	v7 =	vor.u32 $0x1, v21;
	v26 =	vld [tilespmem:s16+$0x40]  }
.Ltmp0:
0x107: {  	v20 =	vor.u32 $0x2, v13;
	v13 =	vadd.s32 v25, v24;
	[tilespmem:v16+s30+$0x0] =	vst.idx.msk $0xffff, v9;
	v18 =	vld [tilespmem:s16+$0xFFFFFFD0];
	v9 =	vadd.s32 v25, v6;
	(pc) =	sbr.rel @p1 .LBB2_3-.Ltmp0, $4  }
0x108: {  	v12 =	vshll.u32 v12, v1;
	[tilespmem:v14+s30+$0x0] =	vst.idx.msk $0xffff, v19;
	v19 =	vld [tilespmem:s16+$0xFFFFFFE0];
	v21 =	vor.u32 $0x3, v9;
	v9 =	vor.u32 $0x3, v13  }
0x109: {  	v25 =	vadd.s32 v23, v6;
	v13 =	vbroadcast v12, $0x0;
	v12 =	vadd.s32 v15, v24;
	v16 =	vld [tilespmem:s16+$0xFFFFFFA0]  }
0x10a: {  	v15 =	vor.u32 $0x6, v12;
	v12 =	vor.u32 $0x7, v25;
	v25 =	vadd.s32 v23, v24;
	[tilespmem:v17+s30+$0x0] =	vst.idx.msk $0xffff, v22;
	v14 =	vld [tilespmem:s16+$0x50]  }
0x10b: {  	v23 =	vadd.s32 v13, v6;
	v22 =	vadd.s32 v13, v24;
	v13 =	vor.u32 $0x7, v25;
	s16 =	sadd.s32 $0x100, s16;
	[tilespmem:v27+s30+$0x0] =	vst.idx.msk $0xffff, v26;
	v17 =	vld [tilespmem:s15+$0x60]  }
0x10c: {  	_ =	sdelay $0x3  }
0x10d: {  	[tilespmem:v20+s30+$0x0] =	vst.idx.msk $0xffff, v18  }
0x10e: {  	[tilespmem:v21+s30+$0x0] =	vst.idx.msk $0xffff, v19  }
0x10f: {  	[tilespmem:v11+s30+$0x0] =	vst.idx.msk $0xffff, v16  }
0x110: {  	v58 =	vor.u32 $0x4, v23;
	v59 =	vld [tilespmem:s15+$0x0];
	v6 =	vadd.s32 v8, v6;
	[tilespmem:v9+s30+$0x0] =	vst.idx.msk $0xffff, v3  }
0x111: {  	v60 =	vld [tilespmem:s15+$0x20];
	v6 =	vor.u32 $0x5, v6;
	[tilespmem:v15+s30+$0x0] =	vst.idx.msk $0xffff, v14  }
0x112: {  	v62 =	vor.u32 $0x4, v22;
	v63 =	vld [tilespmem:s15+$0x10];
	[tilespmem:v7+s30+$0x0] =	vst.idx.msk $0xffff, v5  }
0x113: {  	v10 =	vor.u32 $0x5, v10;
	v61 =	vld [tilespmem:s15+$0x30];
	[tilespmem:v12+s30+$0x0] =	vst.idx.msk $0xffff, v17  }
0x114: {  	[tilespmem:v13+s30+$0x0] =	vst.idx.msk $0xffff, v4  }
0x115: {  	s10 =	sshll.u32 s11, $0x11;
	[tilespmem:v58+s30+$0x0] =	vst.idx.msk $0xffff, v59  }
0x116: {  	s14 =	sor.u32 s6, s10;
	[tilespmem:v6+s30+$0x0] =	vst.idx.msk $0xffff, v60  }
0x117: {  	s16 =	simm.s32 $0x8400;
	s15 =	sadd.s32 s1, s14;
	[tilespmem:v62+s30+$0x0] =	vst.idx.msk $0xffff, v63  }
0x118: {  	s17 =	simm.s32 $0x10;
	s18 =	simm.s32 $0x8488;
	s19 =	sadd.s32 $0x0, s15;
	[tilespmem:v10+s30+$0x0] =	vst.idx.msk $0xffff, v61  }
.LBB2_5:
0x119: {  	[hbm4b:s19+s3] =	stream.linear.scatter [tilespmem:s16], [sflag:$0x3], $0x80, $0x38;
	[tilespmem:$0x12E00] =	vst v63  }
0x11a: {  	s10 =	smov.u32 s17;
	s16 =	smov.u32 s18;
	p1 =	sne.s32 s17, $0x1F0  }
.Ltmp1:
0x11b: {  	s17 =	sadd.s32 $0x10, s17;
	(pc) =	sbr.rel @p1 .LBB2_5-.Ltmp1, $2  }
0x11c: {  	_ =	sdelay $0x2  }
0x11d: {  	s18 =	sadd.s32 $0x88, s18;
	s19 =	sadd.s32 s10, s15  }
0x11e: {  	[hbm4b:s19+s3] =	stream.linear.scatter [tilespmem:s16], [sflag:$0x3], $0x80, $0x38;
	[tilespmem:$0x12E00] =	vst v63  }
0x11f: {  	s15 =	sadd.s32 s14, s7;
	s16 =	simm.s32 $0x9940  }
0x120: {  	s17 =	simm.s32 $0x10;
	s18 =	simm.s32 $0x99C8;
	s19 =	sadd.s32 $0x0, s15  }
.LBB2_7:
0x121: {  	[hbm4b:s19+s3] =	stream.linear.scatter [tilespmem:s16], [sflag:$0x3], $0x80, $0x38;
	[tilespmem:$0x12E00] =	vst v63  }
0x122: {  	s10 =	smov.u32 s17;
	s16 =	smov.u32 s18;
	p1 =	sne.s32 s17, $0x1F0  }
.Ltmp2:
0x123: {  	s17 =	sadd.s32 $0x10, s17;
	(pc) =	sbr.rel @p1 .LBB2_7-.Ltmp2, $2  }
0x124: {  	_ =	sdelay $0x2  }
0x125: {  	s18 =	sadd.s32 $0x88, s18;
	s19 =	sadd.s32 s10, s15  }
0x126: {  	[hbm4b:s19+s3] =	stream.linear.scatter [tilespmem:s16], [sflag:$0x3], $0x80, $0x38;
	[tilespmem:$0x12E00] =	vst v63  }
0x127: {  	s15 =	sadd.s32 s14, s8;
	s16 =	simm.s32 $0xAE80  }
0x128: {  	s17 =	simm.s32 $0x10;
	s18 =	simm.s32 $0xAF08;
	s19 =	sadd.s32 $0x0, s15  }
.LBB2_9:
0x129: {  	[hbm4b:s19+s3] =	stream.linear.scatter [tilespmem:s16], [sflag:$0x3], $0x80, $0x38;
	[tilespmem:$0x12E00] =	vst v63  }
0x12a: {  	s10 =	smov.u32 s17;
	s16 =	smov.u32 s18;
	p1 =	sne.s32 s17, $0x1F0  }
.Ltmp3:
0x12b: {  	s17 =	sadd.s32 $0x10, s17;
	(pc) =	sbr.rel @p1 .LBB2_9-.Ltmp3, $2  }
0x12c: {  	_ =	sdelay $0x2  }
0x12d: {  	s18 =	sadd.s32 $0x88, s18;
	s19 =	sadd.s32 s10, s15  }
0x12e: {  	[hbm4b:s19+s3] =	stream.linear.scatter [tilespmem:s16], [sflag:$0x3], $0x80, $0x38;
	[tilespmem:$0x12E00] =	vst v63  }
0x12f: {  	s14 =	sadd.s32 s14, s9;
	s15 =	simm.s32 $0xC3C0  }
0x130: {  	s16 =	simm.s32 $0x10;
	s17 =	simm.s32 $0xC448;
	s18 =	sadd.s32 $0x0, s14  }
.LBB2_11:
0x131: {  	[hbm4b:s18+s3] =	stream.linear.scatter [tilespmem:s15], [sflag:$0x3], $0x80, $0x38;
	[tilespmem:$0x12E00] =	vst v63  }
0x132: {  	s10 =	smov.u32 s16;
	s15 =	smov.u32 s17;
	p1 =	sne.s32 s16, $0x1F0  }
.Ltmp4:
0x133: {  	s16 =	sadd.s32 $0x10, s16;
	(pc) =	sbr.rel @p1 .LBB2_11-.Ltmp4, $2  }
0x134: {  	_ =	sdelay $0x2  }
0x135: {  	s17 =	sadd.s32 $0x88, s17;
	s18 =	sadd.s32 s10, s14  }
0x136: {  	p1 =	seq.s32 s11, $0x63  }
.Ltmp5:
0x137: {  	_ = 	snop;
	(pc) =	sbr.rel @p1 .LBB2_14-.Ltmp5, $2  }
0x138: {  	_ =	sdelay $0x2  }
0x139: {  	[hbm4b:s18+s3] =	stream.linear.scatter [tilespmem:s15], [sflag:$0x3], $0x80, $0x38;
	[tilespmem:$0x12E00] =	vst v63  }
0x13a: {  	s10 =	sshll.u32 s11, $0xC;
	s14 =	rddreg [dreg:$0x3]  }
0x13b: {  	s10 =	sadd.s32 s10, s14  }
0x13c: {  	[tilespmem:s3], [sflag:$0x5] =	stream.linear.gather [hbm4b:s10+s3], $0x200, $0x38;
	[tilespmem:$0x12E00] =	vst v63  }
0x13d: {  	_ =	swait.ge [sflag:s12], $0x200  }
0x13e: {  	[sflag:s12] =	ssyncset.done $0x0  }
0x13f: {  	[sflag:s12] =	ssyncadd.s32 $0xFFFFFE00  }
0x140: {  	v3 =	vld [tilespmem:$0x0]  }
0x141: {  	v4 =	vld [tilespmem:$0x10]  }
0x142: {  	v5 =	vld [tilespmem:$0x20]  }
0x143: {  	v8 =	vld [tilespmem:$0x30]  }
0x144: {  	v9 =	vld [tilespmem:$0x40]  }
0x145: {  	v11 =	vld [tilespmem:$0x50]  }
0x146: {  	v44 =	vld [tilespmem:$0x60];
	v6 =	vshll.u32 v3, $0x2  }
0x147: {  	v12 =	vld [tilespmem:$0x70];
	v7 =	vand.u32 $0xFFFF8000, v3;
	v3 =	vshrl.u32 v3, $0xD;
	v36 =	vshll.u32 v4, $0x2  }
0x148: {  	v48 =	vld [tilespmem:$0x80];
	v37 =	vand.u32 $0xFFFF8000, v4;
	v4 =	vshrl.u32 v4, $0xD;
	v38 =	vshll.u32 v5, $0x2  }
0x149: {  	v14 =	vld [tilespmem:$0x90];
	v10 =	vand.u32 $0xFFFF8000, v5;
	v5 =	vshrl.u32 v5, $0xD;
	v40 =	vshll.u32 v8, $0x2  }
0x14a: {  	v15 =	vld [tilespmem:$0xA0];
	v41 =	vand.u32 $0xFFFF8000, v8;
	v8 =	vshrl.u32 v8, $0xD;
	v43 =	vshll.u32 v9, $0x2  }
0x14b: {  	v55 =	vld [tilespmem:$0xB0];
	v45 =	vand.u32 $0xFFFF8000, v9;
	v46 =	vshrl.u32 v9, $0xD;
	v47 =	vshll.u32 v11, $0x2  }
0x14c: {  	v17 =	vld [tilespmem:$0xC0];
	v13 =	vand.u32 $0xFFFF8000, v11;
	v11 =	vshrl.u32 v11, $0xD;
	v49 =	vshll.u32 v44, $0x2  }
0x14d: {  	v18 =	vld [tilespmem:$0xD0];
	v50 =	vand.u32 $0xFFFF8000, v44;
	v51 =	vshll.u32 v12, $0x2;
	v52 =	vand.u32 $0xFFFF8000, v12  }
0x14e: {  	v63 =	vld [tilespmem:$0xE0];
	v53 =	vshrl.u32 v12, $0xD;
	v54 =	vshll.u32 v48, $0x2;
	v16 =	vand.u32 $0xFFFF8000, v48  }
0x14f: {  	v20 =	vld [tilespmem:$0xF0];
	v56 =	vshll.u32 v14, $0x2;
	v57 =	vand.u32 $0xFFFF8000, v14;
	v14 =	vshrl.u32 v14, $0xD  }
0x150: {  	v21 =	vld [tilespmem:$0x100];
	v59 =	vshll.u32 v15, $0x2;
	v60 =	vand.u32 $0xFFFF8000, v15;
	v61 =	vshrl.u32 v15, $0xD  }
0x151: {  	v62 =	vshll.u32 v55, $0x2;
	v19 =	vand.u32 $0xFFFF8000, v55;
	v24 =	vshll.u32 v17, $0x2  }
0x152: {  	v25 =	vand.u32 $0xFFFF8000, v17;
	v17 =	vshrl.u32 v17, $0xD;
	v27 =	vshll.u32 v18, $0x2  }
0x153: {  	v28 =	vand.u32 $0xFFFF8000, v18;
	v29 =	vshrl.u32 v18, $0xD;
	v30 =	vshll.u32 v63, $0x2  }
0x154: {  	v22 =	vand.u32 $0xFFFF8000, v63;
	v32 =	vshll.u32 v20, $0x2;
	v33 =	vand.u32 $0xFFFF8000, v20  }
0x155: {  	v20 =	vshrl.u32 v20, $0xD;
	v35 =	vshll.u32 v21, $0x2;
	v6 =	vand.u32 $0x7FFC, v6  }
0x156: {  	v3 =	vand.u32 $0x3, v3;
	v4 =	vand.u32 $0x3, v4;
	v39 =	vand.u32 $0x3, v5  }
0x157: {  	v42 =	vand.u32 $0x3, v8;
	v8 =	vand.u32 $0x7FFC, v43;
	v9 =	vand.u32 $0x7FFC, v47  }
0x158: {  	v11 =	vand.u32 $0x3, v11;
	v12 =	vand.u32 $0x7FFC, v54;
	v58 =	vand.u32 $0x3, v14  }
0x159: {  	v31 =	vld [tilespmem:$0x110];
	v14 =	vand.u32 $0x7FFC, v59;
	v15 =	vand.u32 $0x7FFC, v62;
	v26 =	vand.u32 $0x3, v17  }
0x15a: {  	v17 =	vand.u32 $0x7FFC, v27;
	v18 =	vand.u32 $0x7FFC, v30;
	v34 =	vand.u32 $0x3, v20  }
0x15b: {  	v20 =	vand.u32 $0x7FFC, v35;
	v6 =	vor.u32 v7, v6;
	v7 =	vand.u32 $0x7FFC, v36  }
0x15c: {  	v9 =	vor.u32 v13, v9;
	v13 =	vshrl.u32 v48, $0xD;
	v12 =	vor.u32 v16, v12  }
0x15d: {  	v16 =	vshrl.u32 v55, $0xD;
	v15 =	vor.u32 v19, v15;
	v19 =	vshrl.u32 v63, $0xD  }
0x15e: {  	v18 =	vor.u32 v22, v18;
	v36 =	vand.u32 $0xFFFF8000, v21;
	v22 =	vshrl.u32 v31, $0xD  }
0x15f: {  	v3 =	vor.u32 v3, v6;
	v6 =	vor.u32 v37, v7;
	v7 =	vand.u32 $0x7FFC, v38  }
0x160: {  	v23 =	vld [tilespmem:$0x120];
	v13 =	vand.u32 $0x3, v13;
	v16 =	vand.u32 $0x3, v16;
	v19 =	vand.u32 $0x3, v19  }
0x161: {  	v37 =	vshrl.u32 v21, $0xD;
	v38 =	vshll.u32 v31, $0x2;
	v22 =	vand.u32 $0x3, v22  }
0x162: {  	v7 =	vor.u32 v10, v7;
	v5 =	vor.u32 v4, v6;
	v6 =	vand.u32 $0x7FFC, v40  }
0x163: {  	v55 =	vld [tilespmem:$0x170];
	v10 =	vshrl.u32 v44, $0xD;
	v21 =	vand.u32 $0x7FFC, v38;
	v4 =	vor.u32 v39, v7  }
0x164: {  	v6 =	vor.u32 v41, v6;
	v7 =	vor.u32 v45, v8;
	v8 =	vand.u32 $0x3, v46  }
0x165: {  	v10 =	vand.u32 $0x3, v10;
	v41 =	vshll.u32 v23, $0x2;
	v6 =	vor.u32 v42, v6  }
0x166: {  	v7 =	vor.u32 v8, v7;
	v8 =	vor.u32 v11, v9;
	v9 =	vand.u32 $0x7FFC, v49  }
0x167: {  	v11 =	vand.u32 $0x7FFC, v51;
	v42 =	vand.u32 $0xFFFF8000, v23;
	v23 =	vshrl.u32 v23, $0xD  }
0x168: {  	v39 =	vld [tilespmem:$0x140];
	v9 =	vor.u32 v50, v9;
	v43 =	vand.u32 $0x3, v23;
	v23 =	vshll.u32 v55, $0x2  }
0x169: {  	v9 =	vor.u32 v10, v9;
	v10 =	vor.u32 v52, v11;
	v11 =	vand.u32 $0x3, v53  }
0x16a: {  	v10 =	vor.u32 v11, v10;
	v11 =	vor.u32 v13, v12;
	v12 =	vand.u32 $0x7FFC, v56  }
0x16b: {  	v13 =	vor.u32 v60, v14;
	v14 =	vand.u32 $0x3, v61;
	v12 =	vor.u32 v57, v12  }
0x16c: {  	v13 =	vor.u32 v14, v13;
	v14 =	vor.u32 v16, v15;
	v15 =	vand.u32 $0x7FFC, v24  }
0x16d: {  	v38 =	vld [tilespmem:$0x1D0];
	v16 =	vor.u32 v28, v17;
	v17 =	vand.u32 $0x3, v29;
	v49 =	vshll.u32 v39, $0x2  }
0x16e: {  	v50 =	vld [tilespmem:$0x160];
	v51 =	vand.u32 $0xFFFF8000, v39;
	v52 =	vshrl.u32 v39, $0xD;
	[tilespmem:$0x70] =	vst v10;
	v10 =	vand.u32 $0x7FFC, v23  }
0x16f: {  	v12 =	vor.u32 v58, v12;
	v15 =	vor.u32 v25, v15;
	v16 =	vor.u32 v17, v16  }
0x170: {  	v17 =	vor.u32 v19, v18;
	v18 =	vand.u32 $0x7FFC, v32;
	v19 =	vor.u32 v36, v20  }
0x171: {  	v25 =	vand.u32 $0xFFFF8000, v31;
	v20 =	vand.u32 $0x3, v37;
	v54 =	vand.u32 $0x3, v52  }
0x172: {  	v52 =	vand.u32 $0xFFFF8000, v38;
	v15 =	vor.u32 v26, v15;
	v18 =	vor.u32 v33, v18  }
0x173: {  	v61 =	vld [tilespmem:$0x180];
	v21 =	vor.u32 v25, v21;
	v19 =	vor.u32 v20, v19;
	v60 =	vshll.u32 v50, $0x2  }
0x174: {  	[tilespmem:$0x0] =	vst v3;
	v24 =	vld [tilespmem:$0x130];
	v62 =	vand.u32 $0xFFFF8000, v50;
	v63 =	vshrl.u32 v50, $0xD;
	v25 =	vand.u32 $0xFFFF8000, v55  }
0x175: {  	[tilespmem:$0x10] =	vst v5;
	v50 =	vshll.u32 v38, $0x2;
	v18 =	vor.u32 v34, v18;
	v40 =	vor.u32 v22, v21  }
0x176: {  	[tilespmem:$0x50] =	vst v8;
	v21 =	vand.u32 $0x7FFC, v41;
	v22 =	vand.u32 $0x7FFC, v49;
	v8 =	vand.u32 $0x7FFC, v60  }
0x177: {  	[tilespmem:$0x20] =	vst v4;
	v28 =	vld [tilespmem:$0x1A0];
	v10 =	vor.u32 v25, v10;
	v21 =	vor.u32 v42, v21;
	v4 =	vor.u32 v51, v22  }
0x178: {  	[tilespmem:$0x40] =	vst v7;
	v7 =	vor.u32 v62, v8;
	v8 =	vand.u32 $0x3, v63;
	v30 =	vshll.u32 v61, $0x2  }
0x179: {  	[tilespmem:$0x60] =	vst v9;
	v36 =	vld [tilespmem:$0x1C0];
	v31 =	vand.u32 $0xFFFF8000, v61;
	v9 =	vshrl.u32 v61, $0xD;
	v44 =	vshll.u32 v24, $0x2  }
0x17a: {  	[tilespmem:$0x30] =	vst v6;
	v26 =	vld [tilespmem:$0x150];
	v3 =	vor.u32 v43, v21;
	v45 =	vand.u32 $0xFFFF8000, v24;
	v48 =	vshrl.u32 v24, $0xD  }
0x17b: {  	[tilespmem:$0x80] =	vst v11;
	v33 =	vld [tilespmem:$0x1B0];
	v4 =	vor.u32 v54, v4;
	v7 =	vor.u32 v8, v7;
	v9 =	vand.u32 $0x3, v9  }
0x17c: {  	[tilespmem:$0xA0] =	vst v13;
	v35 =	vshll.u32 v28, $0x2;
	v37 =	vand.u32 $0xFFFF8000, v28;
	v13 =	vshrl.u32 v28, $0xD  }
0x17d: {  	[tilespmem:$0xB0] =	vst v14;
	v46 =	vand.u32 $0x7FFC, v44;
	v53 =	vand.u32 $0x3, v48;
	v13 =	vand.u32 $0x3, v13  }
0x17e: {  	[tilespmem:$0x160] =	vst v7;
	v49 =	vshrl.u32 v36, $0xD;
	v7 =	vand.u32 $0x7FFC, v50;
	v47 =	vor.u32 v45, v46  }
0x17f: {  	[tilespmem:$0x90] =	vst v12;
	v56 =	vshll.u32 v26, $0x2;
	v57 =	vand.u32 $0xFFFF8000, v26;
	v58 =	vshrl.u32 v26, $0xD  }
0x180: {  	[tilespmem:$0x110] =	vst v40;
	v26 =	vshrl.u32 v55, $0xD;
	v40 =	vshll.u32 v33, $0x2;
	v41 =	vand.u32 $0xFFFF8000, v33  }
0x181: {  	[tilespmem:$0xD0] =	vst v16;
	v51 =	vld [tilespmem:$0x1F0];
	v42 =	vshrl.u32 v33, $0xD;
	v45 =	vshll.u32 v36, $0x2;
	v7 =	vor.u32 v52, v7  }
0x182: {  	[tilespmem:$0xE0] =	vst v17;
	v24 =	vld [tilespmem:$0x190];
	v5 =	vor.u32 v53, v47;
	v6 =	vand.u32 $0x7FFC, v56;
	v59 =	vand.u32 $0x3, v58  }
0x183: {  	[tilespmem:$0xC0] =	vst v15;
	v27 =	vand.u32 $0x3, v26;
	v44 =	vand.u32 $0x3, v42;
	v47 =	vand.u32 $0xFFFF8000, v36  }
0x184: {  	[tilespmem:$0x100] =	vst v19;
	v48 =	vand.u32 $0x7FFC, v45;
	v53 =	vshrl.u32 v38, $0xD;
	v6 =	vor.u32 v57, v6  }
0x185: {  	v29 =	vor.u32 v27, v10;
	v10 =	vand.u32 $0x7FFC, v30;
	[tilespmem:$0x130] =	vst v5;
	v5 =	vor.u32 v47, v48  }
0x186: {  	[tilespmem:$0xF0] =	vst v18;
	v46 =	vld [tilespmem:$0x1E0];
	v54 =	vand.u32 $0x3, v53;
	v61 =	vshll.u32 v51, $0x2;
	v62 =	vshrl.u32 v51, $0xD  }
0x187: {  	[tilespmem:$0x120] =	vst v3;
	v6 =	vor.u32 v59, v6;
	v10 =	vor.u32 v31, v10;
	v32 =	vshll.u32 v24, $0x2  }
0x188: {  	[tilespmem:$0x140] =	vst v4;
	v34 =	vand.u32 $0xFFFF8000, v24;
	v11 =	vshrl.u32 v24, $0xD;
	v55 =	vor.u32 v54, v7  }
0x189: {  	[tilespmem:$0x170] =	vst v29;
	v7 =	vand.u32 $0x7FFC, v61;
	v9 =	vor.u32 v9, v10;
	v12 =	vand.u32 $0x7FFC, v32  }
0x18a: {  	v11 =	vand.u32 $0x3, v11;
	[tilespmem:$0x150] =	vst v6;
	v6 =	vand.u32 $0x3, v49;
	v10 =	vor.u32 v34, v12  }
0x18b: {  	[tilespmem:$0x1D0] =	vst v55;
	v12 =	vand.u32 $0x7FFC, v35;
	v56 =	vshll.u32 v46, $0x2;
	v57 =	vand.u32 $0xFFFF8000, v46  }
0x18c: {  	[tilespmem:$0x180] =	vst v9;
	v58 =	vshrl.u32 v46, $0xD;
	v12 =	vor.u32 v37, v12;
	v3 =	vor.u32 v11, v10  }
0x18d: {  	v11 =	vand.u32 $0x7FFC, v40;
	v60 =	vand.u32 $0x3, v58;
	v39 =	vor.u32 v13, v12;
	[tilespmem:$0x190] =	vst v3  }
0x18e: {  	v43 =	vor.u32 v41, v11;
	v3 =	vor.u32 v6, v5;
	v6 =	vand.u32 $0x7FFC, v56;
	[tilespmem:$0x1A0] =	vst v39  }
0x18f: {  	v4 =	vor.u32 v44, v43;
	v59 =	vor.u32 v57, v6;
	[tilespmem:$0x1C0] =	vst v3;
	v3 =	vand.u32 $0xFFFF8000, v51  }
0x190: {  	v63 =	vand.u32 $0x3, v62;
	[tilespmem:$0x1B0] =	vst v4;
	v4 =	vor.u32 v60, v59;
	v3 =	vor.u32 v3, v7  }
0x191: {  	[tilespmem:$0x1E0] =	vst v4;
	v3 =	vor.u32 v63, v3  }
0x192: {  	s16 =	simm.s32 $0x400;
	[tilespmem:$0x1F0] =	vst v3  }
0x193: {  	[tilespmem:s16], [sflag:$0x1] =	stream.indirect.gather [hbm4b:s4+s13], $0x20, s3, s13, $0xb8;
	[tilespmem:$0x12E00] =	vst v63  }
0x194: {  	s17 =	simm.s32 $0x1400  }
0x195: {  	[tilespmem:s17], [sflag:$0x1] =	stream.indirect.gather [hbm4b:s4+s13], $0x20, s13, s13, $0xb8;
	[tilespmem:$0x12E00] =	vst v63  }
0x196: {  	s18 =	simm.s32 $0x100;
	s19 =	simm.s32 $0x2400  }
0x197: {  	[tilespmem:s19], [sflag:$0x1] =	stream.indirect.gather [hbm4b:s4+s13], $0x20, s18, s13, $0xb8;
	[tilespmem:$0x12E00] =	vst v63  }
0x198: {  	s21 =	simm.s32 $0x180;
	s22 =	simm.s32 $0x3400  }
0x199: {  	[tilespmem:s22], [sflag:$0x1] =	stream.indirect.gather [hbm4b:s4+s13], $0x20, s21, s13, $0xb8;
	[tilespmem:$0x12E00] =	vst v63  }
.LBB2_14:
0x19a: {  	_ =	swait.ge [sflag:s31], $0x1000  }
0x19b: {  	[sflag:s31] =	ssyncset.done $0x0  }
0x19c: {  	[sflag:s31] =	ssyncadd.s32 $0xFFFFF000  }
0x19d: {  	_ =	swait.ge [sflag:s31], $0x1000  }
0x19e: {  	[sflag:s31] =	ssyncset.done $0x0  }
0x19f: {  	[sflag:s31] =	ssyncadd.s32 $0xFFFFF000  }
0x1a0: {  	_ =	swait.ge [sflag:s31], $0x1000  }
0x1a1: {  	[sflag:s31] =	ssyncset.done $0x0  }
0x1a2: {  	[sflag:s31] =	ssyncadd.s32 $0xFFFFF000  }
0x1a3: {  	_ =	swait.ge [sflag:s31], $0x1000  }
0x1a4: {  	[sflag:s31] =	ssyncset.done $0x0  }
0x1a5: {  	s10 =	simm.s32 @!p0 $0x4;
	[sflag:s31] =	ssyncadd.s32 $0xFFFFF000  }
0x1a6: {  	s14 =	simm.s32 $0x0;
	s15 =	simm.s32 $0x2;
	_ =	swait.ge @!p0 [sflag:s10], $0x1000  }
0x1a7: {  	s17 =	simm.s32 $0x5;
	s18 =	simm.s32 $0x0;
	[sflag:s10] =	ssyncset.done @!p0 $0x0  }
0x1a8: {  	s16 =	sand.u32 $0x78, s14;
	s15 =	sand.u32 $0x78, s15;
	[sflag:s10] =	ssyncadd.s32 @!p0 $0xFFFFF000  }
0x1a9: {  	s17 =	sand.u32 $0x78, s17;
	s19 =	sand.u32 $0x18, s18;
	v3 =	vmov s16;
	v4 =	vmov s15;
	_ =	swait.ge @!p0 [sflag:s10], $0x1000  }
0x1aa: {  	s18 =	simm.s32 $0x4;
	v5 =	vmov s17;
	v6 =	vmov s19;
	v3 =	vshrl.u32 v3, $0x3;
	[sflag:s10] =	ssyncset.done @!p0 $0x0  }
0x1ab: {  	s19 =	sand.u32 $0x78, s18;
	v4 =	vshrl.u32 v4, $0x3;
	v6 =	vmul.u32 $0x88, v6;
	v5 =	vshrl.u32 v5, $0x3;
	[sflag:s10] =	ssyncadd.s32 @!p0 $0xFFFFF000  }
0x1ac: {  	s21 =	simm.s32 $0x6;
	s22 =	simm.s32 $0x7;
	v10 =	vmov s19;
	v3 =	vshll.u32 v3, v1;
	v4 =	vshll.u32 v4, v1;
	_ =	swait.ge @!p0 [sflag:s10], $0x1000  }
0x1ad: {  	s15 =	sand.u32 $0x78, s21;
	s17 =	sand.u32 $0x78, s22;
	v5 =	vshll.u32 v5, v1;
	v15 =	vshrl.u32 v10, $0x3;
	v7 =	vbroadcast v3, $0x0;
	[sflag:s10] =	ssyncset.done @!p0 $0x0  }
0x1ae: {  	v3 =	vmov s15;
	v9 =	vbroadcast v4, $0x0;
	v4 =	vmov s17;
	[sflag:s10] =	ssyncadd.s32 @!p0 $0xFFFFF000  }
0x1af: {  	v8 =	vbroadcast v6, $0x0;
	v15 =	vshll.u32 v15, v1;
	v3 =	vshrl.u32 v3, $0x3;
	_ =	swait.ge @!p0 [sflag:s10], $0x1000  }
0x1b0: {  	s21 =	simm.s32 $0x1;
	v4 =	vshrl.u32 v4, $0x3;
	v62 =	vbroadcast v15, $0x0;
	v11 =	vshll.u32 v3, v1;
	[sflag:s10] =	ssyncset.done @!p0 $0x0  }
0x1b1: {  	s16 =	sand.u32 $0x78, s21;
	s15 =	simm.s32 $0x44F0;
	v3 =	vshll.u32 v4, v1;
	v6 =	vadd.s32 v0, v8;
	v13 =	vadd.s32 v2, v8;
	[sflag:s10] =	ssyncadd.s32 @!p0 $0xFFFFF000  }
0x1b2: {  	v4 =	vmov s16;
	v8 =	vbroadcast v5, $0x0;
	v17 =	vbroadcast v3, $0x0;
	v3 =	vld [tilespmem:s15+$0xFFFFFF80]  }
0x1b3: {  	s22 =	simm.s32 $0x3;
	v12 =	vadd.s32 v9, v6;
	v14 =	vshrl.u32 v4, $0x3;
	v22 =	vbroadcast v11, $0x0;
	v4 =	vld [tilespmem:s15+$0x0]  }
0x1b4: {  	v16 =	vadd.s32 v7, v6;
	v23 =	vadd.s32 v7, v13;
	v9 =	vadd.s32 v9, v13;
	s10 =	sand.u32 $0x78, s22;
	v19 =	vld [tilespmem:s15+$0xFFFFFF10]  }
0x1b5: {  	v5 =	vshll.u32 v14, v1;
	v12 =	vor.u32 $0x2, v12;
	v10 =	vmov s10;
	v14 =	vld [tilespmem:s15+$0xFFFFFF20]  }
0x1b6: {  	v7 =	vbroadcast v5, $0x0;
	v18 =	vadd.s32 v22, v6;
	v24 =	vld [tilespmem:s15+$0xFFFFFF50];
	v10 =	vshrl.u32 v10, $0x3  }
0x1b7: {  	v15 =	vadd.s32 v22, v13;
	v22 =	vadd.s32 v17, v6;
	v5 =	vld [tilespmem:s15+$0xFFFFFF40];
	v11 =	vshll.u32 v10, v1  }
0x1b8: {  	v63 =	vadd.s32 v17, v13;
	v26 =	vor.u32 $0x6, v18;
	v25 =	vld [tilespmem:s15+$0xFFFFFFD0];
	v21 =	vbroadcast v11, $0x0  }
0x1b9: {  	v15 =	vor.u32 $0x6, v15;
	v20 =	vadd.s32 v7, v6;
	v7 =	vadd.s32 v7, v13;
	v18 =	vld [tilespmem:s15+$0xFFFFFF60]  }
0x1ba: {  	v17 =	vld [tilespmem:s15+$0xFFFFFFF0];
	v11 =	vor.u32 $0x1, v20;
	v20 =	vor.u32 $0x2, v9;
	v9 =	vadd.s32 v21, v6;
	[tilespmem:v16+s0+$0x0] =	vst.idx.msk $0xffff, v19  }
0x1bb: {  	v7 =	vor.u32 $0x1, v7;
	v27 =	vadd.s32 v21, v13;
	v19 =	vld [tilespmem:s15+$0xFFFFFF70];
	[tilespmem:v12+s0+$0x0] =	vst.idx.msk $0xffff, v24;
	v21 =	vor.u32 $0x3, v9  }
0x1bc: {  	v10 =	vadd.s32 v8, v13;
	v16 =	vld [tilespmem:s15+$0xFFFFFF30];
	v12 =	vor.u32 $0x7, v22;
	v22 =	vadd.s32 v62, v13;
	[tilespmem:v23+s0+$0x0] =	vst.idx.msk $0xffff, v14  }
0x1bd: {  	s16 =	simm.s32 $0x45F0;
	v13 =	vor.u32 $0x7, v63;
	v9 =	vor.u32 $0x3, v27;
	v14 =	vld [tilespmem:s15+$0xFFFFFFE0];
	v23 =	vadd.s32 v62, v6;
	[tilespmem:v26+s0+$0x0] =	vst.idx.msk $0xffff, v25  }
.LBB2_15:
0x1be: {  	s17 =	sadd.s32 $0x9, s14  }
0x1bf: {  	s10 =	sadd.s32 $0xA, s14;
	v24 =	vld [tilespmem:s16+$0xFFFFFF80];
	[tilespmem:v20+s0+$0x0] =	vst.idx.msk $0xffff, v18;
	v6 =	vadd.s32 v8, v6;
	v8 =	vor.u32 $0x5, v10;
	s18 =	smov.u32 s14;
	s14 =	sadd.s32 $0x8, s14  }
0x1c0: {  	v18 =	vor.u32 $0x4, v23;
	s19 =	sand.u32 $0x78, s14;
	s10 =	sand.u32 $0x78, s10;
	s21 =	sadd.s32 $0xD, s18;
	v10 =	vld [tilespmem:s16+$0x0];
	[tilespmem:v21+s0+$0x0] =	vst.idx.msk $0xffff, v19;
	v19 =	vor.u32 $0x5, v6  }
0x1c1: {  	s22 =	sshrl.u32 s14, $0x4;
	v6 =	vmov s19;
	v20 =	vmov s10;
	s10 =	sadd.s32 $0xB, s18;
	s19 =	sand.u32 $0x78, s21;
	[tilespmem:v11+s0+$0x0] =	vst.idx.msk $0xffff, v16;
	v11 =	vld [tilespmem:s15+$0xFFFFFF90];
	v16 =	vor.u32 $0x4, v22  }
0x1c2: {  	s21 =	sand.u32 $0x18, s22;
	s22 =	sadd.s32 $0xC, s18;
	v6 =	vshrl.u32 v6, $0x3;
	v20 =	vshrl.u32 v20, $0x3;
	v21 =	vmov s19;
	s19 =	sadd.s32 $0xE, s18;
	v22 =	vld [tilespmem:s15+$0xFFFFFFC0];
	[tilespmem:v15+s0+$0x0] =	vst.idx.msk $0xffff, v14  }
0x1c3: {  	v14 =	vmov s21;
	s10 =	sand.u32 $0x78, s10;
	s18 =	sadd.s32 $0xF, s18;
	v6 =	vshll.u32 v6, v1;
	v15 =	vshll.u32 v20, v1;
	s19 =	sand.u32 $0x78, s19;
	v20 =	vld [tilespmem:s15+$0xFFFFFFB0];
	[tilespmem:v12+s0+$0x0] =	vst.idx.msk $0xffff, v17  }
0x1c4: {  	p0 =	slt.u32 s14, $0x1F8;
	v12 =	vmul.u32 $0x88, v14;
	s18 =	sand.u32 $0x78, s18;
	v14 =	vbroadcast v6, $0x0;
	v6 =	vmov s19;
	v17 =	vld [tilespmem:s15+$0xFFFFFFA0];
	[tilespmem:v13+s0+$0x0] =	vst.idx.msk $0xffff, v4;
	s15 =	smov.u32 s16  }
0x1c5: {  	v13 =	vbroadcast v15, $0x0;
	s19 =	sand.u32 $0x78, s22;
	v15 =	vmov s18;
	v6 =	vshrl.u32 v6, $0x3;
	[tilespmem:v9+s0+$0x0] =	vst.idx.msk $0xffff, v3;
	v3 =	vmovc v24;
	v4 =	vmovc v10  }
0x1c6: {  	v9 =	vbroadcast v12, $0x0;
	v10 =	vshrl.u32 v21, $0x3;
	v12 =	vshrl.u32 v15, $0x3;
	[tilespmem:v18+s0+$0x0] =	vst.idx.msk $0xffff, v11  }
0x1c7: {  	v11 =	vmov s19;
	v15 =	vshll.u32 v6, v1;
	v12 =	vshll.u32 v12, v1;
	[tilespmem:v7+s0+$0x0] =	vst.idx.msk $0xffff, v5  }
0x1c8: {  	s17 =	sand.u32 $0x78, s17;
	v6 =	vadd.s32 v0, v9;
	v24 =	vadd.s32 v2, v9;
	v23 =	vbroadcast v12, $0x0;
	[tilespmem:v19+s0+$0x0] =	vst.idx.msk $0xffff, v20  }
0x1c9: {  	v5 =	vmov s17;
	v9 =	vshll.u32 v10, v1;
	v7 =	vadd.s32 v13, v6;
	[tilespmem:v8+s0+$0x0] =	vst.idx.msk $0xffff, v22  }
0x1ca: {  	v12 =	vshrl.u32 v11, $0x3;
	v15 =	vbroadcast v15, $0x0;
	v5 =	vshrl.u32 v5, $0x3;
	[tilespmem:v16+s0+$0x0] =	vst.idx.msk $0xffff, v17  }
0x1cb: {  	v10 =	vmov s10;
	v8 =	vbroadcast v9, $0x0;
	v16 =	vadd.s32 v14, v6  }
0x1cc: {  	v5 =	vshll.u32 v5, v1;
	v17 =	vor.u32 $0x2, v7;
	v7 =	vshrl.u32 v10, $0x3;
	v9 =	vld [tilespmem:s16+$0xFFFFFF10]  }
0x1cd: {  	v18 =	vadd.s32 v15, v6;
	v14 =	vadd.s32 v14, v24;
	v11 =	vbroadcast v5, $0x0;
	v19 =	vld [tilespmem:s16+$0xFFFFFF20]  }
0x1ce: {  	v13 =	vadd.s32 v13, v24;
	v7 =	vshll.u32 v7, v1;
	v10 =	vadd.s32 v8, v24;
	v5 =	vld [tilespmem:s16+$0xFFFFFF40]  }
0x1cf: {  	v20 =	vadd.s32 v11, v6;
	v21 =	vadd.s32 v11, v24;
	v25 =	vbroadcast v7, $0x0;
	v22 =	vld [tilespmem:s16+$0xFFFFFF50]  }
0x1d0: {  	v27 =	vor.u32 $0x6, v18;
	v11 =	vor.u32 $0x1, v20;
	v7 =	vor.u32 $0x1, v21;
	v26 =	vld [tilespmem:s16+$0xFFFFFFD0]  }
.Ltmp6:
0x1d1: {  	v20 =	vor.u32 $0x2, v13;
	v13 =	vadd.s32 v25, v24;
	[tilespmem:v16+s0+$0x0] =	vst.idx.msk $0xffff, v9;
	v18 =	vld [tilespmem:s16+$0xFFFFFF60];
	v9 =	vadd.s32 v25, v6;
	(pc) =	sbr.rel @p0 .LBB2_15-.Ltmp6, $4  }
0x1d2: {  	v12 =	vshll.u32 v12, v1;
	[tilespmem:v14+s0+$0x0] =	vst.idx.msk $0xffff, v19;
	v19 =	vld [tilespmem:s16+$0xFFFFFF70];
	v21 =	vor.u32 $0x3, v9;
	v9 =	vor.u32 $0x3, v13  }
0x1d3: {  	v25 =	vadd.s32 v23, v6;
	v13 =	vbroadcast v12, $0x0;
	v12 =	vadd.s32 v15, v24;
	v16 =	vld [tilespmem:s16+$0xFFFFFF30]  }
0x1d4: {  	v15 =	vor.u32 $0x6, v12;
	v12 =	vor.u32 $0x7, v25;
	v25 =	vadd.s32 v23, v24;
	[tilespmem:v17+s0+$0x0] =	vst.idx.msk $0xffff, v22;
	v14 =	vld [tilespmem:s16+$0xFFFFFFE0]  }
0x1d5: {  	v23 =	vadd.s32 v13, v6;
	v22 =	vadd.s32 v13, v24;
	v13 =	vor.u32 $0x7, v25;
	s16 =	sadd.s32 $0x100, s16;
	[tilespmem:v27+s0+$0x0] =	vst.idx.msk $0xffff, v26;
	v17 =	vld [tilespmem:s15+$0xFFFFFFF0]  }
0x1d6: {  	_ =	sdelay $0x3  }
0x1d7: {  	[tilespmem:v20+s0+$0x0] =	vst.idx.msk $0xffff, v18  }
0x1d8: {  	[tilespmem:v21+s0+$0x0] =	vst.idx.msk $0xffff, v19  }
0x1d9: {  	[tilespmem:v11+s0+$0x0] =	vst.idx.msk $0xffff, v16  }
0x1da: {  	v58 =	vor.u32 $0x4, v23;
	v59 =	vld [tilespmem:s15+$0xFFFFFF90];
	v6 =	vadd.s32 v8, v6;
	[tilespmem:v9+s0+$0x0] =	vst.idx.msk $0xffff, v3  }
0x1db: {  	v60 =	vld [tilespmem:s15+$0xFFFFFFB0];
	v6 =	vor.u32 $0x5, v6;
	[tilespmem:v15+s0+$0x0] =	vst.idx.msk $0xffff, v14  }
0x1dc: {  	v62 =	vor.u32 $0x4, v22;
	v63 =	vld [tilespmem:s15+$0xFFFFFFA0];
	[tilespmem:v7+s0+$0x0] =	vst.idx.msk $0xffff, v5  }
0x1dd: {  	v10 =	vor.u32 $0x5, v10;
	v61 =	vld [tilespmem:s15+$0xFFFFFFC0];
	[tilespmem:v12+s0+$0x0] =	vst.idx.msk $0xffff, v17  }
0x1de: {  	[tilespmem:v13+s0+$0x0] =	vst.idx.msk $0xffff, v4  }
0x1df: {  	s2 =	sshll.u32 s2, $0x10;
	[tilespmem:v58+s0+$0x0] =	vst.idx.msk $0xffff, v59  }
0x1e0: {  	s2 =	sor.u32 s6, s2;
	[tilespmem:v6+s0+$0x0] =	vst.idx.msk $0xffff, v60  }
0x1e1: {  	s15 =	simm.s32 $0xD900;
	s14 =	sadd.s32 s1, s2;
	[tilespmem:v62+s0+$0x0] =	vst.idx.msk $0xffff, v63  }
0x1e2: {  	s16 =	simm.s32 $0x10;
	s17 =	simm.s32 $0xD988;
	s18 =	sadd.s32 $0x0, s14;
	[tilespmem:v10+s0+$0x0] =	vst.idx.msk $0xffff, v61  }
.LBB2_17:
0x1e3: {  	[hbm4b:s18+s3] =	stream.linear.scatter [tilespmem:s15], [sflag:$0x4], $0x80, $0x38;
	[tilespmem:$0x12E00] =	vst v63  }
0x1e4: {  	s10 =	smov.u32 s16;
	s15 =	smov.u32 s17;
	p0 =	sne.s32 s16, $0x1F0  }
.Ltmp7:
0x1e5: {  	s16 =	sadd.s32 $0x10, s16;
	(pc) =	sbr.rel @p0 .LBB2_17-.Ltmp7, $2  }
0x1e6: {  	_ =	sdelay $0x2  }
0x1e7: {  	s17 =	sadd.s32 $0x88, s17;
	s18 =	sadd.s32 s10, s14  }
0x1e8: {  	[hbm4b:s18+s3] =	stream.linear.scatter [tilespmem:s15], [sflag:$0x4], $0x80, $0x38;
	[tilespmem:$0x12E00] =	vst v63  }
0x1e9: {  	s14 =	sadd.s32 s2, s7;
	s15 =	simm.s32 $0xEE40  }
0x1ea: {  	s16 =	simm.s32 $0x10;
	s17 =	simm.s32 $0xEEC8;
	s18 =	sadd.s32 $0x0, s14  }
.LBB2_19:
0x1eb: {  	[hbm4b:s18+s3] =	stream.linear.scatter [tilespmem:s15], [sflag:$0x4], $0x80, $0x38;
	[tilespmem:$0x12E00] =	vst v63  }
0x1ec: {  	s10 =	smov.u32 s16;
	s15 =	smov.u32 s17;
	p0 =	sne.s32 s16, $0x1F0  }
.Ltmp8:
0x1ed: {  	s16 =	sadd.s32 $0x10, s16;
	(pc) =	sbr.rel @p0 .LBB2_19-.Ltmp8, $2  }
0x1ee: {  	_ =	sdelay $0x2  }
0x1ef: {  	s17 =	sadd.s32 $0x88, s17;
	s18 =	sadd.s32 s10, s14  }
0x1f0: {  	[hbm4b:s18+s3] =	stream.linear.scatter [tilespmem:s15], [sflag:$0x4], $0x80, $0x38;
	[tilespmem:$0x12E00] =	vst v63  }
0x1f1: {  	s14 =	sadd.s32 s2, s8;
	s15 =	simm.s32 $0x10380  }
0x1f2: {  	s16 =	simm.s32 $0x10;
	s17 =	simm.s32 $0x10408;
	s18 =	sadd.s32 $0x0, s14  }
.LBB2_21:
0x1f3: {  	[hbm4b:s18+s3] =	stream.linear.scatter [tilespmem:s15], [sflag:$0x4], $0x80, $0x38;
	[tilespmem:$0x12E00] =	vst v63  }
0x1f4: {  	s10 =	smov.u32 s16;
	s15 =	smov.u32 s17;
	p0 =	sne.s32 s16, $0x1F0  }
.Ltmp9:
0x1f5: {  	s16 =	sadd.s32 $0x10, s16;
	(pc) =	sbr.rel @p0 .LBB2_21-.Ltmp9, $2  }
0x1f6: {  	_ =	sdelay $0x2  }
0x1f7: {  	s17 =	sadd.s32 $0x88, s17;
	s18 =	sadd.s32 s10, s14  }
0x1f8: {  	[hbm4b:s18+s3] =	stream.linear.scatter [tilespmem:s15], [sflag:$0x4], $0x80, $0x38;
	[tilespmem:$0x12E00] =	vst v63  }
0x1f9: {  	s2 =	sadd.s32 s2, s9;
	s14 =	simm.s32 $0x118C0  }
0x1fa: {  	s15 =	simm.s32 $0x10;
	s16 =	simm.s32 $0x11948;
	s17 =	sadd.s32 $0x0, s2  }
.LBB2_23:
0x1fb: {  	[hbm4b:s17+s3] =	stream.linear.scatter [tilespmem:s14], [sflag:$0x4], $0x80, $0x38;
	[tilespmem:$0x12E00] =	vst v63  }
0x1fc: {  	s10 =	smov.u32 s15;
	s14 =	smov.u32 s16;
	p0 =	sne.s32 s15, $0x1F0  }
.Ltmp10:
0x1fd: {  	s15 =	sadd.s32 $0x10, s15;
	(pc) =	sbr.rel @p0 .LBB2_23-.Ltmp10, $2  }
0x1fe: {  	_ =	sdelay $0x2  }
0x1ff: {  	s16 =	sadd.s32 $0x88, s16;
	s17 =	sadd.s32 s10, s2  }
0x200: {  	s11 =	sadd.s32 $0x1, s11  }
0x201: {  	p0 =	sne.s32 s11, $0x64  }
.Ltmp11:
0x202: {  	_ = 	snop;
	(pc) =	sbr.rel @p0 .LBB2_2-.Ltmp11, $2  }
0x203: {  	_ =	sdelay $0x2  }
0x204: {  	[hbm4b:s17+s3] =	stream.linear.scatter [tilespmem:s14], [sflag:$0x4], $0x80, $0x38;
	[tilespmem:$0x12E00] =	vst v63  }
0x205: {  	s2 =	simm.s32 $0x3  }
0x206: {  	_ =	swait.ge [sflag:s2], $0x1000  }
0x207: {  	[sflag:s2] =	ssyncset.done $0x0  }
0x208: {  	[sflag:s2] =	ssyncadd.s32 $0xFFFFF000  }
0x209: {  	_ =	swait.ge [sflag:s2], $0x1000  }
0x20a: {  	[sflag:s2] =	ssyncset.done $0x0  }
0x20b: {  	[sflag:s2] =	ssyncadd.s32 $0xFFFFF000  }
0x20c: {  	_ =	swait.ge [sflag:s2], $0x1000  }
0x20d: {  	[sflag:s2] =	ssyncset.done $0x0  }
0x20e: {  	[sflag:s2] =	ssyncadd.s32 $0xFFFFF000  }
0x20f: {  	_ =	swait.ge [sflag:s2], $0x1000  }
0x210: {  	[sflag:s2] =	ssyncset.done $0x0  }
0x211: {  	s10 =	simm.s32 $0x4;
	[sflag:s2] =	ssyncadd.s32 $0xFFFFF000  }
0x212: {  	_ =	swait.ge [sflag:s10], $0x1000  }
0x213: {  	[sflag:s10] =	ssyncset.done $0x0  }
0x214: {  	[sflag:s10] =	ssyncadd.s32 $0xFFFFF000  }
0x215: {  	_ =	swait.ge [sflag:s10], $0x1000  }
0x216: {  	[sflag:s10] =	ssyncset.done $0x0  }
0x217: {  	[sflag:s10] =	ssyncadd.s32 $0xFFFFF000  }
0x218: {  	_ =	swait.ge [sflag:s10], $0x1000  }
0x219: {  	[sflag:s10] =	ssyncset.done $0x0  }
0x21a: {  	[sflag:s10] =	ssyncadd.s32 $0xFFFFF000  }
0x21b: {  	_ =	swait.ge [sflag:s10], $0x1000  }
0x21c: {  	s11 =	rddreg [dreg:$0x5]  }
0x21d: {  	s22 =	rddreg [dreg:$0x4];
	s11 =	sadd.s32 $0x1, s11  }
0x21e: {  	p0 =	sne.s32 s11, s22  }
.Ltmp12:
0x21f: {  	_ = 	snop;
	(pc) =	sbr.rel @p0 .LBB2_1-.Ltmp12, $3  }
0x220: {  	_ =	sdelay $0x1  }
0x221: {  	[sflag:s10] =	ssyncset.done $0x0  }
0x222: {  	[sflag:s10] =	ssyncadd.s32 $0xFFFFF000  }
0x223: {  	_ =	sfence.sel $0x180000  }
0x224: {  	[bflag:$0x0] =	sbarrier.arrive $0xFFFF  }
0x225: {  	_ =	strace $0x90000047  }
0x226: {  	s0 =	stileid.u32;
	[bflag:$0x2] =	sbarrier.arrive $0xFFFF  }
0x227: {  	p0 =	sne.s32 s0, $0x0;
	s0 =	rddreg [dreg:$0x2]  }
0x228: {  	s0 =	sadd.s32 @!p0 $0x100000, s0  }
0x229: {  	[sflag:s0] =	ssyncadd.tile.s32 @!p0 $0x1;
	_ =	shalt  }
.Lfunc_end2:
_tile_overlayer_lowered:
.L_overlay_start_2:
0x22a: {  	(tag) =	ssettag $0x2  }
0x22b: {  	s0 =	rddreg [dreg:$0x0];
	s2 =	stileid.u32  }
0x22c: {  	s1 =	rddreg [dreg:$0x1];
	p0 =	sne.s32 s2, $0x0  }
0x22d: {  	s3 =	rddreg [dreg:$0x2];
	[bflag:$0x3] =	sbarrier.arrive $0xFFFF;
	s2 =	simm.s32 @!p0 $0x1C05  }
0x22e: {  	[timem:s3], [sflag:s2] =	dma.local @!p0 [hbm:s0], s1  }
0x22f: {  	s0 =	simm.s32 @!p0 $0x5  }
0x230: {  	_ =	swait.ge @!p0 [sflag:s0], s1  }
0x231: {  	s1 =	ssub.s32 @!p0 $0x0, s1;
	[sflag:s0] =	ssyncset.done @!p0 $0x0  }
0x232: {  	[sflag:s0] =	ssyncadd.s32 @!p0 s1  }
0x233: {  	[bflag:$0x3] =	sbarrier.arrive $0xFFFF  }
0x234: {  	_ =	shalt  }

</sc_bundles>
